<compile_context>
chip_gen: v7x
topology: tpu7x:2x2x1
jax: 0.10.2.dev20260603
libtpu: 0.0.44.dev20260713+nightly
codegen_flags: <defaults>
</compile_context>

<pallas_src>
import jax
import jax.numpy as jnp
from jax import lax
from jax.experimental import pallas as pl
from jax.experimental.pallas import tpu as pltpu
from jax.experimental.pallas import tpu_sc as plsc

B = 4
N = 10000
E = 160000
FI = 128
FO = 64
R = 4

NC = 2
NS = 16
LN = 16

ET = E // NS
CH = 80
NCHUNK = ET // CH
EWP = 5120
ACCROWS = 10240
NRT = ACCROWS // NS
WCH = 80
NWCH = NRT // WCH
CW = 64


_NB1 = 1000


def _mm3(a, b):
    return jnp.dot(a, b, preferred_element_type=jnp.float32)


def _xt_body(nf_ref, w_ref, out_ref):
    nf0 = nf_ref[0]
    nf1 = nf_ref[1]
    wcat = jnp.concatenate([w_ref[r] for r in range(R)], axis=1)
    a0 = _mm3(nf0, wcat)
    a1 = _mm3(nf1, wcat)
    for r in range(R):
        out_ref[0, r] = jnp.concatenate(
            [a0[:, r * FO:(r + 1) * FO], a1[:, r * FO:(r + 1) * FO]], axis=1)


def _xt_table(node_feat, W_rel):
    out = pl.pallas_call(
        _xt_body,
        grid=(NC, N // _NB1),
        in_specs=[
            pl.BlockSpec((2, _NB1, FI), lambda c, i: (c, i, 0)),
            pl.BlockSpec((R, FI, FO), lambda c, i: (0, 0, 0)),
        ],
        out_specs=pl.BlockSpec((1, R, _NB1, 2 * FO), lambda c, i: (c, 0, i, 0)),
        out_shape=jax.ShapeDtypeStruct((NC, R, N, 2 * FO), jnp.float32),
    )(node_feat, W_rel)
    return out.reshape(NC * R * N, 2 * FO)




def _sc_hist_body(dstr, ohr, zrows, coef_out, cnts_out,
                  counts_sh, ohrow_v, ohw_v, cntw_v, coefrow_v,
                  dsti_v, dstw_v, cidx_v, sem, sem2):
    cid = lax.axis_index("c")
    sid = lax.axis_index("s")
    ebase = sid * ET

    for c in range(NWCH):
        pltpu.sync_copy(zrows, counts_sh.at[pl.ds(sid * NRT + c * WCH, WCH), :])
    plsc.subcore_barrier()

    def _hist(c, _):
        base = ebase + c * CH
        pltpu.sync_copy(dstr.at[pl.ds(base, CH)], dsti_v)
        pltpu.sync_copy(ohr.at[pl.ds(base, CH), :], ohrow_v)
        pltpu.sync_copy(ohrow_v, counts_sh.at[dsti_v], add=True)
        return 0

    lax.fori_loop(0, NCHUNK, _hist, 0)
    plsc.subcore_barrier()

    for c in range(NWCH):
        r0 = sid * NRT + c * WCH
        pltpu.sync_copy(counts_sh.at[pl.ds(r0, WCH), :], ohrow_v)
        pltpu.sync_copy(ohrow_v, cnts_out.at[pl.ds(cid * ACCROWS + r0, WCH), :])
    plsc.subcore_barrier()

    wb = pl.multiple_of(
        cid * (E // NC) + jnp.minimum(sid * EWP, E // NC - EWP), 64)
    cid_ar = cid * ACCROWS

    def _coef(c, _):
        e0 = wb + c * CW
        pltpu.sync_copy(dstr.at[pl.ds(e0, CW)], dstw_v)
        for j in range(CW // LN):
            d16 = dstw_v[pl.ds(j * LN, LN)]
            cidx_v[pl.ds(j * LN, LN)] = d16 + cid_ar
        cp1 = pltpu.async_copy(cnts_out.at[cidx_v], cntw_v, sem)
        cp2 = pltpu.async_copy(ohr.at[pl.ds(e0, CW), :], ohw_v, sem2)
        cp1.wait()
        cp2.wait()

        def _mk(g, _):
            for jj in range(8):
                j = g * 8 + jj
                acc = cntw_v[j, pl.ds(0, LN)] * ohw_v[j, pl.ds(0, LN)]
                for k in range(1, R):
                    acc = acc + (cntw_v[j, pl.ds(k * LN, LN)] *
                                 ohw_v[j, pl.ds(k * LN, LN)])
                coefrow_v[g, pl.ds(jj * LN, LN)] = 1.0 / jnp.maximum(acc, 1.0)
            return 0

        lax.fori_loop(0, CW // 8, _mk, 0)
        pltpu.sync_copy(
            coefrow_v,
            coef_out.at[pl.ds(pl.multiple_of(wb // 8 + c * 8, 8), 8), :])
        return 0

    lax.fori_loop(0, EWP // CW, _coef, 0)


def _sc_main_body(table, srcr, dstr, typr, coefr, zrows, out,
                  accum, src_v, typ_v, rows_v, cnt_v,
                  gidx_v, dsti_v, cidx_v, sem, sem2):
    cid = lax.axis_index("c")
    sid = lax.axis_index("s")

    ebase = sid * ET
    pltpu.sync_copy(srcr.at[pl.ds(ebase, ET)], src_v)
    pltpu.sync_copy(typr.at[pl.ds(ebase, ET)], typ_v)

    for c in range(NWCH):
        pltpu.sync_copy(zrows, accum.at[pl.ds(sid * NRT + c * WCH, WCH), :])
    plsc.subcore_barrier()

    cid_rn = cid * (R * N)
    iota16 = lax.iota(jnp.int32, LN)

    def _chunk(c, _):
        base = c * CH
        pltpu.sync_copy(dstr.at[pl.ds(ebase + base, CH)], dsti_v)
        for j in range(CH // LN):
            off = base + j * LN
            s16 = src_v[pl.ds(off, LN)]
            t16 = typ_v[pl.ds(off, LN)]
            gidx_v[pl.ds(j * LN, LN)] = t16 * N + s16 + cid_rn
        crow0 = (ebase + base) // 8
        cidx_v[pl.ds(0, LN)] = jnp.minimum(crow0 + iota16, E // 8 - 1)
        cp1 = pltpu.async_copy(table.at[gidx_v], rows_v, sem)
        cp2 = pltpu.async_copy(coefr.at[cidx_v], cnt_v, sem2)
        cp1.wait()
        cp2.wait()

        def _scale(g, _):
            for jj in range(8):
                j = g * 8 + jj
                coef = cnt_v[g, pl.ds(jj * LN, LN)]
                for k in range(2 * FO // LN):
                    rows_v[j, pl.ds(k * LN, LN)] = rows_v[j, pl.ds(k * LN, LN)] * coef
            return 0

        lax.fori_loop(0, CH // 8, _scale, 0)
        pltpu.sync_copy(rows_v, accum.at[dsti_v], add=True)
        return 0

    lax.fori_loop(0, NCHUNK, _chunk, 0)
    plsc.subcore_barrier()

    for c in range(NWCH):
        row0 = sid * NRT + c * WCH
        pltpu.sync_copy(accum.at[pl.ds(row0, WCH), :], rows_v)
        pltpu.sync_copy(rows_v, out.at[pl.ds(cid * ACCROWS + row0, WCH), :])


def _sc_mesh():
    return plsc.VectorSubcoreMesh(
        core_axis_name="c", subcore_axis_name="s",
        num_cores=NC, num_subcores=NS)


def _sc_coef(dst, typ):
    zrows = jnp.zeros((WCH, 2 * FO), jnp.float32)
    ohr = (typ[:, None] ==
           (jnp.arange(2 * FO, dtype=jnp.int32)[None, :] // LN)).astype(jnp.float32)
    f = pl.kernel(
        _sc_hist_body,
        out_type=[
            jax.ShapeDtypeStruct((E // 8, 2 * FO), jnp.float32),
            jax.ShapeDtypeStruct((NC * ACCROWS, 2 * FO), jnp.float32),
        ],
        mesh=_sc_mesh(),
        scratch_types=[
            pltpu.VMEM_SHARED((ACCROWS, 2 * FO), jnp.float32),
            pltpu.VMEM((CH, 2 * FO), jnp.float32),
            pltpu.VMEM((CW, 2 * FO), jnp.float32),
            pltpu.VMEM((CW, 2 * FO), jnp.float32),
            pltpu.VMEM((8, 2 * FO), jnp.float32),
            pltpu.VMEM((CH,), jnp.int32),
            pltpu.VMEM((CW,), jnp.int32),
            pltpu.VMEM((CW,), jnp.int32),
            pltpu.SemaphoreType.DMA,
            pltpu.SemaphoreType.DMA,
        ],
    )
    coef, _cnts = f(dst, ohr, zrows)
    return coef


def _sc_agg(table, src, dst, typ, coef):
    zrows = jnp.zeros((WCH, 2 * FO), jnp.float32)
    f = pl.kernel(
        _sc_main_body,
        out_type=jax.ShapeDtypeStruct((NC * ACCROWS, 2 * FO), jnp.float32),
        mesh=_sc_mesh(),
        scratch_types=[
            pltpu.VMEM_SHARED((ACCROWS, 2 * FO), jnp.float32),
            pltpu.VMEM((ET,), jnp.int32),
            pltpu.VMEM((ET,), jnp.int32),
            pltpu.VMEM((CH, 2 * FO), jnp.float32),
            pltpu.VMEM((LN, 2 * FO), jnp.float32),
            pltpu.VMEM((CH,), jnp.int32),
            pltpu.VMEM((CH,), jnp.int32),
            pltpu.VMEM((LN,), jnp.int32),
            pltpu.SemaphoreType.DMA,
            pltpu.SemaphoreType.DMA,
        ],
    )
    return f(table, src, dst, typ, coef, zrows)


_NB2 = 1000


def _logits_body(nf_ref, agg_ref, ws_ref, msg_ref, out_ref):
    ws = ws_ref[...]
    cols = []
    for b in range(B):
        nf = nf_ref[b]
        ag = agg_ref[b // 2, :, (b % 2) * FO:(b % 2 + 1) * FO]
        h = jnp.maximum(_mm3(nf, ws) + ag, 0.0)
        hb = h.astype(jnp.bfloat16).astype(jnp.float32)
        mb = msg_ref[b].astype(jnp.bfloat16).astype(jnp.float32)
        cols.append(jnp.sum(hb * mb[None, :], axis=1, keepdims=True))
    out_ref[...] = jnp.concatenate(cols, axis=1)


def _logits(node_feat, agg2, W_self, message):
    return pl.pallas_call(
        _logits_body,
        grid=(N // _NB2,),
        in_specs=[
            pl.BlockSpec((B, _NB2, FI), lambda i: (0, i, 0)),
            pl.BlockSpec((NC, _NB2, 2 * FO), lambda i: (0, i, 0)),
            pl.BlockSpec((FI, FO), lambda i: (0, 0)),
            pl.BlockSpec((B, FO), lambda i: (0, 0)),
        ],
        out_specs=pl.BlockSpec((_NB2, B), lambda i: (i, 0)),
        out_shape=jax.ShapeDtypeStruct((N, B), jnp.float32),
    )(node_feat, agg2, W_self, message)




def _sample_body(l_ref, g_ref, samp_ref, ent_ref):
    l = l_ref[...]
    m = jnp.max(l, axis=0, keepdims=True)
    e = jnp.exp(l - m)
    s = jnp.sum(e, axis=0, keepdims=True)
    t = jnp.sum(e * l, axis=0, keepdims=True)
    ent_ref[...] = (m + jnp.log(s)) - t / s
    z = l + g_ref[...]
    zm = jnp.max(z, axis=0, keepdims=True)
    idx = lax.broadcasted_iota(jnp.int32, (N, B), 0)
    samp_ref[...] = jnp.min(jnp.where(z == zm, idx, jnp.int32(2**31 - 1)),
                            axis=0, keepdims=True)


def _sample_entropy(logits_t, gumbel_t):
    return pl.pallas_call(
        _sample_body,
        grid=(1,),
        in_specs=[
            pl.BlockSpec((N, B), lambda i: (0, 0)),
            pl.BlockSpec((N, B), lambda i: (0, 0)),
        ],
        out_specs=[
            pl.BlockSpec((1, B), lambda i: (0, 0)),
            pl.BlockSpec((1, B), lambda i: (0, 0)),
        ],
        out_shape=[
            jax.ShapeDtypeStruct((1, B), jnp.int32),
            jax.ShapeDtypeStruct((1, B), jnp.float32),
        ],
    )(logits_t, gumbel_t)


def kernel(message, x, node_feat, edge_index, edge_type, W_rel, W_self):
    table = _xt_table(node_feat, W_rel)
    coef = _sc_coef(edge_index[1], edge_type)
    agg = _sc_agg(table, edge_index[0], edge_index[1], edge_type, coef)
    agg2 = agg.reshape(NC, ACCROWS, 2 * FO)[:, :N, :]
    logits_t = _logits(node_feat, agg2, W_self, message)
    gumbel_t = jax.random.gumbel(jax.random.key(42), (B, N), jnp.float32).T
    samp2, ent2 = _sample_entropy(logits_t, gumbel_t)
    return (samp2[0], logits_t.T, ent2[0])

# --- scband reference (transcript-rebuilt; emitter-appended) ---
"""Pipeline reference for scband-receiver-54168127537658 (READ-ONLY COPY).

The authoritative reference and input builder live on the scoring server;
editing this copy changes nothing except your own understanding.
"""

import jax, jax.numpy as jnp
import numpy as np

B = 4
N = 10000
E = 160000
F_IN = 128
F_OUT = 64
R = 4


def setup_inputs(seed: int = 0) -> dict:
    key = jax.random.key(seed)
    ks = jax.random.split(key, 8)
    message = jax.random.normal(ks[0], (B, F_OUT), dtype=jnp.float32)
    x = jax.random.normal(ks[1], (B, F_IN), dtype=jnp.float32)
    node_feat = jax.random.normal(ks[2], (B, N, F_IN), dtype=jnp.float32)
    edge_index = jax.random.randint(ks[3], (2, E), 0, N, dtype=jnp.int32)
    edge_type = jax.random.randint(ks[4], (E,), 0, R, dtype=jnp.int32)
    W_rel = jax.random.normal(ks[5], (R, F_IN, F_OUT), dtype=jnp.float32) / np.sqrt(F_IN)
    W_self = jax.random.normal(ks[6], (F_IN, F_OUT), dtype=jnp.float32) / np.sqrt(F_IN)
    return {"message": message, "x": x, "node_feat": node_feat,
            "edge_index": edge_index, "edge_type": edge_type,
            "W_rel": W_rel, "W_self": W_self}


def _rgcn(node_feat, edge_index, edge_type, W_rel, W_self):
    src = edge_index[0]
    dst = edge_index[1]
    # relation-specific transform of all node features: [R, B, N, F_OUT]
    xt = jnp.einsum('bnf,rfo->rbno', node_feat, W_rel)
    # per-edge gather of transformed source features: [E, B, F_OUT]
    msgs = xt[edge_type, :, src, :]
    # per-(relation, dst) normalization 1/c_{i,r} as in RGCN
    seg = edge_type * N + dst
    counts = jnp.zeros((R * N,), jnp.float32).at[seg].add(1.0)
    coef = 1.0 / jnp.maximum(counts[seg], 1.0)
    agg = jax.ops.segment_sum(msgs * coef[:, None, None], dst, num_segments=N)  # [N, B, F_OUT]
    h = jnp.einsum('bnf,fo->bno', node_feat, W_self) + jnp.transpose(agg, (1, 0, 2))
    return jax.nn.relu(h)


def reference(message, x, node_feat, edge_index, edge_type, W_rel, W_self):
    node_embeddings = _rgcn(node_feat, edge_index, edge_type, W_rel, W_self)  # [B, N, F_OUT]
    # logits = node_embeddings @ message.unsqueeze(-1) -> [B, N]
    logits = jnp.einsum('bno,bo->bn', node_embeddings, message)
    # Categorical(logits).sample(), .entropy()
    sample = jax.random.categorical(jax.random.key(42), logits, axis=-1)
    logp = jax.nn.log_softmax(logits, axis=-1)
    entropy = -jnp.sum(jnp.exp(logp) * logp, axis=-1)
    return (sample, logits, entropy)

if __name__ == "__main__":
    import jax
    _d = setup_inputs()
    print(jax.jit(kernel)(*tuple(_d.values())))

</pallas_src>

<mosaic_0001>
#map = affine_map<(d0, d1) -> (0, 0)>
#map1 = affine_map<(d0, d1) -> (0)>
module attributes {stable_mosaic.version = 14 : i64} {
  func.func @_sc_main_body(%arg0: i32, %arg1: i32, %arg2: memref<80000x128xf32, #tpu.memory_space<hbm>>, %arg3: memref<160000xi32, #tpu.memory_space<hbm>>, %arg4: memref<160000xi32, #tpu.memory_space<hbm>>, %arg5: memref<160000xi32, #tpu.memory_space<hbm>>, %arg6: memref<20000x128xf32, #tpu.memory_space<hbm>>, %arg7: memref<80x128xf32, #tpu.memory_space<hbm>>, %arg8: memref<20480x128xf32, #tpu.memory_space<hbm>>, %arg9: memref<10240x128xf32, #tpu.memory_space<vmem_shared>>, %arg10: memref<10000xi32, #tpu.memory_space<vmem>>, %arg11: memref<10000xi32, #tpu.memory_space<vmem>>, %arg12: memref<80x128xf32, #tpu.memory_space<vmem>>, %arg13: memref<16x128xf32, #tpu.memory_space<vmem>>, %arg14: memref<80xi32, #tpu.memory_space<vmem>>, %arg15: memref<80xi32, #tpu.memory_space<vmem>>, %arg16: memref<16xi32, #tpu.memory_space<vmem>>, %arg17: memref<!tpu.dma_semaphore, #tpu.memory_space<semaphore_mem>>, %arg18: memref<!tpu.dma_semaphore, #tpu.memory_space<semaphore_mem>>) attributes {dimension_semantics = [#tpu.dimension_semantics<core_parallel>, #tpu.dimension_semantics<subcore_parallel>], iteration_bounds = array<i64: 2, 16>, scalar_prefetch = 0 : i64, scratch_operands = 10 : i64, tpu.core_type = #tpu.core_type<sc_vector_subcore>, window_params = [{transform_indices = #map}, {transform_indices = #map1}, {transform_indices = #map1}, {transform_indices = #map1}, {transform_indices = #map}, {transform_indices = #map}, {transform_indices = #map}]} {
    %mul3A = arith.constant 10000 : i32
    %mul3A_0 = arith.muli %arg1, %mul3A : i32
    "tpu.region"() ({
      %run_scoped3A = tpu.sem_alloc : memref<!tpu.dma_semaphore, #tpu.memory_space<semaphore_mem>>
      %dma_start3A = tpu.memref_slice %arg3[%mul3A_0] : memref<160000xi32, #tpu.memory_space<hbm>> -> memref<10000xi32, #tpu.memory_space<hbm>>
      %dma_start3A_97 = tpu.memref_slice %arg3[%mul3A_0] : memref<160000xi32, #tpu.memory_space<hbm>> -> memref<10000xi32, #tpu.memory_space<hbm>>
      tpu.enqueue_dma source(%dma_start3A_97 : memref<10000xi32, #tpu.memory_space<hbm>>) target(%arg10 : memref<10000xi32, #tpu.memory_space<vmem>>) target_semaphore(%run_scoped3A : memref<!tpu.dma_semaphore, #tpu.memory_space<semaphore_mem>>)
      %dma_wait3A = tpu.memref_slice %arg3[%mul3A_0] : memref<160000xi32, #tpu.memory_space<hbm>> -> memref<10000xi32, #tpu.memory_space<hbm>>
      %dma_wait3A_98 = tpu.memref_slice %arg3[%mul3A_0] : memref<160000xi32, #tpu.memory_space<hbm>> -> memref<10000xi32, #tpu.memory_space<hbm>>
      tpu.wait_dma2 semaphore(%run_scoped3A : memref<!tpu.dma_semaphore, #tpu.memory_space<semaphore_mem>>) src(%dma_wait3A_98 : memref<10000xi32, #tpu.memory_space<hbm>>) dst(%arg10 : memref<10000xi32, #tpu.memory_space<vmem>>)
      tpu.yield
    }) : () -> ()
    "tpu.region"() ({
      %run_scoped3A = tpu.sem_alloc : memref<!tpu.dma_semaphore, #tpu.memory_space<semaphore_mem>>
      %dma_start3A = tpu.memref_slice %arg5[%mul3A_0] : memref<160000xi32, #tpu.memory_space<hbm>> -> memref<10000xi32, #tpu.memory_space<hbm>>
      %dma_start3A_97 = tpu.memref_slice %arg5[%mul3A_0] : memref<160000xi32, #tpu.memory_space<hbm>> -> memref<10000xi32, #tpu.memory_space<hbm>>
      tpu.enqueue_dma source(%dma_start3A_97 : memref<10000xi32, #tpu.memory_space<hbm>>) target(%arg11 : memref<10000xi32, #tpu.memory_space<vmem>>) target_semaphore(%run_scoped3A : memref<!tpu.dma_semaphore, #tpu.memory_space<semaphore_mem>>)
      %dma_wait3A = tpu.memref_slice %arg5[%mul3A_0] : memref<160000xi32, #tpu.memory_space<hbm>> -> memref<10000xi32, #tpu.memory_space<hbm>>
      %dma_wait3A_98 = tpu.memref_slice %arg5[%mul3A_0] : memref<160000xi32, #tpu.memory_space<hbm>> -> memref<10000xi32, #tpu.memory_space<hbm>>
      tpu.wait_dma2 semaphore(%run_scoped3A : memref<!tpu.dma_semaphore, #tpu.memory_space<semaphore_mem>>) src(%dma_wait3A_98 : memref<10000xi32, #tpu.memory_space<hbm>>) dst(%arg11 : memref<10000xi32, #tpu.memory_space<vmem>>)
      tpu.yield
    }) : () -> ()
    %mul3A_1 = arith.constant 640 : i32
    %mul3A_2 = arith.muli %arg1, %mul3A_1 : i32
    %add3A = arith.constant 0 : i32
    %add3A_3 = arith.addi %mul3A_2, %add3A : i32
    "tpu.region"() ({
      %run_scoped3A = tpu.sem_alloc : memref<!tpu.dma_semaphore, #tpu.memory_space<semaphore_mem>>
      %dma_start3A = arith.constant 0 : i32
      %dma_start3A_97 = tpu.memref_slice %arg9[%add3A_3, %dma_start3A] : memref<10240x128xf32, #tpu.memory_space<vmem_shared>> -> memref<80x128xf32, #tpu.memory_space<vmem_shared>>
      tpu.enqueue_dma source(%arg7 : memref<80x128xf32, #tpu.memory_space<hbm>>) target(%dma_start3A_97 : memref<80x128xf32, #tpu.memory_space<vmem_shared>>) target_semaphore(%run_scoped3A : memref<!tpu.dma_semaphore, #tpu.memory_space<semaphore_mem>>)
      %dma_wait3A = arith.constant 0 : i32
      %dma_wait3A_98 = tpu.memref_slice %arg9[%add3A_3, %dma_wait3A] : memref<10240x128xf32, #tpu.memory_space<vmem_shared>> -> memref<80x128xf32, #tpu.memory_space<vmem_shared>>
      tpu.wait_dma2 semaphore(%run_scoped3A : memref<!tpu.dma_semaphore, #tpu.memory_space<semaphore_mem>>) src(%arg7 : memref<80x128xf32, #tpu.memory_space<hbm>>) dst(%dma_wait3A_98 : memref<80x128xf32, #tpu.memory_space<vmem_shared>>)
      tpu.yield
    }) : () -> ()
    %mul3A_4 = arith.constant 640 : i32
    %mul3A_5 = arith.muli %arg1, %mul3A_4 : i32
    %add3A_6 = arith.constant 80 : i32
    %add3A_7 = arith.addi %mul3A_5, %add3A_6 : i32
    "tpu.region"() ({
      %run_scoped3A = tpu.sem_alloc : memref<!tpu.dma_semaphore, #tpu.memory_space<semaphore_mem>>
      %dma_start3A = arith.constant 0 : i32
      %dma_start3A_97 = tpu.memref_slice %arg9[%add3A_7, %dma_start3A] : memref<10240x128xf32, #tpu.memory_space<vmem_shared>> -> memref<80x128xf32, #tpu.memory_space<vmem_shared>>
      tpu.enqueue_dma source(%arg7 : memref<80x128xf32, #tpu.memory_space<hbm>>) target(%dma_start3A_97 : memref<80x128xf32, #tpu.memory_space<vmem_shared>>) target_semaphore(%run_scoped3A : memref<!tpu.dma_semaphore, #tpu.memory_space<semaphore_mem>>)
      %dma_wait3A = arith.constant 0 : i32
      %dma_wait3A_98 = tpu.memref_slice %arg9[%add3A_7, %dma_wait3A] : memref<10240x128xf32, #tpu.memory_space<vmem_shared>> -> memref<80x128xf32, #tpu.memory_space<vmem_shared>>
      tpu.wait_dma2 semaphore(%run_scoped3A : memref<!tpu.dma_semaphore, #tpu.memory_space<semaphore_mem>>) src(%arg7 : memref<80x128xf32, #tpu.memory_space<hbm>>) dst(%dma_wait3A_98 : memref<80x128xf32, #tpu.memory_space<vmem_shared>>)
      tpu.yield
    }) : () -> ()
    %mul3A_8 = arith.constant 640 : i32
    %mul3A_9 = arith.muli %arg1, %mul3A_8 : i32
    %add3A_10 = arith.constant 160 : i32
    %add3A_11 = arith.addi %mul3A_9, %add3A_10 : i32
    "tpu.region"() ({
      %run_scoped3A = tpu.sem_alloc : memref<!tpu.dma_semaphore, #tpu.memory_space<semaphore_mem>>
      %dma_start3A = arith.constant 0 : i32
      %dma_start3A_97 = tpu.memref_slice %arg9[%add3A_11, %dma_start3A] : memref<10240x128xf32, #tpu.memory_space<vmem_shared>> -> memref<80x128xf32, #tpu.memory_space<vmem_shared>>
      tpu.enqueue_dma source(%arg7 : memref<80x128xf32, #tpu.memory_space<hbm>>) target(%dma_start3A_97 : memref<80x128xf32, #tpu.memory_space<vmem_shared>>) target_semaphore(%run_scoped3A : memref<!tpu.dma_semaphore, #tpu.memory_space<semaphore_mem>>)
      %dma_wait3A = arith.constant 0 : i32
      %dma_wait3A_98 = tpu.memref_slice %arg9[%add3A_11, %dma_wait3A] : memref<10240x128xf32, #tpu.memory_space<vmem_shared>> -> memref<80x128xf32, #tpu.memory_space<vmem_shared>>
      tpu.wait_dma2 semaphore(%run_scoped3A : memref<!tpu.dma_semaphore, #tpu.memory_space<semaphore_mem>>) src(%arg7 : memref<80x128xf32, #tpu.memory_space<hbm>>) dst(%dma_wait3A_98 : memref<80x128xf32, #tpu.memory_space<vmem_shared>>)
      tpu.yield
    }) : () -> ()
    %mul3A_12 = arith.constant 640 : i32
    %mul3A_13 = arith.muli %arg1, %mul3A_12 : i32
    %add3A_14 = arith.constant 240 : i32
    %add3A_15 = arith.addi %mul3A_13, %add3A_14 : i32
    "tpu.region"() ({
      %run_scoped3A = tpu.sem_alloc : memref<!tpu.dma_semaphore, #tpu.memory_space<semaphore_mem>>
      %dma_start3A = arith.constant 0 : i32
      %dma_start3A_97 = tpu.memref_slice %arg9[%add3A_15, %dma_start3A] : memref<10240x128xf32, #tpu.memory_space<vmem_shared>> -> memref<80x128xf32, #tpu.memory_space<vmem_shared>>
      tpu.enqueue_dma source(%arg7 : memref<80x128xf32, #tpu.memory_space<hbm>>) target(%dma_start3A_97 : memref<80x128xf32, #tpu.memory_space<vmem_shared>>) target_semaphore(%run_scoped3A : memref<!tpu.dma_semaphore, #tpu.memory_space<semaphore_mem>>)
      %dma_wait3A = arith.constant 0 : i32
      %dma_wait3A_98 = tpu.memref_slice %arg9[%add3A_15, %dma_wait3A] : memref<10240x128xf32, #tpu.memory_space<vmem_shared>> -> memref<80x128xf32, #tpu.memory_space<vmem_shared>>
      tpu.wait_dma2 semaphore(%run_scoped3A : memref<!tpu.dma_semaphore, #tpu.memory_space<semaphore_mem>>) src(%arg7 : memref<80x128xf32, #tpu.memory_space<hbm>>) dst(%dma_wait3A_98 : memref<80x128xf32, #tpu.memory_space<vmem_shared>>)
      tpu.yield
    }) : () -> ()
    %mul3A_16 = arith.constant 640 : i32
    %mul3A_17 = arith.muli %arg1, %mul3A_16 : i32
    %add3A_18 = arith.constant 320 : i32
    %add3A_19 = arith.addi %mul3A_17, %add3A_18 : i32
    "tpu.region"() ({
      %run_scoped3A = tpu.sem_alloc : memref<!tpu.dma_semaphore, #tpu.memory_space<semaphore_mem>>
      %dma_start3A = arith.constant 0 : i32
      %dma_start3A_97 = tpu.memref_slice %arg9[%add3A_19, %dma_start3A] : memref<10240x128xf32, #tpu.memory_space<vmem_shared>> -> memref<80x128xf32, #tpu.memory_space<vmem_shared>>
      tpu.enqueue_dma source(%arg7 : memref<80x128xf32, #tpu.memory_space<hbm>>) target(%dma_start3A_97 : memref<80x128xf32, #tpu.memory_space<vmem_shared>>) target_semaphore(%run_scoped3A : memref<!tpu.dma_semaphore, #tpu.memory_space<semaphore_mem>>)
      %dma_wait3A = arith.constant 0 : i32
      %dma_wait3A_98 = tpu.memref_slice %arg9[%add3A_19, %dma_wait3A] : memref<10240x128xf32, #tpu.memory_space<vmem_shared>> -> memref<80x128xf32, #tpu.memory_space<vmem_shared>>
      tpu.wait_dma2 semaphore(%run_scoped3A : memref<!tpu.dma_semaphore, #tpu.memory_space<semaphore_mem>>) src(%arg7 : memref<80x128xf32, #tpu.memory_space<hbm>>) dst(%dma_wait3A_98 : memref<80x128xf32, #tpu.memory_space<vmem_shared>>)
      tpu.yield
    }) : () -> ()
    %mul3A_20 = arith.constant 640 : i32
    %mul3A_21 = arith.muli %arg1, %mul3A_20 : i32
    %add3A_22 = arith.constant 400 : i32
    %add3A_23 = arith.addi %mul3A_21, %add3A_22 : i32
    "tpu.region"() ({
      %run_scoped3A = tpu.sem_alloc : memref<!tpu.dma_semaphore, #tpu.memory_space<semaphore_mem>>
      %dma_start3A = arith.constant 0 : i32
      %dma_start3A_97 = tpu.memref_slice %arg9[%add3A_23, %dma_start3A] : memref<10240x128xf32, #tpu.memory_space<vmem_shared>> -> memref<80x128xf32, #tpu.memory_space<vmem_shared>>
      tpu.enqueue_dma source(%arg7 : memref<80x128xf32, #tpu.memory_space<hbm>>) target(%dma_start3A_97 : memref<80x128xf32, #tpu.memory_space<vmem_shared>>) target_semaphore(%run_scoped3A : memref<!tpu.dma_semaphore, #tpu.memory_space<semaphore_mem>>)
      %dma_wait3A = arith.constant 0 : i32
      %dma_wait3A_98 = tpu.memref_slice %arg9[%add3A_23, %dma_wait3A] : memref<10240x128xf32, #tpu.memory_space<vmem_shared>> -> memref<80x128xf32, #tpu.memory_space<vmem_shared>>
      tpu.wait_dma2 semaphore(%run_scoped3A : memref<!tpu.dma_semaphore, #tpu.memory_space<semaphore_mem>>) src(%arg7 : memref<80x128xf32, #tpu.memory_space<hbm>>) dst(%dma_wait3A_98 : memref<80x128xf32, #tpu.memory_space<vmem_shared>>)
      tpu.yield
    }) : () -> ()
    %mul3A_24 = arith.constant 640 : i32
    %mul3A_25 = arith.muli %arg1, %mul3A_24 : i32
    %add3A_26 = arith.constant 480 : i32
    %add3A_27 = arith.addi %mul3A_25, %add3A_26 : i32
    "tpu.region"() ({
      %run_scoped3A = tpu.sem_alloc : memref<!tpu.dma_semaphore, #tpu.memory_space<semaphore_mem>>
      %dma_start3A = arith.constant 0 : i32
      %dma_start3A_97 = tpu.memref_slice %arg9[%add3A_27, %dma_start3A] : memref<10240x128xf32, #tpu.memory_space<vmem_shared>> -> memref<80x128xf32, #tpu.memory_space<vmem_shared>>
      tpu.enqueue_dma source(%arg7 : memref<80x128xf32, #tpu.memory_space<hbm>>) target(%dma_start3A_97 : memref<80x128xf32, #tpu.memory_space<vmem_shared>>) target_semaphore(%run_scoped3A : memref<!tpu.dma_semaphore, #tpu.memory_space<semaphore_mem>>)
      %dma_wait3A = arith.constant 0 : i32
      %dma_wait3A_98 = tpu.memref_slice %arg9[%add3A_27, %dma_wait3A] : memref<10240x128xf32, #tpu.memory_space<vmem_shared>> -> memref<80x128xf32, #tpu.memory_space<vmem_shared>>
      tpu.wait_dma2 semaphore(%run_scoped3A : memref<!tpu.dma_semaphore, #tpu.memory_space<semaphore_mem>>) src(%arg7 : memref<80x128xf32, #tpu.memory_space<hbm>>) dst(%dma_wait3A_98 : memref<80x128xf32, #tpu.memory_space<vmem_shared>>)
      tpu.yield
    }) : () -> ()
    %mul3A_28 = arith.constant 640 : i32
    %mul3A_29 = arith.muli %arg1, %mul3A_28 : i32
    %add3A_30 = arith.constant 560 : i32
    %add3A_31 = arith.addi %mul3A_29, %add3A_30 : i32
    "tpu.region"() ({
      %run_scoped3A = tpu.sem_alloc : memref<!tpu.dma_semaphore, #tpu.memory_space<semaphore_mem>>
      %dma_start3A = arith.constant 0 : i32
      %dma_start3A_97 = tpu.memref_slice %arg9[%add3A_31, %dma_start3A] : memref<10240x128xf32, #tpu.memory_space<vmem_shared>> -> memref<80x128xf32, #tpu.memory_space<vmem_shared>>
      tpu.enqueue_dma source(%arg7 : memref<80x128xf32, #tpu.memory_space<hbm>>) target(%dma_start3A_97 : memref<80x128xf32, #tpu.memory_space<vmem_shared>>) target_semaphore(%run_scoped3A : memref<!tpu.dma_semaphore, #tpu.memory_space<semaphore_mem>>)
      %dma_wait3A = arith.constant 0 : i32
      %dma_wait3A_98 = tpu.memref_slice %arg9[%add3A_31, %dma_wait3A] : memref<10240x128xf32, #tpu.memory_space<vmem_shared>> -> memref<80x128xf32, #tpu.memory_space<vmem_shared>>
      tpu.wait_dma2 semaphore(%run_scoped3A : memref<!tpu.dma_semaphore, #tpu.memory_space<semaphore_mem>>) src(%arg7 : memref<80x128xf32, #tpu.memory_space<hbm>>) dst(%dma_wait3A_98 : memref<80x128xf32, #tpu.memory_space<vmem_shared>>)
      tpu.yield
    }) : () -> ()
    %barrier3A = arith.constant 0 : index
    tpu.barrier barrier_id(%barrier3A)
    %mul3A_32 = arith.constant 40000 : i32
    %mul3A_33 = arith.muli %arg0, %mul3A_32 : i32
    %iota3A = tpu.iota {dimensions = array<i32: 0>} : vector<16xi32>
    %scan3A = arith.constant 0 : i32
    %scan3A_34 = arith.constant 0 : i32
    %scan3A_35 = arith.constant 125 : i32
    %scan3A_36 = arith.addi %scan3A_34, %scan3A_35 : i32
    %scan3A_37 = arith.constant 1 : i32
    %scan3A_38 = scf.for %scan3A_97 = %scan3A_34 to %scan3A_36 step %scan3A_37 iter_args(%scan3A_98 = %scan3A) -> (i32)  : i32 {
      %mul3A_99 = arith.constant 80 : i32
      %mul3A_100 = arith.muli %scan3A_97, %mul3A_99 : i32
      %add3A_101 = arith.addi %mul3A_0, %mul3A_100 : i32
      "tpu.region"() ({
        %run_scoped3A = tpu.sem_alloc : memref<!tpu.dma_semaphore, #tpu.memory_space<semaphore_mem>>
        %dma_start3A_233 = tpu.memref_slice %arg4[%add3A_101] : memref<160000xi32, #tpu.memory_space<hbm>> -> memref<80xi32, #tpu.memory_space<hbm>>
        %dma_start3A_234 = tpu.memref_slice %arg4[%add3A_101] : memref<160000xi32, #tpu.memory_space<hbm>> -> memref<80xi32, #tpu.memory_space<hbm>>
        tpu.enqueue_dma source(%dma_start3A_234 : memref<80xi32, #tpu.memory_space<hbm>>) target(%arg15 : memref<80xi32, #tpu.memory_space<vmem>>) target_semaphore(%run_scoped3A : memref<!tpu.dma_semaphore, #tpu.memory_space<semaphore_mem>>)
        %dma_wait3A_235 = tpu.memref_slice %arg4[%add3A_101] : memref<160000xi32, #tpu.memory_space<hbm>> -> memref<80xi32, #tpu.memory_space<hbm>>
        %dma_wait3A_236 = tpu.memref_slice %arg4[%add3A_101] : memref<160000xi32, #tpu.memory_space<hbm>> -> memref<80xi32, #tpu.memory_space<hbm>>
        tpu.wait_dma2 semaphore(%run_scoped3A : memref<!tpu.dma_semaphore, #tpu.memory_space<semaphore_mem>>) src(%dma_wait3A_236 : memref<80xi32, #tpu.memory_space<hbm>>) dst(%arg15 : memref<80xi32, #tpu.memory_space<vmem>>)
        tpu.yield
      }) : () -> ()
      %add3A_102 = arith.constant 0 : i32
      %add3A_103 = arith.addi %mul3A_100, %add3A_102 : i32
      %get3A = arith.index_cast %add3A_103 : i32 to index
      %get3A_104 = tpu.vector_load %arg10[%get3A] {strides = array<i32>} : memref<10000xi32, #tpu.memory_space<vmem>>, vector<16xi32>,
      %get3A_105 = vector.shape_cast %get3A_104 : vector<16xi32> to vector<16xi32>
      %get3A_106 = arith.index_cast %add3A_103 : i32 to index
      %get3A_107 = tpu.vector_load %arg11[%get3A_106] {strides = array<i32>} : memref<10000xi32, #tpu.memory_space<vmem>>, vector<16xi32>,
      %get3A_108 = vector.shape_cast %get3A_107 : vector<16xi32> to vector<16xi32>
      %mul3A_109 = arith.constant 10000 : i32
      %mul3A_110 = vector.broadcast %mul3A_109 : i32 to vector<16xi32>
      %mul3A_111 = arith.muli %get3A_108, %mul3A_110 : vector<16xi32>
      %add3A_112 = arith.addi %mul3A_111, %get3A_105 : vector<16xi32>
      %add3A_113 = vector.broadcast %mul3A_33 : i32 to vector<16xi32>
      %add3A_114 = arith.addi %add3A_112, %add3A_113 : vector<16xi32>
      %swap3A = arith.constant 0 : index
      %swap3A_115 = tpu.vector_load %arg14[%swap3A] {strides = array<i32>} : memref<80xi32, #tpu.memory_space<vmem>>, vector<16xi32>,
      %swap3A_116 = vector.shape_cast %swap3A_115 : vector<16xi32> to vector<16xi32>
      %swap3A_117 = vector.shape_cast %add3A_114 : vector<16xi32> to vector<16xi32>
      tpu.vector_store %arg14[%swap3A], %swap3A_117 {strides = array<i32>} : memref<80xi32, #tpu.memory_space<vmem>>, vector<16xi32>,
      %add3A_118 = arith.constant 16 : i32
      %add3A_119 = arith.addi %mul3A_100, %add3A_118 : i32
      %get3A_120 = arith.index_cast %add3A_119 : i32 to index
      %get3A_121 = tpu.vector_load %arg10[%get3A_120] {strides = array<i32>} : memref<10000xi32, #tpu.memory_space<vmem>>, vector<16xi32>,
      %get3A_122 = vector.shape_cast %get3A_121 : vector<16xi32> to vector<16xi32>
      %get3A_123 = arith.index_cast %add3A_119 : i32 to index
      %get3A_124 = tpu.vector_load %arg11[%get3A_123] {strides = array<i32>} : memref<10000xi32, #tpu.memory_space<vmem>>, vector<16xi32>,
      %get3A_125 = vector.shape_cast %get3A_124 : vector<16xi32> to vector<16xi32>
      %mul3A_126 = arith.constant 10000 : i32
      %mul3A_127 = vector.broadcast %mul3A_126 : i32 to vector<16xi32>
      %mul3A_128 = arith.muli %get3A_125, %mul3A_127 : vector<16xi32>
      %add3A_129 = arith.addi %mul3A_128, %get3A_122 : vector<16xi32>
      %add3A_130 = vector.broadcast %mul3A_33 : i32 to vector<16xi32>
      %add3A_131 = arith.addi %add3A_129, %add3A_130 : vector<16xi32>
      %swap3A_132 = arith.constant 16 : index
      %swap3A_133 = tpu.vector_load %arg14[%swap3A_132] {strides = array<i32>} : memref<80xi32, #tpu.memory_space<vmem>>, vector<16xi32>,
      %swap3A_134 = vector.shape_cast %swap3A_133 : vector<16xi32> to vector<16xi32>
      %swap3A_135 = vector.shape_cast %add3A_131 : vector<16xi32> to vector<16xi32>
      tpu.vector_store %arg14[%swap3A_132], %swap3A_135 {strides = array<i32>} : memref<80xi32, #tpu.memory_space<vmem>>, vector<16xi32>,
      %add3A_136 = arith.constant 32 : i32
      %add3A_137 = arith.addi %mul3A_100, %add3A_136 : i32
      %get3A_138 = arith.index_cast %add3A_137 : i32 to index
      %get3A_139 = tpu.vector_load %arg10[%get3A_138] {strides = array<i32>} : memref<10000xi32, #tpu.memory_space<vmem>>, vector<16xi32>,
      %get3A_140 = vector.shape_cast %get3A_139 : vector<16xi32> to vector<16xi32>
      %get3A_141 = arith.index_cast %add3A_137 : i32 to index
      %get3A_142 = tpu.vector_load %arg11[%get3A_141] {strides = array<i32>} : memref<10000xi32, #tpu.memory_space<vmem>>, vector<16xi32>,
      %get3A_143 = vector.shape_cast %get3A_142 : vector<16xi32> to vector<16xi32>
      %mul3A_144 = arith.constant 10000 : i32
      %mul3A_145 = vector.broadcast %mul3A_144 : i32 to vector<16xi32>
      %mul3A_146 = arith.muli %get3A_143, %mul3A_145 : vector<16xi32>
      %add3A_147 = arith.addi %mul3A_146, %get3A_140 : vector<16xi32>
      %add3A_148 = vector.broadcast %mul3A_33 : i32 to vector<16xi32>
      %add3A_149 = arith.addi %add3A_147, %add3A_148 : vector<16xi32>
      %swap3A_150 = arith.constant 32 : index
      %swap3A_151 = tpu.vector_load %arg14[%swap3A_150] {strides = array<i32>} : memref<80xi32, #tpu.memory_space<vmem>>, vector<16xi32>,
      %swap3A_152 = vector.shape_cast %swap3A_151 : vector<16xi32> to vector<16xi32>
      %swap3A_153 = vector.shape_cast %add3A_149 : vector<16xi32> to vector<16xi32>
      tpu.vector_store %arg14[%swap3A_150], %swap3A_153 {strides = array<i32>} : memref<80xi32, #tpu.memory_space<vmem>>, vector<16xi32>,
      %add3A_154 = arith.constant 48 : i32
      %add3A_155 = arith.addi %mul3A_100, %add3A_154 : i32
      %get3A_156 = arith.index_cast %add3A_155 : i32 to index
      %get3A_157 = tpu.vector_load %arg10[%get3A_156] {strides = array<i32>} : memref<10000xi32, #tpu.memory_space<vmem>>, vector<16xi32>,
      %get3A_158 = vector.shape_cast %get3A_157 : vector<16xi32> to vector<16xi32>
      %get3A_159 = arith.index_cast %add3A_155 : i32 to index
      %get3A_160 = tpu.vector_load %arg11[%get3A_159] {strides = array<i32>} : memref<10000xi32, #tpu.memory_space<vmem>>, vector<16xi32>,
      %get3A_161 = vector.shape_cast %get3A_160 : vector<16xi32> to vector<16xi32>
      %mul3A_162 = arith.constant 10000 : i32
      %mul3A_163 = vector.broadcast %mul3A_162 : i32 to vector<16xi32>
      %mul3A_164 = arith.muli %get3A_161, %mul3A_163 : vector<16xi32>
      %add3A_165 = arith.addi %mul3A_164, %get3A_158 : vector<16xi32>
      %add3A_166 = vector.broadcast %mul3A_33 : i32 to vector<16xi32>
      %add3A_167 = arith.addi %add3A_165, %add3A_166 : vector<16xi32>
      %swap3A_168 = arith.constant 48 : index
      %swap3A_169 = tpu.vector_load %arg14[%swap3A_168] {strides = array<i32>} : memref<80xi32, #tpu.memory_space<vmem>>, vector<16xi32>,
      %swap3A_170 = vector.shape_cast %swap3A_169 : vector<16xi32> to vector<16xi32>
      %swap3A_171 = vector.shape_cast %add3A_167 : vector<16xi32> to vector<16xi32>
      tpu.vector_store %arg14[%swap3A_168], %swap3A_171 {strides = array<i32>} : memref<80xi32, #tpu.memory_space<vmem>>, vector<16xi32>,
      %add3A_172 = arith.constant 64 : i32
      %add3A_173 = arith.addi %mul3A_100, %add3A_172 : i32
      %get3A_174 = arith.index_cast %add3A_173 : i32 to index
      %get3A_175 = tpu.vector_load %arg10[%get3A_174] {strides = array<i32>} : memref<10000xi32, #tpu.memory_space<vmem>>, vector<16xi32>,
      %get3A_176 = vector.shape_cast %get3A_175 : vector<16xi32> to vector<16xi32>
      %get3A_177 = arith.index_cast %add3A_173 : i32 to index
      %get3A_178 = tpu.vector_load %arg11[%get3A_177] {strides = array<i32>} : memref<10000xi32, #tpu.memory_space<vmem>>, vector<16xi32>,
      %get3A_179 = vector.shape_cast %get3A_178 : vector<16xi32> to vector<16xi32>
      %mul3A_180 = arith.constant 10000 : i32
      %mul3A_181 = vector.broadcast %mul3A_180 : i32 to vector<16xi32>
      %mul3A_182 = arith.muli %get3A_179, %mul3A_181 : vector<16xi32>
      %add3A_183 = arith.addi %mul3A_182, %get3A_176 : vector<16xi32>
      %add3A_184 = vector.broadcast %mul3A_33 : i32 to vector<16xi32>
      %add3A_185 = arith.addi %add3A_183, %add3A_184 : vector<16xi32>
      %swap3A_186 = arith.constant 64 : index
      %swap3A_187 = tpu.vector_load %arg14[%swap3A_186] {strides = array<i32>} : memref<80xi32, #tpu.memory_space<vmem>>, vector<16xi32>,
      %swap3A_188 = vector.shape_cast %swap3A_187 : vector<16xi32> to vector<16xi32>
      %swap3A_189 = vector.shape_cast %add3A_185 : vector<16xi32> to vector<16xi32>
      tpu.vector_store %arg14[%swap3A_186], %swap3A_189 {strides = array<i32>} : memref<80xi32, #tpu.memory_space<vmem>>, vector<16xi32>,
      %add3A_190 = arith.addi %mul3A_0, %mul3A_100 : i32
      %jit3A = arith.constant 8 : i32
      %div3A = arith.divsi %add3A_190, %jit3A : i32
      %sign3A = arith.constant 0 : i32
      %sign3A_191 = arith.cmpi sgt, %add3A_190, %sign3A : i32
      %sign3A_192 = arith.extui %sign3A_191 : i1 to i32
      %sign3A_193 = arith.constant 0 : i32
      %sign3A_194 = arith.cmpi slt, %add3A_190, %sign3A_193 : i32
      %sign3A_195 = arith.extui %sign3A_194 : i1 to i32
      %sign3A_196 = arith.subi %sign3A_192, %sign3A_195 : i32
      %sign3A_197 = arith.constant 0 : i32
      %sign3A_198 = arith.cmpi sgt, %jit3A, %sign3A_197 : i32
      %sign3A_199 = arith.extui %sign3A_198 : i1 to i32
      %sign3A_200 = arith.constant 0 : i32
      %sign3A_201 = arith.cmpi slt, %jit3A, %sign3A_200 : i32
      %sign3A_202 = arith.extui %sign3A_201 : i1 to i32
      %sign3A_203 = arith.subi %sign3A_199, %sign3A_202 : i32
      %ne3A = arith.cmpi ne, %sign3A_196, %sign3A_203 : i32
      %rem3A = arith.remsi %add3A_190, %jit3A : i32
      %ne3A_204 = arith.constant 0 : i32
      %ne3A_205 = arith.cmpi ne, %rem3A, %ne3A_204 : i32
      %and3A = arith.andi %ne3A, %ne3A_205 : i1
      %sub3A = arith.constant 1 : i32
      %sub3A_206 = arith.subi %div3A, %sub3A : i32
      %select_n3A = arith.select %and3A, %sub3A_206, %div3A : i32
      %add3A_207 = vector.broadcast %select_n3A : i32 to vector<16xi32>
      %add3A_208 = arith.addi %add3A_207, %iota3A : vector<16xi32>
      %min3A = arith.constant 19999 : i32
      %min3A_209 = vector.broadcast %min3A : i32 to vector<16xi32>
      %min3A_210 = arith.minsi %add3A_208, %min3A_209 : vector<16xi32>
      %swap3A_211 = arith.constant 0 : index
      %swap3A_212 = tpu.vector_load %arg16[%swap3A_211] {strides = array<i32>} : memref<16xi32, #tpu.memory_space<vmem>>, vector<16xi32>,
      %swap3A_213 = vector.shape_cast %swap3A_212 : vector<16xi32> to vector<16xi32>
      %swap3A_214 = vector.shape_cast %min3A_210 : vector<16xi32> to vector<16xi32>
      tpu.vector_store %arg16[%swap3A_211], %swap3A_214 {strides = array<i32>} : memref<16xi32, #tpu.memory_space<vmem>>, vector<16xi32>,
      %dma_start3A = arith.constant 0 : i32
      %dma_start3A_215 = arith.constant 0 : i32
      %dma_start3A_216 = tpu.memref_slice %arg2[%dma_start3A, %dma_start3A_215] : memref<80000x128xf32, #tpu.memory_space<hbm>> -> memref<80000x128xf32, #tpu.memory_space<hbm>>
      tpu.enqueue_indirect_dma source(%dma_start3A_216 : memref<80000x128xf32, #tpu.memory_space<hbm>>) target(%arg12 : memref<80x128xf32, #tpu.memory_space<vmem>>) offsets(%arg14 : memref<80xi32, #tpu.memory_space<vmem>>) semaphore(%arg17 : memref<!tpu.dma_semaphore, #tpu.memory_space<semaphore_mem>>)
      %dma_start3A_217 = arith.constant 0 : i32
      %dma_start3A_218 = arith.constant 0 : i32
      %dma_start3A_219 = tpu.memref_slice %arg6[%dma_start3A_217, %dma_start3A_218] : memref<20000x128xf32, #tpu.memory_space<hbm>> -> memref<20000x128xf32, #tpu.memory_space<hbm>>
      tpu.enqueue_indirect_dma source(%dma_start3A_219 : memref<20000x128xf32, #tpu.memory_space<hbm>>) target(%arg13 : memref<16x128xf32, #tpu.memory_space<vmem>>) offsets(%arg16 : memref<16xi32, #tpu.memory_space<vmem>>) semaphore(%arg18 : memref<!tpu.dma_semaphore, #tpu.memory_space<semaphore_mem>>)
      %dma_wait3A = arith.constant 0 : i32
      %dma_wait3A_220 = arith.constant 0 : i32
      %dma_wait3A_221 = tpu.memref_slice %arg2[%dma_wait3A, %dma_wait3A_220] : memref<80000x128xf32, #tpu.memory_space<hbm>> -> memref<80000x128xf32, #tpu.memory_space<hbm>>
      tpu.wait_indirect_dma semaphore(%arg17 : memref<!tpu.dma_semaphore, #tpu.memory_space<semaphore_mem>>) src(%dma_wait3A_221 : memref<80000x128xf32, #tpu.memory_space<hbm>>) dst(%arg12 : memref<80x128xf32, #tpu.memory_space<vmem>>)
      %dma_wait3A_222 = arith.constant 0 : i32
      %dma_wait3A_223 = arith.constant 0 : i32
      %dma_wait3A_224 = tpu.memref_slice %arg6[%dma_wait3A_222, %dma_wait3A_223] : memref<20000x128xf32, #tpu.memory_space<hbm>> -> memref<20000x128xf32, #tpu.memory_space<hbm>>
      tpu.wait_indirect_dma semaphore(%arg18 : memref<!tpu.dma_semaphore, #tpu.memory_space<semaphore_mem>>) src(%dma_wait3A_224 : memref<20000x128xf32, #tpu.memory_space<hbm>>) dst(%arg13 : memref<16x128xf32, #tpu.memory_space<vmem>>)
      %scan3A_225 = arith.constant 0 : i32
      %scan3A_226 = arith.constant 0 : i32
      %scan3A_227 = arith.constant 10 : i32
      %scan3A_228 = arith.addi %scan3A_226, %scan3A_227 : i32
      %scan3A_229 = arith.constant 1 : i32
      %scan3A_230 = scf.for %scan3A_233 = %scan3A_226 to %scan3A_228 step %scan3A_229 iter_args(%scan3A_234 = %scan3A_225) -> (i32)  : i32 {
        %mul3A_235 = arith.constant 8 : i32
        %mul3A_236 = arith.muli %scan3A_233, %mul3A_235 : i32
        %add3A_237 = arith.constant 0 : i32
        %add3A_238 = arith.addi %mul3A_236, %add3A_237 : i32
        %get3A_239 = arith.index_cast %scan3A_233 : i32 to index
        %get3A_240 = arith.constant 0 : index
        %get3A_241 = tpu.vector_load %arg13[%get3A_239, %get3A_240] {strides = array<i32>} : memref<16x128xf32, #tpu.memory_space<vmem>>, vector<1x16xf32>,
        %get3A_242 = vector.shape_cast %get3A_241 : vector<1x16xf32> to vector<16xf32>
        %get3A_243 = arith.index_cast %add3A_238 : i32 to index
        %get3A_244 = arith.constant 0 : index
        %get3A_245 = tpu.vector_load %arg12[%get3A_243, %get3A_244] {strides = array<i32>} : memref<80x128xf32, #tpu.memory_space<vmem>>, vector<1x16xf32>,
        %get3A_246 = vector.shape_cast %get3A_245 : vector<1x16xf32> to vector<16xf32>
        %mul3A_247 = arith.mulf %get3A_246, %get3A_242 : vector<16xf32>
        %swap3A_248 = arith.index_cast %add3A_238 : i32 to index
        %swap3A_249 = arith.constant 0 : index
        %swap3A_250 = tpu.vector_load %arg12[%swap3A_248, %swap3A_249] {strides = array<i32>} : memref<80x128xf32, #tpu.memory_space<vmem>>, vector<1x16xf32>,
        %swap3A_251 = vector.shape_cast %swap3A_250 : vector<1x16xf32> to vector<16xf32>
        %swap3A_252 = vector.shape_cast %mul3A_247 : vector<16xf32> to vector<1x16xf32>
        tpu.vector_store %arg12[%swap3A_248, %swap3A_249], %swap3A_252 {strides = array<i32>} : memref<80x128xf32, #tpu.memory_space<vmem>>, vector<1x16xf32>,
        %get3A_253 = arith.index_cast %add3A_238 : i32 to index
        %get3A_254 = arith.constant 16 : index
        %get3A_255 = tpu.vector_load %arg12[%get3A_253, %get3A_254] {strides = array<i32>} : memref<80x128xf32, #tpu.memory_space<vmem>>, vector<1x16xf32>,
        %get3A_256 = vector.shape_cast %get3A_255 : vector<1x16xf32> to vector<16xf32>
        %mul3A_257 = arith.mulf %get3A_256, %get3A_242 : vector<16xf32>
        %swap3A_258 = arith.index_cast %add3A_238 : i32 to index
        %swap3A_259 = arith.constant 16 : index
        %swap3A_260 = tpu.vector_load %arg12[%swap3A_258, %swap3A_259] {strides = array<i32>} : memref<80x128xf32, #tpu.memory_space<vmem>>, vector<1x16xf32>,
        %swap3A_261 = vector.shape_cast %swap3A_260 : vector<1x16xf32> to vector<16xf32>
        %swap3A_262 = vector.shape_cast %mul3A_257 : vector<16xf32> to vector<1x16xf32>
        tpu.vector_store %arg12[%swap3A_258, %swap3A_259], %swap3A_262 {strides = array<i32>} : memref<80x128xf32, #tpu.memory_space<vmem>>, vector<1x16xf32>,
        %get3A_263 = arith.index_cast %add3A_238 : i32 to index
        %get3A_264 = arith.constant 32 : index
        %get3A_265 = tpu.vector_load %arg12[%get3A_263, %get3A_264] {strides = array<i32>} : memref<80x128xf32, #tpu.memory_space<vmem>>, vector<1x16xf32>,
        %get3A_266 = vector.shape_cast %get3A_265 : vector<1x16xf32> to vector<16xf32>
        %mul3A_267 = arith.mulf %get3A_266, %get3A_242 : vector<16xf32>
        %swap3A_268 = arith.index_cast %add3A_238 : i32 to index
        %swap3A_269 = arith.constant 32 : index
        %swap3A_270 = tpu.vector_load %arg12[%swap3A_268, %swap3A_269] {strides = array<i32>} : memref<80x128xf32, #tpu.memory_space<vmem>>, vector<1x16xf32>,
        %swap3A_271 = vector.shape_cast %swap3A_270 : vector<1x16xf32> to vector<16xf32>
        %swap3A_272 = vector.shape_cast %mul3A_267 : vector<16xf32> to vector<1x16xf32>
        tpu.vector_store %arg12[%swap3A_268, %swap3A_269], %swap3A_272 {strides = array<i32>} : memref<80x128xf32, #tpu.memory_space<vmem>>, vector<1x16xf32>,
        %get3A_273 = arith.index_cast %add3A_238 : i32 to index
        %get3A_274 = arith.constant 48 : index
        %get3A_275 = tpu.vector_load %arg12[%get3A_273, %get3A_274] {strides = array<i32>} : memref<80x128xf32, #tpu.memory_space<vmem>>, vector<1x16xf32>,
        %get3A_276 = vector.shape_cast %get3A_275 : vector<1x16xf32> to vector<16xf32>
        %mul3A_277 = arith.mulf %get3A_276, %get3A_242 : vector<16xf32>
        %swap3A_278 = arith.index_cast %add3A_238 : i32 to index
        %swap3A_279 = arith.constant 48 : index
        %swap3A_280 = tpu.vector_load %arg12[%swap3A_278, %swap3A_279] {strides = array<i32>} : memref<80x128xf32, #tpu.memory_space<vmem>>, vector<1x16xf32>,
        %swap3A_281 = vector.shape_cast %swap3A_280 : vector<1x16xf32> to vector<16xf32>
        %swap3A_282 = vector.shape_cast %mul3A_277 : vector<16xf32> to vector<1x16xf32>
        tpu.vector_store %arg12[%swap3A_278, %swap3A_279], %swap3A_282 {strides = array<i32>} : memref<80x128xf32, #tpu.memory_space<vmem>>, vector<1x16xf32>,
        %get3A_283 = arith.index_cast %add3A_238 : i32 to index
        %get3A_284 = arith.constant 64 : index
        %get3A_285 = tpu.vector_load %arg12[%get3A_283, %get3A_284] {strides = array<i32>} : memref<80x128xf32, #tpu.memory_space<vmem>>, vector<1x16xf32>,
        %get3A_286 = vector.shape_cast %get3A_285 : vector<1x16xf32> to vector<16xf32>
        %mul3A_287 = arith.mulf %get3A_286, %get3A_242 : vector<16xf32>
        %swap3A_288 = arith.index_cast %add3A_238 : i32 to index
        %swap3A_289 = arith.constant 64 : index
        %swap3A_290 = tpu.vector_load %arg12[%swap3A_288, %swap3A_289] {strides = array<i32>} : memref<80x128xf32, #tpu.memory_space<vmem>>, vector<1x16xf32>,
        %swap3A_291 = vector.shape_cast %swap3A_290 : vector<1x16xf32> to vector<16xf32>
        %swap3A_292 = vector.shape_cast %mul3A_287 : vector<16xf32> to vector<1x16xf32>
        tpu.vector_store %arg12[%swap3A_288, %swap3A_289], %swap3A_292 {strides = array<i32>} : memref<80x128xf32, #tpu.memory_space<vmem>>, vector<1x16xf32>,
        %get3A_293 = arith.index_cast %add3A_238 : i32 to index
        %get3A_294 = arith.constant 80 : index
        %get3A_295 = tpu.vector_load %arg12[%get3A_293, %get3A_294] {strides = array<i32>} : memref<80x128xf32, #tpu.memory_space<vmem>>, vector<1x16xf32>,
        %get3A_296 = vector.shape_cast %get3A_295 : vector<1x16xf32> to vector<16xf32>
        %mul3A_297 = arith.mulf %get3A_296, %get3A_242 : vector<16xf32>
        %swap3A_298 = arith.index_cast %add3A_238 : i32 to index
        %swap3A_299 = arith.constant 80 : index
        %swap3A_300 = tpu.vector_load %arg12[%swap3A_298, %swap3A_299] {strides = array<i32>} : memref<80x128xf32, #tpu.memory_space<vmem>>, vector<1x16xf32>,
        %swap3A_301 = vector.shape_cast %swap3A_300 : vector<1x16xf32> to vector<16xf32>
        %swap3A_302 = vector.shape_cast %mul3A_297 : vector<16xf32> to vector<1x16xf32>
        tpu.vector_store %arg12[%swap3A_298, %swap3A_299], %swap3A_302 {strides = array<i32>} : memref<80x128xf32, #tpu.memory_space<vmem>>, vector<1x16xf32>,
        %get3A_303 = arith.index_cast %add3A_238 : i32 to index
        %get3A_304 = arith.constant 96 : index
        %get3A_305 = tpu.vector_load %arg12[%get3A_303, %get3A_304] {strides = array<i32>} : memref<80x128xf32, #tpu.memory_space<vmem>>, vector<1x16xf32>,
        %get3A_306 = vector.shape_cast %get3A_305 : vector<1x16xf32> to vector<16xf32>
        %mul3A_307 = arith.mulf %get3A_306, %get3A_242 : vector<16xf32>
        %swap3A_308 = arith.index_cast %add3A_238 : i32 to index
        %swap3A_309 = arith.constant 96 : index
        %swap3A_310 = tpu.vector_load %arg12[%swap3A_308, %swap3A_309] {strides = array<i32>} : memref<80x128xf32, #tpu.memory_space<vmem>>, vector<1x16xf32>,
        %swap3A_311 = vector.shape_cast %swap3A_310 : vector<1x16xf32> to vector<16xf32>
        %swap3A_312 = vector.shape_cast %mul3A_307 : vector<16xf32> to vector<1x16xf32>
        tpu.vector_store %arg12[%swap3A_308, %swap3A_309], %swap3A_312 {strides = array<i32>} : memref<80x128xf32, #tpu.memory_space<vmem>>, vector<1x16xf32>,
        %get3A_313 = arith.index_cast %add3A_238 : i32 to index
        %get3A_314 = arith.constant 112 : index
        %get3A_315 = tpu.vector_load %arg12[%get3A_313, %get3A_314] {strides = array<i32>} : memref<80x128xf32, #tpu.memory_space<vmem>>, vector<1x16xf32>,
        %get3A_316 = vector.shape_cast %get3A_315 : vector<1x16xf32> to vector<16xf32>
        %mul3A_317 = arith.mulf %get3A_316, %get3A_242 : vector<16xf32>
        %swap3A_318 = arith.index_cast %add3A_238 : i32 to index
        %swap3A_319 = arith.constant 112 : index
        %swap3A_320 = tpu.vector_load %arg12[%swap3A_318, %swap3A_319] {strides = array<i32>} : memref<80x128xf32, #tpu.memory_space<vmem>>, vector<1x16xf32>,
        %swap3A_321 = vector.shape_cast %swap3A_320 : vector<1x16xf32> to vector<16xf32>
        %swap3A_322 = vector.shape_cast %mul3A_317 : vector<16xf32> to vector<1x16xf32>
        tpu.vector_store %arg12[%swap3A_318, %swap3A_319], %swap3A_322 {strides = array<i32>} : memref<80x128xf32, #tpu.memory_space<vmem>>, vector<1x16xf32>,
        %mul3A_323 = arith.constant 8 : i32
        %mul3A_324 = arith.muli %scan3A_233, %mul3A_323 : i32
        %add3A_325 = arith.constant 1 : i32
        %add3A_326 = arith.addi %mul3A_324, %add3A_325 : i32
        %get3A_327 = arith.index_cast %scan3A_233 : i32 to index
        %get3A_328 = arith.constant 16 : index
        %get3A_329 = tpu.vector_load %arg13[%get3A_327, %get3A_328] {strides = array<i32>} : memref<16x128xf32, #tpu.memory_space<vmem>>, vector<1x16xf32>,
        %get3A_330 = vector.shape_cast %get3A_329 : vector<1x16xf32> to vector<16xf32>
        %get3A_331 = arith.index_cast %add3A_326 : i32 to index
        %get3A_332 = arith.constant 0 : index
        %get3A_333 = tpu.vector_load %arg12[%get3A_331, %get3A_332] {strides = array<i32>} : memref<80x128xf32, #tpu.memory_space<vmem>>, vector<1x16xf32>,
        %get3A_334 = vector.shape_cast %get3A_333 : vector<1x16xf32> to vector<16xf32>
        %mul3A_335 = arith.mulf %get3A_334, %get3A_330 : vector<16xf32>
        %swap3A_336 = arith.index_cast %add3A_326 : i32 to index
        %swap3A_337 = arith.constant 0 : index
        %swap3A_338 = tpu.vector_load %arg12[%swap3A_336, %swap3A_337] {strides = array<i32>} : memref<80x128xf32, #tpu.memory_space<vmem>>, vector<1x16xf32>,
        %swap3A_339 = vector.shape_cast %swap3A_338 : vector<1x16xf32> to vector<16xf32>
        %swap3A_340 = vector.shape_cast %mul3A_335 : vector<16xf32> to vector<1x16xf32>
        tpu.vector_store %arg12[%swap3A_336, %swap3A_337], %swap3A_340 {strides = array<i32>} : memref<80x128xf32, #tpu.memory_space<vmem>>, vector<1x16xf32>,
        %get3A_341 = arith.index_cast %add3A_326 : i32 to index
        %get3A_342 = arith.constant 16 : index
        %get3A_343 = tpu.vector_load %arg12[%get3A_341, %get3A_342] {strides = array<i32>} : memref<80x128xf32, #tpu.memory_space<vmem>>, vector<1x16xf32>,
        %get3A_344 = vector.shape_cast %get3A_343 : vector<1x16xf32> to vector<16xf32>
        %mul3A_345 = arith.mulf %get3A_344, %get3A_330 : vector<16xf32>
        %swap3A_346 = arith.index_cast %add3A_326 : i32 to index
        %swap3A_347 = arith.constant 16 : index
        %swap3A_348 = tpu.vector_load %arg12[%swap3A_346, %swap3A_347] {strides = array<i32>} : memref<80x128xf32, #tpu.memory_space<vmem>>, vector<1x16xf32>,
        %swap3A_349 = vector.shape_cast %swap3A_348 : vector<1x16xf32> to vector<16xf32>
        %swap3A_350 = vector.shape_cast %mul3A_345 : vector<16xf32> to vector<1x16xf32>
        tpu.vector_store %arg12[%swap3A_346, %swap3A_347], %swap3A_350 {strides = array<i32>} : memref<80x128xf32, #tpu.memory_space<vmem>>, vector<1x16xf32>,
        %get3A_351 = arith.index_cast %add3A_326 : i32 to index
        %get3A_352 = arith.constant 32 : index
        %get3A_353 = tpu.vector_load %arg12[%get3A_351, %get3A_352] {strides = array<i32>} : memref<80x128xf32, #tpu.memory_space<vmem>>, vector<1x16xf32>,
        %get3A_354 = vector.shape_cast %get3A_353 : vector<1x16xf32> to vector<16xf32>
        %mul3A_355 = arith.mulf %get3A_354, %get3A_330 : vector<16xf32>
        %swap3A_356 = arith.index_cast %add3A_326 : i32 to index
        %swap3A_357 = arith.constant 32 : index
        %swap3A_358 = tpu.vector_load %arg12[%swap3A_356, %swap3A_357] {strides = array<i32>} : memref<80x128xf32, #tpu.memory_space<vmem>>, vector<1x16xf32>,
        %swap3A_359 = vector.shape_cast %swap3A_358 : vector<1x16xf32> to vector<16xf32>
        %swap3A_360 = vector.shape_cast %mul3A_355 : vector<16xf32> to vector<1x16xf32>
        tpu.vector_store %arg12[%swap3A_356, %swap3A_357], %swap3A_360 {strides = array<i32>} : memref<80x128xf32, #tpu.memory_space<vmem>>, vector<1x16xf32>,
        %get3A_361 = arith.index_cast %add3A_326 : i32 to index
        %get3A_362 = arith.constant 48 : index
        %get3A_363 = tpu.vector_load %arg12[%get3A_361, %get3A_362] {strides = array<i32>} : memref<80x128xf32, #tpu.memory_space<vmem>>, vector<1x16xf32>,
        %get3A_364 = vector.shape_cast %get3A_363 : vector<1x16xf32> to vector<16xf32>
        %mul3A_365 = arith.mulf %get3A_364, %get3A_330 : vector<16xf32>
        %swap3A_366 = arith.index_cast %add3A_326 : i32 to index
        %swap3A_367 = arith.constant 48 : index
        %swap3A_368 = tpu.vector_load %arg12[%swap3A_366, %swap3A_367] {strides = array<i32>} : memref<80x128xf32, #tpu.memory_space<vmem>>, vector<1x16xf32>,
        %swap3A_369 = vector.shape_cast %swap3A_368 : vector<1x16xf32> to vector<16xf32>
        %swap3A_370 = vector.shape_cast %mul3A_365 : vector<16xf32> to vector<1x16xf32>
        tpu.vector_store %arg12[%swap3A_366, %swap3A_367], %swap3A_370 {strides = array<i32>} : memref<80x128xf32, #tpu.memory_space<vmem>>, vector<1x16xf32>,
        %get3A_371 = arith.index_cast %add3A_326 : i32 to index
        %get3A_372 = arith.constant 64 : index
        %get3A_373 = tpu.vector_load %arg12[%get3A_371, %get3A_372] {strides = array<i32>} : memref<80x128xf32, #tpu.memory_space<vmem>>, vector<1x16xf32>,
        %get3A_374 = vector.shape_cast %get3A_373 : vector<1x16xf32> to vector<16xf32>
        %mul3A_375 = arith.mulf %get3A_374, %get3A_330 : vector<16xf32>
        %swap3A_376 = arith.index_cast %add3A_326 : i32 to index
        %swap3A_377 = arith.constant 64 : index
        %swap3A_378 = tpu.vector_load %arg12[%swap3A_376, %swap3A_377] {strides = array<i32>} : memref<80x128xf32, #tpu.memory_space<vmem>>, vector<1x16xf32>,
        %swap3A_379 = vector.shape_cast %swap3A_378 : vector<1x16xf32> to vector<16xf32>
        %swap3A_380 = vector.shape_cast %mul3A_375 : vector<16xf32> to vector<1x16xf32>
        tpu.vector_store %arg12[%swap3A_376, %swap3A_377], %swap3A_380 {strides = array<i32>} : memref<80x128xf32, #tpu.memory_space<vmem>>, vector<1x16xf32>,
        %get3A_381 = arith.index_cast %add3A_326 : i32 to index
        %get3A_382 = arith.constant 80 : index
        %get3A_383 = tpu.vector_load %arg12[%get3A_381, %get3A_382] {strides = array<i32>} : memref<80x128xf32, #tpu.memory_space<vmem>>, vector<1x16xf32>,
        %get3A_384 = vector.shape_cast %get3A_383 : vector<1x16xf32> to vector<16xf32>
        %mul3A_385 = arith.mulf %get3A_384, %get3A_330 : vector<16xf32>
        %swap3A_386 = arith.index_cast %add3A_326 : i32 to index
        %swap3A_387 = arith.constant 80 : index
        %swap3A_388 = tpu.vector_load %arg12[%swap3A_386, %swap3A_387] {strides = array<i32>} : memref<80x128xf32, #tpu.memory_space<vmem>>, vector<1x16xf32>,
        %swap3A_389 = vector.shape_cast %swap3A_388 : vector<1x16xf32> to vector<16xf32>
        %swap3A_390 = vector.shape_cast %mul3A_385 : vector<16xf32> to vector<1x16xf32>
        tpu.vector_store %arg12[%swap3A_386, %swap3A_387], %swap3A_390 {strides = array<i32>} : memref<80x128xf32, #tpu.memory_space<vmem>>, vector<1x16xf32>,
        %get3A_391 = arith.index_cast %add3A_326 : i32 to index
        %get3A_392 = arith.constant 96 : index
        %get3A_393 = tpu.vector_load %arg12[%get3A_391, %get3A_392] {strides = array<i32>} : memref<80x128xf32, #tpu.memory_space<vmem>>, vector<1x16xf32>,
        %get3A_394 = vector.shape_cast %get3A_393 : vector<1x16xf32> to vector<16xf32>
        %mul3A_395 = arith.mulf %get3A_394, %get3A_330 : vector<16xf32>
        %swap3A_396 = arith.index_cast %add3A_326 : i32 to index
        %swap3A_397 = arith.constant 96 : index
        %swap3A_398 = tpu.vector_load %arg12[%swap3A_396, %swap3A_397] {strides = array<i32>} : memref<80x128xf32, #tpu.memory_space<vmem>>, vector<1x16xf32>,
        %swap3A_399 = vector.shape_cast %swap3A_398 : vector<1x16xf32> to vector<16xf32>
        %swap3A_400 = vector.shape_cast %mul3A_395 : vector<16xf32> to vector<1x16xf32>
        tpu.vector_store %arg12[%swap3A_396, %swap3A_397], %swap3A_400 {strides = array<i32>} : memref<80x128xf32, #tpu.memory_space<vmem>>, vector<1x16xf32>,
        %get3A_401 = arith.index_cast %add3A_326 : i32 to index
        %get3A_402 = arith.constant 112 : index
        %get3A_403 = tpu.vector_load %arg12[%get3A_401, %get3A_402] {strides = array<i32>} : memref<80x128xf32, #tpu.memory_space<vmem>>, vector<1x16xf32>,
        %get3A_404 = vector.shape_cast %get3A_403 : vector<1x16xf32> to vector<16xf32>
        %mul3A_405 = arith.mulf %get3A_404, %get3A_330 : vector<16xf32>
        %swap3A_406 = arith.index_cast %add3A_326 : i32 to index
        %swap3A_407 = arith.constant 112 : index
        %swap3A_408 = tpu.vector_load %arg12[%swap3A_406, %swap3A_407] {strides = array<i32>} : memref<80x128xf32, #tpu.memory_space<vmem>>, vector<1x16xf32>,
        %swap3A_409 = vector.shape_cast %swap3A_408 : vector<1x16xf32> to vector<16xf32>
        %swap3A_410 = vector.shape_cast %mul3A_405 : vector<16xf32> to vector<1x16xf32>
        tpu.vector_store %arg12[%swap3A_406, %swap3A_407], %swap3A_410 {strides = array<i32>} : memref<80x128xf32, #tpu.memory_space<vmem>>, vector<1x16xf32>,
        %mul3A_411 = arith.constant 8 : i32
        %mul3A_412 = arith.muli %scan3A_233, %mul3A_411 : i32
        %add3A_413 = arith.constant 2 : i32
        %add3A_414 = arith.addi %mul3A_412, %add3A_413 : i32
        %get3A_415 = arith.index_cast %scan3A_233 : i32 to index
        %get3A_416 = arith.constant 32 : index
        %get3A_417 = tpu.vector_load %arg13[%get3A_415, %get3A_416] {strides = array<i32>} : memref<16x128xf32, #tpu.memory_space<vmem>>, vector<1x16xf32>,
        %get3A_418 = vector.shape_cast %get3A_417 : vector<1x16xf32> to vector<16xf32>
        %get3A_419 = arith.index_cast %add3A_414 : i32 to index
        %get3A_420 = arith.constant 0 : index
        %get3A_421 = tpu.vector_load %arg12[%get3A_419, %get3A_420] {strides = array<i32>} : memref<80x128xf32, #tpu.memory_space<vmem>>, vector<1x16xf32>,
        %get3A_422 = vector.shape_cast %get3A_421 : vector<1x16xf32> to vector<16xf32>
        %mul3A_423 = arith.mulf %get3A_422, %get3A_418 : vector<16xf32>
        %swap3A_424 = arith.index_cast %add3A_414 : i32 to index
        %swap3A_425 = arith.constant 0 : index
        %swap3A_426 = tpu.vector_load %arg12[%swap3A_424, %swap3A_425] {strides = array<i32>} : memref<80x128xf32, #tpu.memory_space<vmem>>, vector<1x16xf32>,
        %swap3A_427 = vector.shape_cast %swap3A_426 : vector<1x16xf32> to vector<16xf32>
        %swap3A_428 = vector.shape_cast %mul3A_423 : vector<16xf32> to vector<1x16xf32>
        tpu.vector_store %arg12[%swap3A_424, %swap3A_425], %swap3A_428 {strides = array<i32>} : memref<80x128xf32, #tpu.memory_space<vmem>>, vector<1x16xf32>,
        %get3A_429 = arith.index_cast %add3A_414 : i32 to index
        %get3A_430 = arith.constant 16 : index
        %get3A_431 = tpu.vector_load %arg12[%get3A_429, %get3A_430] {strides = array<i32>} : memref<80x128xf32, #tpu.memory_space<vmem>>, vector<1x16xf32>,
        %get3A_432 = vector.shape_cast %get3A_431 : vector<1x16xf32> to vector<16xf32>
        %mul3A_433 = arith.mulf %get3A_432, %get3A_418 : vector<16xf32>
        %swap3A_434 = arith.index_cast %add3A_414 : i32 to index
        %swap3A_435 = arith.constant 16 : index
        %swap3A_436 = tpu.vector_load %arg12[%swap3A_434, %swap3A_435] {strides = array<i32>} : memref<80x128xf32, #tpu.memory_space<vmem>>, vector<1x16xf32>,
        %swap3A_437 = vector.shape_cast %swap3A_436 : vector<1x16xf32> to vector<16xf32>
        %swap3A_438 = vector.shape_cast %mul3A_433 : vector<16xf32> to vector<1x16xf32>
        tpu.vector_store %arg12[%swap3A_434, %swap3A_435], %swap3A_438 {strides = array<i32>} : memref<80x128xf32, #tpu.memory_space<vmem>>, vector<1x16xf32>,
        %get3A_439 = arith.index_cast %add3A_414 : i32 to index
        %get3A_440 = arith.constant 32 : index
        %get3A_441 = tpu.vector_load %arg12[%get3A_439, %get3A_440] {strides = array<i32>} : memref<80x128xf32, #tpu.memory_space<vmem>>, vector<1x16xf32>,
        %get3A_442 = vector.shape_cast %get3A_441 : vector<1x16xf32> to vector<16xf32>
        %mul3A_443 = arith.mulf %get3A_442, %get3A_418 : vector<16xf32>
        %swap3A_444 = arith.index_cast %add3A_414 : i32 to index
        %swap3A_445 = arith.constant 32 : index
        %swap3A_446 = tpu.vector_load %arg12[%swap3A_444, %swap3A_445] {strides = array<i32>} : memref<80x128xf32, #tpu.memory_space<vmem>>, vector<1x16xf32>,
        %swap3A_447 = vector.shape_cast %swap3A_446 : vector<1x16xf32> to vector<16xf32>
        %swap3A_448 = vector.shape_cast %mul3A_443 : vector<16xf32> to vector<1x16xf32>
        tpu.vector_store %arg12[%swap3A_444, %swap3A_445], %swap3A_448 {strides = array<i32>} : memref<80x128xf32, #tpu.memory_space<vmem>>, vector<1x16xf32>,
        %get3A_449 = arith.index_cast %add3A_414 : i32 to index
        %get3A_450 = arith.constant 48 : index
        %get3A_451 = tpu.vector_load %arg12[%get3A_449, %get3A_450] {strides = array<i32>} : memref<80x128xf32, #tpu.memory_space<vmem>>, vector<1x16xf32>,
        %get3A_452 = vector.shape_cast %get3A_451 : vector<1x16xf32> to vector<16xf32>
        %mul3A_453 = arith.mulf %get3A_452, %get3A_418 : vector<16xf32>
        %swap3A_454 = arith.index_cast %add3A_414 : i32 to index
        %swap3A_455 = arith.constant 48 : index
        %swap3A_456 = tpu.vector_load %arg12[%swap3A_454, %swap3A_455] {strides = array<i32>} : memref<80x128xf32, #tpu.memory_space<vmem>>, vector<1x16xf32>,
        %swap3A_457 = vector.shape_cast %swap3A_456 : vector<1x16xf32> to vector<16xf32>
        %swap3A_458 = vector.shape_cast %mul3A_453 : vector<16xf32> to vector<1x16xf32>
        tpu.vector_store %arg12[%swap3A_454, %swap3A_455], %swap3A_458 {strides = array<i32>} : memref<80x128xf32, #tpu.memory_space<vmem>>, vector<1x16xf32>,
        %get3A_459 = arith.index_cast %add3A_414 : i32 to index
        %get3A_460 = arith.constant 64 : index
        %get3A_461 = tpu.vector_load %arg12[%get3A_459, %get3A_460] {strides = array<i32>} : memref<80x128xf32, #tpu.memory_space<vmem>>, vector<1x16xf32>,
        %get3A_462 = vector.shape_cast %get3A_461 : vector<1x16xf32> to vector<16xf32>
        %mul3A_463 = arith.mulf %get3A_462, %get3A_418 : vector<16xf32>
        %swap3A_464 = arith.index_cast %add3A_414 : i32 to index
        %swap3A_465 = arith.constant 64 : index
        %swap3A_466 = tpu.vector_load %arg12[%swap3A_464, %swap3A_465] {strides = array<i32>} : memref<80x128xf32, #tpu.memory_space<vmem>>, vector<1x16xf32>,
        %swap3A_467 = vector.shape_cast %swap3A_466 : vector<1x16xf32> to vector<16xf32>
        %swap3A_468 = vector.shape_cast %mul3A_463 : vector<16xf32> to vector<1x16xf32>
        tpu.vector_store %arg12[%swap3A_464, %swap3A_465], %swap3A_468 {strides = array<i32>} : memref<80x128xf32, #tpu.memory_space<vmem>>, vector<1x16xf32>,
        %get3A_469 = arith.index_cast %add3A_414 : i32 to index
        %get3A_470 = arith.constant 80 : index
        %get3A_471 = tpu.vector_load %arg12[%get3A_469, %get3A_470] {strides = array<i32>} : memref<80x128xf32, #tpu.memory_space<vmem>>, vector<1x16xf32>,
        %get3A_472 = vector.shape_cast %get3A_471 : vector<1x16xf32> to vector<16xf32>
        %mul3A_473 = arith.mulf %get3A_472, %get3A_418 : vector<16xf32>
        %swap3A_474 = arith.index_cast %add3A_414 : i32 to index
        %swap3A_475 = arith.constant 80 : index
        %swap3A_476 = tpu.vector_load %arg12[%swap3A_474, %swap3A_475] {strides = array<i32>} : memref<80x128xf32, #tpu.memory_space<vmem>>, vector<1x16xf32>,
        %swap3A_477 = vector.shape_cast %swap3A_476 : vector<1x16xf32> to vector<16xf32>
        %swap3A_478 = vector.shape_cast %mul3A_473 : vector<16xf32> to vector<1x16xf32>
        tpu.vector_store %arg12[%swap3A_474, %swap3A_475], %swap3A_478 {strides = array<i32>} : memref<80x128xf32, #tpu.memory_space<vmem>>, vector<1x16xf32>,
        %get3A_479 = arith.index_cast %add3A_414 : i32 to index
        %get3A_480 = arith.constant 96 : index
        %get3A_481 = tpu.vector_load %arg12[%get3A_479, %get3A_480] {strides = array<i32>} : memref<80x128xf32, #tpu.memory_space<vmem>>, vector<1x16xf32>,
        %get3A_482 = vector.shape_cast %get3A_481 : vector<1x16xf32> to vector<16xf32>
        %mul3A_483 = arith.mulf %get3A_482, %get3A_418 : vector<16xf32>
        %swap3A_484 = arith.index_cast %add3A_414 : i32 to index
        %swap3A_485 = arith.constant 96 : index
        %swap3A_486 = tpu.vector_load %arg12[%swap3A_484, %swap3A_485] {strides = array<i32>} : memref<80x128xf32, #tpu.memory_space<vmem>>, vector<1x16xf32>,
        %swap3A_487 = vector.shape_cast %swap3A_486 : vector<1x16xf32> to vector<16xf32>
        %swap3A_488 = vector.shape_cast %mul3A_483 : vector<16xf32> to vector<1x16xf32>
        tpu.vector_store %arg12[%swap3A_484, %swap3A_485], %swap3A_488 {strides = array<i32>} : memref<80x128xf32, #tpu.memory_space<vmem>>, vector<1x16xf32>,
        %get3A_489 = arith.index_cast %add3A_414 : i32 to index
        %get3A_490 = arith.constant 112 : index
        %get3A_491 = tpu.vector_load %arg12[%get3A_489, %get3A_490] {strides = array<i32>} : memref<80x128xf32, #tpu.memory_space<vmem>>, vector<1x16xf32>,
        %get3A_492 = vector.shape_cast %get3A_491 : vector<1x16xf32> to vector<16xf32>
        %mul3A_493 = arith.mulf %get3A_492, %get3A_418 : vector<16xf32>
        %swap3A_494 = arith.index_cast %add3A_414 : i32 to index
        %swap3A_495 = arith.constant 112 : index
        %swap3A_496 = tpu.vector_load %arg12[%swap3A_494, %swap3A_495] {strides = array<i32>} : memref<80x128xf32, #tpu.memory_space<vmem>>, vector<1x16xf32>,
        %swap3A_497 = vector.shape_cast %swap3A_496 : vector<1x16xf32> to vector<16xf32>
        %swap3A_498 = vector.shape_cast %mul3A_493 : vector<16xf32> to vector<1x16xf32>
        tpu.vector_store %arg12[%swap3A_494, %swap3A_495], %swap3A_498 {strides = array<i32>} : memref<80x128xf32, #tpu.memory_space<vmem>>, vector<1x16xf32>,
        %mul3A_499 = arith.constant 8 : i32
        %mul3A_500 = arith.muli %scan3A_233, %mul3A_499 : i32
        %add3A_501 = arith.constant 3 : i32
        %add3A_502 = arith.addi %mul3A_500, %add3A_501 : i32
        %get3A_503 = arith.index_cast %scan3A_233 : i32 to index
        %get3A_504 = arith.constant 48 : index
        %get3A_505 = tpu.vector_load %arg13[%get3A_503, %get3A_504] {strides = array<i32>} : memref<16x128xf32, #tpu.memory_space<vmem>>, vector<1x16xf32>,
        %get3A_506 = vector.shape_cast %get3A_505 : vector<1x16xf32> to vector<16xf32>
        %get3A_507 = arith.index_cast %add3A_502 : i32 to index
        %get3A_508 = arith.constant 0 : index
        %get3A_509 = tpu.vector_load %arg12[%get3A_507, %get3A_508] {strides = array<i32>} : memref<80x128xf32, #tpu.memory_space<vmem>>, vector<1x16xf32>,
        %get3A_510 = vector.shape_cast %get3A_509 : vector<1x16xf32> to vector<16xf32>
        %mul3A_511 = arith.mulf %get3A_510, %get3A_506 : vector<16xf32>
        %swap3A_512 = arith.index_cast %add3A_502 : i32 to index
        %swap3A_513 = arith.constant 0 : index
        %swap3A_514 = tpu.vector_load %arg12[%swap3A_512, %swap3A_513] {strides = array<i32>} : memref<80x128xf32, #tpu.memory_space<vmem>>, vector<1x16xf32>,
        %swap3A_515 = vector.shape_cast %swap3A_514 : vector<1x16xf32> to vector<16xf32>
        %swap3A_516 = vector.shape_cast %mul3A_511 : vector<16xf32> to vector<1x16xf32>
        tpu.vector_store %arg12[%swap3A_512, %swap3A_513], %swap3A_516 {strides = array<i32>} : memref<80x128xf32, #tpu.memory_space<vmem>>, vector<1x16xf32>,
        %get3A_517 = arith.index_cast %add3A_502 : i32 to index
        %get3A_518 = arith.constant 16 : index
        %get3A_519 = tpu.vector_load %arg12[%get3A_517, %get3A_518] {strides = array<i32>} : memref<80x128xf32, #tpu.memory_space<vmem>>, vector<1x16xf32>,
        %get3A_520 = vector.shape_cast %get3A_519 : vector<1x16xf32> to vector<16xf32>
        %mul3A_521 = arith.mulf %get3A_520, %get3A_506 : vector<16xf32>
        %swap3A_522 = arith.index_cast %add3A_502 : i32 to index
        %swap3A_523 = arith.constant 16 : index
        %swap3A_524 = tpu.vector_load %arg12[%swap3A_522, %swap3A_523] {strides = array<i32>} : memref<80x128xf32, #tpu.memory_space<vmem>>, vector<1x16xf32>,
        %swap3A_525 = vector.shape_cast %swap3A_524 : vector<1x16xf32> to vector<16xf32>
        %swap3A_526 = vector.shape_cast %mul3A_521 : vector<16xf32> to vector<1x16xf32>
        tpu.vector_store %arg12[%swap3A_522, %swap3A_523], %swap3A_526 {strides = array<i32>} : memref<80x128xf32, #tpu.memory_space<vmem>>, vector<1x16xf32>,
        %get3A_527 = arith.index_cast %add3A_502 : i32 to index
        %get3A_528 = arith.constant 32 : index
        %get3A_529 = tpu.vector_load %arg12[%get3A_527, %get3A_528] {strides = array<i32>} : memref<80x128xf32, #tpu.memory_space<vmem>>, vector<1x16xf32>,
        %get3A_530 = vector.shape_cast %get3A_529 : vector<1x16xf32> to vector<16xf32>
        %mul3A_531 = arith.mulf %get3A_530, %get3A_506 : vector<16xf32>
        %swap3A_532 = arith.index_cast %add3A_502 : i32 to index
        %swap3A_533 = arith.constant 32 : index
        %swap3A_534 = tpu.vector_load %arg12[%swap3A_532, %swap3A_533] {strides = array<i32>} : memref<80x128xf32, #tpu.memory_space<vmem>>, vector<1x16xf32>,
        %swap3A_535 = vector.shape_cast %swap3A_534 : vector<1x16xf32> to vector<16xf32>
        %swap3A_536 = vector.shape_cast %mul3A_531 : vector<16xf32> to vector<1x16xf32>
        tpu.vector_store %arg12[%swap3A_532, %swap3A_533], %swap3A_536 {strides = array<i32>} : memref<80x128xf32, #tpu.memory_space<vmem>>, vector<1x16xf32>,
        %get3A_537 = arith.index_cast %add3A_502 : i32 to index
        %get3A_538 = arith.constant 48 : index
        %get3A_539 = tpu.vector_load %arg12[%get3A_537, %get3A_538] {strides = array<i32>} : memref<80x128xf32, #tpu.memory_space<vmem>>, vector<1x16xf32>,
        %get3A_540 = vector.shape_cast %get3A_539 : vector<1x16xf32> to vector<16xf32>
        %mul3A_541 = arith.mulf %get3A_540, %get3A_506 : vector<16xf32>
        %swap3A_542 = arith.index_cast %add3A_502 : i32 to index
        %swap3A_543 = arith.constant 48 : index
        %swap3A_544 = tpu.vector_load %arg12[%swap3A_542, %swap3A_543] {strides = array<i32>} : memref<80x128xf32, #tpu.memory_space<vmem>>, vector<1x16xf32>,
        %swap3A_545 = vector.shape_cast %swap3A_544 : vector<1x16xf32> to vector<16xf32>
        %swap3A_546 = vector.shape_cast %mul3A_541 : vector<16xf32> to vector<1x16xf32>
        tpu.vector_store %arg12[%swap3A_542, %swap3A_543], %swap3A_546 {strides = array<i32>} : memref<80x128xf32, #tpu.memory_space<vmem>>, vector<1x16xf32>,
        %get3A_547 = arith.index_cast %add3A_502 : i32 to index
        %get3A_548 = arith.constant 64 : index
        %get3A_549 = tpu.vector_load %arg12[%get3A_547, %get3A_548] {strides = array<i32>} : memref<80x128xf32, #tpu.memory_space<vmem>>, vector<1x16xf32>,
        %get3A_550 = vector.shape_cast %get3A_549 : vector<1x16xf32> to vector<16xf32>
        %mul3A_551 = arith.mulf %get3A_550, %get3A_506 : vector<16xf32>
        %swap3A_552 = arith.index_cast %add3A_502 : i32 to index
        %swap3A_553 = arith.constant 64 : index
        %swap3A_554 = tpu.vector_load %arg12[%swap3A_552, %swap3A_553] {strides = array<i32>} : memref<80x128xf32, #tpu.memory_space<vmem>>, vector<1x16xf32>,
        %swap3A_555 = vector.shape_cast %swap3A_554 : vector<1x16xf32> to vector<16xf32>
        %swap3A_556 = vector.shape_cast %mul3A_551 : vector<16xf32> to vector<1x16xf32>
        tpu.vector_store %arg12[%swap3A_552, %swap3A_553], %swap3A_556 {strides = array<i32>} : memref<80x128xf32, #tpu.memory_space<vmem>>, vector<1x16xf32>,
        %get3A_557 = arith.index_cast %add3A_502 : i32 to index
        %get3A_558 = arith.constant 80 : index
        %get3A_559 = tpu.vector_load %arg12[%get3A_557, %get3A_558] {strides = array<i32>} : memref<80x128xf32, #tpu.memory_space<vmem>>, vector<1x16xf32>,
        %get3A_560 = vector.shape_cast %get3A_559 : vector<1x16xf32> to vector<16xf32>
        %mul3A_561 = arith.mulf %get3A_560, %get3A_506 : vector<16xf32>
        %swap3A_562 = arith.index_cast %add3A_502 : i32 to index
        %swap3A_563 = arith.constant 80 : index
        %swap3A_564 = tpu.vector_load %arg12[%swap3A_562, %swap3A_563] {strides = array<i32>} : memref<80x128xf32, #tpu.memory_space<vmem>>, vector<1x16xf32>,
        %swap3A_565 = vector.shape_cast %swap3A_564 : vector<1x16xf32> to vector<16xf32>
        %swap3A_566 = vector.shape_cast %mul3A_561 : vector<16xf32> to vector<1x16xf32>
        tpu.vector_store %arg12[%swap3A_562, %swap3A_563], %swap3A_566 {strides = array<i32>} : memref<80x128xf32, #tpu.memory_space<vmem>>, vector<1x16xf32>,
        %get3A_567 = arith.index_cast %add3A_502 : i32 to index
        %get3A_568 = arith.constant 96 : index
        %get3A_569 = tpu.vector_load %arg12[%get3A_567, %get3A_568] {strides = array<i32>} : memref<80x128xf32, #tpu.memory_space<vmem>>, vector<1x16xf32>,
        %get3A_570 = vector.shape_cast %get3A_569 : vector<1x16xf32> to vector<16xf32>
        %mul3A_571 = arith.mulf %get3A_570, %get3A_506 : vector<16xf32>
        %swap3A_572 = arith.index_cast %add3A_502 : i32 to index
        %swap3A_573 = arith.constant 96 : index
        %swap3A_574 = tpu.vector_load %arg12[%swap3A_572, %swap3A_573] {strides = array<i32>} : memref<80x128xf32, #tpu.memory_space<vmem>>, vector<1x16xf32>,
        %swap3A_575 = vector.shape_cast %swap3A_574 : vector<1x16xf32> to vector<16xf32>
        %swap3A_576 = vector.shape_cast %mul3A_571 : vector<16xf32> to vector<1x16xf32>
        tpu.vector_store %arg12[%swap3A_572, %swap3A_573], %swap3A_576 {strides = array<i32>} : memref<80x128xf32, #tpu.memory_space<vmem>>, vector<1x16xf32>,
        %get3A_577 = arith.index_cast %add3A_502 : i32 to index
        %get3A_578 = arith.constant 112 : index
        %get3A_579 = tpu.vector_load %arg12[%get3A_577, %get3A_578] {strides = array<i32>} : memref<80x128xf32, #tpu.memory_space<vmem>>, vector<1x16xf32>,
        %get3A_580 = vector.shape_cast %get3A_579 : vector<1x16xf32> to vector<16xf32>
        %mul3A_581 = arith.mulf %get3A_580, %get3A_506 : vector<16xf32>
        %swap3A_582 = arith.index_cast %add3A_502 : i32 to index
        %swap3A_583 = arith.constant 112 : index
        %swap3A_584 = tpu.vector_load %arg12[%swap3A_582, %swap3A_583] {strides = array<i32>} : memref<80x128xf32, #tpu.memory_space<vmem>>, vector<1x16xf32>,
        %swap3A_585 = vector.shape_cast %swap3A_584 : vector<1x16xf32> to vector<16xf32>
        %swap3A_586 = vector.shape_cast %mul3A_581 : vector<16xf32> to vector<1x16xf32>
        tpu.vector_store %arg12[%swap3A_582, %swap3A_583], %swap3A_586 {strides = array<i32>} : memref<80x128xf32, #tpu.memory_space<vmem>>, vector<1x16xf32>,
        %mul3A_587 = arith.constant 8 : i32
        %mul3A_588 = arith.muli %scan3A_233, %mul3A_587 : i32
        %add3A_589 = arith.constant 4 : i32
        %add3A_590 = arith.addi %mul3A_588, %add3A_589 : i32
        %get3A_591 = arith.index_cast %scan3A_233 : i32 to index
        %get3A_592 = arith.constant 64 : index
        %get3A_593 = tpu.vector_load %arg13[%get3A_591, %get3A_592] {strides = array<i32>} : memref<16x128xf32, #tpu.memory_space<vmem>>, vector<1x16xf32>,
        %get3A_594 = vector.shape_cast %get3A_593 : vector<1x16xf32> to vector<16xf32>
        %get3A_595 = arith.index_cast %add3A_590 : i32 to index
        %get3A_596 = arith.constant 0 : index
        %get3A_597 = tpu.vector_load %arg12[%get3A_595, %get3A_596] {strides = array<i32>} : memref<80x128xf32, #tpu.memory_space<vmem>>, vector<1x16xf32>,
        %get3A_598 = vector.shape_cast %get3A_597 : vector<1x16xf32> to vector<16xf32>
        %mul3A_599 = arith.mulf %get3A_598, %get3A_594 : vector<16xf32>
        %swap3A_600 = arith.index_cast %add3A_590 : i32 to index
        %swap3A_601 = arith.constant 0 : index
        %swap3A_602 = tpu.vector_load %arg12[%swap3A_600, %swap3A_601] {strides = array<i32>} : memref<80x128xf32, #tpu.memory_space<vmem>>, vector<1x16xf32>,
        %swap3A_603 = vector.shape_cast %swap3A_602 : vector<1x16xf32> to vector<16xf32>
        %swap3A_604 = vector.shape_cast %mul3A_599 : vector<16xf32> to vector<1x16xf32>
        tpu.vector_store %arg12[%swap3A_600, %swap3A_601], %swap3A_604 {strides = array<i32>} : memref<80x128xf32, #tpu.memory_space<vmem>>, vector<1x16xf32>,
        %get3A_605 = arith.index_cast %add3A_590 : i32 to index
        %get3A_606 = arith.constant 16 : index
        %get3A_607 = tpu.vector_load %arg12[%get3A_605, %get3A_606] {strides = array<i32>} : memref<80x128xf32, #tpu.memory_space<vmem>>, vector<1x16xf32>,
        %get3A_608 = vector.shape_cast %get3A_607 : vector<1x16xf32> to vector<16xf32>
        %mul3A_609 = arith.mulf %get3A_608, %get3A_594 : vector<16xf32>
        %swap3A_610 = arith.index_cast %add3A_590 : i32 to index
        %swap3A_611 = arith.constant 16 : index
        %swap3A_612 = tpu.vector_load %arg12[%swap3A_610, %swap3A_611] {strides = array<i32>} : memref<80x128xf32, #tpu.memory_space<vmem>>, vector<1x16xf32>,
        %swap3A_613 = vector.shape_cast %swap3A_612 : vector<1x16xf32> to vector<16xf32>
        %swap3A_614 = vector.shape_cast %mul3A_609 : vector<16xf32> to vector<1x16xf32>
        tpu.vector_store %arg12[%swap3A_610, %swap3A_611], %swap3A_614 {strides = array<i32>} : memref<80x128xf32, #tpu.memory_space<vmem>>, vector<1x16xf32>,
        %get3A_615 = arith.index_cast %add3A_590 : i32 to index
        %get3A_616 = arith.constant 32 : index
        %get3A_617 = tpu.vector_load %arg12[%get3A_615, %get3A_616] {strides = array<i32>} : memref<80x128xf32, #tpu.memory_space<vmem>>, vector<1x16xf32>,
        %get3A_618 = vector.shape_cast %get3A_617 : vector<1x16xf32> to vector<16xf32>
        %mul3A_619 = arith.mulf %get3A_618, %get3A_594 : vector<16xf32>
        %swap3A_620 = arith.index_cast %add3A_590 : i32 to index
        %swap3A_621 = arith.constant 32 : index
        %swap3A_622 = tpu.vector_load %arg12[%swap3A_620, %swap3A_621] {strides = array<i32>} : memref<80x128xf32, #tpu.memory_space<vmem>>, vector<1x16xf32>,
        %swap3A_623 = vector.shape_cast %swap3A_622 : vector<1x16xf32> to vector<16xf32>
        %swap3A_624 = vector.shape_cast %mul3A_619 : vector<16xf32> to vector<1x16xf32>
        tpu.vector_store %arg12[%swap3A_620, %swap3A_621], %swap3A_624 {strides = array<i32>} : memref<80x128xf32, #tpu.memory_space<vmem>>, vector<1x16xf32>,
        %get3A_625 = arith.index_cast %add3A_590 : i32 to index
        %get3A_626 = arith.constant 48 : index
        %get3A_627 = tpu.vector_load %arg12[%get3A_625, %get3A_626] {strides = array<i32>} : memref<80x128xf32, #tpu.memory_space<vmem>>, vector<1x16xf32>,
        %get3A_628 = vector.shape_cast %get3A_627 : vector<1x16xf32> to vector<16xf32>
        %mul3A_629 = arith.mulf %get3A_628, %get3A_594 : vector<16xf32>
        %swap3A_630 = arith.index_cast %add3A_590 : i32 to index
        %swap3A_631 = arith.constant 48 : index
        %swap3A_632 = tpu.vector_load %arg12[%swap3A_630, %swap3A_631] {strides = array<i32>} : memref<80x128xf32, #tpu.memory_space<vmem>>, vector<1x16xf32>,
        %swap3A_633 = vector.shape_cast %swap3A_632 : vector<1x16xf32> to vector<16xf32>
        %swap3A_634 = vector.shape_cast %mul3A_629 : vector<16xf32> to vector<1x16xf32>
        tpu.vector_store %arg12[%swap3A_630, %swap3A_631], %swap3A_634 {strides = array<i32>} : memref<80x128xf32, #tpu.memory_space<vmem>>, vector<1x16xf32>,
        %get3A_635 = arith.index_cast %add3A_590 : i32 to index
        %get3A_636 = arith.constant 64 : index
        %get3A_637 = tpu.vector_load %arg12[%get3A_635, %get3A_636] {strides = array<i32>} : memref<80x128xf32, #tpu.memory_space<vmem>>, vector<1x16xf32>,
        %get3A_638 = vector.shape_cast %get3A_637 : vector<1x16xf32> to vector<16xf32>
        %mul3A_639 = arith.mulf %get3A_638, %get3A_594 : vector<16xf32>
        %swap3A_640 = arith.index_cast %add3A_590 : i32 to index
        %swap3A_641 = arith.constant 64 : index
        %swap3A_642 = tpu.vector_load %arg12[%swap3A_640, %swap3A_641] {strides = array<i32>} : memref<80x128xf32, #tpu.memory_space<vmem>>, vector<1x16xf32>,
        %swap3A_643 = vector.shape_cast %swap3A_642 : vector<1x16xf32> to vector<16xf32>
        %swap3A_644 = vector.shape_cast %mul3A_639 : vector<16xf32> to vector<1x16xf32>
        tpu.vector_store %arg12[%swap3A_640, %swap3A_641], %swap3A_644 {strides = array<i32>} : memref<80x128xf32, #tpu.memory_space<vmem>>, vector<1x16xf32>,
        %get3A_645 = arith.index_cast %add3A_590 : i32 to index
        %get3A_646 = arith.constant 80 : index
        %get3A_647 = tpu.vector_load %arg12[%get3A_645, %get3A_646] {strides = array<i32>} : memref<80x128xf32, #tpu.memory_space<vmem>>, vector<1x16xf32>,
        %get3A_648 = vector.shape_cast %get3A_647 : vector<1x16xf32> to vector<16xf32>
        %mul3A_649 = arith.mulf %get3A_648, %get3A_594 : vector<16xf32>
        %swap3A_650 = arith.index_cast %add3A_590 : i32 to index
        %swap3A_651 = arith.constant 80 : index
        %swap3A_652 = tpu.vector_load %arg12[%swap3A_650, %swap3A_651] {strides = array<i32>} : memref<80x128xf32, #tpu.memory_space<vmem>>, vector<1x16xf32>,
        %swap3A_653 = vector.shape_cast %swap3A_652 : vector<1x16xf32> to vector<16xf32>
        %swap3A_654 = vector.shape_cast %mul3A_649 : vector<16xf32> to vector<1x16xf32>
        tpu.vector_store %arg12[%swap3A_650, %swap3A_651], %swap3A_654 {strides = array<i32>} : memref<80x128xf32, #tpu.memory_space<vmem>>, vector<1x16xf32>,
        %get3A_655 = arith.index_cast %add3A_590 : i32 to index
        %get3A_656 = arith.constant 96 : index
        %get3A_657 = tpu.vector_load %arg12[%get3A_655, %get3A_656] {strides = array<i32>} : memref<80x128xf32, #tpu.memory_space<vmem>>, vector<1x16xf32>,
        %get3A_658 = vector.shape_cast %get3A_657 : vector<1x16xf32> to vector<16xf32>
        %mul3A_659 = arith.mulf %get3A_658, %get3A_594 : vector<16xf32>
        %swap3A_660 = arith.index_cast %add3A_590 : i32 to index
        %swap3A_661 = arith.constant 96 : index
        %swap3A_662 = tpu.vector_load %arg12[%swap3A_660, %swap3A_661] {strides = array<i32>} : memref<80x128xf32, #tpu.memory_space<vmem>>, vector<1x16xf32>,
        %swap3A_663 = vector.shape_cast %swap3A_662 : vector<1x16xf32> to vector<16xf32>
        %swap3A_664 = vector.shape_cast %mul3A_659 : vector<16xf32> to vector<1x16xf32>
        tpu.vector_store %arg12[%swap3A_660, %swap3A_661], %swap3A_664 {strides = array<i32>} : memref<80x128xf32, #tpu.memory_space<vmem>>, vector<1x16xf32>,
        %get3A_665 = arith.index_cast %add3A_590 : i32 to index
        %get3A_666 = arith.constant 112 : index
        %get3A_667 = tpu.vector_load %arg12[%get3A_665, %get3A_666] {strides = array<i32>} : memref<80x128xf32, #tpu.memory_space<vmem>>, vector<1x16xf32>,
        %get3A_668 = vector.shape_cast %get3A_667 : vector<1x16xf32> to vector<16xf32>
        %mul3A_669 = arith.mulf %get3A_668, %get3A_594 : vector<16xf32>
        %swap3A_670 = arith.index_cast %add3A_590 : i32 to index
        %swap3A_671 = arith.constant 112 : index
        %swap3A_672 = tpu.vector_load %arg12[%swap3A_670, %swap3A_671] {strides = array<i32>} : memref<80x128xf32, #tpu.memory_space<vmem>>, vector<1x16xf32>,
        %swap3A_673 = vector.shape_cast %swap3A_672 : vector<1x16xf32> to vector<16xf32>
        %swap3A_674 = vector.shape_cast %mul3A_669 : vector<16xf32> to vector<1x16xf32>
        tpu.vector_store %arg12[%swap3A_670, %swap3A_671], %swap3A_674 {strides = array<i32>} : memref<80x128xf32, #tpu.memory_space<vmem>>, vector<1x16xf32>,
        %mul3A_675 = arith.constant 8 : i32
        %mul3A_676 = arith.muli %scan3A_233, %mul3A_675 : i32
        %add3A_677 = arith.constant 5 : i32
        %add3A_678 = arith.addi %mul3A_676, %add3A_677 : i32
        %get3A_679 = arith.index_cast %scan3A_233 : i32 to index
        %get3A_680 = arith.constant 80 : index
        %get3A_681 = tpu.vector_load %arg13[%get3A_679, %get3A_680] {strides = array<i32>} : memref<16x128xf32, #tpu.memory_space<vmem>>, vector<1x16xf32>,
        %get3A_682 = vector.shape_cast %get3A_681 : vector<1x16xf32> to vector<16xf32>
        %get3A_683 = arith.index_cast %add3A_678 : i32 to index
        %get3A_684 = arith.constant 0 : index
        %get3A_685 = tpu.vector_load %arg12[%get3A_683, %get3A_684] {strides = array<i32>} : memref<80x128xf32, #tpu.memory_space<vmem>>, vector<1x16xf32>,
        %get3A_686 = vector.shape_cast %get3A_685 : vector<1x16xf32> to vector<16xf32>
        %mul3A_687 = arith.mulf %get3A_686, %get3A_682 : vector<16xf32>
        %swap3A_688 = arith.index_cast %add3A_678 : i32 to index
        %swap3A_689 = arith.constant 0 : index
        %swap3A_690 = tpu.vector_load %arg12[%swap3A_688, %swap3A_689] {strides = array<i32>} : memref<80x128xf32, #tpu.memory_space<vmem>>, vector<1x16xf32>,
        %swap3A_691 = vector.shape_cast %swap3A_690 : vector<1x16xf32> to vector<16xf32>
        %swap3A_692 = vector.shape_cast %mul3A_687 : vector<16xf32> to vector<1x16xf32>
        tpu.vector_store %arg12[%swap3A_688, %swap3A_689], %swap3A_692 {strides = array<i32>} : memref<80x128xf32, #tpu.memory_space<vmem>>, vector<1x16xf32>,
        %get3A_693 = arith.index_cast %add3A_678 : i32 to index
        %get3A_694 = arith.constant 16 : index
        %get3A_695 = tpu.vector_load %arg12[%get3A_693, %get3A_694] {strides = array<i32>} : memref<80x128xf32, #tpu.memory_space<vmem>>, vector<1x16xf32>,
        %get3A_696 = vector.shape_cast %get3A_695 : vector<1x16xf32> to vector<16xf32>
        %mul3A_697 = arith.mulf %get3A_696, %get3A_682 : vector<16xf32>
        %swap3A_698 = arith.index_cast %add3A_678 : i32 to index
        %swap3A_699 = arith.constant 16 : index
        %swap3A_700 = tpu.vector_load %arg12[%swap3A_698, %swap3A_699] {strides = array<i32>} : memref<80x128xf32, #tpu.memory_space<vmem>>, vector<1x16xf32>,
        %swap3A_701 = vector.shape_cast %swap3A_700 : vector<1x16xf32> to vector<16xf32>
        %swap3A_702 = vector.shape_cast %mul3A_697 : vector<16xf32> to vector<1x16xf32>
        tpu.vector_store %arg12[%swap3A_698, %swap3A_699], %swap3A_702 {strides = array<i32>} : memref<80x128xf32, #tpu.memory_space<vmem>>, vector<1x16xf32>,
        %get3A_703 = arith.index_cast %add3A_678 : i32 to index
        %get3A_704 = arith.constant 32 : index
        %get3A_705 = tpu.vector_load %arg12[%get3A_703, %get3A_704] {strides = array<i32>} : memref<80x128xf32, #tpu.memory_space<vmem>>, vector<1x16xf32>,
        %get3A_706 = vector.shape_cast %get3A_705 : vector<1x16xf32> to vector<16xf32>
        %mul3A_707 = arith.mulf %get3A_706, %get3A_682 : vector<16xf32>
        %swap3A_708 = arith.index_cast %add3A_678 : i32 to index
        %swap3A_709 = arith.constant 32 : index
        %swap3A_710 = tpu.vector_load %arg12[%swap3A_708, %swap3A_709] {strides = array<i32>} : memref<80x128xf32, #tpu.memory_space<vmem>>, vector<1x16xf32>,
        %swap3A_711 = vector.shape_cast %swap3A_710 : vector<1x16xf32> to vector<16xf32>
        %swap3A_712 = vector.shape_cast %mul3A_707 : vector<16xf32> to vector<1x16xf32>
        tpu.vector_store %arg12[%swap3A_708, %swap3A_709], %swap3A_712 {strides = array<i32>} : memref<80x128xf32, #tpu.memory_space<vmem>>, vector<1x16xf32>,
        %get3A_713 = arith.index_cast %add3A_678 : i32 to index
        %get3A_714 = arith.constant 48 : index
        %get3A_715 = tpu.vector_load %arg12[%get3A_713, %get3A_714] {strides = array<i32>} : memref<80x128xf32, #tpu.memory_space<vmem>>, vector<1x16xf32>,
        %get3A_716 = vector.shape_cast %get3A_715 : vector<1x16xf32> to vector<16xf32>
        %mul3A_717 = arith.mulf %get3A_716, %get3A_682 : vector<16xf32>
        %swap3A_718 = arith.index_cast %add3A_678 : i32 to index
        %swap3A_719 = arith.constant 48 : index
        %swap3A_720 = tpu.vector_load %arg12[%swap3A_718, %swap3A_719] {strides = array<i32>} : memref<80x128xf32, #tpu.memory_space<vmem>>, vector<1x16xf32>,
        %swap3A_721 = vector.shape_cast %swap3A_720 : vector<1x16xf32> to vector<16xf32>
        %swap3A_722 = vector.shape_cast %mul3A_717 : vector<16xf32> to vector<1x16xf32>
        tpu.vector_store %arg12[%swap3A_718, %swap3A_719], %swap3A_722 {strides = array<i32>} : memref<80x128xf32, #tpu.memory_space<vmem>>, vector<1x16xf32>,
        %get3A_723 = arith.index_cast %add3A_678 : i32 to index
        %get3A_724 = arith.constant 64 : index
        %get3A_725 = tpu.vector_load %arg12[%get3A_723, %get3A_724] {strides = array<i32>} : memref<80x128xf32, #tpu.memory_space<vmem>>, vector<1x16xf32>,
        %get3A_726 = vector.shape_cast %get3A_725 : vector<1x16xf32> to vector<16xf32>
        %mul3A_727 = arith.mulf %get3A_726, %get3A_682 : vector<16xf32>
        %swap3A_728 = arith.index_cast %add3A_678 : i32 to index
        %swap3A_729 = arith.constant 64 : index
        %swap3A_730 = tpu.vector_load %arg12[%swap3A_728, %swap3A_729] {strides = array<i32>} : memref<80x128xf32, #tpu.memory_space<vmem>>, vector<1x16xf32>,
        %swap3A_731 = vector.shape_cast %swap3A_730 : vector<1x16xf32> to vector<16xf32>
        %swap3A_732 = vector.shape_cast %mul3A_727 : vector<16xf32> to vector<1x16xf32>
        tpu.vector_store %arg12[%swap3A_728, %swap3A_729], %swap3A_732 {strides = array<i32>} : memref<80x128xf32, #tpu.memory_space<vmem>>, vector<1x16xf32>,
        %get3A_733 = arith.index_cast %add3A_678 : i32 to index
        %get3A_734 = arith.constant 80 : index
        %get3A_735 = tpu.vector_load %arg12[%get3A_733, %get3A_734] {strides = array<i32>} : memref<80x128xf32, #tpu.memory_space<vmem>>, vector<1x16xf32>,
        %get3A_736 = vector.shape_cast %get3A_735 : vector<1x16xf32> to vector<16xf32>
        %mul3A_737 = arith.mulf %get3A_736, %get3A_682 : vector<16xf32>
        %swap3A_738 = arith.index_cast %add3A_678 : i32 to index
        %swap3A_739 = arith.constant 80 : index
        %swap3A_740 = tpu.vector_load %arg12[%swap3A_738, %swap3A_739] {strides = array<i32>} : memref<80x128xf32, #tpu.memory_space<vmem>>, vector<1x16xf32>,
        %swap3A_741 = vector.shape_cast %swap3A_740 : vector<1x16xf32> to vector<16xf32>
        %swap3A_742 = vector.shape_cast %mul3A_737 : vector<16xf32> to vector<1x16xf32>
        tpu.vector_store %arg12[%swap3A_738, %swap3A_739], %swap3A_742 {strides = array<i32>} : memref<80x128xf32, #tpu.memory_space<vmem>>, vector<1x16xf32>,
        %get3A_743 = arith.index_cast %add3A_678 : i32 to index
        %get3A_744 = arith.constant 96 : index
        %get3A_745 = tpu.vector_load %arg12[%get3A_743, %get3A_744] {strides = array<i32>} : memref<80x128xf32, #tpu.memory_space<vmem>>, vector<1x16xf32>,
        %get3A_746 = vector.shape_cast %get3A_745 : vector<1x16xf32> to vector<16xf32>
        %mul3A_747 = arith.mulf %get3A_746, %get3A_682 : vector<16xf32>
        %swap3A_748 = arith.index_cast %add3A_678 : i32 to index
        %swap3A_749 = arith.constant 96 : index
        %swap3A_750 = tpu.vector_load %arg12[%swap3A_748, %swap3A_749] {strides = array<i32>} : memref<80x128xf32, #tpu.memory_space<vmem>>, vector<1x16xf32>,
        %swap3A_751 = vector.shape_cast %swap3A_750 : vector<1x16xf32> to vector<16xf32>
        %swap3A_752 = vector.shape_cast %mul3A_747 : vector<16xf32> to vector<1x16xf32>
        tpu.vector_store %arg12[%swap3A_748, %swap3A_749], %swap3A_752 {strides = array<i32>} : memref<80x128xf32, #tpu.memory_space<vmem>>, vector<1x16xf32>,
        %get3A_753 = arith.index_cast %add3A_678 : i32 to index
        %get3A_754 = arith.constant 112 : index
        %get3A_755 = tpu.vector_load %arg12[%get3A_753, %get3A_754] {strides = array<i32>} : memref<80x128xf32, #tpu.memory_space<vmem>>, vector<1x16xf32>,
        %get3A_756 = vector.shape_cast %get3A_755 : vector<1x16xf32> to vector<16xf32>
        %mul3A_757 = arith.mulf %get3A_756, %get3A_682 : vector<16xf32>
        %swap3A_758 = arith.index_cast %add3A_678 : i32 to index
        %swap3A_759 = arith.constant 112 : index
        %swap3A_760 = tpu.vector_load %arg12[%swap3A_758, %swap3A_759] {strides = array<i32>} : memref<80x128xf32, #tpu.memory_space<vmem>>, vector<1x16xf32>,
        %swap3A_761 = vector.shape_cast %swap3A_760 : vector<1x16xf32> to vector<16xf32>
        %swap3A_762 = vector.shape_cast %mul3A_757 : vector<16xf32> to vector<1x16xf32>
        tpu.vector_store %arg12[%swap3A_758, %swap3A_759], %swap3A_762 {strides = array<i32>} : memref<80x128xf32, #tpu.memory_space<vmem>>, vector<1x16xf32>,
        %mul3A_763 = arith.constant 8 : i32
        %mul3A_764 = arith.muli %scan3A_233, %mul3A_763 : i32
        %add3A_765 = arith.constant 6 : i32
        %add3A_766 = arith.addi %mul3A_764, %add3A_765 : i32
        %get3A_767 = arith.index_cast %scan3A_233 : i32 to index
        %get3A_768 = arith.constant 96 : index
        %get3A_769 = tpu.vector_load %arg13[%get3A_767, %get3A_768] {strides = array<i32>} : memref<16x128xf32, #tpu.memory_space<vmem>>, vector<1x16xf32>,
        %get3A_770 = vector.shape_cast %get3A_769 : vector<1x16xf32> to vector<16xf32>
        %get3A_771 = arith.index_cast %add3A_766 : i32 to index
        %get3A_772 = arith.constant 0 : index
        %get3A_773 = tpu.vector_load %arg12[%get3A_771, %get3A_772] {strides = array<i32>} : memref<80x128xf32, #tpu.memory_space<vmem>>, vector<1x16xf32>,
        %get3A_774 = vector.shape_cast %get3A_773 : vector<1x16xf32> to vector<16xf32>
        %mul3A_775 = arith.mulf %get3A_774, %get3A_770 : vector<16xf32>
        %swap3A_776 = arith.index_cast %add3A_766 : i32 to index
        %swap3A_777 = arith.constant 0 : index
        %swap3A_778 = tpu.vector_load %arg12[%swap3A_776, %swap3A_777] {strides = array<i32>} : memref<80x128xf32, #tpu.memory_space<vmem>>, vector<1x16xf32>,
        %swap3A_779 = vector.shape_cast %swap3A_778 : vector<1x16xf32> to vector<16xf32>
        %swap3A_780 = vector.shape_cast %mul3A_775 : vector<16xf32> to vector<1x16xf32>
        tpu.vector_store %arg12[%swap3A_776, %swap3A_777], %swap3A_780 {strides = array<i32>} : memref<80x128xf32, #tpu.memory_space<vmem>>, vector<1x16xf32>,
        %get3A_781 = arith.index_cast %add3A_766 : i32 to index
        %get3A_782 = arith.constant 16 : index
        %get3A_783 = tpu.vector_load %arg12[%get3A_781, %get3A_782] {strides = array<i32>} : memref<80x128xf32, #tpu.memory_space<vmem>>, vector<1x16xf32>,
        %get3A_784 = vector.shape_cast %get3A_783 : vector<1x16xf32> to vector<16xf32>
        %mul3A_785 = arith.mulf %get3A_784, %get3A_770 : vector<16xf32>
        %swap3A_786 = arith.index_cast %add3A_766 : i32 to index
        %swap3A_787 = arith.constant 16 : index
        %swap3A_788 = tpu.vector_load %arg12[%swap3A_786, %swap3A_787] {strides = array<i32>} : memref<80x128xf32, #tpu.memory_space<vmem>>, vector<1x16xf32>,
        %swap3A_789 = vector.shape_cast %swap3A_788 : vector<1x16xf32> to vector<16xf32>
        %swap3A_790 = vector.shape_cast %mul3A_785 : vector<16xf32> to vector<1x16xf32>
        tpu.vector_store %arg12[%swap3A_786, %swap3A_787], %swap3A_790 {strides = array<i32>} : memref<80x128xf32, #tpu.memory_space<vmem>>, vector<1x16xf32>,
        %get3A_791 = arith.index_cast %add3A_766 : i32 to index
        %get3A_792 = arith.constant 32 : index
        %get3A_793 = tpu.vector_load %arg12[%get3A_791, %get3A_792] {strides = array<i32>} : memref<80x128xf32, #tpu.memory_space<vmem>>, vector<1x16xf32>,
        %get3A_794 = vector.shape_cast %get3A_793 : vector<1x16xf32> to vector<16xf32>
        %mul3A_795 = arith.mulf %get3A_794, %get3A_770 : vector<16xf32>
        %swap3A_796 = arith.index_cast %add3A_766 : i32 to index
        %swap3A_797 = arith.constant 32 : index
        %swap3A_798 = tpu.vector_load %arg12[%swap3A_796, %swap3A_797] {strides = array<i32>} : memref<80x128xf32, #tpu.memory_space<vmem>>, vector<1x16xf32>,
        %swap3A_799 = vector.shape_cast %swap3A_798 : vector<1x16xf32> to vector<16xf32>
        %swap3A_800 = vector.shape_cast %mul3A_795 : vector<16xf32> to vector<1x16xf32>
        tpu.vector_store %arg12[%swap3A_796, %swap3A_797], %swap3A_800 {strides = array<i32>} : memref<80x128xf32, #tpu.memory_space<vmem>>, vector<1x16xf32>,
        %get3A_801 = arith.index_cast %add3A_766 : i32 to index
        %get3A_802 = arith.constant 48 : index
        %get3A_803 = tpu.vector_load %arg12[%get3A_801, %get3A_802] {strides = array<i32>} : memref<80x128xf32, #tpu.memory_space<vmem>>, vector<1x16xf32>,
        %get3A_804 = vector.shape_cast %get3A_803 : vector<1x16xf32> to vector<16xf32>
        %mul3A_805 = arith.mulf %get3A_804, %get3A_770 : vector<16xf32>
        %swap3A_806 = arith.index_cast %add3A_766 : i32 to index
        %swap3A_807 = arith.constant 48 : index
        %swap3A_808 = tpu.vector_load %arg12[%swap3A_806, %swap3A_807] {strides = array<i32>} : memref<80x128xf32, #tpu.memory_space<vmem>>, vector<1x16xf32>,
        %swap3A_809 = vector.shape_cast %swap3A_808 : vector<1x16xf32> to vector<16xf32>
        %swap3A_810 = vector.shape_cast %mul3A_805 : vector<16xf32> to vector<1x16xf32>
        tpu.vector_store %arg12[%swap3A_806, %swap3A_807], %swap3A_810 {strides = array<i32>} : memref<80x128xf32, #tpu.memory_space<vmem>>, vector<1x16xf32>,
        %get3A_811 = arith.index_cast %add3A_766 : i32 to index
        %get3A_812 = arith.constant 64 : index
        %get3A_813 = tpu.vector_load %arg12[%get3A_811, %get3A_812] {strides = array<i32>} : memref<80x128xf32, #tpu.memory_space<vmem>>, vector<1x16xf32>,
        %get3A_814 = vector.shape_cast %get3A_813 : vector<1x16xf32> to vector<16xf32>
        %mul3A_815 = arith.mulf %get3A_814, %get3A_770 : vector<16xf32>
        %swap3A_816 = arith.index_cast %add3A_766 : i32 to index
        %swap3A_817 = arith.constant 64 : index
        %swap3A_818 = tpu.vector_load %arg12[%swap3A_816, %swap3A_817] {strides = array<i32>} : memref<80x128xf32, #tpu.memory_space<vmem>>, vector<1x16xf32>,
        %swap3A_819 = vector.shape_cast %swap3A_818 : vector<1x16xf32> to vector<16xf32>
        %swap3A_820 = vector.shape_cast %mul3A_815 : vector<16xf32> to vector<1x16xf32>
        tpu.vector_store %arg12[%swap3A_816, %swap3A_817], %swap3A_820 {strides = array<i32>} : memref<80x128xf32, #tpu.memory_space<vmem>>, vector<1x16xf32>,
        %get3A_821 = arith.index_cast %add3A_766 : i32 to index
        %get3A_822 = arith.constant 80 : index
        %get3A_823 = tpu.vector_load %arg12[%get3A_821, %get3A_822] {strides = array<i32>} : memref<80x128xf32, #tpu.memory_space<vmem>>, vector<1x16xf32>,
        %get3A_824 = vector.shape_cast %get3A_823 : vector<1x16xf32> to vector<16xf32>
        %mul3A_825 = arith.mulf %get3A_824, %get3A_770 : vector<16xf32>
        %swap3A_826 = arith.index_cast %add3A_766 : i32 to index
        %swap3A_827 = arith.constant 80 : index
        %swap3A_828 = tpu.vector_load %arg12[%swap3A_826, %swap3A_827] {strides = array<i32>} : memref<80x128xf32, #tpu.memory_space<vmem>>, vector<1x16xf32>,
        %swap3A_829 = vector.shape_cast %swap3A_828 : vector<1x16xf32> to vector<16xf32>
        %swap3A_830 = vector.shape_cast %mul3A_825 : vector<16xf32> to vector<1x16xf32>
        tpu.vector_store %arg12[%swap3A_826, %swap3A_827], %swap3A_830 {strides = array<i32>} : memref<80x128xf32, #tpu.memory_space<vmem>>, vector<1x16xf32>,
        %get3A_831 = arith.index_cast %add3A_766 : i32 to index
        %get3A_832 = arith.constant 96 : index
        %get3A_833 = tpu.vector_load %arg12[%get3A_831, %get3A_832] {strides = array<i32>} : memref<80x128xf32, #tpu.memory_space<vmem>>, vector<1x16xf32>,
        %get3A_834 = vector.shape_cast %get3A_833 : vector<1x16xf32> to vector<16xf32>
        %mul3A_835 = arith.mulf %get3A_834, %get3A_770 : vector<16xf32>
        %swap3A_836 = arith.index_cast %add3A_766 : i32 to index
        %swap3A_837 = arith.constant 96 : index
        %swap3A_838 = tpu.vector_load %arg12[%swap3A_836, %swap3A_837] {strides = array<i32>} : memref<80x128xf32, #tpu.memory_space<vmem>>, vector<1x16xf32>,
        %swap3A_839 = vector.shape_cast %swap3A_838 : vector<1x16xf32> to vector<16xf32>
        %swap3A_840 = vector.shape_cast %mul3A_835 : vector<16xf32> to vector<1x16xf32>
        tpu.vector_store %arg12[%swap3A_836, %swap3A_837], %swap3A_840 {strides = array<i32>} : memref<80x128xf32, #tpu.memory_space<vmem>>, vector<1x16xf32>,
        %get3A_841 = arith.index_cast %add3A_766 : i32 to index
        %get3A_842 = arith.constant 112 : index
        %get3A_843 = tpu.vector_load %arg12[%get3A_841, %get3A_842] {strides = array<i32>} : memref<80x128xf32, #tpu.memory_space<vmem>>, vector<1x16xf32>,
        %get3A_844 = vector.shape_cast %get3A_843 : vector<1x16xf32> to vector<16xf32>
        %mul3A_845 = arith.mulf %get3A_844, %get3A_770 : vector<16xf32>
        %swap3A_846 = arith.index_cast %add3A_766 : i32 to index
        %swap3A_847 = arith.constant 112 : index
        %swap3A_848 = tpu.vector_load %arg12[%swap3A_846, %swap3A_847] {strides = array<i32>} : memref<80x128xf32, #tpu.memory_space<vmem>>, vector<1x16xf32>,
        %swap3A_849 = vector.shape_cast %swap3A_848 : vector<1x16xf32> to vector<16xf32>
        %swap3A_850 = vector.shape_cast %mul3A_845 : vector<16xf32> to vector<1x16xf32>
        tpu.vector_store %arg12[%swap3A_846, %swap3A_847], %swap3A_850 {strides = array<i32>} : memref<80x128xf32, #tpu.memory_space<vmem>>, vector<1x16xf32>,
        %mul3A_851 = arith.constant 8 : i32
        %mul3A_852 = arith.muli %scan3A_233, %mul3A_851 : i32
        %add3A_853 = arith.constant 7 : i32
        %add3A_854 = arith.addi %mul3A_852, %add3A_853 : i32
        %get3A_855 = arith.index_cast %scan3A_233 : i32 to index
        %get3A_856 = arith.constant 112 : index
        %get3A_857 = tpu.vector_load %arg13[%get3A_855, %get3A_856] {strides = array<i32>} : memref<16x128xf32, #tpu.memory_space<vmem>>, vector<1x16xf32>,
        %get3A_858 = vector.shape_cast %get3A_857 : vector<1x16xf32> to vector<16xf32>
        %get3A_859 = arith.index_cast %add3A_854 : i32 to index
        %get3A_860 = arith.constant 0 : index
        %get3A_861 = tpu.vector_load %arg12[%get3A_859, %get3A_860] {strides = array<i32>} : memref<80x128xf32, #tpu.memory_space<vmem>>, vector<1x16xf32>,
        %get3A_862 = vector.shape_cast %get3A_861 : vector<1x16xf32> to vector<16xf32>
        %mul3A_863 = arith.mulf %get3A_862, %get3A_858 : vector<16xf32>
        %swap3A_864 = arith.index_cast %add3A_854 : i32 to index
        %swap3A_865 = arith.constant 0 : index
        %swap3A_866 = tpu.vector_load %arg12[%swap3A_864, %swap3A_865] {strides = array<i32>} : memref<80x128xf32, #tpu.memory_space<vmem>>, vector<1x16xf32>,
        %swap3A_867 = vector.shape_cast %swap3A_866 : vector<1x16xf32> to vector<16xf32>
        %swap3A_868 = vector.shape_cast %mul3A_863 : vector<16xf32> to vector<1x16xf32>
        tpu.vector_store %arg12[%swap3A_864, %swap3A_865], %swap3A_868 {strides = array<i32>} : memref<80x128xf32, #tpu.memory_space<vmem>>, vector<1x16xf32>,
        %get3A_869 = arith.index_cast %add3A_854 : i32 to index
        %get3A_870 = arith.constant 16 : index
        %get3A_871 = tpu.vector_load %arg12[%get3A_869, %get3A_870] {strides = array<i32>} : memref<80x128xf32, #tpu.memory_space<vmem>>, vector<1x16xf32>,
        %get3A_872 = vector.shape_cast %get3A_871 : vector<1x16xf32> to vector<16xf32>
        %mul3A_873 = arith.mulf %get3A_872, %get3A_858 : vector<16xf32>
        %swap3A_874 = arith.index_cast %add3A_854 : i32 to index
        %swap3A_875 = arith.constant 16 : index
        %swap3A_876 = tpu.vector_load %arg12[%swap3A_874, %swap3A_875] {strides = array<i32>} : memref<80x128xf32, #tpu.memory_space<vmem>>, vector<1x16xf32>,
        %swap3A_877 = vector.shape_cast %swap3A_876 : vector<1x16xf32> to vector<16xf32>
        %swap3A_878 = vector.shape_cast %mul3A_873 : vector<16xf32> to vector<1x16xf32>
        tpu.vector_store %arg12[%swap3A_874, %swap3A_875], %swap3A_878 {strides = array<i32>} : memref<80x128xf32, #tpu.memory_space<vmem>>, vector<1x16xf32>,
        %get3A_879 = arith.index_cast %add3A_854 : i32 to index
        %get3A_880 = arith.constant 32 : index
        %get3A_881 = tpu.vector_load %arg12[%get3A_879, %get3A_880] {strides = array<i32>} : memref<80x128xf32, #tpu.memory_space<vmem>>, vector<1x16xf32>,
        %get3A_882 = vector.shape_cast %get3A_881 : vector<1x16xf32> to vector<16xf32>
        %mul3A_883 = arith.mulf %get3A_882, %get3A_858 : vector<16xf32>
        %swap3A_884 = arith.index_cast %add3A_854 : i32 to index
        %swap3A_885 = arith.constant 32 : index
        %swap3A_886 = tpu.vector_load %arg12[%swap3A_884, %swap3A_885] {strides = array<i32>} : memref<80x128xf32, #tpu.memory_space<vmem>>, vector<1x16xf32>,
        %swap3A_887 = vector.shape_cast %swap3A_886 : vector<1x16xf32> to vector<16xf32>
        %swap3A_888 = vector.shape_cast %mul3A_883 : vector<16xf32> to vector<1x16xf32>
        tpu.vector_store %arg12[%swap3A_884, %swap3A_885], %swap3A_888 {strides = array<i32>} : memref<80x128xf32, #tpu.memory_space<vmem>>, vector<1x16xf32>,
        %get3A_889 = arith.index_cast %add3A_854 : i32 to index
        %get3A_890 = arith.constant 48 : index
        %get3A_891 = tpu.vector_load %arg12[%get3A_889, %get3A_890] {strides = array<i32>} : memref<80x128xf32, #tpu.memory_space<vmem>>, vector<1x16xf32>,
        %get3A_892 = vector.shape_cast %get3A_891 : vector<1x16xf32> to vector<16xf32>
        %mul3A_893 = arith.mulf %get3A_892, %get3A_858 : vector<16xf32>
        %swap3A_894 = arith.index_cast %add3A_854 : i32 to index
        %swap3A_895 = arith.constant 48 : index
        %swap3A_896 = tpu.vector_load %arg12[%swap3A_894, %swap3A_895] {strides = array<i32>} : memref<80x128xf32, #tpu.memory_space<vmem>>, vector<1x16xf32>,
        %swap3A_897 = vector.shape_cast %swap3A_896 : vector<1x16xf32> to vector<16xf32>
        %swap3A_898 = vector.shape_cast %mul3A_893 : vector<16xf32> to vector<1x16xf32>
        tpu.vector_store %arg12[%swap3A_894, %swap3A_895], %swap3A_898 {strides = array<i32>} : memref<80x128xf32, #tpu.memory_space<vmem>>, vector<1x16xf32>,
        %get3A_899 = arith.index_cast %add3A_854 : i32 to index
        %get3A_900 = arith.constant 64 : index
        %get3A_901 = tpu.vector_load %arg12[%get3A_899, %get3A_900] {strides = array<i32>} : memref<80x128xf32, #tpu.memory_space<vmem>>, vector<1x16xf32>,
        %get3A_902 = vector.shape_cast %get3A_901 : vector<1x16xf32> to vector<16xf32>
        %mul3A_903 = arith.mulf %get3A_902, %get3A_858 : vector<16xf32>
        %swap3A_904 = arith.index_cast %add3A_854 : i32 to index
        %swap3A_905 = arith.constant 64 : index
        %swap3A_906 = tpu.vector_load %arg12[%swap3A_904, %swap3A_905] {strides = array<i32>} : memref<80x128xf32, #tpu.memory_space<vmem>>, vector<1x16xf32>,
        %swap3A_907 = vector.shape_cast %swap3A_906 : vector<1x16xf32> to vector<16xf32>
        %swap3A_908 = vector.shape_cast %mul3A_903 : vector<16xf32> to vector<1x16xf32>
        tpu.vector_store %arg12[%swap3A_904, %swap3A_905], %swap3A_908 {strides = array<i32>} : memref<80x128xf32, #tpu.memory_space<vmem>>, vector<1x16xf32>,
        %get3A_909 = arith.index_cast %add3A_854 : i32 to index
        %get3A_910 = arith.constant 80 : index
        %get3A_911 = tpu.vector_load %arg12[%get3A_909, %get3A_910] {strides = array<i32>} : memref<80x128xf32, #tpu.memory_space<vmem>>, vector<1x16xf32>,
        %get3A_912 = vector.shape_cast %get3A_911 : vector<1x16xf32> to vector<16xf32>
        %mul3A_913 = arith.mulf %get3A_912, %get3A_858 : vector<16xf32>
        %swap3A_914 = arith.index_cast %add3A_854 : i32 to index
        %swap3A_915 = arith.constant 80 : index
        %swap3A_916 = tpu.vector_load %arg12[%swap3A_914, %swap3A_915] {strides = array<i32>} : memref<80x128xf32, #tpu.memory_space<vmem>>, vector<1x16xf32>,
        %swap3A_917 = vector.shape_cast %swap3A_916 : vector<1x16xf32> to vector<16xf32>
        %swap3A_918 = vector.shape_cast %mul3A_913 : vector<16xf32> to vector<1x16xf32>
        tpu.vector_store %arg12[%swap3A_914, %swap3A_915], %swap3A_918 {strides = array<i32>} : memref<80x128xf32, #tpu.memory_space<vmem>>, vector<1x16xf32>,
        %get3A_919 = arith.index_cast %add3A_854 : i32 to index
        %get3A_920 = arith.constant 96 : index
        %get3A_921 = tpu.vector_load %arg12[%get3A_919, %get3A_920] {strides = array<i32>} : memref<80x128xf32, #tpu.memory_space<vmem>>, vector<1x16xf32>,
        %get3A_922 = vector.shape_cast %get3A_921 : vector<1x16xf32> to vector<16xf32>
        %mul3A_923 = arith.mulf %get3A_922, %get3A_858 : vector<16xf32>
        %swap3A_924 = arith.index_cast %add3A_854 : i32 to index
        %swap3A_925 = arith.constant 96 : index
        %swap3A_926 = tpu.vector_load %arg12[%swap3A_924, %swap3A_925] {strides = array<i32>} : memref<80x128xf32, #tpu.memory_space<vmem>>, vector<1x16xf32>,
        %swap3A_927 = vector.shape_cast %swap3A_926 : vector<1x16xf32> to vector<16xf32>
        %swap3A_928 = vector.shape_cast %mul3A_923 : vector<16xf32> to vector<1x16xf32>
        tpu.vector_store %arg12[%swap3A_924, %swap3A_925], %swap3A_928 {strides = array<i32>} : memref<80x128xf32, #tpu.memory_space<vmem>>, vector<1x16xf32>,
        %get3A_929 = arith.index_cast %add3A_854 : i32 to index
        %get3A_930 = arith.constant 112 : index
        %get3A_931 = tpu.vector_load %arg12[%get3A_929, %get3A_930] {strides = array<i32>} : memref<80x128xf32, #tpu.memory_space<vmem>>, vector<1x16xf32>,
        %get3A_932 = vector.shape_cast %get3A_931 : vector<1x16xf32> to vector<16xf32>
        %mul3A_933 = arith.mulf %get3A_932, %get3A_858 : vector<16xf32>
        %swap3A_934 = arith.index_cast %add3A_854 : i32 to index
        %swap3A_935 = arith.constant 112 : index
        %swap3A_936 = tpu.vector_load %arg12[%swap3A_934, %swap3A_935] {strides = array<i32>} : memref<80x128xf32, #tpu.memory_space<vmem>>, vector<1x16xf32>,
        %swap3A_937 = vector.shape_cast %swap3A_936 : vector<1x16xf32> to vector<16xf32>
        %swap3A_938 = vector.shape_cast %mul3A_933 : vector<16xf32> to vector<1x16xf32>
        tpu.vector_store %arg12[%swap3A_934, %swap3A_935], %swap3A_938 {strides = array<i32>} : memref<80x128xf32, #tpu.memory_space<vmem>>, vector<1x16xf32>,
        %scan3A_939 = arith.constant 0 : i32
        scf.yield %scan3A_939 : i32
      }
      %scan3A_231 = arith.constant 10 : i32
      "tpu.region"() ({
        %run_scoped3A = tpu.sem_alloc : memref<!tpu.dma_semaphore, #tpu.memory_space<semaphore_mem>>
        %dma_start3A_233 = arith.constant 0 : i32
        %dma_start3A_234 = arith.constant 0 : i32
        %dma_start3A_235 = tpu.memref_slice %arg9[%dma_start3A_233, %dma_start3A_234] : memref<10240x128xf32, #tpu.memory_space<vmem_shared>> -> memref<10240x128xf32, #tpu.memory_space<vmem_shared>>
        tpu.enqueue_indirect_dma source(%arg12 : memref<80x128xf32, #tpu.memory_space<vmem>>) target(%dma_start3A_235 : memref<10240x128xf32, #tpu.memory_space<vmem_shared>>) offsets(%arg15 : memref<80xi32, #tpu.memory_space<vmem>>) semaphore(%run_scoped3A : memref<!tpu.dma_semaphore, #tpu.memory_space<semaphore_mem>>) {add = true}
        %dma_wait3A_236 = arith.constant 0 : i32
        %dma_wait3A_237 = arith.constant 0 : i32
        %dma_wait3A_238 = tpu.memref_slice %arg9[%dma_wait3A_236, %dma_wait3A_237] : memref<10240x128xf32, #tpu.memory_space<vmem_shared>> -> memref<10240x128xf32, #tpu.memory_space<vmem_shared>>
        tpu.wait_indirect_dma semaphore(%run_scoped3A : memref<!tpu.dma_semaphore, #tpu.memory_space<semaphore_mem>>) src(%arg12 : memref<80x128xf32, #tpu.memory_space<vmem>>) dst(%dma_wait3A_238 : memref<10240x128xf32, #tpu.memory_space<vmem_shared>>)
        tpu.yield
      }) : () -> ()
      %scan3A_232 = arith.constant 0 : i32
      scf.yield %scan3A_232 : i32
    }
    %scan3A_39 = arith.constant 125 : i32
    %barrier3A_40 = arith.constant 0 : index
    tpu.barrier barrier_id(%barrier3A_40)
    %mul3A_41 = arith.constant 640 : i32
    %mul3A_42 = arith.muli %arg1, %mul3A_41 : i32
    %add3A_43 = arith.constant 0 : i32
    %add3A_44 = arith.addi %mul3A_42, %add3A_43 : i32
    "tpu.region"() ({
      %run_scoped3A = tpu.sem_alloc : memref<!tpu.dma_semaphore, #tpu.memory_space<semaphore_mem>>
      %dma_start3A = arith.constant 0 : i32
      %dma_start3A_97 = tpu.memref_slice %arg9[%add3A_44, %dma_start3A] : memref<10240x128xf32, #tpu.memory_space<vmem_shared>> -> memref<80x128xf32, #tpu.memory_space<vmem_shared>>
      %dma_start3A_98 = arith.constant 0 : i32
      %dma_start3A_99 = tpu.memref_slice %arg9[%add3A_44, %dma_start3A_98] : memref<10240x128xf32, #tpu.memory_space<vmem_shared>> -> memref<80x128xf32, #tpu.memory_space<vmem_shared>>
      tpu.enqueue_dma source(%dma_start3A_99 : memref<80x128xf32, #tpu.memory_space<vmem_shared>>) target(%arg12 : memref<80x128xf32, #tpu.memory_space<vmem>>) target_semaphore(%run_scoped3A : memref<!tpu.dma_semaphore, #tpu.memory_space<semaphore_mem>>)
      %dma_wait3A = arith.constant 0 : i32
      %dma_wait3A_100 = tpu.memref_slice %arg9[%add3A_44, %dma_wait3A] : memref<10240x128xf32, #tpu.memory_space<vmem_shared>> -> memref<80x128xf32, #tpu.memory_space<vmem_shared>>
      %dma_wait3A_101 = arith.constant 0 : i32
      %dma_wait3A_102 = tpu.memref_slice %arg9[%add3A_44, %dma_wait3A_101] : memref<10240x128xf32, #tpu.memory_space<vmem_shared>> -> memref<80x128xf32, #tpu.memory_space<vmem_shared>>
      tpu.wait_dma2 semaphore(%run_scoped3A : memref<!tpu.dma_semaphore, #tpu.memory_space<semaphore_mem>>) src(%dma_wait3A_102 : memref<80x128xf32, #tpu.memory_space<vmem_shared>>) dst(%arg12 : memref<80x128xf32, #tpu.memory_space<vmem>>)
      tpu.yield
    }) : () -> ()
    %mul3A_45 = arith.constant 10240 : i32
    %mul3A_46 = arith.muli %arg0, %mul3A_45 : i32
    %add3A_47 = arith.addi %mul3A_46, %add3A_44 : i32
    "tpu.region"() ({
      %run_scoped3A = tpu.sem_alloc : memref<!tpu.dma_semaphore, #tpu.memory_space<semaphore_mem>>
      %dma_start3A = arith.constant 0 : i32
      %dma_start3A_97 = tpu.memref_slice %arg8[%add3A_47, %dma_start3A] : memref<20480x128xf32, #tpu.memory_space<hbm>> -> memref<80x128xf32, #tpu.memory_space<hbm>>
      %dma_start3A_98 = arith.constant 0 : i32
      %dma_start3A_99 = tpu.memref_slice %arg8[%add3A_47, %dma_start3A_98] : memref<20480x128xf32, #tpu.memory_space<hbm>> -> memref<80x128xf32, #tpu.memory_space<hbm>>
      tpu.enqueue_dma source(%arg12 : memref<80x128xf32, #tpu.memory_space<vmem>>) target(%dma_start3A_99 : memref<80x128xf32, #tpu.memory_space<hbm>>) target_semaphore(%run_scoped3A : memref<!tpu.dma_semaphore, #tpu.memory_space<semaphore_mem>>)
      %dma_wait3A = arith.constant 0 : i32
      %dma_wait3A_100 = tpu.memref_slice %arg8[%add3A_47, %dma_wait3A] : memref<20480x128xf32, #tpu.memory_space<hbm>> -> memref<80x128xf32, #tpu.memory_space<hbm>>
      %dma_wait3A_101 = arith.constant 0 : i32
      %dma_wait3A_102 = tpu.memref_slice %arg8[%add3A_47, %dma_wait3A_101] : memref<20480x128xf32, #tpu.memory_space<hbm>> -> memref<80x128xf32, #tpu.memory_space<hbm>>
      tpu.wait_dma2 semaphore(%run_scoped3A : memref<!tpu.dma_semaphore, #tpu.memory_space<semaphore_mem>>) src(%arg12 : memref<80x128xf32, #tpu.memory_space<vmem>>) dst(%dma_wait3A_102 : memref<80x128xf32, #tpu.memory_space<hbm>>)
      tpu.yield
    }) : () -> ()
    %mul3A_48 = arith.constant 640 : i32
    %mul3A_49 = arith.muli %arg1, %mul3A_48 : i32
    %add3A_50 = arith.constant 80 : i32
    %add3A_51 = arith.addi %mul3A_49, %add3A_50 : i32
    "tpu.region"() ({
      %run_scoped3A = tpu.sem_alloc : memref<!tpu.dma_semaphore, #tpu.memory_space<semaphore_mem>>
      %dma_start3A = arith.constant 0 : i32
      %dma_start3A_97 = tpu.memref_slice %arg9[%add3A_51, %dma_start3A] : memref<10240x128xf32, #tpu.memory_space<vmem_shared>> -> memref<80x128xf32, #tpu.memory_space<vmem_shared>>
      %dma_start3A_98 = arith.constant 0 : i32
      %dma_start3A_99 = tpu.memref_slice %arg9[%add3A_51, %dma_start3A_98] : memref<10240x128xf32, #tpu.memory_space<vmem_shared>> -> memref<80x128xf32, #tpu.memory_space<vmem_shared>>
      tpu.enqueue_dma source(%dma_start3A_99 : memref<80x128xf32, #tpu.memory_space<vmem_shared>>) target(%arg12 : memref<80x128xf32, #tpu.memory_space<vmem>>) target_semaphore(%run_scoped3A : memref<!tpu.dma_semaphore, #tpu.memory_space<semaphore_mem>>)
      %dma_wait3A = arith.constant 0 : i32
      %dma_wait3A_100 = tpu.memref_slice %arg9[%add3A_51, %dma_wait3A] : memref<10240x128xf32, #tpu.memory_space<vmem_shared>> -> memref<80x128xf32, #tpu.memory_space<vmem_shared>>
      %dma_wait3A_101 = arith.constant 0 : i32
      %dma_wait3A_102 = tpu.memref_slice %arg9[%add3A_51, %dma_wait3A_101] : memref<10240x128xf32, #tpu.memory_space<vmem_shared>> -> memref<80x128xf32, #tpu.memory_space<vmem_shared>>
      tpu.wait_dma2 semaphore(%run_scoped3A : memref<!tpu.dma_semaphore, #tpu.memory_space<semaphore_mem>>) src(%dma_wait3A_102 : memref<80x128xf32, #tpu.memory_space<vmem_shared>>) dst(%arg12 : memref<80x128xf32, #tpu.memory_space<vmem>>)
      tpu.yield
    }) : () -> ()
    %mul3A_52 = arith.constant 10240 : i32
    %mul3A_53 = arith.muli %arg0, %mul3A_52 : i32
    %add3A_54 = arith.addi %mul3A_53, %add3A_51 : i32
    "tpu.region"() ({
      %run_scoped3A = tpu.sem_alloc : memref<!tpu.dma_semaphore, #tpu.memory_space<semaphore_mem>>
      %dma_start3A = arith.constant 0 : i32
      %dma_start3A_97 = tpu.memref_slice %arg8[%add3A_54, %dma_start3A] : memref<20480x128xf32, #tpu.memory_space<hbm>> -> memref<80x128xf32, #tpu.memory_space<hbm>>
      %dma_start3A_98 = arith.constant 0 : i32
      %dma_start3A_99 = tpu.memref_slice %arg8[%add3A_54, %dma_start3A_98] : memref<20480x128xf32, #tpu.memory_space<hbm>> -> memref<80x128xf32, #tpu.memory_space<hbm>>
      tpu.enqueue_dma source(%arg12 : memref<80x128xf32, #tpu.memory_space<vmem>>) target(%dma_start3A_99 : memref<80x128xf32, #tpu.memory_space<hbm>>) target_semaphore(%run_scoped3A : memref<!tpu.dma_semaphore, #tpu.memory_space<semaphore_mem>>)
      %dma_wait3A = arith.constant 0 : i32
      %dma_wait3A_100 = tpu.memref_slice %arg8[%add3A_54, %dma_wait3A] : memref<20480x128xf32, #tpu.memory_space<hbm>> -> memref<80x128xf32, #tpu.memory_space<hbm>>
      %dma_wait3A_101 = arith.constant 0 : i32
      %dma_wait3A_102 = tpu.memref_slice %arg8[%add3A_54, %dma_wait3A_101] : memref<20480x128xf32, #tpu.memory_space<hbm>> -> memref<80x128xf32, #tpu.memory_space<hbm>>
      tpu.wait_dma2 semaphore(%run_scoped3A : memref<!tpu.dma_semaphore, #tpu.memory_space<semaphore_mem>>) src(%arg12 : memref<80x128xf32, #tpu.memory_space<vmem>>) dst(%dma_wait3A_102 : memref<80x128xf32, #tpu.memory_space<hbm>>)
      tpu.yield
    }) : () -> ()
    %mul3A_55 = arith.constant 640 : i32
    %mul3A_56 = arith.muli %arg1, %mul3A_55 : i32
    %add3A_57 = arith.constant 160 : i32
    %add3A_58 = arith.addi %mul3A_56, %add3A_57 : i32
    "tpu.region"() ({
      %run_scoped3A = tpu.sem_alloc : memref<!tpu.dma_semaphore, #tpu.memory_space<semaphore_mem>>
      %dma_start3A = arith.constant 0 : i32
      %dma_start3A_97 = tpu.memref_slice %arg9[%add3A_58, %dma_start3A] : memref<10240x128xf32, #tpu.memory_space<vmem_shared>> -> memref<80x128xf32, #tpu.memory_space<vmem_shared>>
      %dma_start3A_98 = arith.constant 0 : i32
      %dma_start3A_99 = tpu.memref_slice %arg9[%add3A_58, %dma_start3A_98] : memref<10240x128xf32, #tpu.memory_space<vmem_shared>> -> memref<80x128xf32, #tpu.memory_space<vmem_shared>>
      tpu.enqueue_dma source(%dma_start3A_99 : memref<80x128xf32, #tpu.memory_space<vmem_shared>>) target(%arg12 : memref<80x128xf32, #tpu.memory_space<vmem>>) target_semaphore(%run_scoped3A : memref<!tpu.dma_semaphore, #tpu.memory_space<semaphore_mem>>)
      %dma_wait3A = arith.constant 0 : i32
      %dma_wait3A_100 = tpu.memref_slice %arg9[%add3A_58, %dma_wait3A] : memref<10240x128xf32, #tpu.memory_space<vmem_shared>> -> memref<80x128xf32, #tpu.memory_space<vmem_shared>>
      %dma_wait3A_101 = arith.constant 0 : i32
      %dma_wait3A_102 = tpu.memref_slice %arg9[%add3A_58, %dma_wait3A_101] : memref<10240x128xf32, #tpu.memory_space<vmem_shared>> -> memref<80x128xf32, #tpu.memory_space<vmem_shared>>
      tpu.wait_dma2 semaphore(%run_scoped3A : memref<!tpu.dma_semaphore, #tpu.memory_space<semaphore_mem>>) src(%dma_wait3A_102 : memref<80x128xf32, #tpu.memory_space<vmem_shared>>) dst(%arg12 : memref<80x128xf32, #tpu.memory_space<vmem>>)
      tpu.yield
    }) : () -> ()
    %mul3A_59 = arith.constant 10240 : i32
    %mul3A_60 = arith.muli %arg0, %mul3A_59 : i32
    %add3A_61 = arith.addi %mul3A_60, %add3A_58 : i32
    "tpu.region"() ({
      %run_scoped3A = tpu.sem_alloc : memref<!tpu.dma_semaphore, #tpu.memory_space<semaphore_mem>>
      %dma_start3A = arith.constant 0 : i32
      %dma_start3A_97 = tpu.memref_slice %arg8[%add3A_61, %dma_start3A] : memref<20480x128xf32, #tpu.memory_space<hbm>> -> memref<80x128xf32, #tpu.memory_space<hbm>>
      %dma_start3A_98 = arith.constant 0 : i32
      %dma_start3A_99 = tpu.memref_slice %arg8[%add3A_61, %dma_start3A_98] : memref<20480x128xf32, #tpu.memory_space<hbm>> -> memref<80x128xf32, #tpu.memory_space<hbm>>
      tpu.enqueue_dma source(%arg12 : memref<80x128xf32, #tpu.memory_space<vmem>>) target(%dma_start3A_99 : memref<80x128xf32, #tpu.memory_space<hbm>>) target_semaphore(%run_scoped3A : memref<!tpu.dma_semaphore, #tpu.memory_space<semaphore_mem>>)
      %dma_wait3A = arith.constant 0 : i32
      %dma_wait3A_100 = tpu.memref_slice %arg8[%add3A_61, %dma_wait3A] : memref<20480x128xf32, #tpu.memory_space<hbm>> -> memref<80x128xf32, #tpu.memory_space<hbm>>
      %dma_wait3A_101 = arith.constant 0 : i32
      %dma_wait3A_102 = tpu.memref_slice %arg8[%add3A_61, %dma_wait3A_101] : memref<20480x128xf32, #tpu.memory_space<hbm>> -> memref<80x128xf32, #tpu.memory_space<hbm>>
      tpu.wait_dma2 semaphore(%run_scoped3A : memref<!tpu.dma_semaphore, #tpu.memory_space<semaphore_mem>>) src(%arg12 : memref<80x128xf32, #tpu.memory_space<vmem>>) dst(%dma_wait3A_102 : memref<80x128xf32, #tpu.memory_space<hbm>>)
      tpu.yield
    }) : () -> ()
    %mul3A_62 = arith.constant 640 : i32
    %mul3A_63 = arith.muli %arg1, %mul3A_62 : i32
    %add3A_64 = arith.constant 240 : i32
    %add3A_65 = arith.addi %mul3A_63, %add3A_64 : i32
    "tpu.region"() ({
      %run_scoped3A = tpu.sem_alloc : memref<!tpu.dma_semaphore, #tpu.memory_space<semaphore_mem>>
      %dma_start3A = arith.constant 0 : i32
      %dma_start3A_97 = tpu.memref_slice %arg9[%add3A_65, %dma_start3A] : memref<10240x128xf32, #tpu.memory_space<vmem_shared>> -> memref<80x128xf32, #tpu.memory_space<vmem_shared>>
      %dma_start3A_98 = arith.constant 0 : i32
      %dma_start3A_99 = tpu.memref_slice %arg9[%add3A_65, %dma_start3A_98] : memref<10240x128xf32, #tpu.memory_space<vmem_shared>> -> memref<80x128xf32, #tpu.memory_space<vmem_shared>>
      tpu.enqueue_dma source(%dma_start3A_99 : memref<80x128xf32, #tpu.memory_space<vmem_shared>>) target(%arg12 : memref<80x128xf32, #tpu.memory_space<vmem>>) target_semaphore(%run_scoped3A : memref<!tpu.dma_semaphore, #tpu.memory_space<semaphore_mem>>)
      %dma_wait3A = arith.constant 0 : i32
      %dma_wait3A_100 = tpu.memref_slice %arg9[%add3A_65, %dma_wait3A] : memref<10240x128xf32, #tpu.memory_space<vmem_shared>> -> memref<80x128xf32, #tpu.memory_space<vmem_shared>>
      %dma_wait3A_101 = arith.constant 0 : i32
      %dma_wait3A_102 = tpu.memref_slice %arg9[%add3A_65, %dma_wait3A_101] : memref<10240x128xf32, #tpu.memory_space<vmem_shared>> -> memref<80x128xf32, #tpu.memory_space<vmem_shared>>
      tpu.wait_dma2 semaphore(%run_scoped3A : memref<!tpu.dma_semaphore, #tpu.memory_space<semaphore_mem>>) src(%dma_wait3A_102 : memref<80x128xf32, #tpu.memory_space<vmem_shared>>) dst(%arg12 : memref<80x128xf32, #tpu.memory_space<vmem>>)
      tpu.yield
    }) : () -> ()
    %mul3A_66 = arith.constant 10240 : i32
    %mul3A_67 = arith.muli %arg0, %mul3A_66 : i32
    %add3A_68 = arith.addi %mul3A_67, %add3A_65 : i32
    "tpu.region"() ({
      %run_scoped3A = tpu.sem_alloc : memref<!tpu.dma_semaphore, #tpu.memory_space<semaphore_mem>>
      %dma_start3A = arith.constant 0 : i32
      %dma_start3A_97 = tpu.memref_slice %arg8[%add3A_68, %dma_start3A] : memref<20480x128xf32, #tpu.memory_space<hbm>> -> memref<80x128xf32, #tpu.memory_space<hbm>>
      %dma_start3A_98 = arith.constant 0 : i32
      %dma_start3A_99 = tpu.memref_slice %arg8[%add3A_68, %dma_start3A_98] : memref<20480x128xf32, #tpu.memory_space<hbm>> -> memref<80x128xf32, #tpu.memory_space<hbm>>
      tpu.enqueue_dma source(%arg12 : memref<80x128xf32, #tpu.memory_space<vmem>>) target(%dma_start3A_99 : memref<80x128xf32, #tpu.memory_space<hbm>>) target_semaphore(%run_scoped3A : memref<!tpu.dma_semaphore, #tpu.memory_space<semaphore_mem>>)
      %dma_wait3A = arith.constant 0 : i32
      %dma_wait3A_100 = tpu.memref_slice %arg8[%add3A_68, %dma_wait3A] : memref<20480x128xf32, #tpu.memory_space<hbm>> -> memref<80x128xf32, #tpu.memory_space<hbm>>
      %dma_wait3A_101 = arith.constant 0 : i32
      %dma_wait3A_102 = tpu.memref_slice %arg8[%add3A_68, %dma_wait3A_101] : memref<20480x128xf32, #tpu.memory_space<hbm>> -> memref<80x128xf32, #tpu.memory_space<hbm>>
      tpu.wait_dma2 semaphore(%run_scoped3A : memref<!tpu.dma_semaphore, #tpu.memory_space<semaphore_mem>>) src(%arg12 : memref<80x128xf32, #tpu.memory_space<vmem>>) dst(%dma_wait3A_102 : memref<80x128xf32, #tpu.memory_space<hbm>>)
      tpu.yield
    }) : () -> ()
    %mul3A_69 = arith.constant 640 : i32
    %mul3A_70 = arith.muli %arg1, %mul3A_69 : i32
    %add3A_71 = arith.constant 320 : i32
    %add3A_72 = arith.addi %mul3A_70, %add3A_71 : i32
    "tpu.region"() ({
      %run_scoped3A = tpu.sem_alloc : memref<!tpu.dma_semaphore, #tpu.memory_space<semaphore_mem>>
      %dma_start3A = arith.constant 0 : i32
      %dma_start3A_97 = tpu.memref_slice %arg9[%add3A_72, %dma_start3A] : memref<10240x128xf32, #tpu.memory_space<vmem_shared>> -> memref<80x128xf32, #tpu.memory_space<vmem_shared>>
      %dma_start3A_98 = arith.constant 0 : i32
      %dma_start3A_99 = tpu.memref_slice %arg9[%add3A_72, %dma_start3A_98] : memref<10240x128xf32, #tpu.memory_space<vmem_shared>> -> memref<80x128xf32, #tpu.memory_space<vmem_shared>>
      tpu.enqueue_dma source(%dma_start3A_99 : memref<80x128xf32, #tpu.memory_space<vmem_shared>>) target(%arg12 : memref<80x128xf32, #tpu.memory_space<vmem>>) target_semaphore(%run_scoped3A : memref<!tpu.dma_semaphore, #tpu.memory_space<semaphore_mem>>)
      %dma_wait3A = arith.constant 0 : i32
      %dma_wait3A_100 = tpu.memref_slice %arg9[%add3A_72, %dma_wait3A] : memref<10240x128xf32, #tpu.memory_space<vmem_shared>> -> memref<80x128xf32, #tpu.memory_space<vmem_shared>>
      %dma_wait3A_101 = arith.constant 0 : i32
      %dma_wait3A_102 = tpu.memref_slice %arg9[%add3A_72, %dma_wait3A_101] : memref<10240x128xf32, #tpu.memory_space<vmem_shared>> -> memref<80x128xf32, #tpu.memory_space<vmem_shared>>
      tpu.wait_dma2 semaphore(%run_scoped3A : memref<!tpu.dma_semaphore, #tpu.memory_space<semaphore_mem>>) src(%dma_wait3A_102 : memref<80x128xf32, #tpu.memory_space<vmem_shared>>) dst(%arg12 : memref<80x128xf32, #tpu.memory_space<vmem>>)
      tpu.yield
    }) : () -> ()
    %mul3A_73 = arith.constant 10240 : i32
    %mul3A_74 = arith.muli %arg0, %mul3A_73 : i32
    %add3A_75 = arith.addi %mul3A_74, %add3A_72 : i32
    "tpu.region"() ({
      %run_scoped3A = tpu.sem_alloc : memref<!tpu.dma_semaphore, #tpu.memory_space<semaphore_mem>>
      %dma_start3A = arith.constant 0 : i32
      %dma_start3A_97 = tpu.memref_slice %arg8[%add3A_75, %dma_start3A] : memref<20480x128xf32, #tpu.memory_space<hbm>> -> memref<80x128xf32, #tpu.memory_space<hbm>>
      %dma_start3A_98 = arith.constant 0 : i32
      %dma_start3A_99 = tpu.memref_slice %arg8[%add3A_75, %dma_start3A_98] : memref<20480x128xf32, #tpu.memory_space<hbm>> -> memref<80x128xf32, #tpu.memory_space<hbm>>
      tpu.enqueue_dma source(%arg12 : memref<80x128xf32, #tpu.memory_space<vmem>>) target(%dma_start3A_99 : memref<80x128xf32, #tpu.memory_space<hbm>>) target_semaphore(%run_scoped3A : memref<!tpu.dma_semaphore, #tpu.memory_space<semaphore_mem>>)
      %dma_wait3A = arith.constant 0 : i32
      %dma_wait3A_100 = tpu.memref_slice %arg8[%add3A_75, %dma_wait3A] : memref<20480x128xf32, #tpu.memory_space<hbm>> -> memref<80x128xf32, #tpu.memory_space<hbm>>
      %dma_wait3A_101 = arith.constant 0 : i32
      %dma_wait3A_102 = tpu.memref_slice %arg8[%add3A_75, %dma_wait3A_101] : memref<20480x128xf32, #tpu.memory_space<hbm>> -> memref<80x128xf32, #tpu.memory_space<hbm>>
      tpu.wait_dma2 semaphore(%run_scoped3A : memref<!tpu.dma_semaphore, #tpu.memory_space<semaphore_mem>>) src(%arg12 : memref<80x128xf32, #tpu.memory_space<vmem>>) dst(%dma_wait3A_102 : memref<80x128xf32, #tpu.memory_space<hbm>>)
      tpu.yield
    }) : () -> ()
    %mul3A_76 = arith.constant 640 : i32
    %mul3A_77 = arith.muli %arg1, %mul3A_76 : i32
    %add3A_78 = arith.constant 400 : i32
    %add3A_79 = arith.addi %mul3A_77, %add3A_78 : i32
    "tpu.region"() ({
      %run_scoped3A = tpu.sem_alloc : memref<!tpu.dma_semaphore, #tpu.memory_space<semaphore_mem>>
      %dma_start3A = arith.constant 0 : i32
      %dma_start3A_97 = tpu.memref_slice %arg9[%add3A_79, %dma_start3A] : memref<10240x128xf32, #tpu.memory_space<vmem_shared>> -> memref<80x128xf32, #tpu.memory_space<vmem_shared>>
      %dma_start3A_98 = arith.constant 0 : i32
      %dma_start3A_99 = tpu.memref_slice %arg9[%add3A_79, %dma_start3A_98] : memref<10240x128xf32, #tpu.memory_space<vmem_shared>> -> memref<80x128xf32, #tpu.memory_space<vmem_shared>>
      tpu.enqueue_dma source(%dma_start3A_99 : memref<80x128xf32, #tpu.memory_space<vmem_shared>>) target(%arg12 : memref<80x128xf32, #tpu.memory_space<vmem>>) target_semaphore(%run_scoped3A : memref<!tpu.dma_semaphore, #tpu.memory_space<semaphore_mem>>)
      %dma_wait3A = arith.constant 0 : i32
      %dma_wait3A_100 = tpu.memref_slice %arg9[%add3A_79, %dma_wait3A] : memref<10240x128xf32, #tpu.memory_space<vmem_shared>> -> memref<80x128xf32, #tpu.memory_space<vmem_shared>>
      %dma_wait3A_101 = arith.constant 0 : i32
      %dma_wait3A_102 = tpu.memref_slice %arg9[%add3A_79, %dma_wait3A_101] : memref<10240x128xf32, #tpu.memory_space<vmem_shared>> -> memref<80x128xf32, #tpu.memory_space<vmem_shared>>
      tpu.wait_dma2 semaphore(%run_scoped3A : memref<!tpu.dma_semaphore, #tpu.memory_space<semaphore_mem>>) src(%dma_wait3A_102 : memref<80x128xf32, #tpu.memory_space<vmem_shared>>) dst(%arg12 : memref<80x128xf32, #tpu.memory_space<vmem>>)
      tpu.yield
    }) : () -> ()
    %mul3A_80 = arith.constant 10240 : i32
    %mul3A_81 = arith.muli %arg0, %mul3A_80 : i32
    %add3A_82 = arith.addi %mul3A_81, %add3A_79 : i32
    "tpu.region"() ({
      %run_scoped3A = tpu.sem_alloc : memref<!tpu.dma_semaphore, #tpu.memory_space<semaphore_mem>>
      %dma_start3A = arith.constant 0 : i32
      %dma_start3A_97 = tpu.memref_slice %arg8[%add3A_82, %dma_start3A] : memref<20480x128xf32, #tpu.memory_space<hbm>> -> memref<80x128xf32, #tpu.memory_space<hbm>>
      %dma_start3A_98 = arith.constant 0 : i32
      %dma_start3A_99 = tpu.memref_slice %arg8[%add3A_82, %dma_start3A_98] : memref<20480x128xf32, #tpu.memory_space<hbm>> -> memref<80x128xf32, #tpu.memory_space<hbm>>
      tpu.enqueue_dma source(%arg12 : memref<80x128xf32, #tpu.memory_space<vmem>>) target(%dma_start3A_99 : memref<80x128xf32, #tpu.memory_space<hbm>>) target_semaphore(%run_scoped3A : memref<!tpu.dma_semaphore, #tpu.memory_space<semaphore_mem>>)
      %dma_wait3A = arith.constant 0 : i32
      %dma_wait3A_100 = tpu.memref_slice %arg8[%add3A_82, %dma_wait3A] : memref<20480x128xf32, #tpu.memory_space<hbm>> -> memref<80x128xf32, #tpu.memory_space<hbm>>
      %dma_wait3A_101 = arith.constant 0 : i32
      %dma_wait3A_102 = tpu.memref_slice %arg8[%add3A_82, %dma_wait3A_101] : memref<20480x128xf32, #tpu.memory_space<hbm>> -> memref<80x128xf32, #tpu.memory_space<hbm>>
      tpu.wait_dma2 semaphore(%run_scoped3A : memref<!tpu.dma_semaphore, #tpu.memory_space<semaphore_mem>>) src(%arg12 : memref<80x128xf32, #tpu.memory_space<vmem>>) dst(%dma_wait3A_102 : memref<80x128xf32, #tpu.memory_space<hbm>>)
      tpu.yield
    }) : () -> ()
    %mul3A_83 = arith.constant 640 : i32
    %mul3A_84 = arith.muli %arg1, %mul3A_83 : i32
    %add3A_85 = arith.constant 480 : i32
    %add3A_86 = arith.addi %mul3A_84, %add3A_85 : i32
    "tpu.region"() ({
      %run_scoped3A = tpu.sem_alloc : memref<!tpu.dma_semaphore, #tpu.memory_space<semaphore_mem>>
      %dma_start3A = arith.constant 0 : i32
      %dma_start3A_97 = tpu.memref_slice %arg9[%add3A_86, %dma_start3A] : memref<10240x128xf32, #tpu.memory_space<vmem_shared>> -> memref<80x128xf32, #tpu.memory_space<vmem_shared>>
      %dma_start3A_98 = arith.constant 0 : i32
      %dma_start3A_99 = tpu.memref_slice %arg9[%add3A_86, %dma_start3A_98] : memref<10240x128xf32, #tpu.memory_space<vmem_shared>> -> memref<80x128xf32, #tpu.memory_space<vmem_shared>>
      tpu.enqueue_dma source(%dma_start3A_99 : memref<80x128xf32, #tpu.memory_space<vmem_shared>>) target(%arg12 : memref<80x128xf32, #tpu.memory_space<vmem>>) target_semaphore(%run_scoped3A : memref<!tpu.dma_semaphore, #tpu.memory_space<semaphore_mem>>)
      %dma_wait3A = arith.constant 0 : i32
      %dma_wait3A_100 = tpu.memref_slice %arg9[%add3A_86, %dma_wait3A] : memref<10240x128xf32, #tpu.memory_space<vmem_shared>> -> memref<80x128xf32, #tpu.memory_space<vmem_shared>>
      %dma_wait3A_101 = arith.constant 0 : i32
      %dma_wait3A_102 = tpu.memref_slice %arg9[%add3A_86, %dma_wait3A_101] : memref<10240x128xf32, #tpu.memory_space<vmem_shared>> -> memref<80x128xf32, #tpu.memory_space<vmem_shared>>
      tpu.wait_dma2 semaphore(%run_scoped3A : memref<!tpu.dma_semaphore, #tpu.memory_space<semaphore_mem>>) src(%dma_wait3A_102 : memref<80x128xf32, #tpu.memory_space<vmem_shared>>) dst(%arg12 : memref<80x128xf32, #tpu.memory_space<vmem>>)
      tpu.yield
    }) : () -> ()
    %mul3A_87 = arith.constant 10240 : i32
    %mul3A_88 = arith.muli %arg0, %mul3A_87 : i32
    %add3A_89 = arith.addi %mul3A_88, %add3A_86 : i32
    "tpu.region"() ({
      %run_scoped3A = tpu.sem_alloc : memref<!tpu.dma_semaphore, #tpu.memory_space<semaphore_mem>>
      %dma_start3A = arith.constant 0 : i32
      %dma_start3A_97 = tpu.memref_slice %arg8[%add3A_89, %dma_start3A] : memref<20480x128xf32, #tpu.memory_space<hbm>> -> memref<80x128xf32, #tpu.memory_space<hbm>>
      %dma_start3A_98 = arith.constant 0 : i32
      %dma_start3A_99 = tpu.memref_slice %arg8[%add3A_89, %dma_start3A_98] : memref<20480x128xf32, #tpu.memory_space<hbm>> -> memref<80x128xf32, #tpu.memory_space<hbm>>
      tpu.enqueue_dma source(%arg12 : memref<80x128xf32, #tpu.memory_space<vmem>>) target(%dma_start3A_99 : memref<80x128xf32, #tpu.memory_space<hbm>>) target_semaphore(%run_scoped3A : memref<!tpu.dma_semaphore, #tpu.memory_space<semaphore_mem>>)
      %dma_wait3A = arith.constant 0 : i32
      %dma_wait3A_100 = tpu.memref_slice %arg8[%add3A_89, %dma_wait3A] : memref<20480x128xf32, #tpu.memory_space<hbm>> -> memref<80x128xf32, #tpu.memory_space<hbm>>
      %dma_wait3A_101 = arith.constant 0 : i32
      %dma_wait3A_102 = tpu.memref_slice %arg8[%add3A_89, %dma_wait3A_101] : memref<20480x128xf32, #tpu.memory_space<hbm>> -> memref<80x128xf32, #tpu.memory_space<hbm>>
      tpu.wait_dma2 semaphore(%run_scoped3A : memref<!tpu.dma_semaphore, #tpu.memory_space<semaphore_mem>>) src(%arg12 : memref<80x128xf32, #tpu.memory_space<vmem>>) dst(%dma_wait3A_102 : memref<80x128xf32, #tpu.memory_space<hbm>>)
      tpu.yield
    }) : () -> ()
    %mul3A_90 = arith.constant 640 : i32
    %mul3A_91 = arith.muli %arg1, %mul3A_90 : i32
    %add3A_92 = arith.constant 560 : i32
    %add3A_93 = arith.addi %mul3A_91, %add3A_92 : i32
    "tpu.region"() ({
      %run_scoped3A = tpu.sem_alloc : memref<!tpu.dma_semaphore, #tpu.memory_space<semaphore_mem>>
      %dma_start3A = arith.constant 0 : i32
      %dma_start3A_97 = tpu.memref_slice %arg9[%add3A_93, %dma_start3A] : memref<10240x128xf32, #tpu.memory_space<vmem_shared>> -> memref<80x128xf32, #tpu.memory_space<vmem_shared>>
      %dma_start3A_98 = arith.constant 0 : i32
      %dma_start3A_99 = tpu.memref_slice %arg9[%add3A_93, %dma_start3A_98] : memref<10240x128xf32, #tpu.memory_space<vmem_shared>> -> memref<80x128xf32, #tpu.memory_space<vmem_shared>>
      tpu.enqueue_dma source(%dma_start3A_99 : memref<80x128xf32, #tpu.memory_space<vmem_shared>>) target(%arg12 : memref<80x128xf32, #tpu.memory_space<vmem>>) target_semaphore(%run_scoped3A : memref<!tpu.dma_semaphore, #tpu.memory_space<semaphore_mem>>)
      %dma_wait3A = arith.constant 0 : i32
      %dma_wait3A_100 = tpu.memref_slice %arg9[%add3A_93, %dma_wait3A] : memref<10240x128xf32, #tpu.memory_space<vmem_shared>> -> memref<80x128xf32, #tpu.memory_space<vmem_shared>>
      %dma_wait3A_101 = arith.constant 0 : i32
      %dma_wait3A_102 = tpu.memref_slice %arg9[%add3A_93, %dma_wait3A_101] : memref<10240x128xf32, #tpu.memory_space<vmem_shared>> -> memref<80x128xf32, #tpu.memory_space<vmem_shared>>
      tpu.wait_dma2 semaphore(%run_scoped3A : memref<!tpu.dma_semaphore, #tpu.memory_space<semaphore_mem>>) src(%dma_wait3A_102 : memref<80x128xf32, #tpu.memory_space<vmem_shared>>) dst(%arg12 : memref<80x128xf32, #tpu.memory_space<vmem>>)
      tpu.yield
    }) : () -> ()
    %mul3A_94 = arith.constant 10240 : i32
    %mul3A_95 = arith.muli %arg0, %mul3A_94 : i32
    %add3A_96 = arith.addi %mul3A_95, %add3A_93 : i32
    "tpu.region"() ({
      %run_scoped3A = tpu.sem_alloc : memref<!tpu.dma_semaphore, #tpu.memory_space<semaphore_mem>>
      %dma_start3A = arith.constant 0 : i32
      %dma_start3A_97 = tpu.memref_slice %arg8[%add3A_96, %dma_start3A] : memref<20480x128xf32, #tpu.memory_space<hbm>> -> memref<80x128xf32, #tpu.memory_space<hbm>>
      %dma_start3A_98 = arith.constant 0 : i32
      %dma_start3A_99 = tpu.memref_slice %arg8[%add3A_96, %dma_start3A_98] : memref<20480x128xf32, #tpu.memory_space<hbm>> -> memref<80x128xf32, #tpu.memory_space<hbm>>
      tpu.enqueue_dma source(%arg12 : memref<80x128xf32, #tpu.memory_space<vmem>>) target(%dma_start3A_99 : memref<80x128xf32, #tpu.memory_space<hbm>>) target_semaphore(%run_scoped3A : memref<!tpu.dma_semaphore, #tpu.memory_space<semaphore_mem>>)
      %dma_wait3A = arith.constant 0 : i32
      %dma_wait3A_100 = tpu.memref_slice %arg8[%add3A_96, %dma_wait3A] : memref<20480x128xf32, #tpu.memory_space<hbm>> -> memref<80x128xf32, #tpu.memory_space<hbm>>
      %dma_wait3A_101 = arith.constant 0 : i32
      %dma_wait3A_102 = tpu.memref_slice %arg8[%add3A_96, %dma_wait3A_101] : memref<20480x128xf32, #tpu.memory_space<hbm>> -> memref<80x128xf32, #tpu.memory_space<hbm>>
      tpu.wait_dma2 semaphore(%run_scoped3A : memref<!tpu.dma_semaphore, #tpu.memory_space<semaphore_mem>>) src(%arg12 : memref<80x128xf32, #tpu.memory_space<vmem>>) dst(%dma_wait3A_102 : memref<80x128xf32, #tpu.memory_space<hbm>>)
      tpu.yield
    }) : () -> ()
    return
  }
}

#map = affine_map<(d0, d1) -> (0)>
#map1 = affine_map<(d0, d1) -> (0, 0)>
module attributes {stable_mosaic.version = 14 : i64} {
  func.func @_sc_hist_body(%arg0: i32, %arg1: i32, %arg2: memref<160000xi32, #tpu.memory_space<hbm>>, %arg3: memref<160000x128xf32, #tpu.memory_space<hbm>>, %arg4: memref<80x128xf32, #tpu.memory_space<hbm>>, %arg5: memref<20000x128xf32, #tpu.memory_space<hbm>>, %arg6: memref<20480x128xf32, #tpu.memory_space<hbm>>, %arg7: memref<10240x128xf32, #tpu.memory_space<vmem_shared>>, %arg8: memref<80x128xf32, #tpu.memory_space<vmem>>, %arg9: memref<64x128xf32, #tpu.memory_space<vmem>>, %arg10: memref<64x128xf32, #tpu.memory_space<vmem>>, %arg11: memref<8x128xf32, #tpu.memory_space<vmem>>, %arg12: memref<80xi32, #tpu.memory_space<vmem>>, %arg13: memref<64xi32, #tpu.memory_space<vmem>>, %arg14: memref<64xi32, #tpu.memory_space<vmem>>, %arg15: memref<!tpu.dma_semaphore, #tpu.memory_space<semaphore_mem>>, %arg16: memref<!tpu.dma_semaphore, #tpu.memory_space<semaphore_mem>>) attributes {dimension_semantics = [#tpu.dimension_semantics<core_parallel>, #tpu.dimension_semantics<subcore_parallel>], iteration_bounds = array<i64: 2, 16>, scalar_prefetch = 0 : i64, scratch_operands = 10 : i64, tpu.core_type = #tpu.core_type<sc_vector_subcore>, window_params = [{transform_indices = #map}, {transform_indices = #map1}, {transform_indices = #map1}, {transform_indices = #map1}, {transform_indices = #map1}]} {
    %mul3A = arith.constant 10000 : i32
    %mul3A_0 = arith.muli %arg1, %mul3A : i32
    %mul3A_1 = arith.constant 640 : i32
    %mul3A_2 = arith.muli %arg1, %mul3A_1 : i32
    %add3A = arith.constant 0 : i32
    %add3A_3 = arith.addi %mul3A_2, %add3A : i32
    "tpu.region"() ({
      %run_scoped3A = tpu.sem_alloc : memref<!tpu.dma_semaphore, #tpu.memory_space<semaphore_mem>>
      %dma_start3A = arith.constant 0 : i32
      %dma_start3A_111 = tpu.memref_slice %arg7[%add3A_3, %dma_start3A] : memref<10240x128xf32, #tpu.memory_space<vmem_shared>> -> memref<80x128xf32, #tpu.memory_space<vmem_shared>>
      tpu.enqueue_dma source(%arg4 : memref<80x128xf32, #tpu.memory_space<hbm>>) target(%dma_start3A_111 : memref<80x128xf32, #tpu.memory_space<vmem_shared>>) target_semaphore(%run_scoped3A : memref<!tpu.dma_semaphore, #tpu.memory_space<semaphore_mem>>)
      %dma_wait3A = arith.constant 0 : i32
      %dma_wait3A_112 = tpu.memref_slice %arg7[%add3A_3, %dma_wait3A] : memref<10240x128xf32, #tpu.memory_space<vmem_shared>> -> memref<80x128xf32, #tpu.memory_space<vmem_shared>>
      tpu.wait_dma2 semaphore(%run_scoped3A : memref<!tpu.dma_semaphore, #tpu.memory_space<semaphore_mem>>) src(%arg4 : memref<80x128xf32, #tpu.memory_space<hbm>>) dst(%dma_wait3A_112 : memref<80x128xf32, #tpu.memory_space<vmem_shared>>)
      tpu.yield
    }) : () -> ()
    %mul3A_4 = arith.constant 640 : i32
    %mul3A_5 = arith.muli %arg1, %mul3A_4 : i32
    %add3A_6 = arith.constant 80 : i32
    %add3A_7 = arith.addi %mul3A_5, %add3A_6 : i32
    "tpu.region"() ({
      %run_scoped3A = tpu.sem_alloc : memref<!tpu.dma_semaphore, #tpu.memory_space<semaphore_mem>>
      %dma_start3A = arith.constant 0 : i32
      %dma_start3A_111 = tpu.memref_slice %arg7[%add3A_7, %dma_start3A] : memref<10240x128xf32, #tpu.memory_space<vmem_shared>> -> memref<80x128xf32, #tpu.memory_space<vmem_shared>>
      tpu.enqueue_dma source(%arg4 : memref<80x128xf32, #tpu.memory_space<hbm>>) target(%dma_start3A_111 : memref<80x128xf32, #tpu.memory_space<vmem_shared>>) target_semaphore(%run_scoped3A : memref<!tpu.dma_semaphore, #tpu.memory_space<semaphore_mem>>)
      %dma_wait3A = arith.constant 0 : i32
      %dma_wait3A_112 = tpu.memref_slice %arg7[%add3A_7, %dma_wait3A] : memref<10240x128xf32, #tpu.memory_space<vmem_shared>> -> memref<80x128xf32, #tpu.memory_space<vmem_shared>>
      tpu.wait_dma2 semaphore(%run_scoped3A : memref<!tpu.dma_semaphore, #tpu.memory_space<semaphore_mem>>) src(%arg4 : memref<80x128xf32, #tpu.memory_space<hbm>>) dst(%dma_wait3A_112 : memref<80x128xf32, #tpu.memory_space<vmem_shared>>)
      tpu.yield
    }) : () -> ()
    %mul3A_8 = arith.constant 640 : i32
    %mul3A_9 = arith.muli %arg1, %mul3A_8 : i32
    %add3A_10 = arith.constant 160 : i32
    %add3A_11 = arith.addi %mul3A_9, %add3A_10 : i32
    "tpu.region"() ({
      %run_scoped3A = tpu.sem_alloc : memref<!tpu.dma_semaphore, #tpu.memory_space<semaphore_mem>>
      %dma_start3A = arith.constant 0 : i32
      %dma_start3A_111 = tpu.memref_slice %arg7[%add3A_11, %dma_start3A] : memref<10240x128xf32, #tpu.memory_space<vmem_shared>> -> memref<80x128xf32, #tpu.memory_space<vmem_shared>>
      tpu.enqueue_dma source(%arg4 : memref<80x128xf32, #tpu.memory_space<hbm>>) target(%dma_start3A_111 : memref<80x128xf32, #tpu.memory_space<vmem_shared>>) target_semaphore(%run_scoped3A : memref<!tpu.dma_semaphore, #tpu.memory_space<semaphore_mem>>)
      %dma_wait3A = arith.constant 0 : i32
      %dma_wait3A_112 = tpu.memref_slice %arg7[%add3A_11, %dma_wait3A] : memref<10240x128xf32, #tpu.memory_space<vmem_shared>> -> memref<80x128xf32, #tpu.memory_space<vmem_shared>>
      tpu.wait_dma2 semaphore(%run_scoped3A : memref<!tpu.dma_semaphore, #tpu.memory_space<semaphore_mem>>) src(%arg4 : memref<80x128xf32, #tpu.memory_space<hbm>>) dst(%dma_wait3A_112 : memref<80x128xf32, #tpu.memory_space<vmem_shared>>)
      tpu.yield
    }) : () -> ()
    %mul3A_12 = arith.constant 640 : i32
    %mul3A_13 = arith.muli %arg1, %mul3A_12 : i32
    %add3A_14 = arith.constant 240 : i32
    %add3A_15 = arith.addi %mul3A_13, %add3A_14 : i32
    "tpu.region"() ({
      %run_scoped3A = tpu.sem_alloc : memref<!tpu.dma_semaphore, #tpu.memory_space<semaphore_mem>>
      %dma_start3A = arith.constant 0 : i32
      %dma_start3A_111 = tpu.memref_slice %arg7[%add3A_15, %dma_start3A] : memref<10240x128xf32, #tpu.memory_space<vmem_shared>> -> memref<80x128xf32, #tpu.memory_space<vmem_shared>>
      tpu.enqueue_dma source(%arg4 : memref<80x128xf32, #tpu.memory_space<hbm>>) target(%dma_start3A_111 : memref<80x128xf32, #tpu.memory_space<vmem_shared>>) target_semaphore(%run_scoped3A : memref<!tpu.dma_semaphore, #tpu.memory_space<semaphore_mem>>)
      %dma_wait3A = arith.constant 0 : i32
      %dma_wait3A_112 = tpu.memref_slice %arg7[%add3A_15, %dma_wait3A] : memref<10240x128xf32, #tpu.memory_space<vmem_shared>> -> memref<80x128xf32, #tpu.memory_space<vmem_shared>>
      tpu.wait_dma2 semaphore(%run_scoped3A : memref<!tpu.dma_semaphore, #tpu.memory_space<semaphore_mem>>) src(%arg4 : memref<80x128xf32, #tpu.memory_space<hbm>>) dst(%dma_wait3A_112 : memref<80x128xf32, #tpu.memory_space<vmem_shared>>)
      tpu.yield
    }) : () -> ()
    %mul3A_16 = arith.constant 640 : i32
    %mul3A_17 = arith.muli %arg1, %mul3A_16 : i32
    %add3A_18 = arith.constant 320 : i32
    %add3A_19 = arith.addi %mul3A_17, %add3A_18 : i32
    "tpu.region"() ({
      %run_scoped3A = tpu.sem_alloc : memref<!tpu.dma_semaphore, #tpu.memory_space<semaphore_mem>>
      %dma_start3A = arith.constant 0 : i32
      %dma_start3A_111 = tpu.memref_slice %arg7[%add3A_19, %dma_start3A] : memref<10240x128xf32, #tpu.memory_space<vmem_shared>> -> memref<80x128xf32, #tpu.memory_space<vmem_shared>>
      tpu.enqueue_dma source(%arg4 : memref<80x128xf32, #tpu.memory_space<hbm>>) target(%dma_start3A_111 : memref<80x128xf32, #tpu.memory_space<vmem_shared>>) target_semaphore(%run_scoped3A : memref<!tpu.dma_semaphore, #tpu.memory_space<semaphore_mem>>)
      %dma_wait3A = arith.constant 0 : i32
      %dma_wait3A_112 = tpu.memref_slice %arg7[%add3A_19, %dma_wait3A] : memref<10240x128xf32, #tpu.memory_space<vmem_shared>> -> memref<80x128xf32, #tpu.memory_space<vmem_shared>>
      tpu.wait_dma2 semaphore(%run_scoped3A : memref<!tpu.dma_semaphore, #tpu.memory_space<semaphore_mem>>) src(%arg4 : memref<80x128xf32, #tpu.memory_space<hbm>>) dst(%dma_wait3A_112 : memref<80x128xf32, #tpu.memory_space<vmem_shared>>)
      tpu.yield
    }) : () -> ()
    %mul3A_20 = arith.constant 640 : i32
    %mul3A_21 = arith.muli %arg1, %mul3A_20 : i32
    %add3A_22 = arith.constant 400 : i32
    %add3A_23 = arith.addi %mul3A_21, %add3A_22 : i32
    "tpu.region"() ({
      %run_scoped3A = tpu.sem_alloc : memref<!tpu.dma_semaphore, #tpu.memory_space<semaphore_mem>>
      %dma_start3A = arith.constant 0 : i32
      %dma_start3A_111 = tpu.memref_slice %arg7[%add3A_23, %dma_start3A] : memref<10240x128xf32, #tpu.memory_space<vmem_shared>> -> memref<80x128xf32, #tpu.memory_space<vmem_shared>>
      tpu.enqueue_dma source(%arg4 : memref<80x128xf32, #tpu.memory_space<hbm>>) target(%dma_start3A_111 : memref<80x128xf32, #tpu.memory_space<vmem_shared>>) target_semaphore(%run_scoped3A : memref<!tpu.dma_semaphore, #tpu.memory_space<semaphore_mem>>)
      %dma_wait3A = arith.constant 0 : i32
      %dma_wait3A_112 = tpu.memref_slice %arg7[%add3A_23, %dma_wait3A] : memref<10240x128xf32, #tpu.memory_space<vmem_shared>> -> memref<80x128xf32, #tpu.memory_space<vmem_shared>>
      tpu.wait_dma2 semaphore(%run_scoped3A : memref<!tpu.dma_semaphore, #tpu.memory_space<semaphore_mem>>) src(%arg4 : memref<80x128xf32, #tpu.memory_space<hbm>>) dst(%dma_wait3A_112 : memref<80x128xf32, #tpu.memory_space<vmem_shared>>)
      tpu.yield
    }) : () -> ()
    %mul3A_24 = arith.constant 640 : i32
    %mul3A_25 = arith.muli %arg1, %mul3A_24 : i32
    %add3A_26 = arith.constant 480 : i32
    %add3A_27 = arith.addi %mul3A_25, %add3A_26 : i32
    "tpu.region"() ({
      %run_scoped3A = tpu.sem_alloc : memref<!tpu.dma_semaphore, #tpu.memory_space<semaphore_mem>>
      %dma_start3A = arith.constant 0 : i32
      %dma_start3A_111 = tpu.memref_slice %arg7[%add3A_27, %dma_start3A] : memref<10240x128xf32, #tpu.memory_space<vmem_shared>> -> memref<80x128xf32, #tpu.memory_space<vmem_shared>>
      tpu.enqueue_dma source(%arg4 : memref<80x128xf32, #tpu.memory_space<hbm>>) target(%dma_start3A_111 : memref<80x128xf32, #tpu.memory_space<vmem_shared>>) target_semaphore(%run_scoped3A : memref<!tpu.dma_semaphore, #tpu.memory_space<semaphore_mem>>)
      %dma_wait3A = arith.constant 0 : i32
      %dma_wait3A_112 = tpu.memref_slice %arg7[%add3A_27, %dma_wait3A] : memref<10240x128xf32, #tpu.memory_space<vmem_shared>> -> memref<80x128xf32, #tpu.memory_space<vmem_shared>>
      tpu.wait_dma2 semaphore(%run_scoped3A : memref<!tpu.dma_semaphore, #tpu.memory_space<semaphore_mem>>) src(%arg4 : memref<80x128xf32, #tpu.memory_space<hbm>>) dst(%dma_wait3A_112 : memref<80x128xf32, #tpu.memory_space<vmem_shared>>)
      tpu.yield
    }) : () -> ()
    %mul3A_28 = arith.constant 640 : i32
    %mul3A_29 = arith.muli %arg1, %mul3A_28 : i32
    %add3A_30 = arith.constant 560 : i32
    %add3A_31 = arith.addi %mul3A_29, %add3A_30 : i32
    "tpu.region"() ({
      %run_scoped3A = tpu.sem_alloc : memref<!tpu.dma_semaphore, #tpu.memory_space<semaphore_mem>>
      %dma_start3A = arith.constant 0 : i32
      %dma_start3A_111 = tpu.memref_slice %arg7[%add3A_31, %dma_start3A] : memref<10240x128xf32, #tpu.memory_space<vmem_shared>> -> memref<80x128xf32, #tpu.memory_space<vmem_shared>>
      tpu.enqueue_dma source(%arg4 : memref<80x128xf32, #tpu.memory_space<hbm>>) target(%dma_start3A_111 : memref<80x128xf32, #tpu.memory_space<vmem_shared>>) target_semaphore(%run_scoped3A : memref<!tpu.dma_semaphore, #tpu.memory_space<semaphore_mem>>)
      %dma_wait3A = arith.constant 0 : i32
      %dma_wait3A_112 = tpu.memref_slice %arg7[%add3A_31, %dma_wait3A] : memref<10240x128xf32, #tpu.memory_space<vmem_shared>> -> memref<80x128xf32, #tpu.memory_space<vmem_shared>>
      tpu.wait_dma2 semaphore(%run_scoped3A : memref<!tpu.dma_semaphore, #tpu.memory_space<semaphore_mem>>) src(%arg4 : memref<80x128xf32, #tpu.memory_space<hbm>>) dst(%dma_wait3A_112 : memref<80x128xf32, #tpu.memory_space<vmem_shared>>)
      tpu.yield
    }) : () -> ()
    %barrier3A = arith.constant 0 : index
    tpu.barrier barrier_id(%barrier3A)
    %scan3A = arith.constant 0 : i32
    %scan3A_32 = arith.constant 0 : i32
    %scan3A_33 = arith.constant 125 : i32
    %scan3A_34 = arith.addi %scan3A_32, %scan3A_33 : i32
    %scan3A_35 = arith.constant 1 : i32
    %scan3A_36 = scf.for %scan3A_111 = %scan3A_32 to %scan3A_34 step %scan3A_35 iter_args(%scan3A_112 = %scan3A) -> (i32)  : i32 {
      %mul3A_113 = arith.constant 80 : i32
      %mul3A_114 = arith.muli %scan3A_111, %mul3A_113 : i32
      %add3A_115 = arith.addi %mul3A_0, %mul3A_114 : i32
      "tpu.region"() ({
        %run_scoped3A = tpu.sem_alloc : memref<!tpu.dma_semaphore, #tpu.memory_space<semaphore_mem>>
        %dma_start3A = tpu.memref_slice %arg2[%add3A_115] : memref<160000xi32, #tpu.memory_space<hbm>> -> memref<80xi32, #tpu.memory_space<hbm>>
        %dma_start3A_117 = tpu.memref_slice %arg2[%add3A_115] : memref<160000xi32, #tpu.memory_space<hbm>> -> memref<80xi32, #tpu.memory_space<hbm>>
        tpu.enqueue_dma source(%dma_start3A_117 : memref<80xi32, #tpu.memory_space<hbm>>) target(%arg12 : memref<80xi32, #tpu.memory_space<vmem>>) target_semaphore(%run_scoped3A : memref<!tpu.dma_semaphore, #tpu.memory_space<semaphore_mem>>)
        %dma_wait3A = tpu.memref_slice %arg2[%add3A_115] : memref<160000xi32, #tpu.memory_space<hbm>> -> memref<80xi32, #tpu.memory_space<hbm>>
        %dma_wait3A_118 = tpu.memref_slice %arg2[%add3A_115] : memref<160000xi32, #tpu.memory_space<hbm>> -> memref<80xi32, #tpu.memory_space<hbm>>
        tpu.wait_dma2 semaphore(%run_scoped3A : memref<!tpu.dma_semaphore, #tpu.memory_space<semaphore_mem>>) src(%dma_wait3A_118 : memref<80xi32, #tpu.memory_space<hbm>>) dst(%arg12 : memref<80xi32, #tpu.memory_space<vmem>>)
        tpu.yield
      }) : () -> ()
      "tpu.region"() ({
        %run_scoped3A = tpu.sem_alloc : memref<!tpu.dma_semaphore, #tpu.memory_space<semaphore_mem>>
        %dma_start3A = arith.constant 0 : i32
        %dma_start3A_117 = tpu.memref_slice %arg3[%add3A_115, %dma_start3A] : memref<160000x128xf32, #tpu.memory_space<hbm>> -> memref<80x128xf32, #tpu.memory_space<hbm>>
        %dma_start3A_118 = arith.constant 0 : i32
        %dma_start3A_119 = tpu.memref_slice %arg3[%add3A_115, %dma_start3A_118] : memref<160000x128xf32, #tpu.memory_space<hbm>> -> memref<80x128xf32, #tpu.memory_space<hbm>>
        tpu.enqueue_dma source(%dma_start3A_119 : memref<80x128xf32, #tpu.memory_space<hbm>>) target(%arg8 : memref<80x128xf32, #tpu.memory_space<vmem>>) target_semaphore(%run_scoped3A : memref<!tpu.dma_semaphore, #tpu.memory_space<semaphore_mem>>)
        %dma_wait3A = arith.constant 0 : i32
        %dma_wait3A_120 = tpu.memref_slice %arg3[%add3A_115, %dma_wait3A] : memref<160000x128xf32, #tpu.memory_space<hbm>> -> memref<80x128xf32, #tpu.memory_space<hbm>>
        %dma_wait3A_121 = arith.constant 0 : i32
        %dma_wait3A_122 = tpu.memref_slice %arg3[%add3A_115, %dma_wait3A_121] : memref<160000x128xf32, #tpu.memory_space<hbm>> -> memref<80x128xf32, #tpu.memory_space<hbm>>
        tpu.wait_dma2 semaphore(%run_scoped3A : memref<!tpu.dma_semaphore, #tpu.memory_space<semaphore_mem>>) src(%dma_wait3A_122 : memref<80x128xf32, #tpu.memory_space<hbm>>) dst(%arg8 : memref<80x128xf32, #tpu.memory_space<vmem>>)
        tpu.yield
      }) : () -> ()
      "tpu.region"() ({
        %run_scoped3A = tpu.sem_alloc : memref<!tpu.dma_semaphore, #tpu.memory_space<semaphore_mem>>
        %dma_start3A = arith.constant 0 : i32
        %dma_start3A_117 = arith.constant 0 : i32
        %dma_start3A_118 = tpu.memref_slice %arg7[%dma_start3A, %dma_start3A_117] : memref<10240x128xf32, #tpu.memory_space<vmem_shared>> -> memref<10240x128xf32, #tpu.memory_space<vmem_shared>>
        tpu.enqueue_indirect_dma source(%arg8 : memref<80x128xf32, #tpu.memory_space<vmem>>) target(%dma_start3A_118 : memref<10240x128xf32, #tpu.memory_space<vmem_shared>>) offsets(%arg12 : memref<80xi32, #tpu.memory_space<vmem>>) semaphore(%run_scoped3A : memref<!tpu.dma_semaphore, #tpu.memory_space<semaphore_mem>>) {add = true}
        %dma_wait3A = arith.constant 0 : i32
        %dma_wait3A_119 = arith.constant 0 : i32
        %dma_wait3A_120 = tpu.memref_slice %arg7[%dma_wait3A, %dma_wait3A_119] : memref<10240x128xf32, #tpu.memory_space<vmem_shared>> -> memref<10240x128xf32, #tpu.memory_space<vmem_shared>>
        tpu.wait_indirect_dma semaphore(%run_scoped3A : memref<!tpu.dma_semaphore, #tpu.memory_space<semaphore_mem>>) src(%arg8 : memref<80x128xf32, #tpu.memory_space<vmem>>) dst(%dma_wait3A_120 : memref<10240x128xf32, #tpu.memory_space<vmem_shared>>)
        tpu.yield
      }) : () -> ()
      %scan3A_116 = arith.constant 0 : i32
      scf.yield %scan3A_116 : i32
    }
    %scan3A_37 = arith.constant 125 : i32
    %barrier3A_38 = arith.constant 0 : index
    tpu.barrier barrier_id(%barrier3A_38)
    %mul3A_39 = arith.constant 640 : i32
    %mul3A_40 = arith.muli %arg1, %mul3A_39 : i32
    %add3A_41 = arith.constant 0 : i32
    %add3A_42 = arith.addi %mul3A_40, %add3A_41 : i32
    "tpu.region"() ({
      %run_scoped3A = tpu.sem_alloc : memref<!tpu.dma_semaphore, #tpu.memory_space<semaphore_mem>>
      %dma_start3A = arith.constant 0 : i32
      %dma_start3A_111 = tpu.memref_slice %arg7[%add3A_42, %dma_start3A] : memref<10240x128xf32, #tpu.memory_space<vmem_shared>> -> memref<80x128xf32, #tpu.memory_space<vmem_shared>>
      %dma_start3A_112 = arith.constant 0 : i32
      %dma_start3A_113 = tpu.memref_slice %arg7[%add3A_42, %dma_start3A_112] : memref<10240x128xf32, #tpu.memory_space<vmem_shared>> -> memref<80x128xf32, #tpu.memory_space<vmem_shared>>
      tpu.enqueue_dma source(%dma_start3A_113 : memref<80x128xf32, #tpu.memory_space<vmem_shared>>) target(%arg8 : memref<80x128xf32, #tpu.memory_space<vmem>>) target_semaphore(%run_scoped3A : memref<!tpu.dma_semaphore, #tpu.memory_space<semaphore_mem>>)
      %dma_wait3A = arith.constant 0 : i32
      %dma_wait3A_114 = tpu.memref_slice %arg7[%add3A_42, %dma_wait3A] : memref<10240x128xf32, #tpu.memory_space<vmem_shared>> -> memref<80x128xf32, #tpu.memory_space<vmem_shared>>
      %dma_wait3A_115 = arith.constant 0 : i32
      %dma_wait3A_116 = tpu.memref_slice %arg7[%add3A_42, %dma_wait3A_115] : memref<10240x128xf32, #tpu.memory_space<vmem_shared>> -> memref<80x128xf32, #tpu.memory_space<vmem_shared>>
      tpu.wait_dma2 semaphore(%run_scoped3A : memref<!tpu.dma_semaphore, #tpu.memory_space<semaphore_mem>>) src(%dma_wait3A_116 : memref<80x128xf32, #tpu.memory_space<vmem_shared>>) dst(%arg8 : memref<80x128xf32, #tpu.memory_space<vmem>>)
      tpu.yield
    }) : () -> ()
    %mul3A_43 = arith.constant 10240 : i32
    %mul3A_44 = arith.muli %arg0, %mul3A_43 : i32
    %add3A_45 = arith.addi %mul3A_44, %add3A_42 : i32
    "tpu.region"() ({
      %run_scoped3A = tpu.sem_alloc : memref<!tpu.dma_semaphore, #tpu.memory_space<semaphore_mem>>
      %dma_start3A = arith.constant 0 : i32
      %dma_start3A_111 = tpu.memref_slice %arg6[%add3A_45, %dma_start3A] : memref<20480x128xf32, #tpu.memory_space<hbm>> -> memref<80x128xf32, #tpu.memory_space<hbm>>
      %dma_start3A_112 = arith.constant 0 : i32
      %dma_start3A_113 = tpu.memref_slice %arg6[%add3A_45, %dma_start3A_112] : memref<20480x128xf32, #tpu.memory_space<hbm>> -> memref<80x128xf32, #tpu.memory_space<hbm>>
      tpu.enqueue_dma source(%arg8 : memref<80x128xf32, #tpu.memory_space<vmem>>) target(%dma_start3A_113 : memref<80x128xf32, #tpu.memory_space<hbm>>) target_semaphore(%run_scoped3A : memref<!tpu.dma_semaphore, #tpu.memory_space<semaphore_mem>>)
      %dma_wait3A = arith.constant 0 : i32
      %dma_wait3A_114 = tpu.memref_slice %arg6[%add3A_45, %dma_wait3A] : memref<20480x128xf32, #tpu.memory_space<hbm>> -> memref<80x128xf32, #tpu.memory_space<hbm>>
      %dma_wait3A_115 = arith.constant 0 : i32
      %dma_wait3A_116 = tpu.memref_slice %arg6[%add3A_45, %dma_wait3A_115] : memref<20480x128xf32, #tpu.memory_space<hbm>> -> memref<80x128xf32, #tpu.memory_space<hbm>>
      tpu.wait_dma2 semaphore(%run_scoped3A : memref<!tpu.dma_semaphore, #tpu.memory_space<semaphore_mem>>) src(%arg8 : memref<80x128xf32, #tpu.memory_space<vmem>>) dst(%dma_wait3A_116 : memref<80x128xf32, #tpu.memory_space<hbm>>)
      tpu.yield
    }) : () -> ()
    %mul3A_46 = arith.constant 640 : i32
    %mul3A_47 = arith.muli %arg1, %mul3A_46 : i32
    %add3A_48 = arith.constant 80 : i32
    %add3A_49 = arith.addi %mul3A_47, %add3A_48 : i32
    "tpu.region"() ({
      %run_scoped3A = tpu.sem_alloc : memref<!tpu.dma_semaphore, #tpu.memory_space<semaphore_mem>>
      %dma_start3A = arith.constant 0 : i32
      %dma_start3A_111 = tpu.memref_slice %arg7[%add3A_49, %dma_start3A] : memref<10240x128xf32, #tpu.memory_space<vmem_shared>> -> memref<80x128xf32, #tpu.memory_space<vmem_shared>>
      %dma_start3A_112 = arith.constant 0 : i32
      %dma_start3A_113 = tpu.memref_slice %arg7[%add3A_49, %dma_start3A_112] : memref<10240x128xf32, #tpu.memory_space<vmem_shared>> -> memref<80x128xf32, #tpu.memory_space<vmem_shared>>
      tpu.enqueue_dma source(%dma_start3A_113 : memref<80x128xf32, #tpu.memory_space<vmem_shared>>) target(%arg8 : memref<80x128xf32, #tpu.memory_space<vmem>>) target_semaphore(%run_scoped3A : memref<!tpu.dma_semaphore, #tpu.memory_space<semaphore_mem>>)
      %dma_wait3A = arith.constant 0 : i32
      %dma_wait3A_114 = tpu.memref_slice %arg7[%add3A_49, %dma_wait3A] : memref<10240x128xf32, #tpu.memory_space<vmem_shared>> -> memref<80x128xf32, #tpu.memory_space<vmem_shared>>
      %dma_wait3A_115 = arith.constant 0 : i32
      %dma_wait3A_116 = tpu.memref_slice %arg7[%add3A_49, %dma_wait3A_115] : memref<10240x128xf32, #tpu.memory_space<vmem_shared>> -> memref<80x128xf32, #tpu.memory_space<vmem_shared>>
      tpu.wait_dma2 semaphore(%run_scoped3A : memref<!tpu.dma_semaphore, #tpu.memory_space<semaphore_mem>>) src(%dma_wait3A_116 : memref<80x128xf32, #tpu.memory_space<vmem_shared>>) dst(%arg8 : memref<80x128xf32, #tpu.memory_space<vmem>>)
      tpu.yield
    }) : () -> ()
    %mul3A_50 = arith.constant 10240 : i32
    %mul3A_51 = arith.muli %arg0, %mul3A_50 : i32
    %add3A_52 = arith.addi %mul3A_51, %add3A_49 : i32
    "tpu.region"() ({
      %run_scoped3A = tpu.sem_alloc : memref<!tpu.dma_semaphore, #tpu.memory_space<semaphore_mem>>
      %dma_start3A = arith.constant 0 : i32
      %dma_start3A_111 = tpu.memref_slice %arg6[%add3A_52, %dma_start3A] : memref<20480x128xf32, #tpu.memory_space<hbm>> -> memref<80x128xf32, #tpu.memory_space<hbm>>
      %dma_start3A_112 = arith.constant 0 : i32
      %dma_start3A_113 = tpu.memref_slice %arg6[%add3A_52, %dma_start3A_112] : memref<20480x128xf32, #tpu.memory_space<hbm>> -> memref<80x128xf32, #tpu.memory_space<hbm>>
      tpu.enqueue_dma source(%arg8 : memref<80x128xf32, #tpu.memory_space<vmem>>) target(%dma_start3A_113 : memref<80x128xf32, #tpu.memory_space<hbm>>) target_semaphore(%run_scoped3A : memref<!tpu.dma_semaphore, #tpu.memory_space<semaphore_mem>>)
      %dma_wait3A = arith.constant 0 : i32
      %dma_wait3A_114 = tpu.memref_slice %arg6[%add3A_52, %dma_wait3A] : memref<20480x128xf32, #tpu.memory_space<hbm>> -> memref<80x128xf32, #tpu.memory_space<hbm>>
      %dma_wait3A_115 = arith.constant 0 : i32
      %dma_wait3A_116 = tpu.memref_slice %arg6[%add3A_52, %dma_wait3A_115] : memref<20480x128xf32, #tpu.memory_space<hbm>> -> memref<80x128xf32, #tpu.memory_space<hbm>>
      tpu.wait_dma2 semaphore(%run_scoped3A : memref<!tpu.dma_semaphore, #tpu.memory_space<semaphore_mem>>) src(%arg8 : memref<80x128xf32, #tpu.memory_space<vmem>>) dst(%dma_wait3A_116 : memref<80x128xf32, #tpu.memory_space<hbm>>)
      tpu.yield
    }) : () -> ()
    %mul3A_53 = arith.constant 640 : i32
    %mul3A_54 = arith.muli %arg1, %mul3A_53 : i32
    %add3A_55 = arith.constant 160 : i32
    %add3A_56 = arith.addi %mul3A_54, %add3A_55 : i32
    "tpu.region"() ({
      %run_scoped3A = tpu.sem_alloc : memref<!tpu.dma_semaphore, #tpu.memory_space<semaphore_mem>>
      %dma_start3A = arith.constant 0 : i32
      %dma_start3A_111 = tpu.memref_slice %arg7[%add3A_56, %dma_start3A] : memref<10240x128xf32, #tpu.memory_space<vmem_shared>> -> memref<80x128xf32, #tpu.memory_space<vmem_shared>>
      %dma_start3A_112 = arith.constant 0 : i32
      %dma_start3A_113 = tpu.memref_slice %arg7[%add3A_56, %dma_start3A_112] : memref<10240x128xf32, #tpu.memory_space<vmem_shared>> -> memref<80x128xf32, #tpu.memory_space<vmem_shared>>
      tpu.enqueue_dma source(%dma_start3A_113 : memref<80x128xf32, #tpu.memory_space<vmem_shared>>) target(%arg8 : memref<80x128xf32, #tpu.memory_space<vmem>>) target_semaphore(%run_scoped3A : memref<!tpu.dma_semaphore, #tpu.memory_space<semaphore_mem>>)
      %dma_wait3A = arith.constant 0 : i32
      %dma_wait3A_114 = tpu.memref_slice %arg7[%add3A_56, %dma_wait3A] : memref<10240x128xf32, #tpu.memory_space<vmem_shared>> -> memref<80x128xf32, #tpu.memory_space<vmem_shared>>
      %dma_wait3A_115 = arith.constant 0 : i32
      %dma_wait3A_116 = tpu.memref_slice %arg7[%add3A_56, %dma_wait3A_115] : memref<10240x128xf32, #tpu.memory_space<vmem_shared>> -> memref<80x128xf32, #tpu.memory_space<vmem_shared>>
      tpu.wait_dma2 semaphore(%run_scoped3A : memref<!tpu.dma_semaphore, #tpu.memory_space<semaphore_mem>>) src(%dma_wait3A_116 : memref<80x128xf32, #tpu.memory_space<vmem_shared>>) dst(%arg8 : memref<80x128xf32, #tpu.memory_space<vmem>>)
      tpu.yield
    }) : () -> ()
    %mul3A_57 = arith.constant 10240 : i32
    %mul3A_58 = arith.muli %arg0, %mul3A_57 : i32
    %add3A_59 = arith.addi %mul3A_58, %add3A_56 : i32
    "tpu.region"() ({
      %run_scoped3A = tpu.sem_alloc : memref<!tpu.dma_semaphore, #tpu.memory_space<semaphore_mem>>
      %dma_start3A = arith.constant 0 : i32
      %dma_start3A_111 = tpu.memref_slice %arg6[%add3A_59, %dma_start3A] : memref<20480x128xf32, #tpu.memory_space<hbm>> -> memref<80x128xf32, #tpu.memory_space<hbm>>
      %dma_start3A_112 = arith.constant 0 : i32
      %dma_start3A_113 = tpu.memref_slice %arg6[%add3A_59, %dma_start3A_112] : memref<20480x128xf32, #tpu.memory_space<hbm>> -> memref<80x128xf32, #tpu.memory_space<hbm>>
      tpu.enqueue_dma source(%arg8 : memref<80x128xf32, #tpu.memory_space<vmem>>) target(%dma_start3A_113 : memref<80x128xf32, #tpu.memory_space<hbm>>) target_semaphore(%run_scoped3A : memref<!tpu.dma_semaphore, #tpu.memory_space<semaphore_mem>>)
      %dma_wait3A = arith.constant 0 : i32
      %dma_wait3A_114 = tpu.memref_slice %arg6[%add3A_59, %dma_wait3A] : memref<20480x128xf32, #tpu.memory_space<hbm>> -> memref<80x128xf32, #tpu.memory_space<hbm>>
      %dma_wait3A_115 = arith.constant 0 : i32
      %dma_wait3A_116 = tpu.memref_slice %arg6[%add3A_59, %dma_wait3A_115] : memref<20480x128xf32, #tpu.memory_space<hbm>> -> memref<80x128xf32, #tpu.memory_space<hbm>>
      tpu.wait_dma2 semaphore(%run_scoped3A : memref<!tpu.dma_semaphore, #tpu.memory_space<semaphore_mem>>) src(%arg8 : memref<80x128xf32, #tpu.memory_space<vmem>>) dst(%dma_wait3A_116 : memref<80x128xf32, #tpu.memory_space<hbm>>)
      tpu.yield
    }) : () -> ()
    %mul3A_60 = arith.constant 640 : i32
    %mul3A_61 = arith.muli %arg1, %mul3A_60 : i32
    %add3A_62 = arith.constant 240 : i32
    %add3A_63 = arith.addi %mul3A_61, %add3A_62 : i32
    "tpu.region"() ({
      %run_scoped3A = tpu.sem_alloc : memref<!tpu.dma_semaphore, #tpu.memory_space<semaphore_mem>>
      %dma_start3A = arith.constant 0 : i32
      %dma_start3A_111 = tpu.memref_slice %arg7[%add3A_63, %dma_start3A] : memref<10240x128xf32, #tpu.memory_space<vmem_shared>> -> memref<80x128xf32, #tpu.memory_space<vmem_shared>>
      %dma_start3A_112 = arith.constant 0 : i32
      %dma_start3A_113 = tpu.memref_slice %arg7[%add3A_63, %dma_start3A_112] : memref<10240x128xf32, #tpu.memory_space<vmem_shared>> -> memref<80x128xf32, #tpu.memory_space<vmem_shared>>
      tpu.enqueue_dma source(%dma_start3A_113 : memref<80x128xf32, #tpu.memory_space<vmem_shared>>) target(%arg8 : memref<80x128xf32, #tpu.memory_space<vmem>>) target_semaphore(%run_scoped3A : memref<!tpu.dma_semaphore, #tpu.memory_space<semaphore_mem>>)
      %dma_wait3A = arith.constant 0 : i32
      %dma_wait3A_114 = tpu.memref_slice %arg7[%add3A_63, %dma_wait3A] : memref<10240x128xf32, #tpu.memory_space<vmem_shared>> -> memref<80x128xf32, #tpu.memory_space<vmem_shared>>
      %dma_wait3A_115 = arith.constant 0 : i32
      %dma_wait3A_116 = tpu.memref_slice %arg7[%add3A_63, %dma_wait3A_115] : memref<10240x128xf32, #tpu.memory_space<vmem_shared>> -> memref<80x128xf32, #tpu.memory_space<vmem_shared>>
      tpu.wait_dma2 semaphore(%run_scoped3A : memref<!tpu.dma_semaphore, #tpu.memory_space<semaphore_mem>>) src(%dma_wait3A_116 : memref<80x128xf32, #tpu.memory_space<vmem_shared>>) dst(%arg8 : memref<80x128xf32, #tpu.memory_space<vmem>>)
      tpu.yield
    }) : () -> ()
    %mul3A_64 = arith.constant 10240 : i32
    %mul3A_65 = arith.muli %arg0, %mul3A_64 : i32
    %add3A_66 = arith.addi %mul3A_65, %add3A_63 : i32
    "tpu.region"() ({
      %run_scoped3A = tpu.sem_alloc : memref<!tpu.dma_semaphore, #tpu.memory_space<semaphore_mem>>
      %dma_start3A = arith.constant 0 : i32
      %dma_start3A_111 = tpu.memref_slice %arg6[%add3A_66, %dma_start3A] : memref<20480x128xf32, #tpu.memory_space<hbm>> -> memref<80x128xf32, #tpu.memory_space<hbm>>
      %dma_start3A_112 = arith.constant 0 : i32
      %dma_start3A_113 = tpu.memref_slice %arg6[%add3A_66, %dma_start3A_112] : memref<20480x128xf32, #tpu.memory_space<hbm>> -> memref<80x128xf32, #tpu.memory_space<hbm>>
      tpu.enqueue_dma source(%arg8 : memref<80x128xf32, #tpu.memory_space<vmem>>) target(%dma_start3A_113 : memref<80x128xf32, #tpu.memory_space<hbm>>) target_semaphore(%run_scoped3A : memref<!tpu.dma_semaphore, #tpu.memory_space<semaphore_mem>>)
      %dma_wait3A = arith.constant 0 : i32
      %dma_wait3A_114 = tpu.memref_slice %arg6[%add3A_66, %dma_wait3A] : memref<20480x128xf32, #tpu.memory_space<hbm>> -> memref<80x128xf32, #tpu.memory_space<hbm>>
      %dma_wait3A_115 = arith.constant 0 : i32
      %dma_wait3A_116 = tpu.memref_slice %arg6[%add3A_66, %dma_wait3A_115] : memref<20480x128xf32, #tpu.memory_space<hbm>> -> memref<80x128xf32, #tpu.memory_space<hbm>>
      tpu.wait_dma2 semaphore(%run_scoped3A : memref<!tpu.dma_semaphore, #tpu.memory_space<semaphore_mem>>) src(%arg8 : memref<80x128xf32, #tpu.memory_space<vmem>>) dst(%dma_wait3A_116 : memref<80x128xf32, #tpu.memory_space<hbm>>)
      tpu.yield
    }) : () -> ()
    %mul3A_67 = arith.constant 640 : i32
    %mul3A_68 = arith.muli %arg1, %mul3A_67 : i32
    %add3A_69 = arith.constant 320 : i32
    %add3A_70 = arith.addi %mul3A_68, %add3A_69 : i32
    "tpu.region"() ({
      %run_scoped3A = tpu.sem_alloc : memref<!tpu.dma_semaphore, #tpu.memory_space<semaphore_mem>>
      %dma_start3A = arith.constant 0 : i32
      %dma_start3A_111 = tpu.memref_slice %arg7[%add3A_70, %dma_start3A] : memref<10240x128xf32, #tpu.memory_space<vmem_shared>> -> memref<80x128xf32, #tpu.memory_space<vmem_shared>>
      %dma_start3A_112 = arith.constant 0 : i32
      %dma_start3A_113 = tpu.memref_slice %arg7[%add3A_70, %dma_start3A_112] : memref<10240x128xf32, #tpu.memory_space<vmem_shared>> -> memref<80x128xf32, #tpu.memory_space<vmem_shared>>
      tpu.enqueue_dma source(%dma_start3A_113 : memref<80x128xf32, #tpu.memory_space<vmem_shared>>) target(%arg8 : memref<80x128xf32, #tpu.memory_space<vmem>>) target_semaphore(%run_scoped3A : memref<!tpu.dma_semaphore, #tpu.memory_space<semaphore_mem>>)
      %dma_wait3A = arith.constant 0 : i32
      %dma_wait3A_114 = tpu.memref_slice %arg7[%add3A_70, %dma_wait3A] : memref<10240x128xf32, #tpu.memory_space<vmem_shared>> -> memref<80x128xf32, #tpu.memory_space<vmem_shared>>
      %dma_wait3A_115 = arith.constant 0 : i32
      %dma_wait3A_116 = tpu.memref_slice %arg7[%add3A_70, %dma_wait3A_115] : memref<10240x128xf32, #tpu.memory_space<vmem_shared>> -> memref<80x128xf32, #tpu.memory_space<vmem_shared>>
      tpu.wait_dma2 semaphore(%run_scoped3A : memref<!tpu.dma_semaphore, #tpu.memory_space<semaphore_mem>>) src(%dma_wait3A_116 : memref<80x128xf32, #tpu.memory_space<vmem_shared>>) dst(%arg8 : memref<80x128xf32, #tpu.memory_space<vmem>>)
      tpu.yield
    }) : () -> ()
    %mul3A_71 = arith.constant 10240 : i32
    %mul3A_72 = arith.muli %arg0, %mul3A_71 : i32
    %add3A_73 = arith.addi %mul3A_72, %add3A_70 : i32
    "tpu.region"() ({
      %run_scoped3A = tpu.sem_alloc : memref<!tpu.dma_semaphore, #tpu.memory_space<semaphore_mem>>
      %dma_start3A = arith.constant 0 : i32
      %dma_start3A_111 = tpu.memref_slice %arg6[%add3A_73, %dma_start3A] : memref<20480x128xf32, #tpu.memory_space<hbm>> -> memref<80x128xf32, #tpu.memory_space<hbm>>
      %dma_start3A_112 = arith.constant 0 : i32
      %dma_start3A_113 = tpu.memref_slice %arg6[%add3A_73, %dma_start3A_112] : memref<20480x128xf32, #tpu.memory_space<hbm>> -> memref<80x128xf32, #tpu.memory_space<hbm>>
      tpu.enqueue_dma source(%arg8 : memref<80x128xf32, #tpu.memory_space<vmem>>) target(%dma_start3A_113 : memref<80x128xf32, #tpu.memory_space<hbm>>) target_semaphore(%run_scoped3A : memref<!tpu.dma_semaphore, #tpu.memory_space<semaphore_mem>>)
      %dma_wait3A = arith.constant 0 : i32
      %dma_wait3A_114 = tpu.memref_slice %arg6[%add3A_73, %dma_wait3A] : memref<20480x128xf32, #tpu.memory_space<hbm>> -> memref<80x128xf32, #tpu.memory_space<hbm>>
      %dma_wait3A_115 = arith.constant 0 : i32
      %dma_wait3A_116 = tpu.memref_slice %arg6[%add3A_73, %dma_wait3A_115] : memref<20480x128xf32, #tpu.memory_space<hbm>> -> memref<80x128xf32, #tpu.memory_space<hbm>>
      tpu.wait_dma2 semaphore(%run_scoped3A : memref<!tpu.dma_semaphore, #tpu.memory_space<semaphore_mem>>) src(%arg8 : memref<80x128xf32, #tpu.memory_space<vmem>>) dst(%dma_wait3A_116 : memref<80x128xf32, #tpu.memory_space<hbm>>)
      tpu.yield
    }) : () -> ()
    %mul3A_74 = arith.constant 640 : i32
    %mul3A_75 = arith.muli %arg1, %mul3A_74 : i32
    %add3A_76 = arith.constant 400 : i32
    %add3A_77 = arith.addi %mul3A_75, %add3A_76 : i32
    "tpu.region"() ({
      %run_scoped3A = tpu.sem_alloc : memref<!tpu.dma_semaphore, #tpu.memory_space<semaphore_mem>>
      %dma_start3A = arith.constant 0 : i32
      %dma_start3A_111 = tpu.memref_slice %arg7[%add3A_77, %dma_start3A] : memref<10240x128xf32, #tpu.memory_space<vmem_shared>> -> memref<80x128xf32, #tpu.memory_space<vmem_shared>>
      %dma_start3A_112 = arith.constant 0 : i32
      %dma_start3A_113 = tpu.memref_slice %arg7[%add3A_77, %dma_start3A_112] : memref<10240x128xf32, #tpu.memory_space<vmem_shared>> -> memref<80x128xf32, #tpu.memory_space<vmem_shared>>
      tpu.enqueue_dma source(%dma_start3A_113 : memref<80x128xf32, #tpu.memory_space<vmem_shared>>) target(%arg8 : memref<80x128xf32, #tpu.memory_space<vmem>>) target_semaphore(%run_scoped3A : memref<!tpu.dma_semaphore, #tpu.memory_space<semaphore_mem>>)
      %dma_wait3A = arith.constant 0 : i32
      %dma_wait3A_114 = tpu.memref_slice %arg7[%add3A_77, %dma_wait3A] : memref<10240x128xf32, #tpu.memory_space<vmem_shared>> -> memref<80x128xf32, #tpu.memory_space<vmem_shared>>
      %dma_wait3A_115 = arith.constant 0 : i32
      %dma_wait3A_116 = tpu.memref_slice %arg7[%add3A_77, %dma_wait3A_115] : memref<10240x128xf32, #tpu.memory_space<vmem_shared>> -> memref<80x128xf32, #tpu.memory_space<vmem_shared>>
      tpu.wait_dma2 semaphore(%run_scoped3A : memref<!tpu.dma_semaphore, #tpu.memory_space<semaphore_mem>>) src(%dma_wait3A_116 : memref<80x128xf32, #tpu.memory_space<vmem_shared>>) dst(%arg8 : memref<80x128xf32, #tpu.memory_space<vmem>>)
      tpu.yield
    }) : () -> ()
    %mul3A_78 = arith.constant 10240 : i32
    %mul3A_79 = arith.muli %arg0, %mul3A_78 : i32
    %add3A_80 = arith.addi %mul3A_79, %add3A_77 : i32
    "tpu.region"() ({
      %run_scoped3A = tpu.sem_alloc : memref<!tpu.dma_semaphore, #tpu.memory_space<semaphore_mem>>
      %dma_start3A = arith.constant 0 : i32
      %dma_start3A_111 = tpu.memref_slice %arg6[%add3A_80, %dma_start3A] : memref<20480x128xf32, #tpu.memory_space<hbm>> -> memref<80x128xf32, #tpu.memory_space<hbm>>
      %dma_start3A_112 = arith.constant 0 : i32
      %dma_start3A_113 = tpu.memref_slice %arg6[%add3A_80, %dma_start3A_112] : memref<20480x128xf32, #tpu.memory_space<hbm>> -> memref<80x128xf32, #tpu.memory_space<hbm>>
      tpu.enqueue_dma source(%arg8 : memref<80x128xf32, #tpu.memory_space<vmem>>) target(%dma_start3A_113 : memref<80x128xf32, #tpu.memory_space<hbm>>) target_semaphore(%run_scoped3A : memref<!tpu.dma_semaphore, #tpu.memory_space<semaphore_mem>>)
      %dma_wait3A = arith.constant 0 : i32
      %dma_wait3A_114 = tpu.memref_slice %arg6[%add3A_80, %dma_wait3A] : memref<20480x128xf32, #tpu.memory_space<hbm>> -> memref<80x128xf32, #tpu.memory_space<hbm>>
      %dma_wait3A_115 = arith.constant 0 : i32
      %dma_wait3A_116 = tpu.memref_slice %arg6[%add3A_80, %dma_wait3A_115] : memref<20480x128xf32, #tpu.memory_space<hbm>> -> memref<80x128xf32, #tpu.memory_space<hbm>>
      tpu.wait_dma2 semaphore(%run_scoped3A : memref<!tpu.dma_semaphore, #tpu.memory_space<semaphore_mem>>) src(%arg8 : memref<80x128xf32, #tpu.memory_space<vmem>>) dst(%dma_wait3A_116 : memref<80x128xf32, #tpu.memory_space<hbm>>)
      tpu.yield
    }) : () -> ()
    %mul3A_81 = arith.constant 640 : i32
    %mul3A_82 = arith.muli %arg1, %mul3A_81 : i32
    %add3A_83 = arith.constant 480 : i32
    %add3A_84 = arith.addi %mul3A_82, %add3A_83 : i32
    "tpu.region"() ({
      %run_scoped3A = tpu.sem_alloc : memref<!tpu.dma_semaphore, #tpu.memory_space<semaphore_mem>>
      %dma_start3A = arith.constant 0 : i32
      %dma_start3A_111 = tpu.memref_slice %arg7[%add3A_84, %dma_start3A] : memref<10240x128xf32, #tpu.memory_space<vmem_shared>> -> memref<80x128xf32, #tpu.memory_space<vmem_shared>>
      %dma_start3A_112 = arith.constant 0 : i32
      %dma_start3A_113 = tpu.memref_slice %arg7[%add3A_84, %dma_start3A_112] : memref<10240x128xf32, #tpu.memory_space<vmem_shared>> -> memref<80x128xf32, #tpu.memory_space<vmem_shared>>
      tpu.enqueue_dma source(%dma_start3A_113 : memref<80x128xf32, #tpu.memory_space<vmem_shared>>) target(%arg8 : memref<80x128xf32, #tpu.memory_space<vmem>>) target_semaphore(%run_scoped3A : memref<!tpu.dma_semaphore, #tpu.memory_space<semaphore_mem>>)
      %dma_wait3A = arith.constant 0 : i32
      %dma_wait3A_114 = tpu.memref_slice %arg7[%add3A_84, %dma_wait3A] : memref<10240x128xf32, #tpu.memory_space<vmem_shared>> -> memref<80x128xf32, #tpu.memory_space<vmem_shared>>
      %dma_wait3A_115 = arith.constant 0 : i32
      %dma_wait3A_116 = tpu.memref_slice %arg7[%add3A_84, %dma_wait3A_115] : memref<10240x128xf32, #tpu.memory_space<vmem_shared>> -> memref<80x128xf32, #tpu.memory_space<vmem_shared>>
      tpu.wait_dma2 semaphore(%run_scoped3A : memref<!tpu.dma_semaphore, #tpu.memory_space<semaphore_mem>>) src(%dma_wait3A_116 : memref<80x128xf32, #tpu.memory_space<vmem_shared>>) dst(%arg8 : memref<80x128xf32, #tpu.memory_space<vmem>>)
      tpu.yield
    }) : () -> ()
    %mul3A_85 = arith.constant 10240 : i32
    %mul3A_86 = arith.muli %arg0, %mul3A_85 : i32
    %add3A_87 = arith.addi %mul3A_86, %add3A_84 : i32
    "tpu.region"() ({
      %run_scoped3A = tpu.sem_alloc : memref<!tpu.dma_semaphore, #tpu.memory_space<semaphore_mem>>
      %dma_start3A = arith.constant 0 : i32
      %dma_start3A_111 = tpu.memref_slice %arg6[%add3A_87, %dma_start3A] : memref<20480x128xf32, #tpu.memory_space<hbm>> -> memref<80x128xf32, #tpu.memory_space<hbm>>
      %dma_start3A_112 = arith.constant 0 : i32
      %dma_start3A_113 = tpu.memref_slice %arg6[%add3A_87, %dma_start3A_112] : memref<20480x128xf32, #tpu.memory_space<hbm>> -> memref<80x128xf32, #tpu.memory_space<hbm>>
      tpu.enqueue_dma source(%arg8 : memref<80x128xf32, #tpu.memory_space<vmem>>) target(%dma_start3A_113 : memref<80x128xf32, #tpu.memory_space<hbm>>) target_semaphore(%run_scoped3A : memref<!tpu.dma_semaphore, #tpu.memory_space<semaphore_mem>>)
      %dma_wait3A = arith.constant 0 : i32
      %dma_wait3A_114 = tpu.memref_slice %arg6[%add3A_87, %dma_wait3A] : memref<20480x128xf32, #tpu.memory_space<hbm>> -> memref<80x128xf32, #tpu.memory_space<hbm>>
      %dma_wait3A_115 = arith.constant 0 : i32
      %dma_wait3A_116 = tpu.memref_slice %arg6[%add3A_87, %dma_wait3A_115] : memref<20480x128xf32, #tpu.memory_space<hbm>> -> memref<80x128xf32, #tpu.memory_space<hbm>>
      tpu.wait_dma2 semaphore(%run_scoped3A : memref<!tpu.dma_semaphore, #tpu.memory_space<semaphore_mem>>) src(%arg8 : memref<80x128xf32, #tpu.memory_space<vmem>>) dst(%dma_wait3A_116 : memref<80x128xf32, #tpu.memory_space<hbm>>)
      tpu.yield
    }) : () -> ()
    %mul3A_88 = arith.constant 640 : i32
    %mul3A_89 = arith.muli %arg1, %mul3A_88 : i32
    %add3A_90 = arith.constant 560 : i32
    %add3A_91 = arith.addi %mul3A_89, %add3A_90 : i32
    "tpu.region"() ({
      %run_scoped3A = tpu.sem_alloc : memref<!tpu.dma_semaphore, #tpu.memory_space<semaphore_mem>>
      %dma_start3A = arith.constant 0 : i32
      %dma_start3A_111 = tpu.memref_slice %arg7[%add3A_91, %dma_start3A] : memref<10240x128xf32, #tpu.memory_space<vmem_shared>> -> memref<80x128xf32, #tpu.memory_space<vmem_shared>>
      %dma_start3A_112 = arith.constant 0 : i32
      %dma_start3A_113 = tpu.memref_slice %arg7[%add3A_91, %dma_start3A_112] : memref<10240x128xf32, #tpu.memory_space<vmem_shared>> -> memref<80x128xf32, #tpu.memory_space<vmem_shared>>
      tpu.enqueue_dma source(%dma_start3A_113 : memref<80x128xf32, #tpu.memory_space<vmem_shared>>) target(%arg8 : memref<80x128xf32, #tpu.memory_space<vmem>>) target_semaphore(%run_scoped3A : memref<!tpu.dma_semaphore, #tpu.memory_space<semaphore_mem>>)
      %dma_wait3A = arith.constant 0 : i32
      %dma_wait3A_114 = tpu.memref_slice %arg7[%add3A_91, %dma_wait3A] : memref<10240x128xf32, #tpu.memory_space<vmem_shared>> -> memref<80x128xf32, #tpu.memory_space<vmem_shared>>
      %dma_wait3A_115 = arith.constant 0 : i32
      %dma_wait3A_116 = tpu.memref_slice %arg7[%add3A_91, %dma_wait3A_115] : memref<10240x128xf32, #tpu.memory_space<vmem_shared>> -> memref<80x128xf32, #tpu.memory_space<vmem_shared>>
      tpu.wait_dma2 semaphore(%run_scoped3A : memref<!tpu.dma_semaphore, #tpu.memory_space<semaphore_mem>>) src(%dma_wait3A_116 : memref<80x128xf32, #tpu.memory_space<vmem_shared>>) dst(%arg8 : memref<80x128xf32, #tpu.memory_space<vmem>>)
      tpu.yield
    }) : () -> ()
    %mul3A_92 = arith.constant 10240 : i32
    %mul3A_93 = arith.muli %arg0, %mul3A_92 : i32
    %add3A_94 = arith.addi %mul3A_93, %add3A_91 : i32
    "tpu.region"() ({
      %run_scoped3A = tpu.sem_alloc : memref<!tpu.dma_semaphore, #tpu.memory_space<semaphore_mem>>
      %dma_start3A = arith.constant 0 : i32
      %dma_start3A_111 = tpu.memref_slice %arg6[%add3A_94, %dma_start3A] : memref<20480x128xf32, #tpu.memory_space<hbm>> -> memref<80x128xf32, #tpu.memory_space<hbm>>
      %dma_start3A_112 = arith.constant 0 : i32
      %dma_start3A_113 = tpu.memref_slice %arg6[%add3A_94, %dma_start3A_112] : memref<20480x128xf32, #tpu.memory_space<hbm>> -> memref<80x128xf32, #tpu.memory_space<hbm>>
      tpu.enqueue_dma source(%arg8 : memref<80x128xf32, #tpu.memory_space<vmem>>) target(%dma_start3A_113 : memref<80x128xf32, #tpu.memory_space<hbm>>) target_semaphore(%run_scoped3A : memref<!tpu.dma_semaphore, #tpu.memory_space<semaphore_mem>>)
      %dma_wait3A = arith.constant 0 : i32
      %dma_wait3A_114 = tpu.memref_slice %arg6[%add3A_94, %dma_wait3A] : memref<20480x128xf32, #tpu.memory_space<hbm>> -> memref<80x128xf32, #tpu.memory_space<hbm>>
      %dma_wait3A_115 = arith.constant 0 : i32
      %dma_wait3A_116 = tpu.memref_slice %arg6[%add3A_94, %dma_wait3A_115] : memref<20480x128xf32, #tpu.memory_space<hbm>> -> memref<80x128xf32, #tpu.memory_space<hbm>>
      tpu.wait_dma2 semaphore(%run_scoped3A : memref<!tpu.dma_semaphore, #tpu.memory_space<semaphore_mem>>) src(%arg8 : memref<80x128xf32, #tpu.memory_space<vmem>>) dst(%dma_wait3A_116 : memref<80x128xf32, #tpu.memory_space<hbm>>)
      tpu.yield
    }) : () -> ()
    %barrier3A_95 = arith.constant 0 : index
    tpu.barrier barrier_id(%barrier3A_95)
    %mul3A_96 = arith.constant 80000 : i32
    %mul3A_97 = arith.muli %arg0, %mul3A_96 : i32
    %mul3A_98 = arith.constant 5120 : i32
    %mul3A_99 = arith.muli %arg1, %mul3A_98 : i32
    %min3A = arith.constant 74880 : i32
    %min3A_100 = arith.minsi %mul3A_99, %min3A : i32
    %add3A_101 = arith.addi %mul3A_97, %min3A_100 : i32
    %multiple_of3A = tpu.assume_multiple %add3A_101, 64 : i32
    %mul3A_102 = arith.constant 10240 : i32
    %mul3A_103 = arith.muli %arg0, %mul3A_102 : i32
    %scan3A_104 = arith.constant 0 : i32
    %scan3A_105 = arith.constant 0 : i32
    %scan3A_106 = arith.constant 80 : i32
    %scan3A_107 = arith.addi %scan3A_105, %scan3A_106 : i32
    %scan3A_108 = arith.constant 1 : i32
    %scan3A_109 = scf.for %scan3A_111 = %scan3A_105 to %scan3A_107 step %scan3A_108 iter_args(%scan3A_112 = %scan3A_104) -> (i32)  : i32 {
      %mul3A_113 = arith.constant 64 : i32
      %mul3A_114 = arith.muli %scan3A_111, %mul3A_113 : i32
      %add3A_115 = arith.addi %multiple_of3A, %mul3A_114 : i32
      "tpu.region"() ({
        %run_scoped3A = tpu.sem_alloc : memref<!tpu.dma_semaphore, #tpu.memory_space<semaphore_mem>>
        %dma_start3A_190 = tpu.memref_slice %arg2[%add3A_115] : memref<160000xi32, #tpu.memory_space<hbm>> -> memref<64xi32, #tpu.memory_space<hbm>>
        %dma_start3A_191 = tpu.memref_slice %arg2[%add3A_115] : memref<160000xi32, #tpu.memory_space<hbm>> -> memref<64xi32, #tpu.memory_space<hbm>>
        tpu.enqueue_dma source(%dma_start3A_191 : memref<64xi32, #tpu.memory_space<hbm>>) target(%arg13 : memref<64xi32, #tpu.memory_space<vmem>>) target_semaphore(%run_scoped3A : memref<!tpu.dma_semaphore, #tpu.memory_space<semaphore_mem>>)
        %dma_wait3A_192 = tpu.memref_slice %arg2[%add3A_115] : memref<160000xi32, #tpu.memory_space<hbm>> -> memref<64xi32, #tpu.memory_space<hbm>>
        %dma_wait3A_193 = tpu.memref_slice %arg2[%add3A_115] : memref<160000xi32, #tpu.memory_space<hbm>> -> memref<64xi32, #tpu.memory_space<hbm>>
        tpu.wait_dma2 semaphore(%run_scoped3A : memref<!tpu.dma_semaphore, #tpu.memory_space<semaphore_mem>>) src(%dma_wait3A_193 : memref<64xi32, #tpu.memory_space<hbm>>) dst(%arg13 : memref<64xi32, #tpu.memory_space<vmem>>)
        tpu.yield
      }) : () -> ()
      %get3A = arith.constant 0 : index
      %get3A_116 = tpu.vector_load %arg13[%get3A] {strides = array<i32>} : memref<64xi32, #tpu.memory_space<vmem>>, vector<16xi32>,
      %get3A_117 = vector.shape_cast %get3A_116 : vector<16xi32> to vector<16xi32>
      %add3A_118 = vector.broadcast %mul3A_103 : i32 to vector<16xi32>
      %add3A_119 = arith.addi %get3A_117, %add3A_118 : vector<16xi32>
      %swap3A = arith.constant 0 : index
      %swap3A_120 = tpu.vector_load %arg14[%swap3A] {strides = array<i32>} : memref<64xi32, #tpu.memory_space<vmem>>, vector<16xi32>,
      %swap3A_121 = vector.shape_cast %swap3A_120 : vector<16xi32> to vector<16xi32>
      %swap3A_122 = vector.shape_cast %add3A_119 : vector<16xi32> to vector<16xi32>
      tpu.vector_store %arg14[%swap3A], %swap3A_122 {strides = array<i32>} : memref<64xi32, #tpu.memory_space<vmem>>, vector<16xi32>,
      %get3A_123 = arith.constant 16 : index
      %get3A_124 = tpu.vector_load %arg13[%get3A_123] {strides = array<i32>} : memref<64xi32, #tpu.memory_space<vmem>>, vector<16xi32>,
      %get3A_125 = vector.shape_cast %get3A_124 : vector<16xi32> to vector<16xi32>
      %add3A_126 = vector.broadcast %mul3A_103 : i32 to vector<16xi32>
      %add3A_127 = arith.addi %get3A_125, %add3A_126 : vector<16xi32>
      %swap3A_128 = arith.constant 16 : index
      %swap3A_129 = tpu.vector_load %arg14[%swap3A_128] {strides = array<i32>} : memref<64xi32, #tpu.memory_space<vmem>>, vector<16xi32>,
      %swap3A_130 = vector.shape_cast %swap3A_129 : vector<16xi32> to vector<16xi32>
      %swap3A_131 = vector.shape_cast %add3A_127 : vector<16xi32> to vector<16xi32>
      tpu.vector_store %arg14[%swap3A_128], %swap3A_131 {strides = array<i32>} : memref<64xi32, #tpu.memory_space<vmem>>, vector<16xi32>,
      %get3A_132 = arith.constant 32 : index
      %get3A_133 = tpu.vector_load %arg13[%get3A_132] {strides = array<i32>} : memref<64xi32, #tpu.memory_space<vmem>>, vector<16xi32>,
      %get3A_134 = vector.shape_cast %get3A_133 : vector<16xi32> to vector<16xi32>
      %add3A_135 = vector.broadcast %mul3A_103 : i32 to vector<16xi32>
      %add3A_136 = arith.addi %get3A_134, %add3A_135 : vector<16xi32>
      %swap3A_137 = arith.constant 32 : index
      %swap3A_138 = tpu.vector_load %arg14[%swap3A_137] {strides = array<i32>} : memref<64xi32, #tpu.memory_space<vmem>>, vector<16xi32>,
      %swap3A_139 = vector.shape_cast %swap3A_138 : vector<16xi32> to vector<16xi32>
      %swap3A_140 = vector.shape_cast %add3A_136 : vector<16xi32> to vector<16xi32>
      tpu.vector_store %arg14[%swap3A_137], %swap3A_140 {strides = array<i32>} : memref<64xi32, #tpu.memory_space<vmem>>, vector<16xi32>,
      %get3A_141 = arith.constant 48 : index
      %get3A_142 = tpu.vector_load %arg13[%get3A_141] {strides = array<i32>} : memref<64xi32, #tpu.memory_space<vmem>>, vector<16xi32>,
      %get3A_143 = vector.shape_cast %get3A_142 : vector<16xi32> to vector<16xi32>
      %add3A_144 = vector.broadcast %mul3A_103 : i32 to vector<16xi32>
      %add3A_145 = arith.addi %get3A_143, %add3A_144 : vector<16xi32>
      %swap3A_146 = arith.constant 48 : index
      %swap3A_147 = tpu.vector_load %arg14[%swap3A_146] {strides = array<i32>} : memref<64xi32, #tpu.memory_space<vmem>>, vector<16xi32>,
      %swap3A_148 = vector.shape_cast %swap3A_147 : vector<16xi32> to vector<16xi32>
      %swap3A_149 = vector.shape_cast %add3A_145 : vector<16xi32> to vector<16xi32>
      tpu.vector_store %arg14[%swap3A_146], %swap3A_149 {strides = array<i32>} : memref<64xi32, #tpu.memory_space<vmem>>, vector<16xi32>,
      %dma_start3A = arith.constant 0 : i32
      %dma_start3A_150 = arith.constant 0 : i32
      %dma_start3A_151 = tpu.memref_slice %arg6[%dma_start3A, %dma_start3A_150] : memref<20480x128xf32, #tpu.memory_space<hbm>> -> memref<20480x128xf32, #tpu.memory_space<hbm>>
      tpu.enqueue_indirect_dma source(%dma_start3A_151 : memref<20480x128xf32, #tpu.memory_space<hbm>>) target(%arg10 : memref<64x128xf32, #tpu.memory_space<vmem>>) offsets(%arg14 : memref<64xi32, #tpu.memory_space<vmem>>) semaphore(%arg15 : memref<!tpu.dma_semaphore, #tpu.memory_space<semaphore_mem>>)
      %dma_start3A_152 = arith.constant 0 : i32
      %dma_start3A_153 = tpu.memref_slice %arg3[%add3A_115, %dma_start3A_152] : memref<160000x128xf32, #tpu.memory_space<hbm>> -> memref<64x128xf32, #tpu.memory_space<hbm>>
      %dma_start3A_154 = arith.constant 0 : i32
      %dma_start3A_155 = tpu.memref_slice %arg3[%add3A_115, %dma_start3A_154] : memref<160000x128xf32, #tpu.memory_space<hbm>> -> memref<64x128xf32, #tpu.memory_space<hbm>>
      tpu.enqueue_dma source(%dma_start3A_155 : memref<64x128xf32, #tpu.memory_space<hbm>>) target(%arg9 : memref<64x128xf32, #tpu.memory_space<vmem>>) target_semaphore(%arg16 : memref<!tpu.dma_semaphore, #tpu.memory_space<semaphore_mem>>)
      %dma_wait3A = arith.constant 0 : i32
      %dma_wait3A_156 = arith.constant 0 : i32
      %dma_wait3A_157 = tpu.memref_slice %arg6[%dma_wait3A, %dma_wait3A_156] : memref<20480x128xf32, #tpu.memory_space<hbm>> -> memref<20480x128xf32, #tpu.memory_space<hbm>>
      tpu.wait_indirect_dma semaphore(%arg15 : memref<!tpu.dma_semaphore, #tpu.memory_space<semaphore_mem>>) src(%dma_wait3A_157 : memref<20480x128xf32, #tpu.memory_space<hbm>>) dst(%arg10 : memref<64x128xf32, #tpu.memory_space<vmem>>)
      %dma_wait3A_158 = arith.constant 0 : i32
      %dma_wait3A_159 = tpu.memref_slice %arg3[%add3A_115, %dma_wait3A_158] : memref<160000x128xf32, #tpu.memory_space<hbm>> -> memref<64x128xf32, #tpu.memory_space<hbm>>
      %dma_wait3A_160 = arith.constant 0 : i32
      %dma_wait3A_161 = tpu.memref_slice %arg3[%add3A_115, %dma_wait3A_160] : memref<160000x128xf32, #tpu.memory_space<hbm>> -> memref<64x128xf32, #tpu.memory_space<hbm>>
      tpu.wait_dma2 semaphore(%arg16 : memref<!tpu.dma_semaphore, #tpu.memory_space<semaphore_mem>>) src(%dma_wait3A_161 : memref<64x128xf32, #tpu.memory_space<hbm>>) dst(%arg9 : memref<64x128xf32, #tpu.memory_space<vmem>>)
      %scan3A_162 = arith.constant 0 : i32
      %scan3A_163 = arith.constant 0 : i32
      %scan3A_164 = arith.constant 8 : i32
      %scan3A_165 = arith.addi %scan3A_163, %scan3A_164 : i32
      %scan3A_166 = arith.constant 1 : i32
      %scan3A_167 = scf.for %scan3A_190 = %scan3A_163 to %scan3A_165 step %scan3A_166 iter_args(%scan3A_191 = %scan3A_162) -> (i32)  : i32 {
        %mul3A_192 = arith.constant 8 : i32
        %mul3A_193 = arith.muli %scan3A_190, %mul3A_192 : i32
        %add3A_194 = arith.constant 0 : i32
        %add3A_195 = arith.addi %mul3A_193, %add3A_194 : i32
        %get3A_196 = arith.index_cast %add3A_195 : i32 to index
        %get3A_197 = arith.constant 0 : index
        %get3A_198 = tpu.vector_load %arg10[%get3A_196, %get3A_197] {strides = array<i32>} : memref<64x128xf32, #tpu.memory_space<vmem>>, vector<1x16xf32>,
        %get3A_199 = vector.shape_cast %get3A_198 : vector<1x16xf32> to vector<16xf32>
        %get3A_200 = arith.index_cast %add3A_195 : i32 to index
        %get3A_201 = arith.constant 0 : index
        %get3A_202 = tpu.vector_load %arg9[%get3A_200, %get3A_201] {strides = array<i32>} : memref<64x128xf32, #tpu.memory_space<vmem>>, vector<1x16xf32>,
        %get3A_203 = vector.shape_cast %get3A_202 : vector<1x16xf32> to vector<16xf32>
        %mul3A_204 = arith.mulf %get3A_199, %get3A_203 : vector<16xf32>
        %get3A_205 = arith.index_cast %add3A_195 : i32 to index
        %get3A_206 = arith.constant 16 : index
        %get3A_207 = tpu.vector_load %arg10[%get3A_205, %get3A_206] {strides = array<i32>} : memref<64x128xf32, #tpu.memory_space<vmem>>, vector<1x16xf32>,
        %get3A_208 = vector.shape_cast %get3A_207 : vector<1x16xf32> to vector<16xf32>
        %get3A_209 = arith.index_cast %add3A_195 : i32 to index
        %get3A_210 = arith.constant 16 : index
        %get3A_211 = tpu.vector_load %arg9[%get3A_209, %get3A_210] {strides = array<i32>} : memref<64x128xf32, #tpu.memory_space<vmem>>, vector<1x16xf32>,
        %get3A_212 = vector.shape_cast %get3A_211 : vector<1x16xf32> to vector<16xf32>
        %mul3A_213 = arith.mulf %get3A_208, %get3A_212 : vector<16xf32>
        %add3A_214 = arith.addf %mul3A_204, %mul3A_213 : vector<16xf32>
        %get3A_215 = arith.index_cast %add3A_195 : i32 to index
        %get3A_216 = arith.constant 32 : index
        %get3A_217 = tpu.vector_load %arg10[%get3A_215, %get3A_216] {strides = array<i32>} : memref<64x128xf32, #tpu.memory_space<vmem>>, vector<1x16xf32>,
        %get3A_218 = vector.shape_cast %get3A_217 : vector<1x16xf32> to vector<16xf32>
        %get3A_219 = arith.index_cast %add3A_195 : i32 to index
        %get3A_220 = arith.constant 32 : index
        %get3A_221 = tpu.vector_load %arg9[%get3A_219, %get3A_220] {strides = array<i32>} : memref<64x128xf32, #tpu.memory_space<vmem>>, vector<1x16xf32>,
        %get3A_222 = vector.shape_cast %get3A_221 : vector<1x16xf32> to vector<16xf32>
        %mul3A_223 = arith.mulf %get3A_218, %get3A_222 : vector<16xf32>
        %add3A_224 = arith.addf %add3A_214, %mul3A_223 : vector<16xf32>
        %get3A_225 = arith.index_cast %add3A_195 : i32 to index
        %get3A_226 = arith.constant 48 : index
        %get3A_227 = tpu.vector_load %arg10[%get3A_225, %get3A_226] {strides = array<i32>} : memref<64x128xf32, #tpu.memory_space<vmem>>, vector<1x16xf32>,
        %get3A_228 = vector.shape_cast %get3A_227 : vector<1x16xf32> to vector<16xf32>
        %get3A_229 = arith.index_cast %add3A_195 : i32 to index
        %get3A_230 = arith.constant 48 : index
        %get3A_231 = tpu.vector_load %arg9[%get3A_229, %get3A_230] {strides = array<i32>} : memref<64x128xf32, #tpu.memory_space<vmem>>, vector<1x16xf32>,
        %get3A_232 = vector.shape_cast %get3A_231 : vector<1x16xf32> to vector<16xf32>
        %mul3A_233 = arith.mulf %get3A_228, %get3A_232 : vector<16xf32>
        %add3A_234 = arith.addf %add3A_224, %mul3A_233 : vector<16xf32>
        %max3A = arith.constant 1.000000e+00 : f32
        %max3A_235 = vector.broadcast %max3A : f32 to vector<16xf32>
        %max3A_236 = arith.maximumf %add3A_234, %max3A_235 : vector<16xf32>
        %div3A_237 = arith.constant 1.000000e+00 : f32
        %div3A_238 = vector.broadcast %div3A_237 : f32 to vector<16xf32>
        %div3A_239 = arith.divf %div3A_238, %max3A_236 : vector<16xf32>
        %swap3A_240 = arith.index_cast %scan3A_190 : i32 to index
        %swap3A_241 = arith.constant 0 : index
        %swap3A_242 = tpu.vector_load %arg11[%swap3A_240, %swap3A_241] {strides = array<i32>} : memref<8x128xf32, #tpu.memory_space<vmem>>, vector<1x16xf32>,
        %swap3A_243 = vector.shape_cast %swap3A_242 : vector<1x16xf32> to vector<16xf32>
        %swap3A_244 = vector.shape_cast %div3A_239 : vector<16xf32> to vector<1x16xf32>
        tpu.vector_store %arg11[%swap3A_240, %swap3A_241], %swap3A_244 {strides = array<i32>} : memref<8x128xf32, #tpu.memory_space<vmem>>, vector<1x16xf32>,
        %mul3A_245 = arith.constant 8 : i32
        %mul3A_246 = arith.muli %scan3A_190, %mul3A_245 : i32
        %add3A_247 = arith.constant 1 : i32
        %add3A_248 = arith.addi %mul3A_246, %add3A_247 : i32
        %get3A_249 = arith.index_cast %add3A_248 : i32 to index
        %get3A_250 = arith.constant 0 : index
        %get3A_251 = tpu.vector_load %arg10[%get3A_249, %get3A_250] {strides = array<i32>} : memref<64x128xf32, #tpu.memory_space<vmem>>, vector<1x16xf32>,
        %get3A_252 = vector.shape_cast %get3A_251 : vector<1x16xf32> to vector<16xf32>
        %get3A_253 = arith.index_cast %add3A_248 : i32 to index
        %get3A_254 = arith.constant 0 : index
        %get3A_255 = tpu.vector_load %arg9[%get3A_253, %get3A_254] {strides = array<i32>} : memref<64x128xf32, #tpu.memory_space<vmem>>, vector<1x16xf32>,
        %get3A_256 = vector.shape_cast %get3A_255 : vector<1x16xf32> to vector<16xf32>
        %mul3A_257 = arith.mulf %get3A_252, %get3A_256 : vector<16xf32>
        %get3A_258 = arith.index_cast %add3A_248 : i32 to index
        %get3A_259 = arith.constant 16 : index
        %get3A_260 = tpu.vector_load %arg10[%get3A_258, %get3A_259] {strides = array<i32>} : memref<64x128xf32, #tpu.memory_space<vmem>>, vector<1x16xf32>,
        %get3A_261 = vector.shape_cast %get3A_260 : vector<1x16xf32> to vector<16xf32>
        %get3A_262 = arith.index_cast %add3A_248 : i32 to index
        %get3A_263 = arith.constant 16 : index
        %get3A_264 = tpu.vector_load %arg9[%get3A_262, %get3A_263] {strides = array<i32>} : memref<64x128xf32, #tpu.memory_space<vmem>>, vector<1x16xf32>,
        %get3A_265 = vector.shape_cast %get3A_264 : vector<1x16xf32> to vector<16xf32>
        %mul3A_266 = arith.mulf %get3A_261, %get3A_265 : vector<16xf32>
        %add3A_267 = arith.addf %mul3A_257, %mul3A_266 : vector<16xf32>
        %get3A_268 = arith.index_cast %add3A_248 : i32 to index
        %get3A_269 = arith.constant 32 : index
        %get3A_270 = tpu.vector_load %arg10[%get3A_268, %get3A_269] {strides = array<i32>} : memref<64x128xf32, #tpu.memory_space<vmem>>, vector<1x16xf32>,
        %get3A_271 = vector.shape_cast %get3A_270 : vector<1x16xf32> to vector<16xf32>
        %get3A_272 = arith.index_cast %add3A_248 : i32 to index
        %get3A_273 = arith.constant 32 : index
        %get3A_274 = tpu.vector_load %arg9[%get3A_272, %get3A_273] {strides = array<i32>} : memref<64x128xf32, #tpu.memory_space<vmem>>, vector<1x16xf32>,
        %get3A_275 = vector.shape_cast %get3A_274 : vector<1x16xf32> to vector<16xf32>
        %mul3A_276 = arith.mulf %get3A_271, %get3A_275 : vector<16xf32>
        %add3A_277 = arith.addf %add3A_267, %mul3A_276 : vector<16xf32>
        %get3A_278 = arith.index_cast %add3A_248 : i32 to index
        %get3A_279 = arith.constant 48 : index
        %get3A_280 = tpu.vector_load %arg10[%get3A_278, %get3A_279] {strides = array<i32>} : memref<64x128xf32, #tpu.memory_space<vmem>>, vector<1x16xf32>,
        %get3A_281 = vector.shape_cast %get3A_280 : vector<1x16xf32> to vector<16xf32>
        %get3A_282 = arith.index_cast %add3A_248 : i32 to index
        %get3A_283 = arith.constant 48 : index
        %get3A_284 = tpu.vector_load %arg9[%get3A_282, %get3A_283] {strides = array<i32>} : memref<64x128xf32, #tpu.memory_space<vmem>>, vector<1x16xf32>,
        %get3A_285 = vector.shape_cast %get3A_284 : vector<1x16xf32> to vector<16xf32>
        %mul3A_286 = arith.mulf %get3A_281, %get3A_285 : vector<16xf32>
        %add3A_287 = arith.addf %add3A_277, %mul3A_286 : vector<16xf32>
        %max3A_288 = arith.constant 1.000000e+00 : f32
        %max3A_289 = vector.broadcast %max3A_288 : f32 to vector<16xf32>
        %max3A_290 = arith.maximumf %add3A_287, %max3A_289 : vector<16xf32>
        %div3A_291 = arith.constant 1.000000e+00 : f32
        %div3A_292 = vector.broadcast %div3A_291 : f32 to vector<16xf32>
        %div3A_293 = arith.divf %div3A_292, %max3A_290 : vector<16xf32>
        %swap3A_294 = arith.index_cast %scan3A_190 : i32 to index
        %swap3A_295 = arith.constant 16 : index
        %swap3A_296 = tpu.vector_load %arg11[%swap3A_294, %swap3A_295] {strides = array<i32>} : memref<8x128xf32, #tpu.memory_space<vmem>>, vector<1x16xf32>,
        %swap3A_297 = vector.shape_cast %swap3A_296 : vector<1x16xf32> to vector<16xf32>
        %swap3A_298 = vector.shape_cast %div3A_293 : vector<16xf32> to vector<1x16xf32>
        tpu.vector_store %arg11[%swap3A_294, %swap3A_295], %swap3A_298 {strides = array<i32>} : memref<8x128xf32, #tpu.memory_space<vmem>>, vector<1x16xf32>,
        %mul3A_299 = arith.constant 8 : i32
        %mul3A_300 = arith.muli %scan3A_190, %mul3A_299 : i32
        %add3A_301 = arith.constant 2 : i32
        %add3A_302 = arith.addi %mul3A_300, %add3A_301 : i32
        %get3A_303 = arith.index_cast %add3A_302 : i32 to index
        %get3A_304 = arith.constant 0 : index
        %get3A_305 = tpu.vector_load %arg10[%get3A_303, %get3A_304] {strides = array<i32>} : memref<64x128xf32, #tpu.memory_space<vmem>>, vector<1x16xf32>,
        %get3A_306 = vector.shape_cast %get3A_305 : vector<1x16xf32> to vector<16xf32>
        %get3A_307 = arith.index_cast %add3A_302 : i32 to index
        %get3A_308 = arith.constant 0 : index
        %get3A_309 = tpu.vector_load %arg9[%get3A_307, %get3A_308] {strides = array<i32>} : memref<64x128xf32, #tpu.memory_space<vmem>>, vector<1x16xf32>,
        %get3A_310 = vector.shape_cast %get3A_309 : vector<1x16xf32> to vector<16xf32>
        %mul3A_311 = arith.mulf %get3A_306, %get3A_310 : vector<16xf32>
        %get3A_312 = arith.index_cast %add3A_302 : i32 to index
        %get3A_313 = arith.constant 16 : index
        %get3A_314 = tpu.vector_load %arg10[%get3A_312, %get3A_313] {strides = array<i32>} : memref<64x128xf32, #tpu.memory_space<vmem>>, vector<1x16xf32>,
        %get3A_315 = vector.shape_cast %get3A_314 : vector<1x16xf32> to vector<16xf32>
        %get3A_316 = arith.index_cast %add3A_302 : i32 to index
        %get3A_317 = arith.constant 16 : index
        %get3A_318 = tpu.vector_load %arg9[%get3A_316, %get3A_317] {strides = array<i32>} : memref<64x128xf32, #tpu.memory_space<vmem>>, vector<1x16xf32>,
        %get3A_319 = vector.shape_cast %get3A_318 : vector<1x16xf32> to vector<16xf32>
        %mul3A_320 = arith.mulf %get3A_315, %get3A_319 : vector<16xf32>
        %add3A_321 = arith.addf %mul3A_311, %mul3A_320 : vector<16xf32>
        %get3A_322 = arith.index_cast %add3A_302 : i32 to index
        %get3A_323 = arith.constant 32 : index
        %get3A_324 = tpu.vector_load %arg10[%get3A_322, %get3A_323] {strides = array<i32>} : memref<64x128xf32, #tpu.memory_space<vmem>>, vector<1x16xf32>,
        %get3A_325 = vector.shape_cast %get3A_324 : vector<1x16xf32> to vector<16xf32>
        %get3A_326 = arith.index_cast %add3A_302 : i32 to index
        %get3A_327 = arith.constant 32 : index
        %get3A_328 = tpu.vector_load %arg9[%get3A_326, %get3A_327] {strides = array<i32>} : memref<64x128xf32, #tpu.memory_space<vmem>>, vector<1x16xf32>,
        %get3A_329 = vector.shape_cast %get3A_328 : vector<1x16xf32> to vector<16xf32>
        %mul3A_330 = arith.mulf %get3A_325, %get3A_329 : vector<16xf32>
        %add3A_331 = arith.addf %add3A_321, %mul3A_330 : vector<16xf32>
        %get3A_332 = arith.index_cast %add3A_302 : i32 to index
        %get3A_333 = arith.constant 48 : index
        %get3A_334 = tpu.vector_load %arg10[%get3A_332, %get3A_333] {strides = array<i32>} : memref<64x128xf32, #tpu.memory_space<vmem>>, vector<1x16xf32>,
        %get3A_335 = vector.shape_cast %get3A_334 : vector<1x16xf32> to vector<16xf32>
        %get3A_336 = arith.index_cast %add3A_302 : i32 to index
        %get3A_337 = arith.constant 48 : index
        %get3A_338 = tpu.vector_load %arg9[%get3A_336, %get3A_337] {strides = array<i32>} : memref<64x128xf32, #tpu.memory_space<vmem>>, vector<1x16xf32>,
        %get3A_339 = vector.shape_cast %get3A_338 : vector<1x16xf32> to vector<16xf32>
        %mul3A_340 = arith.mulf %get3A_335, %get3A_339 : vector<16xf32>
        %add3A_341 = arith.addf %add3A_331, %mul3A_340 : vector<16xf32>
        %max3A_342 = arith.constant 1.000000e+00 : f32
        %max3A_343 = vector.broadcast %max3A_342 : f32 to vector<16xf32>
        %max3A_344 = arith.maximumf %add3A_341, %max3A_343 : vector<16xf32>
        %div3A_345 = arith.constant 1.000000e+00 : f32
        %div3A_346 = vector.broadcast %div3A_345 : f32 to vector<16xf32>
        %div3A_347 = arith.divf %div3A_346, %max3A_344 : vector<16xf32>
        %swap3A_348 = arith.index_cast %scan3A_190 : i32 to index
        %swap3A_349 = arith.constant 32 : index
        %swap3A_350 = tpu.vector_load %arg11[%swap3A_348, %swap3A_349] {strides = array<i32>} : memref<8x128xf32, #tpu.memory_space<vmem>>, vector<1x16xf32>,
        %swap3A_351 = vector.shape_cast %swap3A_350 : vector<1x16xf32> to vector<16xf32>
        %swap3A_352 = vector.shape_cast %div3A_347 : vector<16xf32> to vector<1x16xf32>
        tpu.vector_store %arg11[%swap3A_348, %swap3A_349], %swap3A_352 {strides = array<i32>} : memref<8x128xf32, #tpu.memory_space<vmem>>, vector<1x16xf32>,
        %mul3A_353 = arith.constant 8 : i32
        %mul3A_354 = arith.muli %scan3A_190, %mul3A_353 : i32
        %add3A_355 = arith.constant 3 : i32
        %add3A_356 = arith.addi %mul3A_354, %add3A_355 : i32
        %get3A_357 = arith.index_cast %add3A_356 : i32 to index
        %get3A_358 = arith.constant 0 : index
        %get3A_359 = tpu.vector_load %arg10[%get3A_357, %get3A_358] {strides = array<i32>} : memref<64x128xf32, #tpu.memory_space<vmem>>, vector<1x16xf32>,
        %get3A_360 = vector.shape_cast %get3A_359 : vector<1x16xf32> to vector<16xf32>
        %get3A_361 = arith.index_cast %add3A_356 : i32 to index
        %get3A_362 = arith.constant 0 : index
        %get3A_363 = tpu.vector_load %arg9[%get3A_361, %get3A_362] {strides = array<i32>} : memref<64x128xf32, #tpu.memory_space<vmem>>, vector<1x16xf32>,
        %get3A_364 = vector.shape_cast %get3A_363 : vector<1x16xf32> to vector<16xf32>
        %mul3A_365 = arith.mulf %get3A_360, %get3A_364 : vector<16xf32>
        %get3A_366 = arith.index_cast %add3A_356 : i32 to index
        %get3A_367 = arith.constant 16 : index
        %get3A_368 = tpu.vector_load %arg10[%get3A_366, %get3A_367] {strides = array<i32>} : memref<64x128xf32, #tpu.memory_space<vmem>>, vector<1x16xf32>,
        %get3A_369 = vector.shape_cast %get3A_368 : vector<1x16xf32> to vector<16xf32>
        %get3A_370 = arith.index_cast %add3A_356 : i32 to index
        %get3A_371 = arith.constant 16 : index
        %get3A_372 = tpu.vector_load %arg9[%get3A_370, %get3A_371] {strides = array<i32>} : memref<64x128xf32, #tpu.memory_space<vmem>>, vector<1x16xf32>,
        %get3A_373 = vector.shape_cast %get3A_372 : vector<1x16xf32> to vector<16xf32>
        %mul3A_374 = arith.mulf %get3A_369, %get3A_373 : vector<16xf32>
        %add3A_375 = arith.addf %mul3A_365, %mul3A_374 : vector<16xf32>
        %get3A_376 = arith.index_cast %add3A_356 : i32 to index
        %get3A_377 = arith.constant 32 : index
        %get3A_378 = tpu.vector_load %arg10[%get3A_376, %get3A_377] {strides = array<i32>} : memref<64x128xf32, #tpu.memory_space<vmem>>, vector<1x16xf32>,
        %get3A_379 = vector.shape_cast %get3A_378 : vector<1x16xf32> to vector<16xf32>
        %get3A_380 = arith.index_cast %add3A_356 : i32 to index
        %get3A_381 = arith.constant 32 : index
        %get3A_382 = tpu.vector_load %arg9[%get3A_380, %get3A_381] {strides = array<i32>} : memref<64x128xf32, #tpu.memory_space<vmem>>, vector<1x16xf32>,
        %get3A_383 = vector.shape_cast %get3A_382 : vector<1x16xf32> to vector<16xf32>
        %mul3A_384 = arith.mulf %get3A_379, %get3A_383 : vector<16xf32>
        %add3A_385 = arith.addf %add3A_375, %mul3A_384 : vector<16xf32>
        %get3A_386 = arith.index_cast %add3A_356 : i32 to index
        %get3A_387 = arith.constant 48 : index
        %get3A_388 = tpu.vector_load %arg10[%get3A_386, %get3A_387] {strides = array<i32>} : memref<64x128xf32, #tpu.memory_space<vmem>>, vector<1x16xf32>,
        %get3A_389 = vector.shape_cast %get3A_388 : vector<1x16xf32> to vector<16xf32>
        %get3A_390 = arith.index_cast %add3A_356 : i32 to index
        %get3A_391 = arith.constant 48 : index
        %get3A_392 = tpu.vector_load %arg9[%get3A_390, %get3A_391] {strides = array<i32>} : memref<64x128xf32, #tpu.memory_space<vmem>>, vector<1x16xf32>,
        %get3A_393 = vector.shape_cast %get3A_392 : vector<1x16xf32> to vector<16xf32>
        %mul3A_394 = arith.mulf %get3A_389, %get3A_393 : vector<16xf32>
        %add3A_395 = arith.addf %add3A_385, %mul3A_394 : vector<16xf32>
        %max3A_396 = arith.constant 1.000000e+00 : f32
        %max3A_397 = vector.broadcast %max3A_396 : f32 to vector<16xf32>
        %max3A_398 = arith.maximumf %add3A_395, %max3A_397 : vector<16xf32>
        %div3A_399 = arith.constant 1.000000e+00 : f32
        %div3A_400 = vector.broadcast %div3A_399 : f32 to vector<16xf32>
        %div3A_401 = arith.divf %div3A_400, %max3A_398 : vector<16xf32>
        %swap3A_402 = arith.index_cast %scan3A_190 : i32 to index
        %swap3A_403 = arith.constant 48 : index
        %swap3A_404 = tpu.vector_load %arg11[%swap3A_402, %swap3A_403] {strides = array<i32>} : memref<8x128xf32, #tpu.memory_space<vmem>>, vector<1x16xf32>,
        %swap3A_405 = vector.shape_cast %swap3A_404 : vector<1x16xf32> to vector<16xf32>
        %swap3A_406 = vector.shape_cast %div3A_401 : vector<16xf32> to vector<1x16xf32>
        tpu.vector_store %arg11[%swap3A_402, %swap3A_403], %swap3A_406 {strides = array<i32>} : memref<8x128xf32, #tpu.memory_space<vmem>>, vector<1x16xf32>,
        %mul3A_407 = arith.constant 8 : i32
        %mul3A_408 = arith.muli %scan3A_190, %mul3A_407 : i32
        %add3A_409 = arith.constant 4 : i32
        %add3A_410 = arith.addi %mul3A_408, %add3A_409 : i32
        %get3A_411 = arith.index_cast %add3A_410 : i32 to index
        %get3A_412 = arith.constant 0 : index
        %get3A_413 = tpu.vector_load %arg10[%get3A_411, %get3A_412] {strides = array<i32>} : memref<64x128xf32, #tpu.memory_space<vmem>>, vector<1x16xf32>,
        %get3A_414 = vector.shape_cast %get3A_413 : vector<1x16xf32> to vector<16xf32>
        %get3A_415 = arith.index_cast %add3A_410 : i32 to index
        %get3A_416 = arith.constant 0 : index
        %get3A_417 = tpu.vector_load %arg9[%get3A_415, %get3A_416] {strides = array<i32>} : memref<64x128xf32, #tpu.memory_space<vmem>>, vector<1x16xf32>,
        %get3A_418 = vector.shape_cast %get3A_417 : vector<1x16xf32> to vector<16xf32>
        %mul3A_419 = arith.mulf %get3A_414, %get3A_418 : vector<16xf32>
        %get3A_420 = arith.index_cast %add3A_410 : i32 to index
        %get3A_421 = arith.constant 16 : index
        %get3A_422 = tpu.vector_load %arg10[%get3A_420, %get3A_421] {strides = array<i32>} : memref<64x128xf32, #tpu.memory_space<vmem>>, vector<1x16xf32>,
        %get3A_423 = vector.shape_cast %get3A_422 : vector<1x16xf32> to vector<16xf32>
        %get3A_424 = arith.index_cast %add3A_410 : i32 to index
        %get3A_425 = arith.constant 16 : index
        %get3A_426 = tpu.vector_load %arg9[%get3A_424, %get3A_425] {strides = array<i32>} : memref<64x128xf32, #tpu.memory_space<vmem>>, vector<1x16xf32>,
        %get3A_427 = vector.shape_cast %get3A_426 : vector<1x16xf32> to vector<16xf32>
        %mul3A_428 = arith.mulf %get3A_423, %get3A_427 : vector<16xf32>
        %add3A_429 = arith.addf %mul3A_419, %mul3A_428 : vector<16xf32>
        %get3A_430 = arith.index_cast %add3A_410 : i32 to index
        %get3A_431 = arith.constant 32 : index
        %get3A_432 = tpu.vector_load %arg10[%get3A_430, %get3A_431] {strides = array<i32>} : memref<64x128xf32, #tpu.memory_space<vmem>>, vector<1x16xf32>,
        %get3A_433 = vector.shape_cast %get3A_432 : vector<1x16xf32> to vector<16xf32>
        %get3A_434 = arith.index_cast %add3A_410 : i32 to index
        %get3A_435 = arith.constant 32 : index
        %get3A_436 = tpu.vector_load %arg9[%get3A_434, %get3A_435] {strides = array<i32>} : memref<64x128xf32, #tpu.memory_space<vmem>>, vector<1x16xf32>,
        %get3A_437 = vector.shape_cast %get3A_436 : vector<1x16xf32> to vector<16xf32>
        %mul3A_438 = arith.mulf %get3A_433, %get3A_437 : vector<16xf32>
        %add3A_439 = arith.addf %add3A_429, %mul3A_438 : vector<16xf32>
        %get3A_440 = arith.index_cast %add3A_410 : i32 to index
        %get3A_441 = arith.constant 48 : index
        %get3A_442 = tpu.vector_load %arg10[%get3A_440, %get3A_441] {strides = array<i32>} : memref<64x128xf32, #tpu.memory_space<vmem>>, vector<1x16xf32>,
        %get3A_443 = vector.shape_cast %get3A_442 : vector<1x16xf32> to vector<16xf32>
        %get3A_444 = arith.index_cast %add3A_410 : i32 to index
        %get3A_445 = arith.constant 48 : index
        %get3A_446 = tpu.vector_load %arg9[%get3A_444, %get3A_445] {strides = array<i32>} : memref<64x128xf32, #tpu.memory_space<vmem>>, vector<1x16xf32>,
        %get3A_447 = vector.shape_cast %get3A_446 : vector<1x16xf32> to vector<16xf32>
        %mul3A_448 = arith.mulf %get3A_443, %get3A_447 : vector<16xf32>
        %add3A_449 = arith.addf %add3A_439, %mul3A_448 : vector<16xf32>
        %max3A_450 = arith.constant 1.000000e+00 : f32
        %max3A_451 = vector.broadcast %max3A_450 : f32 to vector<16xf32>
        %max3A_452 = arith.maximumf %add3A_449, %max3A_451 : vector<16xf32>
        %div3A_453 = arith.constant 1.000000e+00 : f32
        %div3A_454 = vector.broadcast %div3A_453 : f32 to vector<16xf32>
        %div3A_455 = arith.divf %div3A_454, %max3A_452 : vector<16xf32>
        %swap3A_456 = arith.index_cast %scan3A_190 : i32 to index
        %swap3A_457 = arith.constant 64 : index
        %swap3A_458 = tpu.vector_load %arg11[%swap3A_456, %swap3A_457] {strides = array<i32>} : memref<8x128xf32, #tpu.memory_space<vmem>>, vector<1x16xf32>,
        %swap3A_459 = vector.shape_cast %swap3A_458 : vector<1x16xf32> to vector<16xf32>
        %swap3A_460 = vector.shape_cast %div3A_455 : vector<16xf32> to vector<1x16xf32>
        tpu.vector_store %arg11[%swap3A_456, %swap3A_457], %swap3A_460 {strides = array<i32>} : memref<8x128xf32, #tpu.memory_space<vmem>>, vector<1x16xf32>,
        %mul3A_461 = arith.constant 8 : i32
        %mul3A_462 = arith.muli %scan3A_190, %mul3A_461 : i32
        %add3A_463 = arith.constant 5 : i32
        %add3A_464 = arith.addi %mul3A_462, %add3A_463 : i32
        %get3A_465 = arith.index_cast %add3A_464 : i32 to index
        %get3A_466 = arith.constant 0 : index
        %get3A_467 = tpu.vector_load %arg10[%get3A_465, %get3A_466] {strides = array<i32>} : memref<64x128xf32, #tpu.memory_space<vmem>>, vector<1x16xf32>,
        %get3A_468 = vector.shape_cast %get3A_467 : vector<1x16xf32> to vector<16xf32>
        %get3A_469 = arith.index_cast %add3A_464 : i32 to index
        %get3A_470 = arith.constant 0 : index
        %get3A_471 = tpu.vector_load %arg9[%get3A_469, %get3A_470] {strides = array<i32>} : memref<64x128xf32, #tpu.memory_space<vmem>>, vector<1x16xf32>,
        %get3A_472 = vector.shape_cast %get3A_471 : vector<1x16xf32> to vector<16xf32>
        %mul3A_473 = arith.mulf %get3A_468, %get3A_472 : vector<16xf32>
        %get3A_474 = arith.index_cast %add3A_464 : i32 to index
        %get3A_475 = arith.constant 16 : index
        %get3A_476 = tpu.vector_load %arg10[%get3A_474, %get3A_475] {strides = array<i32>} : memref<64x128xf32, #tpu.memory_space<vmem>>, vector<1x16xf32>,
        %get3A_477 = vector.shape_cast %get3A_476 : vector<1x16xf32> to vector<16xf32>
        %get3A_478 = arith.index_cast %add3A_464 : i32 to index
        %get3A_479 = arith.constant 16 : index
        %get3A_480 = tpu.vector_load %arg9[%get3A_478, %get3A_479] {strides = array<i32>} : memref<64x128xf32, #tpu.memory_space<vmem>>, vector<1x16xf32>,
        %get3A_481 = vector.shape_cast %get3A_480 : vector<1x16xf32> to vector<16xf32>
        %mul3A_482 = arith.mulf %get3A_477, %get3A_481 : vector<16xf32>
        %add3A_483 = arith.addf %mul3A_473, %mul3A_482 : vector<16xf32>
        %get3A_484 = arith.index_cast %add3A_464 : i32 to index
        %get3A_485 = arith.constant 32 : index
        %get3A_486 = tpu.vector_load %arg10[%get3A_484, %get3A_485] {strides = array<i32>} : memref<64x128xf32, #tpu.memory_space<vmem>>, vector<1x16xf32>,
        %get3A_487 = vector.shape_cast %get3A_486 : vector<1x16xf32> to vector<16xf32>
        %get3A_488 = arith.index_cast %add3A_464 : i32 to index
        %get3A_489 = arith.constant 32 : index
        %get3A_490 = tpu.vector_load %arg9[%get3A_488, %get3A_489] {strides = array<i32>} : memref<64x128xf32, #tpu.memory_space<vmem>>, vector<1x16xf32>,
        %get3A_491 = vector.shape_cast %get3A_490 : vector<1x16xf32> to vector<16xf32>
        %mul3A_492 = arith.mulf %get3A_487, %get3A_491 : vector<16xf32>
        %add3A_493 = arith.addf %add3A_483, %mul3A_492 : vector<16xf32>
        %get3A_494 = arith.index_cast %add3A_464 : i32 to index
        %get3A_495 = arith.constant 48 : index
        %get3A_496 = tpu.vector_load %arg10[%get3A_494, %get3A_495] {strides = array<i32>} : memref<64x128xf32, #tpu.memory_space<vmem>>, vector<1x16xf32>,
        %get3A_497 = vector.shape_cast %get3A_496 : vector<1x16xf32> to vector<16xf32>
        %get3A_498 = arith.index_cast %add3A_464 : i32 to index
        %get3A_499 = arith.constant 48 : index
        %get3A_500 = tpu.vector_load %arg9[%get3A_498, %get3A_499] {strides = array<i32>} : memref<64x128xf32, #tpu.memory_space<vmem>>, vector<1x16xf32>,
        %get3A_501 = vector.shape_cast %get3A_500 : vector<1x16xf32> to vector<16xf32>
        %mul3A_502 = arith.mulf %get3A_497, %get3A_501 : vector<16xf32>
        %add3A_503 = arith.addf %add3A_493, %mul3A_502 : vector<16xf32>
        %max3A_504 = arith.constant 1.000000e+00 : f32
        %max3A_505 = vector.broadcast %max3A_504 : f32 to vector<16xf32>
        %max3A_506 = arith.maximumf %add3A_503, %max3A_505 : vector<16xf32>
        %div3A_507 = arith.constant 1.000000e+00 : f32
        %div3A_508 = vector.broadcast %div3A_507 : f32 to vector<16xf32>
        %div3A_509 = arith.divf %div3A_508, %max3A_506 : vector<16xf32>
        %swap3A_510 = arith.index_cast %scan3A_190 : i32 to index
        %swap3A_511 = arith.constant 80 : index
        %swap3A_512 = tpu.vector_load %arg11[%swap3A_510, %swap3A_511] {strides = array<i32>} : memref<8x128xf32, #tpu.memory_space<vmem>>, vector<1x16xf32>,
        %swap3A_513 = vector.shape_cast %swap3A_512 : vector<1x16xf32> to vector<16xf32>
        %swap3A_514 = vector.shape_cast %div3A_509 : vector<16xf32> to vector<1x16xf32>
        tpu.vector_store %arg11[%swap3A_510, %swap3A_511], %swap3A_514 {strides = array<i32>} : memref<8x128xf32, #tpu.memory_space<vmem>>, vector<1x16xf32>,
        %mul3A_515 = arith.constant 8 : i32
        %mul3A_516 = arith.muli %scan3A_190, %mul3A_515 : i32
        %add3A_517 = arith.constant 6 : i32
        %add3A_518 = arith.addi %mul3A_516, %add3A_517 : i32
        %get3A_519 = arith.index_cast %add3A_518 : i32 to index
        %get3A_520 = arith.constant 0 : index
        %get3A_521 = tpu.vector_load %arg10[%get3A_519, %get3A_520] {strides = array<i32>} : memref<64x128xf32, #tpu.memory_space<vmem>>, vector<1x16xf32>,
        %get3A_522 = vector.shape_cast %get3A_521 : vector<1x16xf32> to vector<16xf32>
        %get3A_523 = arith.index_cast %add3A_518 : i32 to index
        %get3A_524 = arith.constant 0 : index
        %get3A_525 = tpu.vector_load %arg9[%get3A_523, %get3A_524] {strides = array<i32>} : memref<64x128xf32, #tpu.memory_space<vmem>>, vector<1x16xf32>,
        %get3A_526 = vector.shape_cast %get3A_525 : vector<1x16xf32> to vector<16xf32>
        %mul3A_527 = arith.mulf %get3A_522, %get3A_526 : vector<16xf32>
        %get3A_528 = arith.index_cast %add3A_518 : i32 to index
        %get3A_529 = arith.constant 16 : index
        %get3A_530 = tpu.vector_load %arg10[%get3A_528, %get3A_529] {strides = array<i32>} : memref<64x128xf32, #tpu.memory_space<vmem>>, vector<1x16xf32>,
        %get3A_531 = vector.shape_cast %get3A_530 : vector<1x16xf32> to vector<16xf32>
        %get3A_532 = arith.index_cast %add3A_518 : i32 to index
        %get3A_533 = arith.constant 16 : index
        %get3A_534 = tpu.vector_load %arg9[%get3A_532, %get3A_533] {strides = array<i32>} : memref<64x128xf32, #tpu.memory_space<vmem>>, vector<1x16xf32>,
        %get3A_535 = vector.shape_cast %get3A_534 : vector<1x16xf32> to vector<16xf32>
        %mul3A_536 = arith.mulf %get3A_531, %get3A_535 : vector<16xf32>
        %add3A_537 = arith.addf %mul3A_527, %mul3A_536 : vector<16xf32>
        %get3A_538 = arith.index_cast %add3A_518 : i32 to index
        %get3A_539 = arith.constant 32 : index
        %get3A_540 = tpu.vector_load %arg10[%get3A_538, %get3A_539] {strides = array<i32>} : memref<64x128xf32, #tpu.memory_space<vmem>>, vector<1x16xf32>,
        %get3A_541 = vector.shape_cast %get3A_540 : vector<1x16xf32> to vector<16xf32>
        %get3A_542 = arith.index_cast %add3A_518 : i32 to index
        %get3A_543 = arith.constant 32 : index
        %get3A_544 = tpu.vector_load %arg9[%get3A_542, %get3A_543] {strides = array<i32>} : memref<64x128xf32, #tpu.memory_space<vmem>>, vector<1x16xf32>,
        %get3A_545 = vector.shape_cast %get3A_544 : vector<1x16xf32> to vector<16xf32>
        %mul3A_546 = arith.mulf %get3A_541, %get3A_545 : vector<16xf32>
        %add3A_547 = arith.addf %add3A_537, %mul3A_546 : vector<16xf32>
        %get3A_548 = arith.index_cast %add3A_518 : i32 to index
        %get3A_549 = arith.constant 48 : index
        %get3A_550 = tpu.vector_load %arg10[%get3A_548, %get3A_549] {strides = array<i32>} : memref<64x128xf32, #tpu.memory_space<vmem>>, vector<1x16xf32>,
        %get3A_551 = vector.shape_cast %get3A_550 : vector<1x16xf32> to vector<16xf32>
        %get3A_552 = arith.index_cast %add3A_518 : i32 to index
        %get3A_553 = arith.constant 48 : index
        %get3A_554 = tpu.vector_load %arg9[%get3A_552, %get3A_553] {strides = array<i32>} : memref<64x128xf32, #tpu.memory_space<vmem>>, vector<1x16xf32>,
        %get3A_555 = vector.shape_cast %get3A_554 : vector<1x16xf32> to vector<16xf32>
        %mul3A_556 = arith.mulf %get3A_551, %get3A_555 : vector<16xf32>
        %add3A_557 = arith.addf %add3A_547, %mul3A_556 : vector<16xf32>
        %max3A_558 = arith.constant 1.000000e+00 : f32
        %max3A_559 = vector.broadcast %max3A_558 : f32 to vector<16xf32>
        %max3A_560 = arith.maximumf %add3A_557, %max3A_559 : vector<16xf32>
        %div3A_561 = arith.constant 1.000000e+00 : f32
        %div3A_562 = vector.broadcast %div3A_561 : f32 to vector<16xf32>
        %div3A_563 = arith.divf %div3A_562, %max3A_560 : vector<16xf32>
        %swap3A_564 = arith.index_cast %scan3A_190 : i32 to index
        %swap3A_565 = arith.constant 96 : index
        %swap3A_566 = tpu.vector_load %arg11[%swap3A_564, %swap3A_565] {strides = array<i32>} : memref<8x128xf32, #tpu.memory_space<vmem>>, vector<1x16xf32>,
        %swap3A_567 = vector.shape_cast %swap3A_566 : vector<1x16xf32> to vector<16xf32>
        %swap3A_568 = vector.shape_cast %div3A_563 : vector<16xf32> to vector<1x16xf32>
        tpu.vector_store %arg11[%swap3A_564, %swap3A_565], %swap3A_568 {strides = array<i32>} : memref<8x128xf32, #tpu.memory_space<vmem>>, vector<1x16xf32>,
        %mul3A_569 = arith.constant 8 : i32
        %mul3A_570 = arith.muli %scan3A_190, %mul3A_569 : i32
        %add3A_571 = arith.constant 7 : i32
        %add3A_572 = arith.addi %mul3A_570, %add3A_571 : i32
        %get3A_573 = arith.index_cast %add3A_572 : i32 to index
        %get3A_574 = arith.constant 0 : index
        %get3A_575 = tpu.vector_load %arg10[%get3A_573, %get3A_574] {strides = array<i32>} : memref<64x128xf32, #tpu.memory_space<vmem>>, vector<1x16xf32>,
        %get3A_576 = vector.shape_cast %get3A_575 : vector<1x16xf32> to vector<16xf32>
        %get3A_577 = arith.index_cast %add3A_572 : i32 to index
        %get3A_578 = arith.constant 0 : index
        %get3A_579 = tpu.vector_load %arg9[%get3A_577, %get3A_578] {strides = array<i32>} : memref<64x128xf32, #tpu.memory_space<vmem>>, vector<1x16xf32>,
        %get3A_580 = vector.shape_cast %get3A_579 : vector<1x16xf32> to vector<16xf32>
        %mul3A_581 = arith.mulf %get3A_576, %get3A_580 : vector<16xf32>
        %get3A_582 = arith.index_cast %add3A_572 : i32 to index
        %get3A_583 = arith.constant 16 : index
        %get3A_584 = tpu.vector_load %arg10[%get3A_582, %get3A_583] {strides = array<i32>} : memref<64x128xf32, #tpu.memory_space<vmem>>, vector<1x16xf32>,
        %get3A_585 = vector.shape_cast %get3A_584 : vector<1x16xf32> to vector<16xf32>
        %get3A_586 = arith.index_cast %add3A_572 : i32 to index
        %get3A_587 = arith.constant 16 : index
        %get3A_588 = tpu.vector_load %arg9[%get3A_586, %get3A_587] {strides = array<i32>} : memref<64x128xf32, #tpu.memory_space<vmem>>, vector<1x16xf32>,
        %get3A_589 = vector.shape_cast %get3A_588 : vector<1x16xf32> to vector<16xf32>
        %mul3A_590 = arith.mulf %get3A_585, %get3A_589 : vector<16xf32>
        %add3A_591 = arith.addf %mul3A_581, %mul3A_590 : vector<16xf32>
        %get3A_592 = arith.index_cast %add3A_572 : i32 to index
        %get3A_593 = arith.constant 32 : index
        %get3A_594 = tpu.vector_load %arg10[%get3A_592, %get3A_593] {strides = array<i32>} : memref<64x128xf32, #tpu.memory_space<vmem>>, vector<1x16xf32>,
        %get3A_595 = vector.shape_cast %get3A_594 : vector<1x16xf32> to vector<16xf32>
        %get3A_596 = arith.index_cast %add3A_572 : i32 to index
        %get3A_597 = arith.constant 32 : index
        %get3A_598 = tpu.vector_load %arg9[%get3A_596, %get3A_597] {strides = array<i32>} : memref<64x128xf32, #tpu.memory_space<vmem>>, vector<1x16xf32>,
        %get3A_599 = vector.shape_cast %get3A_598 : vector<1x16xf32> to vector<16xf32>
        %mul3A_600 = arith.mulf %get3A_595, %get3A_599 : vector<16xf32>
        %add3A_601 = arith.addf %add3A_591, %mul3A_600 : vector<16xf32>
        %get3A_602 = arith.index_cast %add3A_572 : i32 to index
        %get3A_603 = arith.constant 48 : index
        %get3A_604 = tpu.vector_load %arg10[%get3A_602, %get3A_603] {strides = array<i32>} : memref<64x128xf32, #tpu.memory_space<vmem>>, vector<1x16xf32>,
        %get3A_605 = vector.shape_cast %get3A_604 : vector<1x16xf32> to vector<16xf32>
        %get3A_606 = arith.index_cast %add3A_572 : i32 to index
        %get3A_607 = arith.constant 48 : index
        %get3A_608 = tpu.vector_load %arg9[%get3A_606, %get3A_607] {strides = array<i32>} : memref<64x128xf32, #tpu.memory_space<vmem>>, vector<1x16xf32>,
        %get3A_609 = vector.shape_cast %get3A_608 : vector<1x16xf32> to vector<16xf32>
        %mul3A_610 = arith.mulf %get3A_605, %get3A_609 : vector<16xf32>
        %add3A_611 = arith.addf %add3A_601, %mul3A_610 : vector<16xf32>
        %max3A_612 = arith.constant 1.000000e+00 : f32
        %max3A_613 = vector.broadcast %max3A_612 : f32 to vector<16xf32>
        %max3A_614 = arith.maximumf %add3A_611, %max3A_613 : vector<16xf32>
        %div3A_615 = arith.constant 1.000000e+00 : f32
        %div3A_616 = vector.broadcast %div3A_615 : f32 to vector<16xf32>
        %div3A_617 = arith.divf %div3A_616, %max3A_614 : vector<16xf32>
        %swap3A_618 = arith.index_cast %scan3A_190 : i32 to index
        %swap3A_619 = arith.constant 112 : index
        %swap3A_620 = tpu.vector_load %arg11[%swap3A_618, %swap3A_619] {strides = array<i32>} : memref<8x128xf32, #tpu.memory_space<vmem>>, vector<1x16xf32>,
        %swap3A_621 = vector.shape_cast %swap3A_620 : vector<1x16xf32> to vector<16xf32>
        %swap3A_622 = vector.shape_cast %div3A_617 : vector<16xf32> to vector<1x16xf32>
        tpu.vector_store %arg11[%swap3A_618, %swap3A_619], %swap3A_622 {strides = array<i32>} : memref<8x128xf32, #tpu.memory_space<vmem>>, vector<1x16xf32>,
        %scan3A_623 = arith.constant 0 : i32
        scf.yield %scan3A_623 : i32
      }
      %scan3A_168 = arith.constant 8 : i32
      %jit3A = arith.constant 8 : i32
      %div3A = arith.divsi %multiple_of3A, %jit3A : i32
      %sign3A = arith.constant 0 : i32
      %sign3A_169 = arith.cmpi sgt, %multiple_of3A, %sign3A : i32
      %sign3A_170 = arith.extui %sign3A_169 : i1 to i32
      %sign3A_171 = arith.constant 0 : i32
      %sign3A_172 = arith.cmpi slt, %multiple_of3A, %sign3A_171 : i32
      %sign3A_173 = arith.extui %sign3A_172 : i1 to i32
      %sign3A_174 = arith.subi %sign3A_170, %sign3A_173 : i32
      %sign3A_175 = arith.constant 0 : i32
      %sign3A_176 = arith.cmpi sgt, %jit3A, %sign3A_175 : i32
      %sign3A_177 = arith.extui %sign3A_176 : i1 to i32
      %sign3A_178 = arith.constant 0 : i32
      %sign3A_179 = arith.cmpi slt, %jit3A, %sign3A_178 : i32
      %sign3A_180 = arith.extui %sign3A_179 : i1 to i32
      %sign3A_181 = arith.subi %sign3A_177, %sign3A_180 : i32
      %ne3A = arith.cmpi ne, %sign3A_174, %sign3A_181 : i32
      %rem3A = arith.remsi %multiple_of3A, %jit3A : i32
      %ne3A_182 = arith.constant 0 : i32
      %ne3A_183 = arith.cmpi ne, %rem3A, %ne3A_182 : i32
      %and3A = arith.andi %ne3A, %ne3A_183 : i1
      %sub3A = arith.constant 1 : i32
      %sub3A_184 = arith.subi %div3A, %sub3A : i32
      %select_n3A = arith.select %and3A, %sub3A_184, %div3A : i32
      %mul3A_185 = arith.constant 8 : i32
      %mul3A_186 = arith.muli %scan3A_111, %mul3A_185 : i32
      %add3A_187 = arith.addi %select_n3A, %mul3A_186 : i32
      %multiple_of3A_188 = tpu.assume_multiple %add3A_187, 8 : i32
      "tpu.region"() ({
        %run_scoped3A = tpu.sem_alloc : memref<!tpu.dma_semaphore, #tpu.memory_space<semaphore_mem>>
        %dma_start3A_190 = arith.constant 0 : i32
        %dma_start3A_191 = tpu.memref_slice %arg5[%multiple_of3A_188, %dma_start3A_190] : memref<20000x128xf32, #tpu.memory_space<hbm>> -> memref<8x128xf32, #tpu.memory_space<hbm>>
        %dma_start3A_192 = arith.constant 0 : i32
        %dma_start3A_193 = tpu.memref_slice %arg5[%multiple_of3A_188, %dma_start3A_192] : memref<20000x128xf32, #tpu.memory_space<hbm>> -> memref<8x128xf32, #tpu.memory_space<hbm>>
        tpu.enqueue_dma source(%arg11 : memref<8x128xf32, #tpu.memory_space<vmem>>) target(%dma_start3A_193 : memref<8x128xf32, #tpu.memory_space<hbm>>) target_semaphore(%run_scoped3A : memref<!tpu.dma_semaphore, #tpu.memory_space<semaphore_mem>>)
        %dma_wait3A_194 = arith.constant 0 : i32
        %dma_wait3A_195 = tpu.memref_slice %arg5[%multiple_of3A_188, %dma_wait3A_194] : memref<20000x128xf32, #tpu.memory_space<hbm>> -> memref<8x128xf32, #tpu.memory_space<hbm>>
        %dma_wait3A_196 = arith.constant 0 : i32
        %dma_wait3A_197 = tpu.memref_slice %arg5[%multiple_of3A_188, %dma_wait3A_196] : memref<20000x128xf32, #tpu.memory_space<hbm>> -> memref<8x128xf32, #tpu.memory_space<hbm>>
        tpu.wait_dma2 semaphore(%run_scoped3A : memref<!tpu.dma_semaphore, #tpu.memory_space<semaphore_mem>>) src(%arg11 : memref<8x128xf32, #tpu.memory_space<vmem>>) dst(%dma_wait3A_197 : memref<8x128xf32, #tpu.memory_space<hbm>>)
        tpu.yield
      }) : () -> ()
      %scan3A_189 = arith.constant 0 : i32
      scf.yield %scan3A_189 : i32
    }
    %scan3A_110 = arith.constant 80 : i32
    return
  }
}

module attributes {stable_mosaic.version = 14 : i64} {
  func.func @_xt_body(%arg0: i32, %arg1: i32, %arg2: memref<2x1000x128xf32, #tpu.memory_space<vmem>>, %arg3: memref<4x128x64xf32, #tpu.memory_space<vmem>>, %arg4: memref<1x4x1000x128xf32, #tpu.memory_space<vmem>>) attributes {dimension_semantics = [#tpu.dimension_semantics<arbitrary>, #tpu.dimension_semantics<arbitrary>], iteration_bounds = array<i64: 2, 10>, scalar_prefetch = 0 : i64, scratch_operands = 0 : i64, tpu.core_type = #tpu.core_type<tc>, window_params = [{transform_indices = @transform_0, window_bounds = array<i64: 2, 1000, 128>}, {pipeline_mode = #tpu.pipeline_mode<synchronous>, transform_indices = @transform_1, window_bounds = array<i64: 4, 128, 64>}, {transform_indices = @transform_2, window_bounds = array<i64: 1, 4, 1000, 128>}]} {
    %get3A = arith.constant 0 : index
    %get3A_0 = arith.constant 0 : index
    %get3A_1 = arith.constant 0 : index
    %get3A_2 = vector.load %arg2[%get3A, %get3A_0, %get3A_1] : memref<2x1000x128xf32, #tpu.memory_space<vmem>>, vector<1x1000x128xf32>
    %get3A_3 = vector.shape_cast %get3A_2 : vector<1x1000x128xf32> to vector<1000x128xf32>
    %get3A_4 = arith.constant 1 : index
    %get3A_5 = arith.constant 0 : index
    %get3A_6 = arith.constant 0 : index
    %get3A_7 = vector.load %arg2[%get3A_4, %get3A_5, %get3A_6] : memref<2x1000x128xf32, #tpu.memory_space<vmem>>, vector<1x1000x128xf32>
    %get3A_8 = vector.shape_cast %get3A_7 : vector<1x1000x128xf32> to vector<1000x128xf32>
    %get3A_9 = arith.constant 0 : index
    %get3A_10 = arith.constant 0 : index
    %get3A_11 = arith.constant 0 : index
    %get3A_12 = vector.load %arg3[%get3A_9, %get3A_10, %get3A_11] : memref<4x128x64xf32, #tpu.memory_space<vmem>>, vector<1x128x64xf32>
    %get3A_13 = vector.shape_cast %get3A_12 : vector<1x128x64xf32> to vector<128x64xf32>
    %get3A_14 = arith.constant 1 : index
    %get3A_15 = arith.constant 0 : index
    %get3A_16 = arith.constant 0 : index
    %get3A_17 = vector.load %arg3[%get3A_14, %get3A_15, %get3A_16] : memref<4x128x64xf32, #tpu.memory_space<vmem>>, vector<1x128x64xf32>
    %get3A_18 = vector.shape_cast %get3A_17 : vector<1x128x64xf32> to vector<128x64xf32>
    %get3A_19 = arith.constant 2 : index
    %get3A_20 = arith.constant 0 : index
    %get3A_21 = arith.constant 0 : index
    %get3A_22 = vector.load %arg3[%get3A_19, %get3A_20, %get3A_21] : memref<4x128x64xf32, #tpu.memory_space<vmem>>, vector<1x128x64xf32>
    %get3A_23 = vector.shape_cast %get3A_22 : vector<1x128x64xf32> to vector<128x64xf32>
    %get3A_24 = arith.constant 3 : index
    %get3A_25 = arith.constant 0 : index
    %get3A_26 = arith.constant 0 : index
    %get3A_27 = vector.load %arg3[%get3A_24, %get3A_25, %get3A_26] : memref<4x128x64xf32, #tpu.memory_space<vmem>>, vector<1x128x64xf32>
    %get3A_28 = vector.shape_cast %get3A_27 : vector<1x128x64xf32> to vector<128x64xf32>
    %concatenate3A = tpu.concatenate %get3A_13, %get3A_18, %get3A_23, %get3A_28 in 1 : vector<128x64xf32>, vector<128x64xf32>, vector<128x64xf32>, vector<128x64xf32> -> vector<128x256xf32>
    %dot_general3A = arith.constant dense<0.000000e+00> : vector<1000x256xf32>
    %dot_general3A_29 = tpu.matmul %get3A_3, %concatenate3A, %dot_general3A {dimension_numbers = #tpu.dot_dimension_numbers<[1], [0], [0], [1], [0, 0, 1, 1], [], []>, transpose_lhs_hint = false} : vector<1000x128xf32>, vector<128x256xf32>, vector<1000x256xf32> -> vector<1000x256xf32>
    %dot_general3A_30 = arith.constant dense<0.000000e+00> : vector<1000x256xf32>
    %dot_general3A_31 = tpu.matmul %get3A_8, %concatenate3A, %dot_general3A_30 {dimension_numbers = #tpu.dot_dimension_numbers<[1], [0], [0], [1], [0, 0, 1, 1], [], []>, transpose_lhs_hint = false} : vector<1000x128xf32>, vector<128x256xf32>, vector<1000x256xf32> -> vector<1000x256xf32>
    %slice3A = vector.extract_strided_slice %dot_general3A_29 {offsets = [0, 0], sizes = [1000, 64], strides = [1, 1]} : vector<1000x256xf32> to vector<1000x64xf32>
    %slice3A_32 = vector.extract_strided_slice %dot_general3A_31 {offsets = [0, 0], sizes = [1000, 64], strides = [1, 1]} : vector<1000x256xf32> to vector<1000x64xf32>
    %concatenate3A_33 = tpu.concatenate %slice3A, %slice3A_32 in 1 : vector<1000x64xf32>, vector<1000x64xf32> -> vector<1000x128xf32>
    %swap3A = arith.constant 0 : index
    %swap3A_34 = arith.constant 0 : index
    %swap3A_35 = arith.constant 0 : index
    %swap3A_36 = arith.constant 0 : index
    %swap3A_37 = vector.load %arg4[%swap3A, %swap3A_34, %swap3A_35, %swap3A_36] : memref<1x4x1000x128xf32, #tpu.memory_space<vmem>>, vector<1x1x1000x128xf32>
    %swap3A_38 = vector.shape_cast %swap3A_37 : vector<1x1x1000x128xf32> to vector<1000x128xf32>
    %swap3A_39 = vector.shape_cast %concatenate3A_33 : vector<1000x128xf32> to vector<1x1x1000x128xf32>
    tpu.vector_store %arg4[%swap3A, %swap3A_34, %swap3A_35, %swap3A_36], %swap3A_39 {strides = array<i32>} : memref<1x4x1000x128xf32, #tpu.memory_space<vmem>>, vector<1x1x1000x128xf32>,
    %slice3A_40 = vector.extract_strided_slice %dot_general3A_29 {offsets = [0, 64], sizes = [1000, 64], strides = [1, 1]} : vector<1000x256xf32> to vector<1000x64xf32>
    %slice3A_41 = vector.extract_strided_slice %dot_general3A_31 {offsets = [0, 64], sizes = [1000, 64], strides = [1, 1]} : vector<1000x256xf32> to vector<1000x64xf32>
    %concatenate3A_42 = tpu.concatenate %slice3A_40, %slice3A_41 in 1 : vector<1000x64xf32>, vector<1000x64xf32> -> vector<1000x128xf32>
    %swap3A_43 = arith.constant 0 : index
    %swap3A_44 = arith.constant 1 : index
    %swap3A_45 = arith.constant 0 : index
    %swap3A_46 = arith.constant 0 : index
    %swap3A_47 = vector.load %arg4[%swap3A_43, %swap3A_44, %swap3A_45, %swap3A_46] : memref<1x4x1000x128xf32, #tpu.memory_space<vmem>>, vector<1x1x1000x128xf32>
    %swap3A_48 = vector.shape_cast %swap3A_47 : vector<1x1x1000x128xf32> to vector<1000x128xf32>
    %swap3A_49 = vector.shape_cast %concatenate3A_42 : vector<1000x128xf32> to vector<1x1x1000x128xf32>
    tpu.vector_store %arg4[%swap3A_43, %swap3A_44, %swap3A_45, %swap3A_46], %swap3A_49 {strides = array<i32>} : memref<1x4x1000x128xf32, #tpu.memory_space<vmem>>, vector<1x1x1000x128xf32>,
    %slice3A_50 = vector.extract_strided_slice %dot_general3A_29 {offsets = [0, 128], sizes = [1000, 64], strides = [1, 1]} : vector<1000x256xf32> to vector<1000x64xf32>
    %slice3A_51 = vector.extract_strided_slice %dot_general3A_31 {offsets = [0, 128], sizes = [1000, 64], strides = [1, 1]} : vector<1000x256xf32> to vector<1000x64xf32>
    %concatenate3A_52 = tpu.concatenate %slice3A_50, %slice3A_51 in 1 : vector<1000x64xf32>, vector<1000x64xf32> -> vector<1000x128xf32>
    %swap3A_53 = arith.constant 0 : index
    %swap3A_54 = arith.constant 2 : index
    %swap3A_55 = arith.constant 0 : index
    %swap3A_56 = arith.constant 0 : index
    %swap3A_57 = vector.load %arg4[%swap3A_53, %swap3A_54, %swap3A_55, %swap3A_56] : memref<1x4x1000x128xf32, #tpu.memory_space<vmem>>, vector<1x1x1000x128xf32>
    %swap3A_58 = vector.shape_cast %swap3A_57 : vector<1x1x1000x128xf32> to vector<1000x128xf32>
    %swap3A_59 = vector.shape_cast %concatenate3A_52 : vector<1000x128xf32> to vector<1x1x1000x128xf32>
    tpu.vector_store %arg4[%swap3A_53, %swap3A_54, %swap3A_55, %swap3A_56], %swap3A_59 {strides = array<i32>} : memref<1x4x1000x128xf32, #tpu.memory_space<vmem>>, vector<1x1x1000x128xf32>,
    %slice3A_60 = vector.extract_strided_slice %dot_general3A_29 {offsets = [0, 192], sizes = [1000, 64], strides = [1, 1]} : vector<1000x256xf32> to vector<1000x64xf32>
    %slice3A_61 = vector.extract_strided_slice %dot_general3A_31 {offsets = [0, 192], sizes = [1000, 64], strides = [1, 1]} : vector<1000x256xf32> to vector<1000x64xf32>
    %concatenate3A_62 = tpu.concatenate %slice3A_60, %slice3A_61 in 1 : vector<1000x64xf32>, vector<1000x64xf32> -> vector<1000x128xf32>
    %swap3A_63 = arith.constant 0 : index
    %swap3A_64 = arith.constant 3 : index
    %swap3A_65 = arith.constant 0 : index
    %swap3A_66 = arith.constant 0 : index
    %swap3A_67 = vector.load %arg4[%swap3A_63, %swap3A_64, %swap3A_65, %swap3A_66] : memref<1x4x1000x128xf32, #tpu.memory_space<vmem>>, vector<1x1x1000x128xf32>
    %swap3A_68 = vector.shape_cast %swap3A_67 : vector<1x1x1000x128xf32> to vector<1000x128xf32>
    %swap3A_69 = vector.shape_cast %concatenate3A_62 : vector<1000x128xf32> to vector<1x1x1000x128xf32>
    tpu.vector_store %arg4[%swap3A_63, %swap3A_64, %swap3A_65, %swap3A_66], %swap3A_69 {strides = array<i32>} : memref<1x4x1000x128xf32, #tpu.memory_space<vmem>>, vector<1x1x1000x128xf32>,
    return
  }
  func.func @transform_0(%arg0: i32, %arg1: i32) -> (i32, i32, i32) {
    %c0_i32 = arith.constant 0 : i32
    %c0_i32_0 = arith.constant 0 : i32
    return %arg0, %arg1, %c0_i32 : i32, i32, i32
  }
  func.func @transform_1(%arg0: i32, %arg1: i32) -> (i32, i32, i32) {
    %c0_i32 = arith.constant 0 : i32
    %c0_i32_0 = arith.constant 0 : i32
    %c0_i32_1 = arith.constant 0 : i32
    %c0_i32_2 = arith.constant 0 : i32
    return %c0_i32, %c0_i32_0, %c0_i32_1 : i32, i32, i32
  }
  func.func @transform_2(%arg0: i32, %arg1: i32) -> (i32, i32, i32, i32) {
    %c0_i32 = arith.constant 0 : i32
    %c0_i32_0 = arith.constant 0 : i32
    %c0_i32_1 = arith.constant 0 : i32
    return %arg0, %c0_i32, %arg1, %c0_i32_0 : i32, i32, i32, i32
  }
}

module attributes {stable_mosaic.version = 14 : i64} {
  func.func @_logits_body(%arg0: i32, %arg1: memref<4x1000x128xf32, #tpu.memory_space<vmem>>, %arg2: memref<2x1000x128xf32, #tpu.memory_space<vmem>>, %arg3: memref<128x64xf32, #tpu.memory_space<vmem>>, %arg4: memref<4x64xf32, #tpu.memory_space<vmem>>, %arg5: memref<1000x4xf32, #tpu.memory_space<vmem>>) attributes {dimension_semantics = [#tpu.dimension_semantics<arbitrary>], iteration_bounds = array<i64: 10>, scalar_prefetch = 0 : i64, scratch_operands = 0 : i64, tpu.core_type = #tpu.core_type<tc>, window_params = [{transform_indices = @transform_0, window_bounds = array<i64: 4, 1000, 128>}, {transform_indices = @transform_1, window_bounds = array<i64: 2, 1000, 128>}, {pipeline_mode = #tpu.pipeline_mode<synchronous>, transform_indices = @transform_2, window_bounds = array<i64: 128, 64>}, {pipeline_mode = #tpu.pipeline_mode<synchronous>, transform_indices = @transform_3, window_bounds = array<i64: 4, 64>}, {transform_indices = @transform_4, window_bounds = array<i64: 1000, 4>}]} {
    %get3A = arith.constant 0 : index
    %get3A_0 = arith.constant 0 : index
    %get3A_1 = vector.load %arg3[%get3A, %get3A_0] : memref<128x64xf32, #tpu.memory_space<vmem>>, vector<128x64xf32>
    %get3A_2 = arith.constant 0 : index
    %get3A_3 = arith.constant 0 : index
    %get3A_4 = arith.constant 0 : index
    %get3A_5 = vector.load %arg1[%get3A_2, %get3A_3, %get3A_4] : memref<4x1000x128xf32, #tpu.memory_space<vmem>>, vector<1x1000x128xf32>
    %get3A_6 = vector.shape_cast %get3A_5 : vector<1x1000x128xf32> to vector<1000x128xf32>
    %get3A_7 = arith.constant 0 : index
    %get3A_8 = arith.constant 0 : index
    %get3A_9 = arith.constant 0 : index
    %get3A_10 = vector.load %arg2[%get3A_7, %get3A_8, %get3A_9] : memref<2x1000x128xf32, #tpu.memory_space<vmem>>, vector<1x1000x64xf32>
    %get3A_11 = vector.shape_cast %get3A_10 : vector<1x1000x64xf32> to vector<1000x64xf32>
    %dot_general3A = arith.constant dense<0.000000e+00> : vector<1000x64xf32>
    %dot_general3A_12 = tpu.matmul %get3A_6, %get3A_1, %dot_general3A {dimension_numbers = #tpu.dot_dimension_numbers<[1], [0], [0], [1], [0, 0, 1, 1], [], []>, transpose_lhs_hint = false} : vector<1000x128xf32>, vector<128x64xf32>, vector<1000x64xf32> -> vector<1000x64xf32>
    %add3A = arith.addf %dot_general3A_12, %get3A_11 : vector<1000x64xf32>
    %max3A = arith.constant 0.000000e+00 : f32
    %max3A_13 = vector.broadcast %max3A : f32 to vector<1000x64xf32>
    %max3A_14 = arith.maximumf %add3A, %max3A_13 : vector<1000x64xf32>
    %convert_element_type3A = arith.truncf %max3A_14 : vector<1000x64xf32> to vector<1000x64xbf16>
    %convert_element_type3A_15 = arith.extf %convert_element_type3A : vector<1000x64xbf16> to vector<1000x64xf32>
    %get3A_16 = arith.constant 0 : index
    %get3A_17 = arith.constant 0 : index
    %get3A_18 = vector.load %arg4[%get3A_16, %get3A_17] : memref<4x64xf32, #tpu.memory_space<vmem>>, vector<1x64xf32>
    %get3A_19 = vector.shape_cast %get3A_18 : vector<1x64xf32> to vector<64xf32>
    %convert_element_type3A_20 = arith.truncf %get3A_19 : vector<64xf32> to vector<64xbf16>
    %convert_element_type3A_21 = arith.extf %convert_element_type3A_20 : vector<64xbf16> to vector<64xf32>
    %broadcast_in_dim3A = vector.shape_cast %convert_element_type3A_21 : vector<64xf32> to vector<1x64xf32>
    %mul3A = vector.broadcast %broadcast_in_dim3A : vector<1x64xf32> to vector<1000x64xf32>
    %mul3A_22 = arith.mulf %convert_element_type3A_15, %mul3A : vector<1000x64xf32>
    %reduce_sum3A = arith.constant dense<0.000000e+00> : vector<1000xf32>
    %reduce_sum3A_23 = vector.multi_reduction <add>, %mul3A_22, %reduce_sum3A [1] : vector<1000x64xf32> to vector<1000xf32>
    %broadcast_in_dim3A_24 = vector.shape_cast %reduce_sum3A_23 : vector<1000xf32> to vector<1000x1xf32>
    %get3A_25 = arith.constant 1 : index
    %get3A_26 = arith.constant 0 : index
    %get3A_27 = arith.constant 0 : index
    %get3A_28 = vector.load %arg1[%get3A_25, %get3A_26, %get3A_27] : memref<4x1000x128xf32, #tpu.memory_space<vmem>>, vector<1x1000x128xf32>
    %get3A_29 = vector.shape_cast %get3A_28 : vector<1x1000x128xf32> to vector<1000x128xf32>
    %get3A_30 = arith.constant 0 : index
    %get3A_31 = arith.constant 0 : index
    %get3A_32 = arith.constant 64 : index
    %get3A_33 = vector.load %arg2[%get3A_30, %get3A_31, %get3A_32] : memref<2x1000x128xf32, #tpu.memory_space<vmem>>, vector<1x1000x64xf32>
    %get3A_34 = vector.shape_cast %get3A_33 : vector<1x1000x64xf32> to vector<1000x64xf32>
    %dot_general3A_35 = arith.constant dense<0.000000e+00> : vector<1000x64xf32>
    %dot_general3A_36 = tpu.matmul %get3A_29, %get3A_1, %dot_general3A_35 {dimension_numbers = #tpu.dot_dimension_numbers<[1], [0], [0], [1], [0, 0, 1, 1], [], []>, transpose_lhs_hint = false} : vector<1000x128xf32>, vector<128x64xf32>, vector<1000x64xf32> -> vector<1000x64xf32>
    %add3A_37 = arith.addf %dot_general3A_36, %get3A_34 : vector<1000x64xf32>
    %max3A_38 = arith.constant 0.000000e+00 : f32
    %max3A_39 = vector.broadcast %max3A_38 : f32 to vector<1000x64xf32>
    %max3A_40 = arith.maximumf %add3A_37, %max3A_39 : vector<1000x64xf32>
    %convert_element_type3A_41 = arith.truncf %max3A_40 : vector<1000x64xf32> to vector<1000x64xbf16>
    %convert_element_type3A_42 = arith.extf %convert_element_type3A_41 : vector<1000x64xbf16> to vector<1000x64xf32>
    %get3A_43 = arith.constant 1 : index
    %get3A_44 = arith.constant 0 : index
    %get3A_45 = vector.load %arg4[%get3A_43, %get3A_44] : memref<4x64xf32, #tpu.memory_space<vmem>>, vector<1x64xf32>
    %get3A_46 = vector.shape_cast %get3A_45 : vector<1x64xf32> to vector<64xf32>
    %convert_element_type3A_47 = arith.truncf %get3A_46 : vector<64xf32> to vector<64xbf16>
    %convert_element_type3A_48 = arith.extf %convert_element_type3A_47 : vector<64xbf16> to vector<64xf32>
    %broadcast_in_dim3A_49 = vector.shape_cast %convert_element_type3A_48 : vector<64xf32> to vector<1x64xf32>
    %mul3A_50 = vector.broadcast %broadcast_in_dim3A_49 : vector<1x64xf32> to vector<1000x64xf32>
    %mul3A_51 = arith.mulf %convert_element_type3A_42, %mul3A_50 : vector<1000x64xf32>
    %reduce_sum3A_52 = arith.constant dense<0.000000e+00> : vector<1000xf32>
    %reduce_sum3A_53 = vector.multi_reduction <add>, %mul3A_51, %reduce_sum3A_52 [1] : vector<1000x64xf32> to vector<1000xf32>
    %broadcast_in_dim3A_54 = vector.shape_cast %reduce_sum3A_53 : vector<1000xf32> to vector<1000x1xf32>
    %get3A_55 = arith.constant 2 : index
    %get3A_56 = arith.constant 0 : index
    %get3A_57 = arith.constant 0 : index
    %get3A_58 = vector.load %arg1[%get3A_55, %get3A_56, %get3A_57] : memref<4x1000x128xf32, #tpu.memory_space<vmem>>, vector<1x1000x128xf32>
    %get3A_59 = vector.shape_cast %get3A_58 : vector<1x1000x128xf32> to vector<1000x128xf32>
    %get3A_60 = arith.constant 1 : index
    %get3A_61 = arith.constant 0 : index
    %get3A_62 = arith.constant 0 : index
    %get3A_63 = vector.load %arg2[%get3A_60, %get3A_61, %get3A_62] : memref<2x1000x128xf32, #tpu.memory_space<vmem>>, vector<1x1000x64xf32>
    %get3A_64 = vector.shape_cast %get3A_63 : vector<1x1000x64xf32> to vector<1000x64xf32>
    %dot_general3A_65 = arith.constant dense<0.000000e+00> : vector<1000x64xf32>
    %dot_general3A_66 = tpu.matmul %get3A_59, %get3A_1, %dot_general3A_65 {dimension_numbers = #tpu.dot_dimension_numbers<[1], [0], [0], [1], [0, 0, 1, 1], [], []>, transpose_lhs_hint = false} : vector<1000x128xf32>, vector<128x64xf32>, vector<1000x64xf32> -> vector<1000x64xf32>
    %add3A_67 = arith.addf %dot_general3A_66, %get3A_64 : vector<1000x64xf32>
    %max3A_68 = arith.constant 0.000000e+00 : f32
    %max3A_69 = vector.broadcast %max3A_68 : f32 to vector<1000x64xf32>
    %max3A_70 = arith.maximumf %add3A_67, %max3A_69 : vector<1000x64xf32>
    %convert_element_type3A_71 = arith.truncf %max3A_70 : vector<1000x64xf32> to vector<1000x64xbf16>
    %convert_element_type3A_72 = arith.extf %convert_element_type3A_71 : vector<1000x64xbf16> to vector<1000x64xf32>
    %get3A_73 = arith.constant 2 : index
    %get3A_74 = arith.constant 0 : index
    %get3A_75 = vector.load %arg4[%get3A_73, %get3A_74] : memref<4x64xf32, #tpu.memory_space<vmem>>, vector<1x64xf32>
    %get3A_76 = vector.shape_cast %get3A_75 : vector<1x64xf32> to vector<64xf32>
    %convert_element_type3A_77 = arith.truncf %get3A_76 : vector<64xf32> to vector<64xbf16>
    %convert_element_type3A_78 = arith.extf %convert_element_type3A_77 : vector<64xbf16> to vector<64xf32>
    %broadcast_in_dim3A_79 = vector.shape_cast %convert_element_type3A_78 : vector<64xf32> to vector<1x64xf32>
    %mul3A_80 = vector.broadcast %broadcast_in_dim3A_79 : vector<1x64xf32> to vector<1000x64xf32>
    %mul3A_81 = arith.mulf %convert_element_type3A_72, %mul3A_80 : vector<1000x64xf32>
    %reduce_sum3A_82 = arith.constant dense<0.000000e+00> : vector<1000xf32>
    %reduce_sum3A_83 = vector.multi_reduction <add>, %mul3A_81, %reduce_sum3A_82 [1] : vector<1000x64xf32> to vector<1000xf32>
    %broadcast_in_dim3A_84 = vector.shape_cast %reduce_sum3A_83 : vector<1000xf32> to vector<1000x1xf32>
    %get3A_85 = arith.constant 3 : index
    %get3A_86 = arith.constant 0 : index
    %get3A_87 = arith.constant 0 : index
    %get3A_88 = vector.load %arg1[%get3A_85, %get3A_86, %get3A_87] : memref<4x1000x128xf32, #tpu.memory_space<vmem>>, vector<1x1000x128xf32>
    %get3A_89 = vector.shape_cast %get3A_88 : vector<1x1000x128xf32> to vector<1000x128xf32>
    %get3A_90 = arith.constant 1 : index
    %get3A_91 = arith.constant 0 : index
    %get3A_92 = arith.constant 64 : index
    %get3A_93 = vector.load %arg2[%get3A_90, %get3A_91, %get3A_92] : memref<2x1000x128xf32, #tpu.memory_space<vmem>>, vector<1x1000x64xf32>
    %get3A_94 = vector.shape_cast %get3A_93 : vector<1x1000x64xf32> to vector<1000x64xf32>
    %dot_general3A_95 = arith.constant dense<0.000000e+00> : vector<1000x64xf32>
    %dot_general3A_96 = tpu.matmul %get3A_89, %get3A_1, %dot_general3A_95 {dimension_numbers = #tpu.dot_dimension_numbers<[1], [0], [0], [1], [0, 0, 1, 1], [], []>, transpose_lhs_hint = false} : vector<1000x128xf32>, vector<128x64xf32>, vector<1000x64xf32> -> vector<1000x64xf32>
    %add3A_97 = arith.addf %dot_general3A_96, %get3A_94 : vector<1000x64xf32>
    %max3A_98 = arith.constant 0.000000e+00 : f32
    %max3A_99 = vector.broadcast %max3A_98 : f32 to vector<1000x64xf32>
    %max3A_100 = arith.maximumf %add3A_97, %max3A_99 : vector<1000x64xf32>
    %convert_element_type3A_101 = arith.truncf %max3A_100 : vector<1000x64xf32> to vector<1000x64xbf16>
    %convert_element_type3A_102 = arith.extf %convert_element_type3A_101 : vector<1000x64xbf16> to vector<1000x64xf32>
    %get3A_103 = arith.constant 3 : index
    %get3A_104 = arith.constant 0 : index
    %get3A_105 = vector.load %arg4[%get3A_103, %get3A_104] : memref<4x64xf32, #tpu.memory_space<vmem>>, vector<1x64xf32>
    %get3A_106 = vector.shape_cast %get3A_105 : vector<1x64xf32> to vector<64xf32>
    %convert_element_type3A_107 = arith.truncf %get3A_106 : vector<64xf32> to vector<64xbf16>
    %convert_element_type3A_108 = arith.extf %convert_element_type3A_107 : vector<64xbf16> to vector<64xf32>
    %broadcast_in_dim3A_109 = vector.shape_cast %convert_element_type3A_108 : vector<64xf32> to vector<1x64xf32>
    %mul3A_110 = vector.broadcast %broadcast_in_dim3A_109 : vector<1x64xf32> to vector<1000x64xf32>
    %mul3A_111 = arith.mulf %convert_element_type3A_102, %mul3A_110 : vector<1000x64xf32>
    %reduce_sum3A_112 = arith.constant dense<0.000000e+00> : vector<1000xf32>
    %reduce_sum3A_113 = vector.multi_reduction <add>, %mul3A_111, %reduce_sum3A_112 [1] : vector<1000x64xf32> to vector<1000xf32>
    %broadcast_in_dim3A_114 = vector.shape_cast %reduce_sum3A_113 : vector<1000xf32> to vector<1000x1xf32>
    %concatenate3A = tpu.concatenate %broadcast_in_dim3A_24, %broadcast_in_dim3A_54, %broadcast_in_dim3A_84, %broadcast_in_dim3A_114 in 1 : vector<1000x1xf32>, vector<1000x1xf32>, vector<1000x1xf32>, vector<1000x1xf32> -> vector<1000x4xf32>
    %swap3A = arith.constant 0 : index
    %swap3A_115 = arith.constant 0 : index
    %swap3A_116 = vector.load %arg5[%swap3A, %swap3A_115] : memref<1000x4xf32, #tpu.memory_space<vmem>>, vector<1000x4xf32>
    tpu.vector_store %arg5[%swap3A, %swap3A_115], %concatenate3A {strides = array<i32>} : memref<1000x4xf32, #tpu.memory_space<vmem>>, vector<1000x4xf32>,
    return
  }
  func.func @transform_0(%arg0: i32) -> (i32, i32, i32) {
    %c0_i32 = arith.constant 0 : i32
    %c0_i32_0 = arith.constant 0 : i32
    %c0_i32_1 = arith.constant 0 : i32
    return %c0_i32, %arg0, %c0_i32_0 : i32, i32, i32
  }
  func.func @transform_1(%arg0: i32) -> (i32, i32, i32) {
    %c0_i32 = arith.constant 0 : i32
    %c0_i32_0 = arith.constant 0 : i32
    %c0_i32_1 = arith.constant 0 : i32
    return %c0_i32, %arg0, %c0_i32_0 : i32, i32, i32
  }
  func.func @transform_2(%arg0: i32) -> (i32, i32) {
    %c0_i32 = arith.constant 0 : i32
    %c0_i32_0 = arith.constant 0 : i32
    %c0_i32_1 = arith.constant 0 : i32
    return %c0_i32, %c0_i32_0 : i32, i32
  }
  func.func @transform_3(%arg0: i32) -> (i32, i32) {
    %c0_i32 = arith.constant 0 : i32
    %c0_i32_0 = arith.constant 0 : i32
    %c0_i32_1 = arith.constant 0 : i32
    return %c0_i32, %c0_i32_0 : i32, i32
  }
  func.func @transform_4(%arg0: i32) -> (i32, i32) {
    %c0_i32 = arith.constant 0 : i32
    %c0_i32_0 = arith.constant 0 : i32
    return %arg0, %c0_i32 : i32, i32
  }
}

module attributes {stable_mosaic.version = 14 : i64} {
  func.func @_sample_body(%arg0: i32, %arg1: memref<10000x4xf32, #tpu.memory_space<vmem>>, %arg2: memref<10000x4xf32, #tpu.memory_space<vmem>>, %arg3: memref<1x4xi32, #tpu.memory_space<vmem>>, %arg4: memref<1x4xf32, #tpu.memory_space<vmem>>) attributes {dimension_semantics = [#tpu.dimension_semantics<arbitrary>], iteration_bounds = array<i64: 1>, scalar_prefetch = 0 : i64, scratch_operands = 0 : i64, tpu.core_type = #tpu.core_type<tc>, window_params = [{pipeline_mode = #tpu.pipeline_mode<synchronous>, transform_indices = @transform_0, window_bounds = array<i64: 10000, 4>}, {pipeline_mode = #tpu.pipeline_mode<synchronous>, transform_indices = @transform_1, window_bounds = array<i64: 10000, 4>}, {pipeline_mode = #tpu.pipeline_mode<synchronous>, transform_indices = @transform_2, window_bounds = array<i64: 1, 4>}, {pipeline_mode = #tpu.pipeline_mode<synchronous>, transform_indices = @transform_3, window_bounds = array<i64: 1, 4>}]} {
    %get3A = arith.constant 0 : index
    %get3A_0 = arith.constant 0 : index
    %get3A_1 = vector.load %arg1[%get3A, %get3A_0] : memref<10000x4xf32, #tpu.memory_space<vmem>>, vector<10000x4xf32>
    %reduce_max3A = arith.constant dense<0xFF800000> : vector<4xf32>
    %reduce_max3A_2 = vector.multi_reduction <maximumf>, %get3A_1, %reduce_max3A [0] : vector<10000x4xf32> to vector<4xf32>
    %broadcast_in_dim3A = vector.shape_cast %reduce_max3A_2 : vector<4xf32> to vector<1x4xf32>
    %sub3A = vector.broadcast %broadcast_in_dim3A : vector<1x4xf32> to vector<10000x4xf32>
    %sub3A_3 = arith.subf %get3A_1, %sub3A : vector<10000x4xf32>
    %exp3A = math.exp %sub3A_3 : vector<10000x4xf32>
    %reduce_sum3A = arith.constant dense<0.000000e+00> : vector<4xf32>
    %reduce_sum3A_4 = vector.multi_reduction <add>, %exp3A, %reduce_sum3A [0] : vector<10000x4xf32> to vector<4xf32>
    %broadcast_in_dim3A_5 = vector.shape_cast %reduce_sum3A_4 : vector<4xf32> to vector<1x4xf32>
    %mul3A = arith.mulf %exp3A, %get3A_1 : vector<10000x4xf32>
    %reduce_sum3A_6 = arith.constant dense<0.000000e+00> : vector<4xf32>
    %reduce_sum3A_7 = vector.multi_reduction <add>, %mul3A, %reduce_sum3A_6 [0] : vector<10000x4xf32> to vector<4xf32>
    %broadcast_in_dim3A_8 = vector.shape_cast %reduce_sum3A_7 : vector<4xf32> to vector<1x4xf32>
    %log3A = math.log %broadcast_in_dim3A_5 : vector<1x4xf32>
    %add3A = arith.addf %broadcast_in_dim3A, %log3A : vector<1x4xf32>
    %div3A = arith.divf %broadcast_in_dim3A_8, %broadcast_in_dim3A_5 : vector<1x4xf32>
    %sub3A_9 = arith.subf %add3A, %div3A : vector<1x4xf32>
    %swap3A = arith.constant 0 : index
    %swap3A_10 = arith.constant 0 : index
    %swap3A_11 = vector.load %arg4[%swap3A, %swap3A_10] : memref<1x4xf32, #tpu.memory_space<vmem>>, vector<1x4xf32>
    tpu.vector_store %arg4[%swap3A, %swap3A_10], %sub3A_9 {strides = array<i32>} : memref<1x4xf32, #tpu.memory_space<vmem>>, vector<1x4xf32>,
    %get3A_12 = arith.constant 0 : index
    %get3A_13 = arith.constant 0 : index
    %get3A_14 = vector.load %arg2[%get3A_12, %get3A_13] : memref<10000x4xf32, #tpu.memory_space<vmem>>, vector<10000x4xf32>
    %add3A_15 = arith.addf %get3A_1, %get3A_14 : vector<10000x4xf32>
    %reduce_max3A_16 = arith.constant dense<0xFF800000> : vector<4xf32>
    %reduce_max3A_17 = vector.multi_reduction <maximumf>, %add3A_15, %reduce_max3A_16 [0] : vector<10000x4xf32> to vector<4xf32>
    %broadcast_in_dim3A_18 = vector.shape_cast %reduce_max3A_17 : vector<4xf32> to vector<1x4xf32>
    %iota3A = tpu.iota {dimensions = array<i32: 0>} : vector<10000x4xi32>
    %eq3A = vector.broadcast %broadcast_in_dim3A_18 : vector<1x4xf32> to vector<10000x4xf32>
    %eq3A_19 = arith.cmpf oeq, %add3A_15, %eq3A : vector<10000x4xf32>
    %jit3A = arith.constant 2147483647 : i32
    %broadcast_in_dim3A_20 = vector.broadcast %jit3A : i32 to vector<10000x4xi32>
    %select_n3A = arith.select %eq3A_19, %iota3A, %broadcast_in_dim3A_20 : vector<10000x4xi1>, vector<10000x4xi32>
    %reduce_min3A = arith.constant dense<2147483647> : vector<4xi32>
    %reduce_min3A_21 = vector.multi_reduction <minsi>, %select_n3A, %reduce_min3A [0] : vector<10000x4xi32> to vector<4xi32>
    %broadcast_in_dim3A_22 = vector.shape_cast %reduce_min3A_21 : vector<4xi32> to vector<1x4xi32>
    %swap3A_23 = arith.constant 0 : index
    %swap3A_24 = arith.constant 0 : index
    %swap3A_25 = vector.load %arg3[%swap3A_23, %swap3A_24] : memref<1x4xi32, #tpu.memory_space<vmem>>, vector<1x4xi32>
    tpu.vector_store %arg3[%swap3A_23, %swap3A_24], %broadcast_in_dim3A_22 {strides = array<i32>} : memref<1x4xi32, #tpu.memory_space<vmem>>, vector<1x4xi32>,
    return
  }
  func.func @transform_0(%arg0: i32) -> (i32, i32) {
    %c0_i32 = arith.constant 0 : i32
    %c0_i32_0 = arith.constant 0 : i32
    %c0_i32_1 = arith.constant 0 : i32
    return %c0_i32, %c0_i32_0 : i32, i32
  }
  func.func @transform_1(%arg0: i32) -> (i32, i32) {
    %c0_i32 = arith.constant 0 : i32
    %c0_i32_0 = arith.constant 0 : i32
    %c0_i32_1 = arith.constant 0 : i32
    return %c0_i32, %c0_i32_0 : i32, i32
  }
  func.func @transform_2(%arg0: i32) -> (i32, i32) {
    %c0_i32 = arith.constant 0 : i32
    %c0_i32_0 = arith.constant 0 : i32
    %c0_i32_1 = arith.constant 0 : i32
    return %c0_i32, %c0_i32_0 : i32, i32
  }
  func.func @transform_3(%arg0: i32) -> (i32, i32) {
    %c0_i32 = arith.constant 0 : i32
    %c0_i32_0 = arith.constant 0 : i32
    %c0_i32_1 = arith.constant 0 : i32
    return %c0_i32, %c0_i32_0 : i32, i32
  }
}

</mosaic_0001>

<sc_bundles>
// kernel: kernel.10.cloned.1.call-start
scs
__scs_entry_jumppad:
0x0: {  	(pc) =	sbr.rel $0x88, $3  }
0x1: {  	(tag) =	ssettag $0x0;
	lr =	simm.s32 $0x1  }
0x2: {  	[smem:$0x3F9B] =	sst lr;
	_ =	strace $0xD0000000  }
0x3: {  	_ = 	snop  }
0x4: {  	_ = 	snop  }
0x5: {  	_ = 	snop  }
0x6: {  	_ = 	snop  }
0x7: {  	_ = 	snop  }
__scs_overlays_trampoline_lowered:
0x8: {  	[smem:$0x3FAA] =	sst s0  }
0x9: {  	[smem:$0x3FAB] =	sst s1  }
0xa: {  	[smem:$0x3FAC] =	sst s2  }
0xb: {  	[smem:$0x3FAD] =	sst s3  }
0xc: {  	[smem:$0x3FAE] =	sst s4  }
0xd: {  	[smem:$0x3FAF] =	sst s5  }
0xe: {  	[smem:$0x3FB0] =	sst s6  }
0xf: {  	[smem:$0x3FB1] =	sst s7  }
0x10: {  	[smem:$0x3FB2] =	sst s8  }
0x11: {  	[smem:$0x3FB3] =	sst s9;
	s0 =	simm.s32 @!p0 $0x0  }
0x12: {  	s1 =	sld [smem:$0x3F99];
	s0 =	simm.s32 @p0 $0x1  }
0x13: {  	[smem:$0x3FB4] =	sst s0;
	s0 =	simm.s32 @!p1 $0x0  }
0x14: {  	s2 =	sld [smem:$0x3F98];
	s0 =	simm.s32 @p1 $0x1  }
0x15: {  	[smem:$0x3FB5] =	sst s0;
	s0 =	simm.s32 @!p2 $0x0  }
0x16: {  	s3 =	sld [smem:$0x3FDB];
	s0 =	simm.s32 @p2 $0x1  }
0x17: {  	s4 =	simm.s32 $0x1BF5;
	[smem:$0x3FB7] =	sst s0  }
0x18: {  	s0 =	sld [smem:$0x3F9A];
	_ =	swait.ge [sflag:s4], $0x0  }
0x19: {  	s7 =	sld [smem:$0x3F9B]  }
0x1a: {  	s8 =	sadd.s32 $0xFFFFE003, lr  }
0x1b: {  	s9 =	sadd.s32 $0xFFFFFEF7, lr;
	s5 =	simm.s32 $0xFFFFFFFF;
	p2 =	slt.u32 s8, $0xFFFFF086  }
0x1c: {  	p1 =	slt.u32 s9, $0xF7A;
	s5 =	simm.s32 @!p2 $0x0  }
0x1d: {  	s5 =	simm.s32 @p1 $0x1;
	p0 =	seq.s32 s7, s2  }
0x1e: {  	s7 =	smul.u32 @!p0 $0xF7A, s2;
	p2 =	seq.s32 @!p0 s5, $0x0  }
0x1f: {  	s9 =	smul.u32 $0xF7A, s1;
	s8 =	simm.s32 @!p0 $0x1BF5;
	p2 =	por !p2, p0  }
0x20: {  	[sflag:s8] =	ssyncset.s32 @!p0 $0xFFFFF086;
	s6 =	sadd.s32 @!p0 s3, s7;
	s7 =	simm.s32 @!p0 $0x108  }
0x21: {  	s3 =	sadd.s32 s3, s9;
	s6 =	sadd.s32 @!p0 $0x88, s6;
	s7 =	simm.s32 @p2 $0x1082  }
0x22: {  	[simem:s7], [sflag:s8] =	dma.local @!p0 [hbm:s6], $0xF7A  }
0x23: {  	s9 =	sor.u32 $0xD0000000, s2;
	s6 =	simm.s32 $0x108;
	_ =	swait.ge @!p0 [sflag:s8], $0x0  }
0x24: {  	s3 =	sadd.s32 $0x88, s3;
	s6 =	simm.s32 @!p1 $0x1082;
	[sflag:s4] =	ssyncset.s32 $0xFFFFF086  }
0x25: {  	[simem:s6], [sflag:s4] =	dma.local [hbm:s3], $0xF7A  }
0x26: {  	[smem:$0x3F9B] =	sst s1;
	(tag) =	ssettag s2;
	_ =	strace s9  }
0x27: {  	s1 =	sld [smem:$0x3FAB]  }
0x28: {  	s2 =	sld [smem:$0x3FAC]  }
0x29: {  	s4 =	sld [smem:$0x3FAE]  }
0x2a: {  	p0 =	seq.s32 s5, $0x0;
	s5 =	sld [smem:$0x3FAF]  }
0x2b: {  	s6 =	sld [smem:$0x3FB0]  }
0x2c: {  	s7 =	sld [smem:$0x3FB1]  }
0x2d: {  	s3 =	simm.s32 $0x108;
	s8 =	sld [smem:$0x3FB2]  }
0x2e: {  	s3 =	simm.s32 @!p0 $0x1082;
	s9 =	sld [smem:$0x3FB3]  }
0x2f: {  	lr =	sadd.s32 s0, s3;
	s0 =	sld [smem:$0x3FAA]  }
0x30: {  	s3 =	sld [smem:$0x3FAD]  }
0x31: {  	[smem:$0x3FB6] =	sst s10  }
0x32: {  	s10 =	sld [smem:$0x3FB4];
	_ =	sdelay $0x3  }
0x33: {  	p0 =	seq.s32 s10, $0x1;
	s10 =	sld [smem:$0x3FB6];
	_ =	sdelay $0x3  }
0x34: {  	[smem:$0x3FB6] =	sst s10  }
0x35: {  	s10 =	sld [smem:$0x3FB5];
	_ =	sdelay $0x3  }
0x36: {  	p1 =	seq.s32 s10, $0x1;
	s10 =	sld [smem:$0x3FB6];
	_ =	sdelay $0x3  }
0x37: {  	[smem:$0x3FB6] =	sst s10  }
0x38: {  	s10 =	sld [smem:$0x3FB7]  }
0x39: {  	_ = 	snop;
	(pc) =	sbr.ind lr, $3  }
0x3a: {  	_ = 	snop  }
0x3b: {  	_ = 	snop  }
0x3c: {  	p2 =	seq.s32 s10, $0x1;
	s10 =	sld [smem:$0x3FB6]  }
0x3d: {  	_ =	shalt  }
0x3e: {  	_ =	shalt  }
0x3f: {  	_ =	shalt  }
0x40: {  	_ =	shalt  }
0x41: {  	_ =	shalt  }
0x42: {  	_ =	shalt  }
0x43: {  	_ =	shalt  }
0x44: {  	_ =	shalt  }
0x45: {  	_ =	shalt  }
0x46: {  	_ =	shalt  }
0x47: {  	_ =	shalt  }
0x48: {  	_ =	shalt  }
0x49: {  	_ =	shalt  }
0x4a: {  	_ =	shalt  }
0x4b: {  	_ =	shalt  }
0x4c: {  	_ =	shalt  }
0x4d: {  	_ =	shalt  }
0x4e: {  	_ =	shalt  }
0x4f: {  	_ =	shalt  }
0x50: {  	_ =	shalt  }
0x51: {  	_ =	shalt  }
0x52: {  	_ =	shalt  }
0x53: {  	_ =	shalt  }
0x54: {  	_ =	shalt  }
0x55: {  	_ =	shalt  }
0x56: {  	_ =	shalt  }
0x57: {  	_ =	shalt  }
0x58: {  	_ =	shalt  }
0x59: {  	_ =	shalt  }
0x5a: {  	_ =	shalt  }
0x5b: {  	_ =	shalt  }
0x5c: {  	_ =	shalt  }
0x5d: {  	_ =	shalt  }
0x5e: {  	_ =	shalt  }
0x5f: {  	_ =	shalt  }
0x60: {  	_ =	shalt  }
0x61: {  	_ =	shalt  }
0x62: {  	_ =	shalt  }
0x63: {  	_ =	shalt  }
0x64: {  	_ =	shalt  }
0x65: {  	_ =	shalt  }
0x66: {  	_ =	shalt  }
0x67: {  	_ =	shalt  }
0x68: {  	_ =	shalt  }
0x69: {  	_ =	shalt  }
0x6a: {  	_ =	shalt  }
0x6b: {  	_ =	shalt  }
0x6c: {  	_ =	shalt  }
0x6d: {  	_ =	shalt  }
0x6e: {  	_ =	shalt  }
0x6f: {  	_ =	shalt  }
0x70: {  	_ =	shalt  }
0x71: {  	_ =	shalt  }
0x72: {  	_ =	shalt  }
0x73: {  	_ =	shalt  }
0x74: {  	_ =	shalt  }
0x75: {  	_ =	shalt  }
0x76: {  	_ =	shalt  }
0x77: {  	_ =	shalt  }
0x78: {  	_ =	shalt  }
0x79: {  	_ =	shalt  }
0x7a: {  	_ =	shalt  }
0x7b: {  	_ =	shalt  }
0x7c: {  	_ =	shalt  }
0x7d: {  	_ =	shalt  }
0x7e: {  	_ =	shalt  }
0x7f: {  	_ =	shalt  }
0x80: {  	_ =	shalt  }
0x81: {  	_ =	shalt  }
0x82: {  	_ =	shalt  }
0x83: {  	_ =	shalt  }
0x84: {  	_ =	shalt  }
0x85: {  	_ =	shalt  }
0x86: {  	_ =	shalt  }
0x87: {  	_ =	shalt  }
.Lfunc_end0:
.L_simem_size_0:
called_computation.1_lowered:
.L_overlay_start_0:
0x88: {  	s2 =	sld [smem:$0x3FD9]  }
0x89: {  	s3 =	sld [smem:$0x3FFE];
	_ =	sdelay $0x1  }
0x8a: {  	s1 =	srdreg.scid  }
0x8b: {  	s0 =	sand.u32 $0x1, s1  }
0x8c: {  	s14 =	sshll.u32 s0, $0xA;
	s2 =	sadd.s32 s3, s2  }
0x8d: {  	s2 =	sadd.s32 s2, s14  }
0x8e: {  	[smem:$0x3FC2] =	sst s2  }
0x8f: {  	_ = 	snop  }
0x90: {  	s2 =	sld [smem:$0x3FD0];
	_ =	sdelay $0x2  }
0x91: {  	s4 =	simm.s32 $0xA;
	s5 =	simm.s32 $0x10;
	s15 =	sld [smem:$0x3FC6]  }
0x92: {  	[smem:s5], [sflag:s4] =	dma.local [hbm:s2], $0x1  }
0x93: {  	_ =	swait.eq [sflag:s4], $0x1  }
0x94: {  	[sflag:s4] =	ssyncset.done $0x0  }
0x95: {  	[sflag:s4] =	ssyncadd.s32 $0xFFFFFFFF  }
0x96: {  	s16 =	sld [smem:$0x11];
	(tm) =	ssettm $0x1  }
0x97: {  	s17 =	sld [smem:$0x3FFB];
	_ =	sdelay $0x3  }
0x98: {  	_ =	strace s17  }
0x99: {  	s4 =	sld [smem:$0x3FFC];
	_ =	sdelay $0x3  }
0x9a: {  	_ =	strace s4  }
0x9b: {  	s4 =	sld [smem:$0x3FFD];
	_ =	sdelay $0x3  }
0x9c: {  	_ =	strace s4  }
0x9d: {  	_ =	strace $0x8FFFFFFF  }
0x9e: {  	s18 =	sld [smem:$0x3FDB];
	_ =	sdelay $0x1  }
0x9f: {  	s19 =	simm.s32 $_scs_section_size  }
0xa0: {  	s6 =	simm.s32 $_size__tile_overlayer_lowered;
	s7 =	simm.s32 $_tile_overlayer_lowered  }
0xa1: {  	s22 =	simm.s32 $0x1BFF;
	s21 =	sshll.u32 s7, $0x1;
	s4 =	sadd.s32 s19, s18  }
0xa2: {  	s8 =	simm.s32 $0x0;
	s20 =	sshll.u32 s6, $0x1;
	s6 =	sadd.s32 s21, s4  }
0xa3: {  	[timem:s8], [sflag:s22] =	dma.local [hbm:s6], s20  }
0xa4: {  	_ =	swait.ge [sflag:s22], s20  }
0xa5: {  	s5 =	ssub.s32 $0x0, s20;
	[sflag:s22] =	ssyncset.done $0x0  }
0xa6: {  	[sflag:s22] =	ssyncadd.s32 s5;
	_ =	sdelay $0x1  }
0xa7: {  	s23 =	simm.s32 $0x1B8B  }
0xa8: {  	_ =	swait.ge [sflag:s23], $0x1  }
0xa9: {  	[sflag:s23] =	ssyncset.done $0x0  }
0xaa: {  	s25 =	simm.s32 $0x1B8E;
	s24 =	sld [smem:$0x3FFE];
	[sflag:s23] =	ssyncadd.s32 $0xFFFFFFFF  }
0xab: {  	s26 =	simm.s32 $execute0_lowered;
	[smem:$0x3FD2] =	sst s25  }
0xac: {  	s6 =	sshll.u32 s26, $0x1;
	_ =	strace $0x80000049;
	[dreg:$0x1] =	wrdreg $0xFFFFFFFF  }
0xad: {  	s28 =	simm.s32 $_size_execute0_lowered;
	s4 =	sadd.s32 s4, s6;
	[dreg:$0x0] =	wrdreg $0x0  }
0xae: {  	s6 =	sshll.u32 s28, $0x1;
	[dreg:$0x2] =	wrdreg s4  }
0xaf: {  	[dreg:$0x3] =	wrdreg s6  }
0xb0: {  	[dreg:$0x4] =	wrdreg $0xC0  }
0xb1: {  	_ =	task [dreg:s8], $0x5FFFF  }
0xb2: {  	[dreg:$0x1] =	wrdreg $0xFFFFFFFF  }
0xb3: {  	[dreg:$0x0] =	wrdreg $0x60  }
0xb4: {  	[dreg:$0x2] =	wrdreg s24  }
0xb5: {  	[dreg:$0x3] =	wrdreg s15  }
0xb6: {  	[dreg:$0x4] =	wrdreg s16  }
0xb7: {  	[dreg:$0x5] =	wrdreg $0x0  }
0xb8: {  	[dreg:$0x6] =	wrdreg $0x9  }
0xb9: {  	_ =	task.clear_ibuf [dreg:s8], $0x7FFFF;
	_ =	strace $0x90000049  }
0xba: {  	s29 =	simm.s32 $0x9;
	_ =	strace $0x8000004B  }
0xbb: {  	_ =	swait.ge [sflag:s29], $0x1  }
0xbc: {  	[sflag:s29] =	ssyncadd.s32 $0xFFFFFFFF  }
0xbd: {  	_ =	strace $0x9000004B  }
0xbe: {  	_ =	sfence  }
0xbf: {  	s30 =	sld [smem:$0x0];
	_ =	sdelay $0x2  }
0xc0: {  	s31 =	sshll.u32 s1, $0xD;
	s1 =	sshrl.u32 s1, $0x2  }
0xc1: {  	s3 =	sand.u32 $0x4000, s31;
	s1 =	sadd.s32 s1, s30  }
0xc2: {  	s0 =	sor.u32 s3, s0;
	s1 =	sshll.u32 s1, $0x11  }
0xc3: {  	s0 =	sor.u32 s1, s0  }
0xc4: {  	s0 =	sadd.s32 $0x8F2B, s0  }
0xc5: {  	[sflag:s0] =	ssyncadd.remote.s32 $0x1  }
0xc6: {  	_ =	sfence.sel $0xFFFF  }
0xc7: {  	[dreg:$0x0] =	wrdreg $0xFFFFFFFF;
	(pc) =	sbr.abs _section_cstart, $3  }
0xc8: {  	[dreg:$0x1] =	wrdreg $0xFFFFFFFF  }
0xc9: {  	_ =	task.clear_ibuf [dreg:s8], $0x2FFFF;
	_ =	strace $0x9FFFFFFF  }
0xca: {  	(tm) =	ssettm $0x7FFFFFFF  }
0xcb: {  	_ =	shalt  }
tec
execute0_lowered:
.L_overlay_start_1:
0x0: {  	(tag) =	ssettag $0x1  }
0x1: {  	s3 =	rddreg [dreg:$0x0]  }
0x2: {  	s6 =	rddreg [dreg:$0x1]  }
0x3: {  	s1 =	rddreg [dreg:$0x2]  }
0x4: {  	s2 =	rddreg [dreg:$0x3]  }
0x5: {  	s0 =	srdreg.scid;
	s4 =	simm.s32 $0x0;
	s20 =	stileid.u32  }
0x6: {  	s30 =	simm.s32 $0x3;
	s29 =	simm.s32 $0x50;
	s31 =	simm.s32 $0x1BF00  }
0x7: {  	s0 =	sand.u32 $0x1, s0;
	[smem:$0x7FF] =	sst s4;
	s9 =	smul.u32 $0x280, s20  }
0x8: {  	s5 =	smul.u32 $0x2710, s20;
	s10 =	sadd.s32 $0xC200, s3;
	s7 =	ssub.s32 $0x2, s0  }
0x9: {  	s12 =	smul.u32 $0x2800, s0;
	s8 =	sshrl.u32 s7, $0x1;
	s11 =	sadd.s32 $0xA0, s9  }
0xa: {  	s13 =	sadd.s32 $0xF0, s9;
	s14 =	sadd.s32 $0x140, s9;
	s18 =	sadd.s32 $0x190, s9  }
0xb: {  	s19 =	sadd.s32 $0x1E0, s9;
	s7 =	ssub.s32 s7, s8;
	s8 =	sor.u32 $0x50, s9  }
0xc: {  	s15 =	sadd.s32 s9, s12;
	s9 =	sadd.s32 $0x230, s9;
	s25 =	sadd.s32 s12, s11  }
0xd: {  	s26 =	sadd.s32 s12, s13;
	s17 =	sadd.s32 s12, s14;
	s23 =	sadd.s32 s12, s18  }
0xe: {  	s16 =	sadd.s32 s12, s8;
	s15 =	sshll.u32 s15, $0x4;
	s21 =	sshll.u32 s17, $0x4  }
0xf: {  	s17 =	sadd.s32 $0x2CD200, s3;
	s16 =	sshll.u32 s16, $0x4;
	s15 =	sadd.s32 s10, s15  }
0x10: {  	s22 =	sadd.s32 s10, s21;
	s21 =	sshll.u32 s8, $0x7;
	s8 =	simm.s32 $0x1B700  }
0x11: {  	[dreg:$0x5] =	wrdreg s15;
	s24 =	sadd.s32 s10, s16;
	s15 =	sshll.u32 s25, $0x4  }
0x12: {  	s16 =	sshll.u32 s26, $0x4;
	[dreg:$0x9] =	wrdreg s22;
	s26 =	sshrl.u32 s5, $0x3  }
0x13: {  	[dreg:$0x6] =	wrdreg s24;
	s15 =	sadd.s32 s10, s15;
	s24 =	sadd.s32 s12, s19  }
0x14: {  	s12 =	sadd.s32 s12, s9;
	s6 =	sadd.s32 s6, s26;
	[dreg:$0x7] =	wrdreg s15  }
0x15: {  	s15 =	sadd.s32 s10, s16;
	s25 =	sshll.u32 s24, $0x4;
	s12 =	sshll.u32 s12, $0x4  }
0x16: {  	s16 =	sadd.s32 $0x2200, s3;
	s24 =	sshll.u32 s11, $0x7;
	[dreg:$0x8] =	wrdreg s15  }
0x17: {  	s15 =	sshll.u32 s23, $0x4;
	s23 =	sadd.s32 s21, s2;
	s11 =	sadd.s32 s24, s2  }
0x18: {  	s21 =	sshll.u32 s9, $0x7;
	s9 =	simm.s32 $0x1;
	s15 =	sadd.s32 s10, s15  }
0x19: {  	[dreg:$0xa] =	wrdreg s15;
	s15 =	sadd.s32 s10, s25;
	s10 =	sadd.s32 s10, s12  }
0x1a: {  	s12 =	smul.u32 $0x50000, s20;
	s25 =	sshll.u32 s13, $0x7;
	s13 =	sshll.u32 s18, $0x7  }
0x1b: {  	s18 =	smov.u32 s11;
	s11 =	simm.s32 $0x0;
	[dreg:$0xb] =	wrdreg s15  }
0x1c: {  	[dreg:$0xc] =	wrdreg s10;
	s10 =	sadd.s32 s26, s3;
	s15 =	sadd.s32 $0x31B400, s3  }
0x1d: {  	s26 =	sshll.u32 s14, $0x7;
	s14 =	smov.u32 s23;
	s23 =	sadd.s32 s21, s2  }
0x1e: {  	s3 =	simm.s32 $0x18F00;
	_ =	strace $0x8000004A;
	[dreg:$0xd] =	wrdreg s6  }
0x1f: {  	s20 =	sshrl.u32 s12, $0x2;
	s22 =	sadd.s32 $0x7200, s10;
	s12 =	sadd.s32 s25, s2  }
0x20: {  	s24 =	sadd.s32 s26, s2;
	s25 =	smax.u32 s7, $0x1;
	[dreg:$0xe] =	wrdreg s22  }
0x21: {  	s26 =	sadd.s32 s13, s2;
	s6 =	simm.s32 $0x10;
	[dreg:$0x13] =	wrdreg s25  }
0x22: {  	s28 =	sadd.s32 s20, s2;
	s20 =	sshll.u32 s19, $0x7;
	[dreg:$0xf] =	wrdreg s26  }
0x23: {  	s19 =	smov.u32 s12;
	s22 =	smul.u32 $0x9C40, s0;
	[dreg:$0x11] =	wrdreg s24  }
0x24: {  	s7 =	simm.s32 $0x1C000;
	s13 =	sadd.s32 s20, s2;
	[dreg:$0x12] =	wrdreg s19  }
0x25: {  	v1 =	vlaneseq.u32;
	s10 =	simm.s32 $0x2;
	s0 =	simm.s32 $0x1BF80;
	v0 =	vmov s22;
	[dreg:$0x10] =	wrdreg s13  }
.LBB2_1:
0x26: {  	s12 =	rddreg [dreg:$0xe];
	s20 =	simm.s32 $0x14000  }
0x27: {  	[tilespmem:s20], [sflag:$0x3] =	stream.linear.gather [hbm4b:s12+s4], $0x2710, $0x38;
	[tilespmem:$0x1C080] =	vst v63  }
0x28: {  	_ =	swait.ge [sflag:s30], $0x2710  }
0x29: {  	[sflag:s30] =	ssyncset.done $0x0  }
0x2a: {  	s25 =	simm.s32 $0x16780;
	s22 =	rddreg [dreg:$0xd];
	[sflag:s30] =	ssyncadd.s32 $0xFFFFD8F0  }
0x2b: {  	[tilespmem:s25], [sflag:$0x3] =	stream.linear.gather [hbm4b:s22+s4], $0x2710, $0x38;
	[tilespmem:$0x1C080] =	vst v63  }
0x2c: {  	s21 =	stileid.u32;
	_ =	swait.ge [sflag:s30], $0x2710  }
0x2d: {  	s12 =	sshll.u32 s21, $0x6;
	[sflag:s30] =	ssyncset.done $0x0  }
0x2e: {  	s12 =	sor.u32 $0x1C03, s12;
	s22 =	sshrl.u32 s28, $0x3;
	[sflag:s30] =	ssyncadd.s32 $0xFFFFD8F0  }
0x2f: {  	[spmem:s22], [sflag:s12] =	dma.local [hbm:s1], $0x500  }
0x30: {  	_ =	swait.ge [sflag:s30], $0x500  }
0x31: {  	[sflag:s30] =	ssyncset.done $0x0  }
0x32: {  	s20 =	smov.u32 s28;
	s28 =	sshrl.u32 s14, $0x3;
	[sflag:s30] =	ssyncadd.s32 $0xFFFFFB00  }
0x33: {  	[spmem:s28], [sflag:s12] =	dma.local [hbm:s1], $0x500  }
0x34: {  	_ =	swait.ge [sflag:s30], $0x500  }
0x35: {  	[sflag:s30] =	ssyncset.done $0x0  }
0x36: {  	s21 =	smov.u32 s14;
	s14 =	sshrl.u32 s18, $0x3;
	[sflag:s30] =	ssyncadd.s32 $0xFFFFFB00  }
0x37: {  	[spmem:s14], [sflag:s12] =	dma.local [hbm:s1], $0x500  }
0x38: {  	_ =	swait.ge [sflag:s30], $0x500  }
0x39: {  	[sflag:s30] =	ssyncset.done $0x0  }
0x3a: {  	s22 =	smov.u32 s18;
	s18 =	sshrl.u32 s19, $0x3;
	[sflag:s30] =	ssyncadd.s32 $0xFFFFFB00  }
0x3b: {  	[spmem:s18], [sflag:s12] =	dma.local [hbm:s1], $0x500  }
0x3c: {  	_ =	swait.ge [sflag:s30], $0x500  }
0x3d: {  	[sflag:s30] =	ssyncset.done $0x0  }
0x3e: {  	s19 =	sshrl.u32 s24, $0x3;
	[sflag:s30] =	ssyncadd.s32 $0xFFFFFB00  }
0x3f: {  	[spmem:s19], [sflag:s12] =	dma.local [hbm:s1], $0x500  }
0x40: {  	_ =	swait.ge [sflag:s30], $0x500  }
0x41: {  	[sflag:s30] =	ssyncset.done $0x0  }
0x42: {  	s24 =	sshrl.u32 s26, $0x3;
	[sflag:s30] =	ssyncadd.s32 $0xFFFFFB00  }
0x43: {  	[spmem:s24], [sflag:s12] =	dma.local [hbm:s1], $0x500  }
0x44: {  	_ =	swait.ge [sflag:s30], $0x500  }
0x45: {  	s25 =	smov.u32 s13;
	[sflag:s30] =	ssyncset.done $0x0  }
0x46: {  	s26 =	sshrl.u32 s25, $0x3;
	[sflag:s30] =	ssyncadd.s32 $0xFFFFFB00  }
0x47: {  	[spmem:s26], [sflag:s12] =	dma.local [hbm:s1], $0x500  }
0x48: {  	_ =	swait.ge [sflag:s30], $0x500  }
0x49: {  	[sflag:s30] =	ssyncset.done $0x0  }
0x4a: {  	s28 =	sshrl.u32 s23, $0x3;
	[sflag:s30] =	ssyncadd.s32 $0xFFFFFB00  }
0x4b: {  	[spmem:s28], [sflag:s12] =	dma.local [hbm:s1], $0x500  }
0x4c: {  	_ =	swait.ge [sflag:s30], $0x500  }
0x4d: {  	[sflag:s30] =	ssyncset.done $0x0  }
0x4e: {  	[sflag:s30] =	ssyncadd.s32 $0xFFFFFB00  }
0x4f: {  	s12 =	simm.s32 $0x0;
	[bflag:$0x0] =	sbarrier.arrive $0xFFFF  }
.LBB2_2:
0x50: {  	s13 =	smul.u32 $0x50, s12;
	_ =	sdelay $0x1  }
0x51: {  	s14 =	sadd.s32 s5, s13  }
0x52: {  	s14 =	sshrl.u32 s14, $0x3  }
0x53: {  	s19 =	simm.s32 $0x0;
	s18 =	sadd.s32 s16, s14  }
0x54: {  	[tilespmem:s0], [sflag:$0x3] =	stream.linear.gather [hbm4b:s18+s19], $0x50, $0x38;
	[tilespmem:$0x1C080] =	vst v63  }
0x55: {  	_ =	swait.ge [sflag:s30], $0x50  }
0x56: {  	[sflag:s30] =	ssyncset.done $0x0  }
0x57: {  	[sflag:s30] =	ssyncadd.s32 $0xFFFFFFB0  }
0x58: {  	v2 =	vld [tilespmem:s13+$0x16780]  }
0x59: {  	v3 =	vld [tilespmem:s13+$0x14000];
	_ =	sdelay $0x3  }
0x5a: {  	v2 =	vmul.u32 $0x2710, v2  }
0x5b: {  	v3 =	vadd.s32 v0, v3  }
0x5c: {  	v2 =	vadd.s32 v2, v3  }
0x5d: {  	[tilespmem:$0x1BF00] =	vst v2  }
0x5e: {  	v2 =	vld [tilespmem:s13+$0x16790]  }
0x5f: {  	v3 =	vld [tilespmem:s13+$0x14010];
	_ =	sdelay $0x3  }
0x60: {  	v2 =	vmul.u32 $0x2710, v2  }
0x61: {  	v3 =	vadd.s32 v0, v3  }
0x62: {  	v2 =	vadd.s32 v2, v3  }
0x63: {  	[tilespmem:$0x1BF10] =	vst v2  }
0x64: {  	v2 =	vld [tilespmem:s13+$0x167A0]  }
0x65: {  	v3 =	vld [tilespmem:s13+$0x14020];
	_ =	sdelay $0x3  }
0x66: {  	v2 =	vmul.u32 $0x2710, v2  }
0x67: {  	v3 =	vadd.s32 v0, v3  }
0x68: {  	v2 =	vadd.s32 v2, v3  }
0x69: {  	[tilespmem:$0x1BF20] =	vst v2  }
0x6a: {  	v2 =	vld [tilespmem:s13+$0x167B0]  }
0x6b: {  	v3 =	vld [tilespmem:s13+$0x14030];
	_ =	sdelay $0x3  }
0x6c: {  	v2 =	vmul.u32 $0x2710, v2  }
0x6d: {  	v3 =	vadd.s32 v0, v3  }
0x6e: {  	v2 =	vadd.s32 v2, v3  }
0x6f: {  	[tilespmem:$0x1BF30] =	vst v2  }
0x70: {  	v2 =	vld [tilespmem:s13+$0x167C0]  }
0x71: {  	v3 =	vld [tilespmem:s13+$0x14040];
	_ =	sdelay $0x3  }
0x72: {  	v2 =	vmul.u32 $0x2710, v2  }
0x73: {  	v3 =	vadd.s32 v0, v3  }
0x74: {  	v2 =	vadd.s32 v2, v3;
	v3 =	vadd.s32 s14, v1  }
0x75: {  	[tilespmem:$0x1BF40] =	vst v2;
	v2 =	vmin.u32 v3, $0x4E1F  }
0x76: {  	[tilespmem:$0x1C000] =	vst v2  }
0x77: {  	[tilespmem:s3], [sflag:$0x1] =	stream.indirect.gather [hbm4b:s15+s29], $0x80, s31, s29, $0xb8;
	[tilespmem:$0x1C080] =	vst v63  }
0x78: {  	_ = 	snop  }
0x79: {  	[tilespmem:s8], [sflag:$0x2] =	stream.indirect.gather [hbm4b:s17+s6], $0x80, s7, s6, $0xb8;
	[tilespmem:$0x1C080] =	vst v63  }
0x7a: {  	_ =	swait.ge [sflag:s9], $0x2800  }
0x7b: {  	[sflag:s9] =	ssyncset.done $0x0  }
0x7c: {  	[sflag:s9] =	ssyncadd.s32 $0xFFFFD800  }
0x7d: {  	_ =	swait.ge [sflag:s10], $0x800  }
0x7e: {  	[sflag:s10] =	ssyncset.done $0x0  }
0x7f: {  	s14 =	simm.s32 $0x19100;
	[sflag:s10] =	ssyncadd.s32 $0xFFFFF800  }
0x80: {  	s13 =	simm.s32 $0x0;
	v3 =	vld [tilespmem:s14+$0xFFFFFE70]  }
0x81: {  	v4 =	vld [tilespmem:s13+$0x1B700]  }
0x82: {  	v5 =	vld [tilespmem:s14+$0xFFFFFE00]  }
0x83: {  	v6 =	vld [tilespmem:s14+$0xFFFFFE20]  }
0x84: {  	v2 =	vld [tilespmem:s14+$0xFFFFFE50]  }
0x85: {  	v7 =	vld [tilespmem:s14+$0xFFFFFE30]  }
0x86: {  	v9 =	vld [tilespmem:s14+$0xFFFFFE10];
	v3 =	vmul.f32 v3, v4  }
0x87: {  	v10 =	vld [tilespmem:s14+$0xFFFFFE40];
	v5 =	vmul.f32 v5, v4  }
0x88: {  	v8 =	vld [tilespmem:s14+$0xFFFFFE60];
	v6 =	vmul.f32 v6, v4;
	[tilespmem:s14+$0xFFFFFE70] =	vst v3  }
0x89: {  	v2 =	vmul.f32 v2, v4;
	[tilespmem:s14+$0xFFFFFE00] =	vst v5  }
0x8a: {  	v3 =	vmul.f32 v7, v4;
	[tilespmem:s14+$0xFFFFFE20] =	vst v6  }
0x8b: {  	v5 =	vmul.f32 v9, v4;
	[tilespmem:s14+$0xFFFFFE50] =	vst v2  }
0x8c: {  	v2 =	vmul.f32 v10, v4;
	[tilespmem:s14+$0xFFFFFE30] =	vst v3  }
0x8d: {  	v3 =	vmul.f32 v8, v4;
	[tilespmem:s14+$0xFFFFFE10] =	vst v5  }
0x8e: {  	[tilespmem:s14+$0xFFFFFE40] =	vst v2  }
0x8f: {  	v2 =	vld [tilespmem:s14+$0xFFFFFE90];
	[tilespmem:s14+$0xFFFFFE60] =	vst v3  }
0x90: {  	v3 =	vld [tilespmem:s13+$0x1B710]  }
0x91: {  	v5 =	vld [tilespmem:s14+$0xFFFFFEC0]  }
0x92: {  	v6 =	vld [tilespmem:s14+$0xFFFFFEE0]  }
0x93: {  	v4 =	vld [tilespmem:s14+$0xFFFFFEF0]  }
0x94: {  	v7 =	vld [tilespmem:s14+$0xFFFFFE80]  }
0x95: {  	v8 =	vld [tilespmem:s14+$0xFFFFFED0];
	v2 =	vmul.f32 v2, v3  }
0x96: {  	v10 =	vld [tilespmem:s14+$0xFFFFFEB0];
	v5 =	vmul.f32 v5, v3  }
0x97: {  	v9 =	vld [tilespmem:s14+$0xFFFFFEA0];
	v6 =	vmul.f32 v6, v3;
	[tilespmem:s14+$0xFFFFFE90] =	vst v2  }
0x98: {  	v4 =	vmul.f32 v4, v3;
	[tilespmem:s14+$0xFFFFFEC0] =	vst v5  }
0x99: {  	v2 =	vmul.f32 v7, v3;
	[tilespmem:s14+$0xFFFFFEE0] =	vst v6  }
0x9a: {  	v5 =	vmul.f32 v8, v3;
	[tilespmem:s14+$0xFFFFFEF0] =	vst v4  }
0x9b: {  	[tilespmem:s14+$0xFFFFFE80] =	vst v2;
	v2 =	vmul.f32 v10, v3  }
0x9c: {  	v3 =	vmul.f32 v9, v3;
	[tilespmem:s14+$0xFFFFFED0] =	vst v5  }
0x9d: {  	[tilespmem:s14+$0xFFFFFEB0] =	vst v2  }
0x9e: {  	[tilespmem:s14+$0xFFFFFEA0] =	vst v3;
	v2 =	vld [tilespmem:s14+$0xFFFFFF20]  }
0x9f: {  	v3 =	vld [tilespmem:s13+$0x1B720]  }
0xa0: {  	v5 =	vld [tilespmem:s14+$0xFFFFFF00]  }
0xa1: {  	v6 =	vld [tilespmem:s14+$0xFFFFFF60]  }
0xa2: {  	v4 =	vld [tilespmem:s14+$0xFFFFFF70]  }
0xa3: {  	v7 =	vld [tilespmem:s14+$0xFFFFFF50]  }
0xa4: {  	v8 =	vld [tilespmem:s14+$0xFFFFFF10];
	v2 =	vmul.f32 v2, v3  }
0xa5: {  	v10 =	vld [tilespmem:s14+$0xFFFFFF30];
	v5 =	vmul.f32 v5, v3  }
0xa6: {  	v9 =	vld [tilespmem:s14+$0xFFFFFF40];
	v6 =	vmul.f32 v6, v3;
	[tilespmem:s14+$0xFFFFFF20] =	vst v2  }
0xa7: {  	v4 =	vmul.f32 v4, v3;
	[tilespmem:s14+$0xFFFFFF00] =	vst v5  }
0xa8: {  	v2 =	vmul.f32 v7, v3;
	[tilespmem:s14+$0xFFFFFF60] =	vst v6  }
0xa9: {  	v5 =	vmul.f32 v8, v3;
	[tilespmem:s14+$0xFFFFFF70] =	vst v4  }
0xaa: {  	[tilespmem:s14+$0xFFFFFF50] =	vst v2;
	v2 =	vmul.f32 v10, v3  }
0xab: {  	v3 =	vmul.f32 v9, v3;
	[tilespmem:s14+$0xFFFFFF10] =	vst v5  }
0xac: {  	[tilespmem:s14+$0xFFFFFF30] =	vst v2  }
0xad: {  	[tilespmem:s14+$0xFFFFFF40] =	vst v3;
	v2 =	vld [tilespmem:s14+$0xFFFFFF80]  }
0xae: {  	v4 =	vld [tilespmem:s13+$0x1B730]  }
0xaf: {  	v3 =	vld [tilespmem:s14+$0xFFFFFF90]  }
0xb0: {  	v5 =	vld [tilespmem:s14+$0xFFFFFFE0]  }
0xb1: {  	v6 =	vld [tilespmem:s14+$0xFFFFFFA0]  }
0xb2: {  	v7 =	vld [tilespmem:s14+$0xFFFFFFB0]  }
0xb3: {  	v8 =	vld [tilespmem:s14+$0xFFFFFFF0];
	v2 =	vmul.f32 v2, v4  }
0xb4: {  	v9 =	vld [tilespmem:s14+$0xFFFFFFC0];
	v3 =	vmul.f32 v3, v4  }
0xb5: {  	v10 =	vld [tilespmem:s14+$0xFFFFFFD0];
	v5 =	vmul.f32 v5, v4;
	[tilespmem:s14+$0xFFFFFF80] =	vst v2  }
0xb6: {  	v6 =	vmul.f32 v6, v4;
	[tilespmem:s14+$0xFFFFFF90] =	vst v3;
	v2 =	vld [tilespmem:s14+$0x70]  }
0xb7: {  	v7 =	vmul.f32 v7, v4;
	[tilespmem:s14+$0xFFFFFFE0] =	vst v5;
	v3 =	vld [tilespmem:s14+$0x60]  }
0xb8: {  	v8 =	vmul.f32 v8, v4;
	[tilespmem:s14+$0xFFFFFFA0] =	vst v6;
	v5 =	vld [tilespmem:s14+$0x20]  }
0xb9: {  	v6 =	vmul.f32 v9, v4;
	[tilespmem:s14+$0xFFFFFFB0] =	vst v7;
	v7 =	vld [tilespmem:s14+$0x30]  }
0xba: {  	v4 =	vmul.f32 v10, v4;
	[tilespmem:s14+$0xFFFFFFF0] =	vst v8;
	v9 =	vld [tilespmem:s14+$0x50]  }
0xbb: {  	v8 =	vld [tilespmem:s14+$0x0];
	[tilespmem:s14+$0xFFFFFFC0] =	vst v6  }
0xbc: {  	v10 =	vld [tilespmem:s14+$0x10];
	[tilespmem:s14+$0xFFFFFFD0] =	vst v4  }
0xbd: {  	v4 =	vld [tilespmem:s13+$0x1B740]  }
0xbe: {  	s28 =	simm.s32 $0x200;
	s18 =	simm.s32 $0x19100;
	v6 =	vld [tilespmem:s14+$0x40]  }
.LBB2_3:
0xbf: {  	p0 =	sne.s32 s28, $0x1200  }
0xc0: {  	s14 =	sadd.s32 $0x400, s14;
	s19 =	smov.u32 s28;
	s28 =	sadd.s32 $0x200, s28  }
0xc1: {  	_ = 	snop  }
0xc2: {  	v7 =	vmul.f32 v7, v4;
	v9 =	vmul.f32 v9, v4  }
0xc3: {  	v5 =	vmul.f32 v5, v4;
	v8 =	vmul.f32 v8, v4  }
0xc4: {  	v6 =	vmul.f32 v6, v4;
	v10 =	vmul.f32 v10, v4;
	[tilespmem:s18+$0x30] =	vst v7  }
0xc5: {  	v3 =	vmul.f32 v3, v4;
	v2 =	vmul.f32 v2, v4;
	[tilespmem:s18+$0x20] =	vst v5;
	v4 =	vld [tilespmem:s18+$0x80]  }
0xc6: {  	[tilespmem:s18+$0x10] =	vst v10;
	v5 =	vld [tilespmem:s18+$0xF0]  }
0xc7: {  	[tilespmem:s18+$0x40] =	vst v6;
	v6 =	vld [tilespmem:s18+$0xB0]  }
0xc8: {  	[tilespmem:s18+$0x70] =	vst v2;
	v7 =	vld [tilespmem:s18+$0xA0]  }
0xc9: {  	v2 =	vld [tilespmem:s14+$0x70];
	[tilespmem:s18+$0x50] =	vst v9  }
0xca: {  	[tilespmem:s18+$0x60] =	vst v3;
	v9 =	vld [tilespmem:s18+$0xD0]  }
0xcb: {  	[tilespmem:s18+$0x0] =	vst v8;
	v8 =	vld [tilespmem:s18+$0x90]  }
0xcc: {  	v10 =	vld [tilespmem:s13+$0x1B750]  }
0xcd: {  	v3 =	vld [tilespmem:s14+$0x60]  }
0xce: {  	v11 =	vld [tilespmem:s18+$0xC0]  }
0xcf: {  	v12 =	vld [tilespmem:s18+$0xE0];
	_ =	sdelay $0x1  }
0xd0: {  	v4 =	vmul.f32 v4, v10;
	v8 =	vmul.f32 v8, v10  }
0xd1: {  	v7 =	vmul.f32 v7, v10;
	v6 =	vmul.f32 v6, v10  }
0xd2: {  	v9 =	vmul.f32 v9, v10;
	[tilespmem:s18+$0x80] =	vst v4;
	v4 =	vmul.f32 v11, v10  }
0xd3: {  	v5 =	vmul.f32 v5, v10;
	[tilespmem:s18+$0xB0] =	vst v6;
	v6 =	vmul.f32 v12, v10  }
0xd4: {  	[tilespmem:s18+$0xA0] =	vst v7  }
0xd5: {  	[tilespmem:s18+$0x90] =	vst v8;
	v7 =	vld [tilespmem:s18+$0x100]  }
0xd6: {  	[tilespmem:s18+$0xF0] =	vst v5;
	v5 =	vld [tilespmem:s18+$0x110]  }
0xd7: {  	[tilespmem:s18+$0xD0] =	vst v9;
	v8 =	vld [tilespmem:s18+$0x150]  }
0xd8: {  	[tilespmem:s18+$0xE0] =	vst v6;
	v6 =	vld [tilespmem:s18+$0x130]  }
0xd9: {  	[tilespmem:s18+$0xC0] =	vst v4;
	v4 =	vld [tilespmem:s18+$0x160]  }
0xda: {  	v9 =	vld [tilespmem:s13+$0x1B760]  }
0xdb: {  	v10 =	vld [tilespmem:s18+$0x120]  }
0xdc: {  	v11 =	vld [tilespmem:s18+$0x140]  }
0xdd: {  	v12 =	vld [tilespmem:s18+$0x170];
	_ =	sdelay $0x1  }
0xde: {  	v7 =	vmul.f32 v7, v9;
	v4 =	vmul.f32 v4, v9  }
0xdf: {  	v6 =	vmul.f32 v6, v9;
	v10 =	vmul.f32 v10, v9  }
0xe0: {  	v8 =	vmul.f32 v8, v9;
	[tilespmem:s18+$0x100] =	vst v7;
	v7 =	vmul.f32 v11, v9  }
0xe1: {  	v5 =	vmul.f32 v5, v9;
	[tilespmem:s18+$0x130] =	vst v6;
	v6 =	vmul.f32 v12, v9  }
0xe2: {  	[tilespmem:s18+$0x150] =	vst v8  }
0xe3: {  	[tilespmem:s18+$0x120] =	vst v10;
	v8 =	vld [tilespmem:s18+$0x1A0]  }
0xe4: {  	[tilespmem:s18+$0x110] =	vst v5;
	v5 =	vld [tilespmem:s18+$0x180]  }
0xe5: {  	[tilespmem:s18+$0x170] =	vst v6;
	v6 =	vld [tilespmem:s18+$0x1E0]  }
0xe6: {  	[tilespmem:s18+$0x140] =	vst v7;
	v7 =	vld [tilespmem:s18+$0x1D0]  }
0xe7: {  	[tilespmem:s18+$0x160] =	vst v4;
	v4 =	vld [tilespmem:s18+$0x190]  }
0xe8: {  	v9 =	vld [tilespmem:s13+$0x1B770]  }
0xe9: {  	v10 =	vld [tilespmem:s18+$0x1B0]  }
0xea: {  	v11 =	vld [tilespmem:s18+$0x1C0]  }
0xeb: {  	v12 =	vld [tilespmem:s18+$0x1F0];
	_ =	sdelay $0x1  }
0xec: {  	v5 =	vmul.f32 v5, v9;
	v4 =	vmul.f32 v4, v9  }
0xed: {  	v8 =	vmul.f32 v8, v9;
	v10 =	vmul.f32 v10, v9  }
0xee: {  	v7 =	vmul.f32 v7, v9;
	[tilespmem:s18+$0x180] =	vst v5;
	v5 =	vmul.f32 v11, v9  }
0xef: {  	v6 =	vmul.f32 v6, v9;
	[tilespmem:s18+$0x1A0] =	vst v8;
	v8 =	vmul.f32 v12, v9  }
0xf0: {  	[tilespmem:s18+$0x1D0] =	vst v7  }
0xf1: {  	v7 =	vld [tilespmem:s14+$0xFFFFFE50];
	[tilespmem:s18+$0x1E0] =	vst v6  }
0xf2: {  	v6 =	vld [tilespmem:s14+$0xFFFFFE30];
	[tilespmem:s18+$0x1F0] =	vst v8  }
0xf3: {  	v8 =	vld [tilespmem:s14+$0xFFFFFE60];
	[tilespmem:s18+$0x1B0] =	vst v10  }
0xf4: {  	v9 =	vld [tilespmem:s14+$0xFFFFFE70];
	[tilespmem:s18+$0x190] =	vst v4  }
0xf5: {  	s13 =	sshra.s32 s19, $0x2;
	v4 =	vld [tilespmem:s14+$0xFFFFFE00];
	[tilespmem:s18+$0x1C0] =	vst v5;
	s18 =	smov.u32 s14  }
0xf6: {  	v5 =	vld [tilespmem:s13+$0x1B700]  }
0xf7: {  	v10 =	vld [tilespmem:s14+$0xFFFFFE20]  }
0xf8: {  	v11 =	vld [tilespmem:s14+$0xFFFFFE10]  }
0xf9: {  	v12 =	vld [tilespmem:s14+$0xFFFFFE40];
	_ =	sdelay $0x1  }
0xfa: {  	v4 =	vmul.f32 v4, v5;
	v9 =	vmul.f32 v9, v5  }
0xfb: {  	v8 =	vmul.f32 v8, v5;
	v10 =	vmul.f32 v10, v5  }
0xfc: {  	v6 =	vmul.f32 v6, v5;
	v11 =	vmul.f32 v11, v5;
	[tilespmem:s14+$0xFFFFFE70] =	vst v9  }
0xfd: {  	[tilespmem:s14+$0xFFFFFE00] =	vst v4;
	v4 =	vmul.f32 v12, v5;
	v5 =	vmul.f32 v7, v5  }
0xfe: {  	[tilespmem:s14+$0xFFFFFE20] =	vst v10  }
0xff: {  	[tilespmem:s14+$0xFFFFFE30] =	vst v6;
	v6 =	vld [tilespmem:s14+$0xFFFFFEF0]  }
0x100: {  	[tilespmem:s14+$0xFFFFFE50] =	vst v5;
	v5 =	vld [tilespmem:s14+$0xFFFFFED0]  }
0x101: {  	[tilespmem:s14+$0xFFFFFE10] =	vst v11;
	v7 =	vld [tilespmem:s14+$0xFFFFFEE0]  }
0x102: {  	[tilespmem:s14+$0xFFFFFE60] =	vst v8;
	v8 =	vld [tilespmem:s14+$0xFFFFFEC0]  }
0x103: {  	[tilespmem:s14+$0xFFFFFE40] =	vst v4;
	v4 =	vld [tilespmem:s14+$0xFFFFFE90]  }
0x104: {  	v9 =	vld [tilespmem:s13+$0x1B710]  }
0x105: {  	v10 =	vld [tilespmem:s14+$0xFFFFFE80]  }
0x106: {  	v11 =	vld [tilespmem:s14+$0xFFFFFEA0]  }
0x107: {  	v12 =	vld [tilespmem:s14+$0xFFFFFEB0];
	_ =	sdelay $0x1  }
0x108: {  	v4 =	vmul.f32 v4, v9;
	v8 =	vmul.f32 v8, v9  }
0x109: {  	v7 =	vmul.f32 v7, v9;
	v10 =	vmul.f32 v10, v9  }
0x10a: {  	v5 =	vmul.f32 v5, v9;
	[tilespmem:s14+$0xFFFFFE90] =	vst v4;
	v4 =	vmul.f32 v11, v9  }
0x10b: {  	v6 =	vmul.f32 v6, v9;
	v11 =	vmul.f32 v12, v9;
	[tilespmem:s14+$0xFFFFFEC0] =	vst v8  }
0x10c: {  	[tilespmem:s14+$0xFFFFFEE0] =	vst v7  }
0x10d: {  	[tilespmem:s14+$0xFFFFFE80] =	vst v10;
	v7 =	vld [tilespmem:s14+$0xFFFFFF70]  }
0x10e: {  	[tilespmem:s14+$0xFFFFFEF0] =	vst v6;
	v6 =	vld [tilespmem:s14+$0xFFFFFF50]  }
0x10f: {  	[tilespmem:s14+$0xFFFFFED0] =	vst v5;
	v5 =	vld [tilespmem:s14+$0xFFFFFF10]  }
0x110: {  	[tilespmem:s14+$0xFFFFFEB0] =	vst v11;
	v8 =	vld [tilespmem:s14+$0xFFFFFF60]  }
0x111: {  	[tilespmem:s14+$0xFFFFFEA0] =	vst v4;
	v4 =	vld [tilespmem:s14+$0xFFFFFF20]  }
0x112: {  	v9 =	vld [tilespmem:s13+$0x1B720]  }
0x113: {  	v10 =	vld [tilespmem:s14+$0xFFFFFF00]  }
0x114: {  	v11 =	vld [tilespmem:s14+$0xFFFFFF40]  }
0x115: {  	v12 =	vld [tilespmem:s14+$0xFFFFFF30];
	_ =	sdelay $0x1  }
0x116: {  	v4 =	vmul.f32 v4, v9;
	v8 =	vmul.f32 v8, v9  }
0x117: {  	v5 =	vmul.f32 v5, v9;
	v10 =	vmul.f32 v10, v9  }
0x118: {  	v6 =	vmul.f32 v6, v9;
	[tilespmem:s14+$0xFFFFFF20] =	vst v4;
	v4 =	vmul.f32 v11, v9  }
0x119: {  	v7 =	vmul.f32 v7, v9;
	[tilespmem:s14+$0xFFFFFF00] =	vst v10;
	v10 =	vmul.f32 v12, v9  }
0x11a: {  	[tilespmem:s14+$0xFFFFFF60] =	vst v8  }
0x11b: {  	[tilespmem:s14+$0xFFFFFF50] =	vst v6;
	v6 =	vld [tilespmem:s14+$0xFFFFFFF0]  }
0x11c: {  	[tilespmem:s14+$0xFFFFFF70] =	vst v7;
	v7 =	vld [tilespmem:s14+$0xFFFFFFD0]  }
0x11d: {  	[tilespmem:s14+$0xFFFFFF10] =	vst v5;
	v5 =	vld [tilespmem:s14+$0xFFFFFFB0]  }
0x11e: {  	[tilespmem:s14+$0xFFFFFF30] =	vst v10;
	v8 =	vld [tilespmem:s14+$0xFFFFFFE0]  }
0x11f: {  	[tilespmem:s14+$0xFFFFFF40] =	vst v4;
	v4 =	vld [tilespmem:s14+$0xFFFFFF80]  }
0x120: {  	v9 =	vld [tilespmem:s13+$0x1B730]  }
0x121: {  	v10 =	vld [tilespmem:s14+$0xFFFFFF90]  }
0x122: {  	v11 =	vld [tilespmem:s14+$0xFFFFFFA0]  }
0x123: {  	v12 =	vld [tilespmem:s14+$0xFFFFFFC0];
	_ =	sdelay $0x1  }
0x124: {  	v4 =	vmul.f32 v4, v9;
	v8 =	vmul.f32 v8, v9  }
0x125: {  	v5 =	vmul.f32 v5, v9;
	v10 =	vmul.f32 v10, v9  }
0x126: {  	[tilespmem:s14+$0xFFFFFF80] =	vst v4;
	v4 =	vmul.f32 v11, v9;
	v11 =	vmul.f32 v7, v9  }
0x127: {  	v6 =	vmul.f32 v6, v9;
	[tilespmem:s14+$0xFFFFFF90] =	vst v10;
	v10 =	vmul.f32 v12, v9  }
0x128: {  	[tilespmem:s14+$0xFFFFFFE0] =	vst v8  }
0x129: {  	[tilespmem:s14+$0xFFFFFFA0] =	vst v4  }
0x12a: {  	[tilespmem:s14+$0xFFFFFFB0] =	vst v5;
	v5 =	vld [tilespmem:s14+$0x20]  }
0x12b: {  	[tilespmem:s14+$0xFFFFFFF0] =	vst v6;
	v7 =	vld [tilespmem:s14+$0x30]  }
.Ltmp0:
0x12c: {  	[tilespmem:s14+$0xFFFFFFC0] =	vst v10;
	v6 =	vld [tilespmem:s14+$0x40];
	(pc) =	sbr.rel @p0 .LBB2_3-.Ltmp0, $4  }
0x12d: {  	[tilespmem:s14+$0xFFFFFFD0] =	vst v11;
	v9 =	vld [tilespmem:s14+$0x50]  }
0x12e: {  	v4 =	vld [tilespmem:s13+$0x1B740]  }
0x12f: {  	v8 =	vld [tilespmem:s14+$0x0]  }
0x130: {  	v10 =	vld [tilespmem:s14+$0x10]  }
0x131: {  	_ =	sdelay $0x1  }
0x132: {  	v7 =	vmul.f32 v7, v4  }
0x133: {  	v5 =	vmul.f32 v5, v4  }
0x134: {  	v6 =	vmul.f32 v6, v4;
	[tilespmem:s18+$0x30] =	vst v7  }
0x135: {  	v2 =	vmul.f32 v2, v4;
	[tilespmem:s18+$0x20] =	vst v5  }
0x136: {  	v33 =	vmul.f32 v9, v4;
	[tilespmem:s18+$0x40] =	vst v6  }
0x137: {  	v3 =	vmul.f32 v3, v4;
	[tilespmem:s18+$0x70] =	vst v2  }
0x138: {  	v10 =	vmul.f32 v10, v4;
	[tilespmem:s18+$0x50] =	vst v33  }
0x139: {  	v2 =	vmul.f32 v8, v4;
	[tilespmem:s18+$0x60] =	vst v3  }
0x13a: {  	[tilespmem:s18+$0x10] =	vst v10  }
0x13b: {  	v34 =	vld [tilespmem:s18+$0x80];
	[tilespmem:s18+$0x0] =	vst v2  }
0x13c: {  	v2 =	vld [tilespmem:s13+$0x1B750]  }
0x13d: {  	v3 =	vld [tilespmem:s18+$0xB0]  }
0x13e: {  	v35 =	vld [tilespmem:s18+$0xA0]  }
0x13f: {  	v36 =	vld [tilespmem:s18+$0x90]  }
0x140: {  	v38 =	vld [tilespmem:s18+$0xD0]  }
0x141: {  	v39 =	vld [tilespmem:s18+$0xE0];
	v7 =	vmul.f32 v34, v2  }
0x142: {  	v37 =	vld [tilespmem:s18+$0xF0];
	v3 =	vmul.f32 v3, v2  }
0x143: {  	v40 =	vld [tilespmem:s18+$0xC0];
	v4 =	vmul.f32 v35, v2;
	[tilespmem:s18+$0x80] =	vst v7  }
0x144: {  	v5 =	vmul.f32 v36, v2;
	[tilespmem:s18+$0xB0] =	vst v3  }
0x145: {  	v41 =	vmul.f32 v38, v2;
	[tilespmem:s18+$0xA0] =	vst v4  }
0x146: {  	v43 =	vmul.f32 v39, v2;
	[tilespmem:s18+$0x90] =	vst v5  }
0x147: {  	v3 =	vmul.f32 v37, v2;
	[tilespmem:s18+$0xD0] =	vst v41  }
0x148: {  	v2 =	vmul.f32 v40, v2;
	[tilespmem:s18+$0xE0] =	vst v43  }
0x149: {  	[tilespmem:s18+$0xF0] =	vst v3  }
0x14a: {  	v42 =	vld [tilespmem:s18+$0x100];
	[tilespmem:s18+$0xC0] =	vst v2  }
0x14b: {  	v2 =	vld [tilespmem:s13+$0x1B760]  }
0x14c: {  	v44 =	vld [tilespmem:s18+$0x130]  }
0x14d: {  	v45 =	vld [tilespmem:s18+$0x150]  }
0x14e: {  	v46 =	vld [tilespmem:s18+$0x120]  }
0x14f: {  	v3 =	vld [tilespmem:s18+$0x110]  }
0x150: {  	v47 =	vld [tilespmem:s18+$0x170];
	v5 =	vmul.f32 v42, v2  }
0x151: {  	v48 =	vld [tilespmem:s18+$0x140];
	v4 =	vmul.f32 v44, v2  }
0x152: {  	v49 =	vld [tilespmem:s18+$0x160];
	v50 =	vmul.f32 v45, v2;
	[tilespmem:s18+$0x100] =	vst v5  }
0x153: {  	v51 =	vmul.f32 v46, v2;
	[tilespmem:s18+$0x130] =	vst v4  }
0x154: {  	v3 =	vmul.f32 v3, v2;
	[tilespmem:s18+$0x150] =	vst v50  }
0x155: {  	v52 =	vmul.f32 v47, v2;
	[tilespmem:s18+$0x120] =	vst v51  }
0x156: {  	v54 =	vmul.f32 v48, v2;
	[tilespmem:s18+$0x110] =	vst v3  }
0x157: {  	v2 =	vmul.f32 v49, v2;
	[tilespmem:s18+$0x170] =	vst v52  }
0x158: {  	[tilespmem:s18+$0x140] =	vst v54  }
0x159: {  	v3 =	vld [tilespmem:s18+$0x180];
	[tilespmem:s18+$0x160] =	vst v2  }
0x15a: {  	v2 =	vld [tilespmem:s13+$0x1B770]  }
0x15b: {  	v53 =	vld [tilespmem:s18+$0x1A0]  }
0x15c: {  	v56 =	vld [tilespmem:s18+$0x1E0]  }
0x15d: {  	v57 =	vld [tilespmem:s18+$0x1F0]  }
0x15e: {  	v55 =	vld [tilespmem:s18+$0x1D0]  }
0x15f: {  	v59 =	vld [tilespmem:s18+$0x190];
	v3 =	vmul.f32 v3, v2  }
0x160: {  	v58 =	vld [tilespmem:s18+$0x1B0];
	v5 =	vmul.f32 v53, v2  }
0x161: {  	v60 =	vld [tilespmem:s18+$0x1C0];
	v61 =	vmul.f32 v56, v2;
	[tilespmem:s18+$0x180] =	vst v3  }
0x162: {  	v62 =	vmul.f32 v57, v2;
	[tilespmem:s18+$0x1A0] =	vst v5  }
0x163: {  	v3 =	vmul.f32 v55, v2;
	[tilespmem:s18+$0x1E0] =	vst v61  }
0x164: {  	v63 =	vmul.f32 v59, v2;
	[tilespmem:s18+$0x1F0] =	vst v62  }
0x165: {  	[tilespmem:s18+$0x1D0] =	vst v3;
	v3 =	vmul.f32 v58, v2  }
0x166: {  	s12 =	sadd.s32 $0x1, s12;
	[tilespmem:s18+$0x190] =	vst v63;
	v2 =	vmul.f32 v60, v2  }
0x167: {  	p0 =	sne.s32 s12, $0x7D;
	[tilespmem:s18+$0x1B0] =	vst v3  }
.Ltmp1:
0x168: {  	[tilespmem:s18+$0x1C0] =	vst v2;
	(pc) =	sbr.rel @p0 .LBB2_2-.Ltmp1, $4  }
0x169: {  	[spmem:s2] =	stream.indirect.scatter.add.f32 [tilespmem:s3], [sflag:$0x3], $0x80, s0, s29, $0xb8;
	[tilespmem:$0x1C080] =	vst v63  }
0x16a: {  	_ =	swait.ge [sflag:s30], $0x2800  }
0x16b: {  	[sflag:s30] =	ssyncset.done $0x0  }
0x16c: {  	[sflag:s30] =	ssyncadd.s32 $0xFFFFD800  }
0x16d: {  	[bflag:$0x0] =	sbarrier.arrive $0xFFFF  }
0x16e: {  	[tilespmem:s3], [sflag:$0x3] =	stream.linear.gather [spmem:s20], $0x2800, $0x38;
	[tilespmem:$0x1C080] =	vst v63  }
0x16f: {  	_ =	swait.ge [sflag:s30], $0x2800  }
0x170: {  	[sflag:s30] =	ssyncset.done $0x0  }
0x171: {  	s12 =	rddreg [dreg:$0x5];
	[sflag:s30] =	ssyncadd.s32 $0xFFFFD800  }
0x172: {  	[hbm4b:s12+s4] =	stream.linear.scatter [tilespmem:s3], [sflag:$0x3], $0x2800, $0x38;
	[tilespmem:$0x1C080] =	vst v63  }
0x173: {  	_ =	swait.ge [sflag:s30], $0x2800  }
0x174: {  	[sflag:s30] =	ssyncset.done $0x0  }
0x175: {  	[sflag:s30] =	ssyncadd.s32 $0xFFFFD800  }
0x176: {  	[tilespmem:s3], [sflag:$0x3] =	stream.linear.gather [spmem:s21], $0x2800, $0x38;
	[tilespmem:$0x1C080] =	vst v63  }
0x177: {  	_ =	swait.ge [sflag:s30], $0x2800  }
0x178: {  	[sflag:s30] =	ssyncset.done $0x0  }
0x179: {  	s24 =	rddreg [dreg:$0x6];
	[sflag:s30] =	ssyncadd.s32 $0xFFFFD800  }
0x17a: {  	[hbm4b:s24+s4] =	stream.linear.scatter [tilespmem:s3], [sflag:$0x3], $0x2800, $0x38;
	[tilespmem:$0x1C080] =	vst v63  }
0x17b: {  	_ =	swait.ge [sflag:s30], $0x2800  }
0x17c: {  	[sflag:s30] =	ssyncset.done $0x0  }
0x17d: {  	[sflag:s30] =	ssyncadd.s32 $0xFFFFD800  }
0x17e: {  	[tilespmem:s3], [sflag:$0x3] =	stream.linear.gather [spmem:s22], $0x2800, $0x38;
	[tilespmem:$0x1C080] =	vst v63  }
0x17f: {  	_ =	swait.ge [sflag:s30], $0x2800  }
0x180: {  	[sflag:s30] =	ssyncset.done $0x0  }
0x181: {  	s25 =	rddreg [dreg:$0x7];
	[sflag:s30] =	ssyncadd.s32 $0xFFFFD800  }
0x182: {  	[hbm4b:s25+s4] =	stream.linear.scatter [tilespmem:s3], [sflag:$0x3], $0x2800, $0x38;
	[tilespmem:$0x1C080] =	vst v63  }
0x183: {  	_ =	swait.ge [sflag:s30], $0x2800  }
0x184: {  	[sflag:s30] =	ssyncset.done $0x0  }
0x185: {  	s19 =	rddreg [dreg:$0x12];
	[sflag:s30] =	ssyncadd.s32 $0xFFFFD800  }
0x186: {  	[tilespmem:s3], [sflag:$0x3] =	stream.linear.gather [spmem:s19], $0x2800, $0x38;
	[tilespmem:$0x1C080] =	vst v63  }
0x187: {  	_ =	swait.ge [sflag:s30], $0x2800  }
0x188: {  	[sflag:s30] =	ssyncset.done $0x0  }
0x189: {  	s26 =	rddreg [dreg:$0x8];
	[sflag:s30] =	ssyncadd.s32 $0xFFFFD800  }
0x18a: {  	[hbm4b:s26+s4] =	stream.linear.scatter [tilespmem:s3], [sflag:$0x3], $0x2800, $0x38;
	[tilespmem:$0x1C080] =	vst v63  }
0x18b: {  	_ =	swait.ge [sflag:s30], $0x2800  }
0x18c: {  	[sflag:s30] =	ssyncset.done $0x0  }
0x18d: {  	s24 =	rddreg [dreg:$0x11];
	[sflag:s30] =	ssyncadd.s32 $0xFFFFD800  }
0x18e: {  	[tilespmem:s3], [sflag:$0x3] =	stream.linear.gather [spmem:s24], $0x2800, $0x38;
	[tilespmem:$0x1C080] =	vst v63  }
0x18f: {  	_ =	swait.ge [sflag:s30], $0x2800  }
0x190: {  	[sflag:s30] =	ssyncset.done $0x0  }
0x191: {  	s13 =	rddreg [dreg:$0x9];
	[sflag:s30] =	ssyncadd.s32 $0xFFFFD800  }
0x192: {  	[hbm4b:s13+s4] =	stream.linear.scatter [tilespmem:s3], [sflag:$0x3], $0x2800, $0x38;
	[tilespmem:$0x1C080] =	vst v63  }
0x193: {  	_ =	swait.ge [sflag:s30], $0x2800  }
0x194: {  	[sflag:s30] =	ssyncset.done $0x0  }
0x195: {  	s26 =	rddreg [dreg:$0xf];
	[sflag:s30] =	ssyncadd.s32 $0xFFFFD800  }
0x196: {  	[tilespmem:s3], [sflag:$0x3] =	stream.linear.gather [spmem:s26], $0x2800, $0x38;
	[tilespmem:$0x1C080] =	vst v63  }
0x197: {  	_ =	swait.ge [sflag:s30], $0x2800  }
0x198: {  	[sflag:s30] =	ssyncset.done $0x0  }
0x199: {  	s28 =	smov.u32 s20;
	s20 =	rddreg [dreg:$0xa];
	[sflag:s30] =	ssyncadd.s32 $0xFFFFD800  }
0x19a: {  	[hbm4b:s20+s4] =	stream.linear.scatter [tilespmem:s3], [sflag:$0x3], $0x2800, $0x38;
	[tilespmem:$0x1C080] =	vst v63  }
0x19b: {  	_ =	swait.ge [sflag:s30], $0x2800  }
0x19c: {  	[sflag:s30] =	ssyncset.done $0x0  }
0x19d: {  	s13 =	rddreg [dreg:$0x10];
	[sflag:s30] =	ssyncadd.s32 $0xFFFFD800  }
0x19e: {  	[tilespmem:s3], [sflag:$0x3] =	stream.linear.gather [spmem:s13], $0x2800, $0x38;
	[tilespmem:$0x1C080] =	vst v63  }
0x19f: {  	_ =	swait.ge [sflag:s30], $0x2800  }
0x1a0: {  	[sflag:s30] =	ssyncset.done $0x0  }
0x1a1: {  	s14 =	smov.u32 s21;
	s21 =	rddreg [dreg:$0xb];
	[sflag:s30] =	ssyncadd.s32 $0xFFFFD800  }
0x1a2: {  	[hbm4b:s21+s4] =	stream.linear.scatter [tilespmem:s3], [sflag:$0x3], $0x2800, $0x38;
	[tilespmem:$0x1C080] =	vst v63  }
0x1a3: {  	_ =	swait.ge [sflag:s30], $0x2800  }
0x1a4: {  	[sflag:s30] =	ssyncset.done $0x0  }
0x1a5: {  	[sflag:s30] =	ssyncadd.s32 $0xFFFFD800  }
0x1a6: {  	[tilespmem:s3], [sflag:$0x3] =	stream.linear.gather [spmem:s23], $0x2800, $0x38;
	[tilespmem:$0x1C080] =	vst v63  }
0x1a7: {  	_ =	swait.ge [sflag:s30], $0x2800  }
0x1a8: {  	[sflag:s30] =	ssyncset.done $0x0  }
0x1a9: {  	s18 =	smov.u32 s22;
	s22 =	rddreg [dreg:$0xc];
	[sflag:s30] =	ssyncadd.s32 $0xFFFFD800  }
0x1aa: {  	[hbm4b:s22+s4] =	stream.linear.scatter [tilespmem:s3], [sflag:$0x3], $0x2800, $0x38;
	[tilespmem:$0x1C080] =	vst v63  }
0x1ab: {  	_ =	swait.ge [sflag:s30], $0x2800  }
0x1ac: {  	s11 =	sadd.s32 $0x1, s11;
	s25 =	rddreg [dreg:$0x13]  }
0x1ad: {  	p0 =	sne.s32 s11, s25  }
.Ltmp2:
0x1ae: {  	_ = 	snop;
	(pc) =	sbr.rel @p0 .LBB2_1-.Ltmp2, $3  }
0x1af: {  	_ =	sdelay $0x1  }
0x1b0: {  	[sflag:s30] =	ssyncset.done $0x0  }
0x1b1: {  	[sflag:s30] =	ssyncadd.s32 $0xFFFFD800  }
0x1b2: {  	_ =	sfence.sel $0x180000  }
0x1b3: {  	[bflag:$0x0] =	sbarrier.arrive $0xFFFF  }
0x1b4: {  	_ =	strace $0x9000004A  }
0x1b5: {  	s0 =	stileid.u32;
	[bflag:$0x2] =	sbarrier.arrive $0xFFFF  }
0x1b6: {  	p0 =	sne.s32 s0, $0x0;
	s0 =	rddreg [dreg:$0x4]  }
0x1b7: {  	s0 =	sadd.s32 @!p0 $0x100000, s0  }
0x1b8: {  	[sflag:s0] =	ssyncadd.tile.s32 @!p0 $0x1;
	_ =	shalt  }
.Lfunc_end2:
_tile_overlayer_lowered:
.L_overlay_start_2:
0x1b9: {  	(tag) =	ssettag $0x2  }
0x1ba: {  	s0 =	rddreg [dreg:$0x0];
	s2 =	stileid.u32  }
0x1bb: {  	s1 =	rddreg [dreg:$0x1];
	p0 =	sne.s32 s2, $0x0  }
0x1bc: {  	s3 =	rddreg [dreg:$0x2];
	[bflag:$0x3] =	sbarrier.arrive $0xFFFF;
	s2 =	simm.s32 @!p0 $0x1C03  }
0x1bd: {  	[timem:s3], [sflag:s2] =	dma.local @!p0 [hbm:s0], s1  }
0x1be: {  	s0 =	simm.s32 @!p0 $0x3  }
0x1bf: {  	_ =	swait.ge @!p0 [sflag:s0], s1  }
0x1c0: {  	s1 =	ssub.s32 @!p0 $0x0, s1;
	[sflag:s0] =	ssyncset.done @!p0 $0x0  }
0x1c1: {  	[sflag:s0] =	ssyncadd.s32 @!p0 s1  }
0x1c2: {  	[bflag:$0x3] =	sbarrier.arrive $0xFFFF  }
0x1c3: {  	_ =	shalt  }

// kernel: kernel.7.cloned.1.call-start
scs
__scs_entry_jumppad:
0x0: {  	(pc) =	sbr.rel $0x88, $3  }
0x1: {  	(tag) =	ssettag $0x0;
	lr =	simm.s32 $0x1  }
0x2: {  	[smem:$0x3F9B] =	sst lr;
	_ =	strace $0xD0000000  }
0x3: {  	_ = 	snop  }
0x4: {  	_ = 	snop  }
0x5: {  	_ = 	snop  }
0x6: {  	_ = 	snop  }
0x7: {  	_ = 	snop  }
__scs_overlays_trampoline_lowered:
0x8: {  	[smem:$0x3FAA] =	sst s0  }
0x9: {  	[smem:$0x3FAB] =	sst s1  }
0xa: {  	[smem:$0x3FAC] =	sst s2  }
0xb: {  	[smem:$0x3FAD] =	sst s3  }
0xc: {  	[smem:$0x3FAE] =	sst s4  }
0xd: {  	[smem:$0x3FAF] =	sst s5  }
0xe: {  	[smem:$0x3FB0] =	sst s6  }
0xf: {  	[smem:$0x3FB1] =	sst s7  }
0x10: {  	[smem:$0x3FB2] =	sst s8  }
0x11: {  	[smem:$0x3FB3] =	sst s9;
	s0 =	simm.s32 @!p0 $0x0  }
0x12: {  	s1 =	sld [smem:$0x3F99];
	s0 =	simm.s32 @p0 $0x1  }
0x13: {  	[smem:$0x3FB4] =	sst s0;
	s0 =	simm.s32 @!p1 $0x0  }
0x14: {  	s2 =	sld [smem:$0x3F98];
	s0 =	simm.s32 @p1 $0x1  }
0x15: {  	[smem:$0x3FB5] =	sst s0;
	s0 =	simm.s32 @!p2 $0x0  }
0x16: {  	s3 =	sld [smem:$0x3FDB];
	s0 =	simm.s32 @p2 $0x1  }
0x17: {  	s4 =	simm.s32 $0x1BF5;
	[smem:$0x3FB7] =	sst s0  }
0x18: {  	s0 =	sld [smem:$0x3F9A];
	_ =	swait.ge [sflag:s4], $0x0  }
0x19: {  	s7 =	sld [smem:$0x3F9B]  }
0x1a: {  	s8 =	sadd.s32 $0xFFFFE003, lr  }
0x1b: {  	s9 =	sadd.s32 $0xFFFFFEF7, lr;
	s5 =	simm.s32 $0xFFFFFFFF;
	p2 =	slt.u32 s8, $0xFFFFF086  }
0x1c: {  	p1 =	slt.u32 s9, $0xF7A;
	s5 =	simm.s32 @!p2 $0x0  }
0x1d: {  	s5 =	simm.s32 @p1 $0x1;
	p0 =	seq.s32 s7, s2  }
0x1e: {  	s7 =	smul.u32 @!p0 $0xF7A, s2;
	p2 =	seq.s32 @!p0 s5, $0x0  }
0x1f: {  	s9 =	smul.u32 $0xF7A, s1;
	s8 =	simm.s32 @!p0 $0x1BF5;
	p2 =	por !p2, p0  }
0x20: {  	[sflag:s8] =	ssyncset.s32 @!p0 $0xFFFFF086;
	s6 =	sadd.s32 @!p0 s3, s7;
	s7 =	simm.s32 @!p0 $0x108  }
0x21: {  	s3 =	sadd.s32 s3, s9;
	s6 =	sadd.s32 @!p0 $0x88, s6;
	s7 =	simm.s32 @p2 $0x1082  }
0x22: {  	[simem:s7], [sflag:s8] =	dma.local @!p0 [hbm:s6], $0xF7A  }
0x23: {  	s9 =	sor.u32 $0xD0000000, s2;
	s6 =	simm.s32 $0x108;
	_ =	swait.ge @!p0 [sflag:s8], $0x0  }
0x24: {  	s3 =	sadd.s32 $0x88, s3;
	s6 =	simm.s32 @!p1 $0x1082;
	[sflag:s4] =	ssyncset.s32 $0xFFFFF086  }
0x25: {  	[simem:s6], [sflag:s4] =	dma.local [hbm:s3], $0xF7A  }
0x26: {  	[smem:$0x3F9B] =	sst s1;
	(tag) =	ssettag s2;
	_ =	strace s9  }
0x27: {  	s1 =	sld [smem:$0x3FAB]  }
0x28: {  	s2 =	sld [smem:$0x3FAC]  }
0x29: {  	s4 =	sld [smem:$0x3FAE]  }
0x2a: {  	p0 =	seq.s32 s5, $0x0;
	s5 =	sld [smem:$0x3FAF]  }
0x2b: {  	s6 =	sld [smem:$0x3FB0]  }
0x2c: {  	s7 =	sld [smem:$0x3FB1]  }
0x2d: {  	s3 =	simm.s32 $0x108;
	s8 =	sld [smem:$0x3FB2]  }
0x2e: {  	s3 =	simm.s32 @!p0 $0x1082;
	s9 =	sld [smem:$0x3FB3]  }
0x2f: {  	lr =	sadd.s32 s0, s3;
	s0 =	sld [smem:$0x3FAA]  }
0x30: {  	s3 =	sld [smem:$0x3FAD]  }
0x31: {  	[smem:$0x3FB6] =	sst s10  }
0x32: {  	s10 =	sld [smem:$0x3FB4];
	_ =	sdelay $0x3  }
0x33: {  	p0 =	seq.s32 s10, $0x1;
	s10 =	sld [smem:$0x3FB6];
	_ =	sdelay $0x3  }
0x34: {  	[smem:$0x3FB6] =	sst s10  }
0x35: {  	s10 =	sld [smem:$0x3FB5];
	_ =	sdelay $0x3  }
0x36: {  	p1 =	seq.s32 s10, $0x1;
	s10 =	sld [smem:$0x3FB6];
	_ =	sdelay $0x3  }
0x37: {  	[smem:$0x3FB6] =	sst s10  }
0x38: {  	s10 =	sld [smem:$0x3FB7]  }
0x39: {  	_ = 	snop;
	(pc) =	sbr.ind lr, $3  }
0x3a: {  	_ = 	snop  }
0x3b: {  	_ = 	snop  }
0x3c: {  	p2 =	seq.s32 s10, $0x1;
	s10 =	sld [smem:$0x3FB6]  }
0x3d: {  	_ =	shalt  }
0x3e: {  	_ =	shalt  }
0x3f: {  	_ =	shalt  }
0x40: {  	_ =	shalt  }
0x41: {  	_ =	shalt  }
0x42: {  	_ =	shalt  }
0x43: {  	_ =	shalt  }
0x44: {  	_ =	shalt  }
0x45: {  	_ =	shalt  }
0x46: {  	_ =	shalt  }
0x47: {  	_ =	shalt  }
0x48: {  	_ =	shalt  }
0x49: {  	_ =	shalt  }
0x4a: {  	_ =	shalt  }
0x4b: {  	_ =	shalt  }
0x4c: {  	_ =	shalt  }
0x4d: {  	_ =	shalt  }
0x4e: {  	_ =	shalt  }
0x4f: {  	_ =	shalt  }
0x50: {  	_ =	shalt  }
0x51: {  	_ =	shalt  }
0x52: {  	_ =	shalt  }
0x53: {  	_ =	shalt  }
0x54: {  	_ =	shalt  }
0x55: {  	_ =	shalt  }
0x56: {  	_ =	shalt  }
0x57: {  	_ =	shalt  }
0x58: {  	_ =	shalt  }
0x59: {  	_ =	shalt  }
0x5a: {  	_ =	shalt  }
0x5b: {  	_ =	shalt  }
0x5c: {  	_ =	shalt  }
0x5d: {  	_ =	shalt  }
0x5e: {  	_ =	shalt  }
0x5f: {  	_ =	shalt  }
0x60: {  	_ =	shalt  }
0x61: {  	_ =	shalt  }
0x62: {  	_ =	shalt  }
0x63: {  	_ =	shalt  }
0x64: {  	_ =	shalt  }
0x65: {  	_ =	shalt  }
0x66: {  	_ =	shalt  }
0x67: {  	_ =	shalt  }
0x68: {  	_ =	shalt  }
0x69: {  	_ =	shalt  }
0x6a: {  	_ =	shalt  }
0x6b: {  	_ =	shalt  }
0x6c: {  	_ =	shalt  }
0x6d: {  	_ =	shalt  }
0x6e: {  	_ =	shalt  }
0x6f: {  	_ =	shalt  }
0x70: {  	_ =	shalt  }
0x71: {  	_ =	shalt  }
0x72: {  	_ =	shalt  }
0x73: {  	_ =	shalt  }
0x74: {  	_ =	shalt  }
0x75: {  	_ =	shalt  }
0x76: {  	_ =	shalt  }
0x77: {  	_ =	shalt  }
0x78: {  	_ =	shalt  }
0x79: {  	_ =	shalt  }
0x7a: {  	_ =	shalt  }
0x7b: {  	_ =	shalt  }
0x7c: {  	_ =	shalt  }
0x7d: {  	_ =	shalt  }
0x7e: {  	_ =	shalt  }
0x7f: {  	_ =	shalt  }
0x80: {  	_ =	shalt  }
0x81: {  	_ =	shalt  }
0x82: {  	_ =	shalt  }
0x83: {  	_ =	shalt  }
0x84: {  	_ =	shalt  }
0x85: {  	_ =	shalt  }
0x86: {  	_ =	shalt  }
0x87: {  	_ =	shalt  }
.Lfunc_end0:
.L_simem_size_0:
called_computation_lowered:
.L_overlay_start_0:
0x88: {  	s2 =	sld [smem:$0x3FD9]  }
0x89: {  	s3 =	sld [smem:$0x3FFE];
	_ =	sdelay $0x1  }
0x8a: {  	s1 =	srdreg.scid  }
0x8b: {  	s0 =	sand.u32 $0x1, s1  }
0x8c: {  	s14 =	sshll.u32 s0, $0xA;
	s2 =	sadd.s32 s3, s2  }
0x8d: {  	s2 =	sadd.s32 s2, s14  }
0x8e: {  	[smem:$0x3FC2] =	sst s2  }
0x8f: {  	_ = 	snop  }
0x90: {  	s2 =	sld [smem:$0x3FD0];
	_ =	sdelay $0x2  }
0x91: {  	s15 =	simm.s32 $0xA;
	s4 =	simm.s32 $0x10  }
0x92: {  	[smem:s4], [sflag:s15] =	dma.local [hbm:s2], $0x1  }
0x93: {  	_ =	swait.eq [sflag:s15], $0x1  }
0x94: {  	[sflag:s15] =	ssyncset.done $0x0  }
0x95: {  	[sflag:s15] =	ssyncadd.s32 $0xFFFFFFFF  }
0x96: {  	s16 =	sld [smem:$0x11];
	(tm) =	ssettm $0x1  }
0x97: {  	s17 =	sld [smem:$0x3FFB];
	_ =	sdelay $0x3  }
0x98: {  	_ =	strace s17  }
0x99: {  	s3 =	sld [smem:$0x3FFC];
	_ =	sdelay $0x3  }
0x9a: {  	_ =	strace s3  }
0x9b: {  	s3 =	sld [smem:$0x3FFD];
	_ =	sdelay $0x3  }
0x9c: {  	_ =	strace s3  }
0x9d: {  	_ =	strace $0x8FFFFFFF  }
0x9e: {  	s18 =	sld [smem:$0x3FDB];
	_ =	sdelay $0x1  }
0x9f: {  	s19 =	simm.s32 $_scs_section_size  }
0xa0: {  	s5 =	simm.s32 $_size__tile_overlayer_lowered;
	s6 =	simm.s32 $_tile_overlayer_lowered  }
0xa1: {  	s22 =	simm.s32 $0x1BFF;
	s21 =	sshll.u32 s6, $0x1;
	s3 =	sadd.s32 s19, s18  }
0xa2: {  	s7 =	simm.s32 $0x0;
	s20 =	sshll.u32 s5, $0x1;
	s5 =	sadd.s32 s21, s3  }
0xa3: {  	[timem:s7], [sflag:s22] =	dma.local [hbm:s5], s20  }
0xa4: {  	_ =	swait.ge [sflag:s22], s20  }
0xa5: {  	s4 =	ssub.s32 $0x0, s20;
	[sflag:s22] =	ssyncset.done $0x0  }
0xa6: {  	[sflag:s22] =	ssyncadd.s32 s4;
	_ =	sdelay $0x1  }
0xa7: {  	s23 =	simm.s32 $0x1B8B  }
0xa8: {  	_ =	swait.ge [sflag:s23], $0x1  }
0xa9: {  	[sflag:s23] =	ssyncset.done $0x0  }
0xaa: {  	s25 =	simm.s32 $0x1B8E;
	s24 =	sld [smem:$0x3FFE];
	[sflag:s23] =	ssyncadd.s32 $0xFFFFFFFF  }
0xab: {  	s26 =	simm.s32 $execute0_lowered;
	[smem:$0x3FD2] =	sst s25  }
0xac: {  	s5 =	sshll.u32 s26, $0x1;
	_ =	strace $0x80000046;
	[dreg:$0x1] =	wrdreg $0xFFFFFFFF  }
0xad: {  	s28 =	simm.s32 $_size_execute0_lowered;
	s3 =	sadd.s32 s3, s5;
	[dreg:$0x0] =	wrdreg $0x0  }
0xae: {  	s5 =	sshll.u32 s28, $0x1;
	[dreg:$0x2] =	wrdreg s3  }
0xaf: {  	[dreg:$0x3] =	wrdreg s5  }
0xb0: {  	[dreg:$0x4] =	wrdreg $0xC0  }
0xb1: {  	_ =	task [dreg:s7], $0x5FFFF  }
0xb2: {  	[dreg:$0x1] =	wrdreg $0xFFFFFFFF  }
0xb3: {  	[dreg:$0x0] =	wrdreg $0x60  }
0xb4: {  	[dreg:$0x2] =	wrdreg s24  }
0xb5: {  	[dreg:$0x3] =	wrdreg s16  }
0xb6: {  	[dreg:$0x4] =	wrdreg $0x0  }
0xb7: {  	[dreg:$0x5] =	wrdreg $0x9  }
0xb8: {  	_ =	task.clear_ibuf [dreg:s7], $0x6FFFF;
	_ =	strace $0x90000046  }
0xb9: {  	s29 =	simm.s32 $0x9;
	_ =	strace $0x80000048  }
0xba: {  	_ =	swait.ge [sflag:s29], $0x1  }
0xbb: {  	[sflag:s29] =	ssyncadd.s32 $0xFFFFFFFF  }
0xbc: {  	_ =	strace $0x90000048  }
0xbd: {  	_ =	sfence  }
0xbe: {  	s30 =	sld [smem:$0x0];
	_ =	sdelay $0x2  }
0xbf: {  	s31 =	sshll.u32 s1, $0xD;
	s1 =	sshrl.u32 s1, $0x2  }
0xc0: {  	s3 =	sand.u32 $0x4000, s31;
	s1 =	sadd.s32 s1, s30  }
0xc1: {  	s0 =	sor.u32 s3, s0;
	s1 =	sshll.u32 s1, $0x11  }
0xc2: {  	s0 =	sor.u32 s1, s0  }
0xc3: {  	s0 =	sadd.s32 $0x8F2B, s0  }
0xc4: {  	[sflag:s0] =	ssyncadd.remote.s32 $0x1  }
0xc5: {  	_ =	sfence.sel $0xFFFF  }
0xc6: {  	[dreg:$0x0] =	wrdreg $0xFFFFFFFF;
	(pc) =	sbr.abs _section_cstart, $3  }
0xc7: {  	[dreg:$0x1] =	wrdreg $0xFFFFFFFF  }
0xc8: {  	_ =	task.clear_ibuf [dreg:s7], $0x2FFFF;
	_ =	strace $0x9FFFFFFF  }
0xc9: {  	(tm) =	ssettm $0x7FFFFFFF  }
tec
execute0_lowered:
.L_overlay_start_1:
0x0: {  	(tag) =	ssettag $0x1  }
0x1: {  	s0 =	rddreg [dreg:$0x0]  }
0x2: {  	s1 =	rddreg [dreg:$0x1]  }
0x3: {  	s2 =	rddreg [dreg:$0x2];
	s3 =	simm.s32 $0x0;
	s4 =	srdreg.scid  }
0x4: {  	s20 =	stileid.u32;
	[smem:$0x7FF] =	sst s3  }
0x5: {  	s5 =	sadd.s32 $0x2200, s0;
	s4 =	sand.u32 $0x1, s4;
	s10 =	smul.u32 $0x50000, s20  }
0x6: {  	s6 =	sadd.s32 $0xC200, s0;
	s7 =	sadd.s32 $0x2CD200, s0;
	s12 =	smul.u32 $0x280, s20  }
0x7: {  	s8 =	sadd.s32 $0x27D200, s0;
	s25 =	sshll.u32 s20, $0x6;
	s15 =	smul.u32 $0x1400, s20  }
0x8: {  	_ =	strace $0x80000047;
	s9 =	ssub.s32 $0x2, s4;
	s16 =	smul.u32 $0x13880, s4  }
0x9: {  	s28 =	smul.u32 $0x2800, s4;
	s11 =	sshrl.u32 s9, $0x1;
	s24 =	sshrl.u32 s10, $0x2  }
0xa: {  	s26 =	sor.u32 $0x50, s12;
	s10 =	sor.u32 $0x1C03, s25;
	s13 =	sadd.s32 $0xA0, s12  }
0xb: {  	s14 =	sadd.s32 $0xF0, s12;
	s21 =	sadd.s32 $0x140, s12;
	s15 =	smin.u32 s15, $0x12480  }
0xc: {  	s23 =	sadd.s32 $0x1E0, s12;
	s4 =	sadd.s32 $0x230, s12;
	s0 =	ssub.s32 s9, s11  }
0xd: {  	s29 =	sadd.s32 s24, s2;
	s17 =	sshll.u32 s26, $0x7;
	s18 =	sshll.u32 s13, $0x7  }
0xe: {  	s19 =	sshll.u32 s14, $0x7;
	s15 =	sadd.s32 s16, s15;
	s24 =	sshll.u32 s23, $0x7  }
0xf: {  	s11 =	sadd.s32 s28, s26;
	s13 =	sadd.s32 s28, s13;
	s23 =	sadd.s32 s28, s23  }
0x10: {  	s9 =	sadd.s32 s17, s2;
	s17 =	sshll.u32 s21, $0x7;
	s11 =	sshll.u32 s11, $0x4  }
0x11: {  	s26 =	sshll.u32 s13, $0x4;
	s0 =	smax.u32 s0, $0x1;
	[dreg:$0x4] =	wrdreg s29  }
0x12: {  	s31 =	sshrl.u32 s15, $0x6;
	[dreg:$0x5] =	wrdreg s9;
	s9 =	sadd.s32 s18, s2  }
0x13: {  	s18 =	sadd.s32 $0x190, s12;
	s17 =	sadd.s32 s17, s2;
	[dreg:$0x14] =	wrdreg s0  }
0x14: {  	s12 =	sadd.s32 s12, s28;
	s11 =	sadd.s32 s8, s11;
	[dreg:$0x6] =	wrdreg s9  }
0x15: {  	s13 =	sadd.s32 s8, s26;
	s0 =	simm.s32 $0x3;
	[dreg:$0x8] =	wrdreg s17  }
0x16: {  	s9 =	sadd.s32 s19, s2;
	s22 =	sshll.u32 s18, $0x7;
	[dreg:$0xd] =	wrdreg s11  }
0x17: {  	s19 =	sshll.u32 s4, $0x7;
	s12 =	sshll.u32 s12, $0x4;
	[dreg:$0xe] =	wrdreg s13  }
0x18: {  	s4 =	sadd.s32 s28, s4;
	[dreg:$0x7] =	wrdreg s9;
	s17 =	sadd.s32 s22, s2  }
0x19: {  	s25 =	sadd.s32 s19, s2;
	s12 =	sadd.s32 s8, s12;
	[dreg:$0x9] =	wrdreg s17  }
0x1a: {  	s9 =	sadd.s32 s28, s21;
	s19 =	sadd.s32 s28, s18;
	[dreg:$0xb] =	wrdreg s25  }
0x1b: {  	s4 =	sshll.u32 s4, $0x4;
	s17 =	sadd.s32 s24, s2;
	[dreg:$0xc] =	wrdreg s12  }
0x1c: {  	s9 =	sshll.u32 s9, $0x4;
	s21 =	sshll.u32 s19, $0x4;
	s24 =	smul.u32 $0x27100, s20  }
0x1d: {  	s25 =	smul.u32 $0x4E2, s20;
	s4 =	sadd.s32 s8, s4;
	s19 =	simm.s32 $0x14000  }
0x1e: {  	s20 =	simm.s32 $0x50;
	[dreg:$0xa] =	wrdreg s17;
	s17 =	sadd.s32 s28, s14  }
0x1f: {  	s9 =	sadd.s32 s8, s9;
	s22 =	sadd.s32 s8, s21;
	[dreg:$0x13] =	wrdreg s4  }
0x20: {  	s4 =	simm.s32 $0x1AC00;
	s21 =	simm.s32 $0x1AC80;
	[dreg:$0x10] =	wrdreg s9  }
0x21: {  	v0 =	vmov s28;
	s28 =	simm.s32 $0x2;
	s11 =	sshll.u32 s17, $0x4;
	[dreg:$0x11] =	wrdreg s22  }
0x22: {  	s9 =	sshll.u32 s23, $0x4;
	s26 =	sadd.s32 s24, s6;
	s30 =	sadd.s32 s25, s5  }
0x23: {  	s22 =	simm.s32 $0x40;
	s23 =	simm.s32 $0x1AD00;
	s24 =	simm.s32 $0x18800  }
0x24: {  	s25 =	simm.s32 $0x16800;
	s11 =	sadd.s32 s8, s11;
	[dreg:$0x15] =	wrdreg s26  }
0x25: {  	s9 =	sadd.s32 s8, s9;
	s26 =	simm.s32 $0x1;
	[dreg:$0xf] =	wrdreg s11  }
0x26: {  	[dreg:$0x12] =	wrdreg s9;
	s9 =	simm.s32 $0x1A800;
	s11 =	simm.s32 $0x0  }
.LBB2_1:
0x27: {  	s12 =	sshrl.u32 s29, $0x3  }
0x28: {  	[spmem:s12], [sflag:s10] =	dma.local [hbm:s1], $0x500  }
0x29: {  	_ =	swait.ge [sflag:s0], $0x500  }
0x2a: {  	[sflag:s0] =	ssyncset.done $0x0;
	s14 =	rddreg [dreg:$0x5]  }
0x2b: {  	[sflag:s0] =	ssyncadd.s32 $0xFFFFFB00;
	s12 =	sshrl.u32 s14, $0x3  }
0x2c: {  	[spmem:s12], [sflag:s10] =	dma.local [hbm:s1], $0x500  }
0x2d: {  	_ =	swait.ge [sflag:s0], $0x500  }
0x2e: {  	[sflag:s0] =	ssyncset.done $0x0;
	s16 =	rddreg [dreg:$0x6]  }
0x2f: {  	[sflag:s0] =	ssyncadd.s32 $0xFFFFFB00;
	s12 =	sshrl.u32 s16, $0x3  }
0x30: {  	[spmem:s12], [sflag:s10] =	dma.local [hbm:s1], $0x500  }
0x31: {  	_ =	swait.ge [sflag:s0], $0x500  }
0x32: {  	[sflag:s0] =	ssyncset.done $0x0;
	s17 =	rddreg [dreg:$0x7]  }
0x33: {  	[sflag:s0] =	ssyncadd.s32 $0xFFFFFB00;
	s12 =	sshrl.u32 s17, $0x3  }
0x34: {  	[spmem:s12], [sflag:s10] =	dma.local [hbm:s1], $0x500  }
0x35: {  	_ =	swait.ge [sflag:s0], $0x500  }
0x36: {  	[sflag:s0] =	ssyncset.done $0x0;
	s18 =	rddreg [dreg:$0x8]  }
0x37: {  	[sflag:s0] =	ssyncadd.s32 $0xFFFFFB00;
	s12 =	sshrl.u32 s18, $0x3  }
0x38: {  	[spmem:s12], [sflag:s10] =	dma.local [hbm:s1], $0x500  }
0x39: {  	_ =	swait.ge [sflag:s0], $0x500  }
0x3a: {  	[sflag:s0] =	ssyncset.done $0x0;
	s13 =	rddreg [dreg:$0x9]  }
0x3b: {  	[sflag:s0] =	ssyncadd.s32 $0xFFFFFB00;
	s12 =	sshrl.u32 s13, $0x3  }
0x3c: {  	[spmem:s12], [sflag:s10] =	dma.local [hbm:s1], $0x500  }
0x3d: {  	_ =	swait.ge [sflag:s0], $0x500  }
0x3e: {  	[sflag:s0] =	ssyncset.done $0x0;
	s14 =	rddreg [dreg:$0xa]  }
0x3f: {  	[sflag:s0] =	ssyncadd.s32 $0xFFFFFB00;
	s12 =	sshrl.u32 s14, $0x3  }
0x40: {  	[spmem:s12], [sflag:s10] =	dma.local [hbm:s1], $0x500  }
0x41: {  	_ =	swait.ge [sflag:s0], $0x500  }
0x42: {  	[sflag:s0] =	ssyncset.done $0x0;
	s16 =	rddreg [dreg:$0xb]  }
0x43: {  	[sflag:s0] =	ssyncadd.s32 $0xFFFFFB00;
	s12 =	sshrl.u32 s16, $0x3  }
0x44: {  	[spmem:s12], [sflag:s10] =	dma.local [hbm:s1], $0x500  }
0x45: {  	_ =	swait.ge [sflag:s0], $0x500  }
0x46: {  	[sflag:s0] =	ssyncset.done $0x0  }
0x47: {  	[sflag:s0] =	ssyncadd.s32 $0xFFFFFB00  }
0x48: {  	s17 =	sadd.s32 $0x0, s30;
	[bflag:$0x0] =	sbarrier.arrive $0xFFFF  }
0x49: {  	[tilespmem:s4], [sflag:$0x3] =	stream.linear.gather [hbm4b:s17+s3], $0x50, $0x38;
	[tilespmem:$0x1AD80] =	vst v63  }
0x4a: {  	_ =	swait.ge [sflag:s0], $0x50  }
0x4b: {  	[sflag:s0] =	ssyncset.done $0x0  }
0x4c: {  	s18 =	rddreg [dreg:$0x15];
	[sflag:s0] =	ssyncadd.s32 $0xFFFFFFB0  }
0x4d: {  	[tilespmem:s19], [sflag:$0x3] =	stream.linear.gather [hbm4b:s18+s3], $0x2800, $0x38;
	[tilespmem:$0x1AD80] =	vst v63  }
0x4e: {  	_ =	swait.ge [sflag:s0], $0x2800  }
0x4f: {  	[sflag:s0] =	ssyncset.done $0x0  }
0x50: {  	[sflag:s0] =	ssyncadd.s32 $0xFFFFD800  }
0x51: {  	[spmem:s2] =	stream.indirect.scatter.add.f32 [tilespmem:s19], [sflag:$0x3], $0x80, s4, s20, $0xb8;
	[tilespmem:$0x1AD80] =	vst v63  }
0x52: {  	s13 =	simm.s32 $0xA;
	_ =	swait.ge [sflag:s0], $0x2800  }
0x53: {  	s14 =	simm.s32 $0x14;
	s12 =	sadd.s32 $0x500, s18;
	[sflag:s0] =	ssyncset.done $0x0  }
.LBB2_2:
0x54: {  	s16 =	sadd.s32 s13, s30  }
0x55: {  	[sflag:s0] =	ssyncadd.s32 $0xFFFFD800;
	s13 =	smov.u32 s14;
	s17 =	sadd.s32 $0xA, s14  }
0x56: {  	[tilespmem:s4], [sflag:$0x3] =	stream.linear.gather [hbm4b:s16+s3], $0x50, $0x38;
	[tilespmem:$0x1AD80] =	vst v63  }
0x57: {  	p0 =	sne.s32 s14, $0x4D8;
	_ =	swait.ge [sflag:s0], $0x50  }
0x58: {  	[sflag:s0] =	ssyncset.done $0x0  }
0x59: {  	[sflag:s0] =	ssyncadd.s32 $0xFFFFFFB0  }
0x5a: {  	[tilespmem:s19], [sflag:$0x3] =	stream.linear.gather [hbm4b:s12+s3], $0x2800, $0x38;
	[tilespmem:$0x1AD80] =	vst v63  }
0x5b: {  	_ =	swait.ge [sflag:s0], $0x2800  }
.Ltmp0:
0x5c: {  	[sflag:s0] =	ssyncset.done $0x0;
	(pc) =	sbr.rel @p0 .LBB2_2-.Ltmp0, $4  }
0x5d: {  	[sflag:s0] =	ssyncadd.s32 $0xFFFFD800  }
0x5e: {  	[spmem:s2] =	stream.indirect.scatter.add.f32 [tilespmem:s19], [sflag:$0x3], $0x80, s4, s20, $0xb8;
	[tilespmem:$0x1AD80] =	vst v63  }
0x5f: {  	_ =	swait.ge [sflag:s0], $0x2800  }
0x60: {  	s14 =	smov.u32 s17;
	s12 =	sadd.s32 $0x500, s12;
	[sflag:s0] =	ssyncset.done $0x0  }
0x61: {  	s13 =	sadd.s32 s13, s30;
	[sflag:s0] =	ssyncadd.s32 $0xFFFFD800  }
0x62: {  	[tilespmem:s4], [sflag:$0x3] =	stream.linear.gather [hbm4b:s13+s3], $0x50, $0x38;
	[tilespmem:$0x1AD80] =	vst v63  }
0x63: {  	_ =	swait.ge [sflag:s0], $0x50  }
0x64: {  	[sflag:s0] =	ssyncset.done $0x0  }
0x65: {  	[sflag:s0] =	ssyncadd.s32 $0xFFFFFFB0  }
0x66: {  	[tilespmem:s19], [sflag:$0x3] =	stream.linear.gather [hbm4b:s12+s3], $0x2800, $0x38;
	[tilespmem:$0x1AD80] =	vst v63  }
0x67: {  	_ =	swait.ge [sflag:s0], $0x2800  }
0x68: {  	[sflag:s0] =	ssyncset.done $0x0  }
0x69: {  	[sflag:s0] =	ssyncadd.s32 $0xFFFFD800  }
0x6a: {  	[spmem:s2] =	stream.indirect.scatter.add.f32 [tilespmem:s19], [sflag:$0x3], $0x80, s4, s20, $0xb8;
	[tilespmem:$0x1AD80] =	vst v63  }
0x6b: {  	_ =	swait.ge [sflag:s0], $0x2800  }
0x6c: {  	[sflag:s0] =	ssyncset.done $0x0  }
0x6d: {  	[sflag:s0] =	ssyncadd.s32 $0xFFFFD800  }
0x6e: {  	[bflag:$0x0] =	sbarrier.arrive $0xFFFF  }
0x6f: {  	[tilespmem:s19], [sflag:$0x3] =	stream.linear.gather [spmem:s29], $0x2800, $0x38;
	[tilespmem:$0x1AD80] =	vst v63  }
0x70: {  	_ =	swait.ge [sflag:s0], $0x2800  }
0x71: {  	[sflag:s0] =	ssyncset.done $0x0  }
0x72: {  	s12 =	simm.s32 $0x0;
	s14 =	rddreg [dreg:$0xc];
	[sflag:s0] =	ssyncadd.s32 $0xFFFFD800  }
0x73: {  	[hbm4b:s14+s12] =	stream.linear.scatter [tilespmem:s19], [sflag:$0x3], $0x2800, $0x38;
	[tilespmem:$0x1AD80] =	vst v63  }
0x74: {  	_ =	swait.ge [sflag:s0], $0x2800  }
0x75: {  	[sflag:s0] =	ssyncset.done $0x0  }
0x76: {  	s16 =	rddreg [dreg:$0x5];
	[sflag:s0] =	ssyncadd.s32 $0xFFFFD800  }
0x77: {  	[tilespmem:s19], [sflag:$0x3] =	stream.linear.gather [spmem:s16], $0x2800, $0x38;
	[tilespmem:$0x1AD80] =	vst v63  }
0x78: {  	_ =	swait.ge [sflag:s0], $0x2800  }
0x79: {  	[sflag:s0] =	ssyncset.done $0x0  }
0x7a: {  	s17 =	rddreg [dreg:$0xd];
	[sflag:s0] =	ssyncadd.s32 $0xFFFFD800  }
0x7b: {  	[hbm4b:s17+s12] =	stream.linear.scatter [tilespmem:s19], [sflag:$0x3], $0x2800, $0x38;
	[tilespmem:$0x1AD80] =	vst v63  }
0x7c: {  	_ =	swait.ge [sflag:s0], $0x2800  }
0x7d: {  	[sflag:s0] =	ssyncset.done $0x0  }
0x7e: {  	s18 =	rddreg [dreg:$0x6];
	[sflag:s0] =	ssyncadd.s32 $0xFFFFD800  }
0x7f: {  	[tilespmem:s19], [sflag:$0x3] =	stream.linear.gather [spmem:s18], $0x2800, $0x38;
	[tilespmem:$0x1AD80] =	vst v63  }
0x80: {  	_ =	swait.ge [sflag:s0], $0x2800  }
0x81: {  	[sflag:s0] =	ssyncset.done $0x0  }
0x82: {  	s29 =	rddreg [dreg:$0xe];
	[sflag:s0] =	ssyncadd.s32 $0xFFFFD800  }
0x83: {  	[hbm4b:s29+s12] =	stream.linear.scatter [tilespmem:s19], [sflag:$0x3], $0x2800, $0x38;
	[tilespmem:$0x1AD80] =	vst v63  }
0x84: {  	_ =	swait.ge [sflag:s0], $0x2800  }
0x85: {  	[sflag:s0] =	ssyncset.done $0x0  }
0x86: {  	s14 =	rddreg [dreg:$0x7];
	[sflag:s0] =	ssyncadd.s32 $0xFFFFD800  }
0x87: {  	[tilespmem:s19], [sflag:$0x3] =	stream.linear.gather [spmem:s14], $0x2800, $0x38;
	[tilespmem:$0x1AD80] =	vst v63  }
0x88: {  	_ =	swait.ge [sflag:s0], $0x2800  }
0x89: {  	[sflag:s0] =	ssyncset.done $0x0  }
0x8a: {  	s16 =	rddreg [dreg:$0xf];
	[sflag:s0] =	ssyncadd.s32 $0xFFFFD800  }
0x8b: {  	[hbm4b:s16+s12] =	stream.linear.scatter [tilespmem:s19], [sflag:$0x3], $0x2800, $0x38;
	[tilespmem:$0x1AD80] =	vst v63  }
0x8c: {  	_ =	swait.ge [sflag:s0], $0x2800  }
0x8d: {  	[sflag:s0] =	ssyncset.done $0x0  }
0x8e: {  	s17 =	rddreg [dreg:$0x8];
	[sflag:s0] =	ssyncadd.s32 $0xFFFFD800  }
0x8f: {  	[tilespmem:s19], [sflag:$0x3] =	stream.linear.gather [spmem:s17], $0x2800, $0x38;
	[tilespmem:$0x1AD80] =	vst v63  }
0x90: {  	_ =	swait.ge [sflag:s0], $0x2800  }
0x91: {  	[sflag:s0] =	ssyncset.done $0x0  }
0x92: {  	s18 =	rddreg [dreg:$0x10];
	[sflag:s0] =	ssyncadd.s32 $0xFFFFD800  }
0x93: {  	[hbm4b:s18+s12] =	stream.linear.scatter [tilespmem:s19], [sflag:$0x3], $0x2800, $0x38;
	[tilespmem:$0x1AD80] =	vst v63  }
0x94: {  	_ =	swait.ge [sflag:s0], $0x2800  }
0x95: {  	[sflag:s0] =	ssyncset.done $0x0  }
0x96: {  	s29 =	rddreg [dreg:$0x9];
	[sflag:s0] =	ssyncadd.s32 $0xFFFFD800  }
0x97: {  	[tilespmem:s19], [sflag:$0x3] =	stream.linear.gather [spmem:s29], $0x2800, $0x38;
	[tilespmem:$0x1AD80] =	vst v63  }
0x98: {  	_ =	swait.ge [sflag:s0], $0x2800  }
0x99: {  	[sflag:s0] =	ssyncset.done $0x0  }
0x9a: {  	s14 =	rddreg [dreg:$0x11];
	[sflag:s0] =	ssyncadd.s32 $0xFFFFD800  }
0x9b: {  	[hbm4b:s14+s12] =	stream.linear.scatter [tilespmem:s19], [sflag:$0x3], $0x2800, $0x38;
	[tilespmem:$0x1AD80] =	vst v63  }
0x9c: {  	_ =	swait.ge [sflag:s0], $0x2800  }
0x9d: {  	[sflag:s0] =	ssyncset.done $0x0  }
0x9e: {  	s16 =	rddreg [dreg:$0xa];
	[sflag:s0] =	ssyncadd.s32 $0xFFFFD800  }
0x9f: {  	[tilespmem:s19], [sflag:$0x3] =	stream.linear.gather [spmem:s16], $0x2800, $0x38;
	[tilespmem:$0x1AD80] =	vst v63  }
0xa0: {  	_ =	swait.ge [sflag:s0], $0x2800  }
0xa1: {  	[sflag:s0] =	ssyncset.done $0x0  }
0xa2: {  	s17 =	rddreg [dreg:$0x12];
	[sflag:s0] =	ssyncadd.s32 $0xFFFFD800  }
0xa3: {  	[hbm4b:s17+s12] =	stream.linear.scatter [tilespmem:s19], [sflag:$0x3], $0x2800, $0x38;
	[tilespmem:$0x1AD80] =	vst v63  }
0xa4: {  	_ =	swait.ge [sflag:s0], $0x2800  }
0xa5: {  	[sflag:s0] =	ssyncset.done $0x0  }
0xa6: {  	s18 =	rddreg [dreg:$0xb];
	[sflag:s0] =	ssyncadd.s32 $0xFFFFD800  }
0xa7: {  	[tilespmem:s19], [sflag:$0x3] =	stream.linear.gather [spmem:s18], $0x2800, $0x38;
	[tilespmem:$0x1AD80] =	vst v63  }
0xa8: {  	_ =	swait.ge [sflag:s0], $0x2800  }
0xa9: {  	[sflag:s0] =	ssyncset.done $0x0  }
0xaa: {  	s29 =	rddreg [dreg:$0x13];
	[sflag:s0] =	ssyncadd.s32 $0xFFFFD800  }
0xab: {  	[hbm4b:s29+s12] =	stream.linear.scatter [tilespmem:s19], [sflag:$0x3], $0x2800, $0x38;
	[tilespmem:$0x1AD80] =	vst v63  }
0xac: {  	_ =	swait.ge [sflag:s0], $0x2800  }
0xad: {  	[sflag:s0] =	ssyncset.done $0x0  }
0xae: {  	[sflag:s0] =	ssyncadd.s32 $0xFFFFD800  }
0xaf: {  	s13 =	simm.s32 $0x0;
	[bflag:$0x0] =	sbarrier.arrive $0xFFFF  }
.LBB2_4:
0xb0: {  	s14 =	sshll.u32 s13, $0x6  }
0xb1: {  	s14 =	sadd.s32 s15, s14  }
0xb2: {  	s16 =	sshrl.u32 s14, $0x3  }
0xb3: {  	s16 =	sadd.s32 s5, s16  }
0xb4: {  	[tilespmem:s21], [sflag:$0x3] =	stream.linear.gather [hbm4b:s16+s12], $0x40, $0x38;
	[tilespmem:$0x1AD80] =	vst v63  }
0xb5: {  	_ =	swait.ge [sflag:s0], $0x40  }
0xb6: {  	[sflag:s0] =	ssyncset.done $0x0  }
0xb7: {  	[sflag:s0] =	ssyncadd.s32 $0xFFFFFFC0  }
0xb8: {  	v1 =	vld [tilespmem:$0x1AC80]  }
0xb9: {  	v2 =	vld [tilespmem:$0x1AC90]  }
0xba: {  	v3 =	vld [tilespmem:$0x1ACA0]  }
0xbb: {  	v4 =	vld [tilespmem:$0x1ACB0];
	_ =	sdelay $0x1  }
0xbc: {  	v1 =	vadd.s32 v0, v1  }
0xbd: {  	[tilespmem:$0x1AD00] =	vst v1;
	v1 =	vadd.s32 v0, v2  }
0xbe: {  	[tilespmem:$0x1AD10] =	vst v1;
	v1 =	vadd.s32 v0, v3  }
0xbf: {  	[tilespmem:$0x1AD20] =	vst v1;
	v1 =	vadd.s32 v0, v4  }
0xc0: {  	s14 =	sshll.u32 s14, $0x4;
	[tilespmem:$0x1AD30] =	vst v1  }
0xc1: {  	[tilespmem:s24], [sflag:$0x1] =	stream.indirect.gather [hbm4b:s8+s22], $0x80, s23, s22, $0xb8;
	[tilespmem:$0x1AD80] =	vst v63  }
0xc2: {  	s14 =	sadd.s32 s6, s14  }
0xc3: {  	[tilespmem:s25], [sflag:$0x2] =	stream.linear.gather [hbm4b:s14+s12], $0x2000, $0x38;
	[tilespmem:$0x1AD80] =	vst v63  }
0xc4: {  	_ =	swait.ge [sflag:s26], $0x2000  }
0xc5: {  	[sflag:s26] =	ssyncset.done $0x0  }
0xc6: {  	[sflag:s26] =	ssyncadd.s32 $0xFFFFE000  }
0xc7: {  	_ =	swait.ge [sflag:s28], $0x2000  }
0xc8: {  	[sflag:s28] =	ssyncset.done $0x0  }
0xc9: {  	s16 =	simm.s32 $0x0;
	[sflag:s28] =	ssyncadd.s32 $0xFFFFE000  }
0xca: {  	v1 =	vld [tilespmem:s16+$0x16800]  }
0xcb: {  	v2 =	vld [tilespmem:s16+$0x16810]  }
0xcc: {  	v3 =	vld [tilespmem:s16+$0x18800]  }
0xcd: {  	v33 =	vld [tilespmem:s16+$0x18810]  }
0xce: {  	v5 =	vld [tilespmem:s16+$0x18820]  }
0xcf: {  	v6 =	vld [tilespmem:s16+$0x16820]  }
0xd0: {  	v7 =	vld [tilespmem:s16+$0x16830]  }
0xd1: {  	v8 =	vld [tilespmem:s16+$0x18830]  }
0xd2: {  	v1 =	vmul.f32 v1, v3;
	v2 =	vmul.f32 v2, v33;
	_ =	sdelay $0x1  }
0xd3: {  	v1 =	vadd.f32 v2, v1;
	v2 =	vmul.f32 v6, v5;
	_ =	sdelay $0x1  }
0xd4: {  	v1 =	vadd.f32 v2, v1;
	v2 =	vmul.f32 v7, v8;
	_ =	sdelay $0x1  }
0xd5: {  	v1 =	vadd.f32 v2, v1;
	_ =	sdelay $0x1  }
0xd6: {  	v1 =	vmax.f32 v1, $1.000000000e+00  }
0xd7: {  	(erf) = vrcp.f32 v1;
	_ =	sdelay $0x8  }
0xd8: {  	s14 =	simm.s32 $0x1A840;
	v1 =	vpop (erf)  }
0xd9: {  	[tilespmem:s14+$0xFFFFFFC0] =	vst v1  }
0xda: {  	v1 =	vld [tilespmem:s16+$0x18880]  }
0xdb: {  	v2 =	vld [tilespmem:s16+$0x16880]  }
0xdc: {  	v3 =	vld [tilespmem:s16+$0x18890]  }
0xdd: {  	v34 =	vld [tilespmem:s16+$0x16890]  }
0xde: {  	v35 =	vld [tilespmem:s16+$0x188A0]  }
0xdf: {  	v36 =	vld [tilespmem:s16+$0x168A0]  }
0xe0: {  	v37 =	vld [tilespmem:s16+$0x188B0]  }
0xe1: {  	v38 =	vld [tilespmem:s16+$0x168B0]  }
0xe2: {  	v1 =	vmul.f32 v2, v1;
	v2 =	vmul.f32 v34, v3;
	_ =	sdelay $0x1  }
0xe3: {  	v1 =	vadd.f32 v2, v1;
	v2 =	vmul.f32 v36, v35;
	_ =	sdelay $0x1  }
0xe4: {  	v1 =	vadd.f32 v2, v1;
	v2 =	vmul.f32 v38, v37;
	_ =	sdelay $0x1  }
0xe5: {  	v1 =	vadd.f32 v2, v1;
	_ =	sdelay $0x1  }
0xe6: {  	v1 =	vmax.f32 v1, $1.000000000e+00  }
0xe7: {  	(erf) = vrcp.f32 v1;
	_ =	sdelay $0x8  }
0xe8: {  	v1 =	vpop (erf)  }
0xe9: {  	[tilespmem:s14+$0xFFFFFFD0] =	vst v1  }
0xea: {  	v1 =	vld [tilespmem:s16+$0x18900]  }
0xeb: {  	v2 =	vld [tilespmem:s16+$0x16900]  }
0xec: {  	v3 =	vld [tilespmem:s16+$0x16910]  }
0xed: {  	v39 =	vld [tilespmem:s16+$0x18910]  }
0xee: {  	v40 =	vld [tilespmem:s16+$0x18920]  }
0xef: {  	v41 =	vld [tilespmem:s16+$0x16920]  }
0xf0: {  	v42 =	vld [tilespmem:s16+$0x18930]  }
0xf1: {  	v43 =	vld [tilespmem:s16+$0x16930]  }
0xf2: {  	v1 =	vmul.f32 v2, v1;
	v2 =	vmul.f32 v3, v39;
	_ =	sdelay $0x1  }
0xf3: {  	v1 =	vadd.f32 v2, v1;
	v2 =	vmul.f32 v41, v40;
	_ =	sdelay $0x1  }
0xf4: {  	v3 =	vmul.f32 v43, v42;
	v1 =	vadd.f32 v2, v1;
	_ =	sdelay $0x1  }
0xf5: {  	v1 =	vadd.f32 v3, v1;
	_ =	sdelay $0x1  }
0xf6: {  	v1 =	vmax.f32 v1, $1.000000000e+00  }
0xf7: {  	(erf) = vrcp.f32 v1;
	_ =	sdelay $0x8  }
0xf8: {  	v1 =	vpop (erf)  }
0xf9: {  	[tilespmem:s14+$0xFFFFFFE0] =	vst v1  }
0xfa: {  	v1 =	vld [tilespmem:s16+$0x18980]  }
0xfb: {  	v2 =	vld [tilespmem:s16+$0x16980]  }
0xfc: {  	v3 =	vld [tilespmem:s16+$0x16990]  }
0xfd: {  	v44 =	vld [tilespmem:s16+$0x18990]  }
0xfe: {  	v45 =	vld [tilespmem:s16+$0x189A0]  }
0xff: {  	v46 =	vld [tilespmem:s16+$0x169A0]  }
0x100: {  	v47 =	vld [tilespmem:s16+$0x189B0]  }
0x101: {  	v48 =	vld [tilespmem:s16+$0x169B0]  }
0x102: {  	v1 =	vmul.f32 v2, v1;
	v2 =	vmul.f32 v3, v44;
	_ =	sdelay $0x1  }
0x103: {  	v1 =	vadd.f32 v2, v1;
	v2 =	vmul.f32 v46, v45;
	_ =	sdelay $0x1  }
0x104: {  	v1 =	vadd.f32 v2, v1;
	v2 =	vmul.f32 v48, v47;
	_ =	sdelay $0x1  }
0x105: {  	v1 =	vadd.f32 v2, v1;
	_ =	sdelay $0x1  }
0x106: {  	v1 =	vmax.f32 v1, $1.000000000e+00  }
0x107: {  	(erf) = vrcp.f32 v1;
	_ =	sdelay $0x8  }
0x108: {  	v1 =	vpop (erf)  }
0x109: {  	[tilespmem:s14+$0xFFFFFFF0] =	vst v1  }
0x10a: {  	v1 =	vld [tilespmem:s16+$0x18A00]  }
0x10b: {  	v2 =	vld [tilespmem:s16+$0x16A00]  }
0x10c: {  	v3 =	vld [tilespmem:s16+$0x16A10]  }
0x10d: {  	v49 =	vld [tilespmem:s16+$0x18A10]  }
0x10e: {  	v50 =	vld [tilespmem:s16+$0x18A20]  }
0x10f: {  	v51 =	vld [tilespmem:s16+$0x16A20]  }
0x110: {  	v52 =	vld [tilespmem:s16+$0x18A30]  }
0x111: {  	v53 =	vld [tilespmem:s16+$0x16A30]  }
0x112: {  	v1 =	vmul.f32 v2, v1;
	v2 =	vmul.f32 v3, v49;
	_ =	sdelay $0x1  }
0x113: {  	v1 =	vadd.f32 v2, v1;
	v2 =	vmul.f32 v51, v50;
	_ =	sdelay $0x1  }
0x114: {  	v1 =	vadd.f32 v2, v1;
	v2 =	vmul.f32 v53, v52;
	_ =	sdelay $0x1  }
0x115: {  	v1 =	vadd.f32 v2, v1;
	_ =	sdelay $0x1  }
0x116: {  	v1 =	vmax.f32 v1, $1.000000000e+00  }
0x117: {  	(erf) = vrcp.f32 v1;
	_ =	sdelay $0x8  }
0x118: {  	v1 =	vpop (erf)  }
0x119: {  	[tilespmem:s14+$0x0] =	vst v1  }
0x11a: {  	v1 =	vld [tilespmem:s16+$0x18A80]  }
0x11b: {  	v2 =	vld [tilespmem:s16+$0x16A80]  }
0x11c: {  	v3 =	vld [tilespmem:s16+$0x16A90]  }
0x11d: {  	v54 =	vld [tilespmem:s16+$0x18A90]  }
0x11e: {  	v55 =	vld [tilespmem:s16+$0x18AA0]  }
0x11f: {  	v56 =	vld [tilespmem:s16+$0x16AA0]  }
0x120: {  	v57 =	vld [tilespmem:s16+$0x18AB0]  }
0x121: {  	v58 =	vld [tilespmem:s16+$0x16AB0]  }
0x122: {  	v1 =	vmul.f32 v2, v1;
	v2 =	vmul.f32 v3, v54;
	_ =	sdelay $0x1  }
0x123: {  	v1 =	vadd.f32 v2, v1;
	v2 =	vmul.f32 v56, v55;
	_ =	sdelay $0x1  }
0x124: {  	v1 =	vadd.f32 v2, v1;
	v2 =	vmul.f32 v58, v57;
	_ =	sdelay $0x1  }
0x125: {  	v1 =	vadd.f32 v2, v1;
	_ =	sdelay $0x1  }
0x126: {  	v1 =	vmax.f32 v1, $1.000000000e+00  }
0x127: {  	(erf) = vrcp.f32 v1;
	_ =	sdelay $0x8  }
0x128: {  	v1 =	vpop (erf)  }
0x129: {  	[tilespmem:s14+$0x10] =	vst v1  }
0x12a: {  	v1 =	vld [tilespmem:s16+$0x18B00]  }
0x12b: {  	v2 =	vld [tilespmem:s16+$0x16B00]  }
0x12c: {  	v3 =	vld [tilespmem:s16+$0x16B10]  }
0x12d: {  	v59 =	vld [tilespmem:s16+$0x18B10]  }
0x12e: {  	v60 =	vld [tilespmem:s16+$0x18B20]  }
0x12f: {  	v61 =	vld [tilespmem:s16+$0x16B20]  }
0x130: {  	v62 =	vld [tilespmem:s16+$0x18B30]  }
0x131: {  	v63 =	vld [tilespmem:s16+$0x16B30]  }
0x132: {  	v1 =	vmul.f32 v2, v1;
	v2 =	vmul.f32 v3, v59;
	_ =	sdelay $0x1  }
0x133: {  	v1 =	vadd.f32 v2, v1;
	v2 =	vmul.f32 v61, v60;
	_ =	sdelay $0x1  }
0x134: {  	v1 =	vadd.f32 v2, v1;
	v2 =	vmul.f32 v63, v62;
	_ =	sdelay $0x1  }
0x135: {  	v1 =	vadd.f32 v2, v1;
	_ =	sdelay $0x1  }
0x136: {  	v1 =	vmax.f32 v1, $1.000000000e+00  }
0x137: {  	(erf) = vrcp.f32 v1;
	_ =	sdelay $0x8  }
0x138: {  	v1 =	vpop (erf)  }
0x139: {  	[tilespmem:s14+$0x20] =	vst v1  }
0x13a: {  	v1 =	vld [tilespmem:s16+$0x18B80]  }
0x13b: {  	s18 =	simm.s32 $0x1000;
	s17 =	simm.s32 $0x1A840;
	v2 =	vld [tilespmem:s16+$0x16B80]  }
.LBB2_5:
0x13c: {  	p0 =	sne.s32 s18, $0x7000  }
0x13d: {  	v3 =	vld [tilespmem:s16+$0x18B90];
	s14 =	sadd.s32 $0x80, s14;
	s29 =	smov.u32 s18;
	s18 =	sadd.s32 $0x1000, s18  }
0x13e: {  	v4 =	vld [tilespmem:s16+$0x16B90]  }
0x13f: {  	v5 =	vld [tilespmem:s16+$0x18BA0]  }
0x140: {  	v6 =	vld [tilespmem:s16+$0x16BA0]  }
0x141: {  	v1 =	vmul.f32 v2, v1;
	v2 =	vld [tilespmem:s16+$0x18BB0]  }
0x142: {  	v7 =	vld [tilespmem:s16+$0x16BB0]  }
0x143: {  	v3 =	vmul.f32 v4, v3;
	_ =	sdelay $0x1  }
0x144: {  	v1 =	vadd.f32 v3, v1;
	v3 =	vmul.f32 v6, v5;
	_ =	sdelay $0x1  }
0x145: {  	v1 =	vadd.f32 v3, v1;
	v2 =	vmul.f32 v7, v2;
	_ =	sdelay $0x1  }
0x146: {  	v1 =	vadd.f32 v2, v1;
	_ =	sdelay $0x1  }
0x147: {  	v1 =	vmax.f32 v1, $1.000000000e+00  }
0x148: {  	(erf) = vrcp.f32 v1;
	_ =	sdelay $0x8  }
0x149: {  	v1 =	vpop (erf)  }
0x14a: {  	s16 =	sshra.s32 s29, $0x2;
	[tilespmem:s17+$0x30] =	vst v1;
	s17 =	smov.u32 s14  }
0x14b: {  	v1 =	vld [tilespmem:s16+$0x16800]  }
0x14c: {  	v2 =	vld [tilespmem:s16+$0x16810]  }
0x14d: {  	v3 =	vld [tilespmem:s16+$0x18800]  }
0x14e: {  	v4 =	vld [tilespmem:s16+$0x18810]  }
0x14f: {  	v5 =	vld [tilespmem:s16+$0x18820]  }
0x150: {  	v6 =	vld [tilespmem:s16+$0x16820]  }
0x151: {  	v7 =	vld [tilespmem:s16+$0x16830]  }
0x152: {  	v8 =	vld [tilespmem:s16+$0x18830]  }
0x153: {  	v1 =	vmul.f32 v1, v3;
	v2 =	vmul.f32 v2, v4;
	_ =	sdelay $0x1  }
0x154: {  	v1 =	vadd.f32 v2, v1;
	v2 =	vmul.f32 v6, v5;
	_ =	sdelay $0x1  }
0x155: {  	v1 =	vadd.f32 v2, v1;
	v2 =	vmul.f32 v7, v8;
	_ =	sdelay $0x1  }
0x156: {  	v1 =	vadd.f32 v2, v1;
	_ =	sdelay $0x1  }
0x157: {  	v1 =	vmax.f32 v1, $1.000000000e+00  }
0x158: {  	(erf) = vrcp.f32 v1;
	_ =	sdelay $0x8  }
0x159: {  	v1 =	vpop (erf)  }
0x15a: {  	[tilespmem:s14+$0xFFFFFFC0] =	vst v1  }
0x15b: {  	v1 =	vld [tilespmem:s16+$0x18880]  }
0x15c: {  	v2 =	vld [tilespmem:s16+$0x16880]  }
0x15d: {  	v3 =	vld [tilespmem:s16+$0x18890]  }
0x15e: {  	v4 =	vld [tilespmem:s16+$0x16890]  }
0x15f: {  	v5 =	vld [tilespmem:s16+$0x188A0]  }
0x160: {  	v6 =	vld [tilespmem:s16+$0x168A0]  }
0x161: {  	v1 =	vmul.f32 v2, v1;
	v2 =	vld [tilespmem:s16+$0x188B0]  }
0x162: {  	v7 =	vld [tilespmem:s16+$0x168B0]  }
0x163: {  	v3 =	vmul.f32 v4, v3;
	_ =	sdelay $0x1  }
0x164: {  	v1 =	vadd.f32 v3, v1;
	v3 =	vmul.f32 v6, v5;
	_ =	sdelay $0x1  }
0x165: {  	v1 =	vadd.f32 v3, v1;
	v2 =	vmul.f32 v7, v2;
	_ =	sdelay $0x1  }
0x166: {  	v1 =	vadd.f32 v2, v1;
	_ =	sdelay $0x1  }
0x167: {  	v1 =	vmax.f32 v1, $1.000000000e+00  }
0x168: {  	(erf) = vrcp.f32 v1;
	_ =	sdelay $0x8  }
0x169: {  	v1 =	vpop (erf)  }
0x16a: {  	[tilespmem:s14+$0xFFFFFFD0] =	vst v1  }
0x16b: {  	v1 =	vld [tilespmem:s16+$0x18900]  }
0x16c: {  	v2 =	vld [tilespmem:s16+$0x16900]  }
0x16d: {  	v3 =	vld [tilespmem:s16+$0x16910]  }
0x16e: {  	v4 =	vld [tilespmem:s16+$0x18920]  }
0x16f: {  	v5 =	vld [tilespmem:s16+$0x18910]  }
0x170: {  	v6 =	vld [tilespmem:s16+$0x16920]  }
0x171: {  	v1 =	vmul.f32 v2, v1;
	v2 =	vld [tilespmem:s16+$0x18930]  }
0x172: {  	v7 =	vld [tilespmem:s16+$0x16930];
	_ =	sdelay $0x1  }
0x173: {  	v3 =	vmul.f32 v3, v5;
	_ =	sdelay $0x1  }
0x174: {  	v1 =	vadd.f32 v3, v1;
	v3 =	vmul.f32 v6, v4  }
0x175: {  	v2 =	vmul.f32 v7, v2  }
0x176: {  	v1 =	vadd.f32 v3, v1;
	_ =	sdelay $0x1  }
0x177: {  	v1 =	vadd.f32 v2, v1;
	_ =	sdelay $0x1  }
0x178: {  	v1 =	vmax.f32 v1, $1.000000000e+00  }
0x179: {  	(erf) = vrcp.f32 v1;
	_ =	sdelay $0x8  }
0x17a: {  	v1 =	vpop (erf)  }
0x17b: {  	[tilespmem:s14+$0xFFFFFFE0] =	vst v1  }
0x17c: {  	v1 =	vld [tilespmem:s16+$0x18980]  }
0x17d: {  	v2 =	vld [tilespmem:s16+$0x16980]  }
0x17e: {  	v3 =	vld [tilespmem:s16+$0x16990]  }
0x17f: {  	v4 =	vld [tilespmem:s16+$0x18990]  }
0x180: {  	v5 =	vld [tilespmem:s16+$0x189A0]  }
0x181: {  	v6 =	vld [tilespmem:s16+$0x169A0]  }
0x182: {  	v1 =	vmul.f32 v2, v1;
	v2 =	vld [tilespmem:s16+$0x189B0]  }
0x183: {  	v7 =	vld [tilespmem:s16+$0x169B0]  }
0x184: {  	v3 =	vmul.f32 v3, v4;
	_ =	sdelay $0x1  }
0x185: {  	v1 =	vadd.f32 v3, v1;
	v3 =	vmul.f32 v6, v5;
	_ =	sdelay $0x1  }
0x186: {  	v1 =	vadd.f32 v3, v1;
	v2 =	vmul.f32 v7, v2;
	_ =	sdelay $0x1  }
0x187: {  	v1 =	vadd.f32 v2, v1;
	_ =	sdelay $0x1  }
0x188: {  	v1 =	vmax.f32 v1, $1.000000000e+00  }
0x189: {  	(erf) = vrcp.f32 v1;
	_ =	sdelay $0x8  }
0x18a: {  	v1 =	vpop (erf)  }
0x18b: {  	[tilespmem:s14+$0xFFFFFFF0] =	vst v1  }
0x18c: {  	v1 =	vld [tilespmem:s16+$0x18A00]  }
0x18d: {  	v2 =	vld [tilespmem:s16+$0x16A00]  }
0x18e: {  	v3 =	vld [tilespmem:s16+$0x16A10]  }
0x18f: {  	v4 =	vld [tilespmem:s16+$0x18A10]  }
0x190: {  	v5 =	vld [tilespmem:s16+$0x18A20]  }
0x191: {  	v6 =	vld [tilespmem:s16+$0x16A20]  }
0x192: {  	v1 =	vmul.f32 v2, v1;
	v2 =	vld [tilespmem:s16+$0x18A30]  }
0x193: {  	v7 =	vld [tilespmem:s16+$0x16A30]  }
0x194: {  	v3 =	vmul.f32 v3, v4;
	_ =	sdelay $0x1  }
0x195: {  	v1 =	vadd.f32 v3, v1;
	v3 =	vmul.f32 v6, v5;
	_ =	sdelay $0x1  }
0x196: {  	v1 =	vadd.f32 v3, v1;
	v2 =	vmul.f32 v7, v2;
	_ =	sdelay $0x1  }
0x197: {  	v1 =	vadd.f32 v2, v1;
	_ =	sdelay $0x1  }
0x198: {  	v1 =	vmax.f32 v1, $1.000000000e+00  }
0x199: {  	(erf) = vrcp.f32 v1;
	_ =	sdelay $0x8  }
0x19a: {  	v1 =	vpop (erf)  }
0x19b: {  	[tilespmem:s14+$0x0] =	vst v1  }
0x19c: {  	v1 =	vld [tilespmem:s16+$0x18A80]  }
0x19d: {  	v2 =	vld [tilespmem:s16+$0x16A80]  }
0x19e: {  	v3 =	vld [tilespmem:s16+$0x16A90]  }
0x19f: {  	v4 =	vld [tilespmem:s16+$0x18A90]  }
0x1a0: {  	v5 =	vld [tilespmem:s16+$0x18AA0]  }
0x1a1: {  	v6 =	vld [tilespmem:s16+$0x16AA0]  }
0x1a2: {  	v1 =	vmul.f32 v2, v1;
	v2 =	vld [tilespmem:s16+$0x18AB0]  }
0x1a3: {  	v7 =	vld [tilespmem:s16+$0x16AB0]  }
0x1a4: {  	v3 =	vmul.f32 v3, v4;
	_ =	sdelay $0x1  }
0x1a5: {  	v1 =	vadd.f32 v3, v1;
	v3 =	vmul.f32 v6, v5;
	_ =	sdelay $0x1  }
0x1a6: {  	v1 =	vadd.f32 v3, v1;
	v2 =	vmul.f32 v7, v2;
	_ =	sdelay $0x1  }
0x1a7: {  	v1 =	vadd.f32 v2, v1;
	_ =	sdelay $0x1  }
0x1a8: {  	v1 =	vmax.f32 v1, $1.000000000e+00  }
0x1a9: {  	(erf) = vrcp.f32 v1;
	_ =	sdelay $0x8  }
0x1aa: {  	v1 =	vpop (erf)  }
0x1ab: {  	[tilespmem:s14+$0x10] =	vst v1  }
0x1ac: {  	v1 =	vld [tilespmem:s16+$0x18B00]  }
0x1ad: {  	v2 =	vld [tilespmem:s16+$0x16B00]  }
0x1ae: {  	v3 =	vld [tilespmem:s16+$0x16B10]  }
0x1af: {  	v4 =	vld [tilespmem:s16+$0x18B10]  }
0x1b0: {  	v5 =	vld [tilespmem:s16+$0x18B20]  }
0x1b1: {  	v6 =	vld [tilespmem:s16+$0x16B20]  }
0x1b2: {  	v1 =	vmul.f32 v2, v1;
	v2 =	vld [tilespmem:s16+$0x18B30]  }
0x1b3: {  	v7 =	vld [tilespmem:s16+$0x16B30]  }
0x1b4: {  	v3 =	vmul.f32 v3, v4;
	_ =	sdelay $0x1  }
0x1b5: {  	v1 =	vadd.f32 v3, v1;
	v3 =	vmul.f32 v6, v5;
	_ =	sdelay $0x1  }
0x1b6: {  	v1 =	vadd.f32 v3, v1;
	v2 =	vmul.f32 v7, v2;
	_ =	sdelay $0x1  }
0x1b7: {  	v1 =	vadd.f32 v2, v1;
	_ =	sdelay $0x1  }
0x1b8: {  	v1 =	vmax.f32 v1, $1.000000000e+00  }
0x1b9: {  	(erf) = vrcp.f32 v1;
	_ =	sdelay $0x7  }
.Ltmp1:
0x1ba: {  	(pc) =	sbr.rel @p0 .LBB2_5-.Ltmp1, $4  }
0x1bb: {  	v1 =	vpop (erf)  }
0x1bc: {  	[tilespmem:s14+$0x20] =	vst v1  }
0x1bd: {  	v1 =	vld [tilespmem:s16+$0x18B80]  }
0x1be: {  	v2 =	vld [tilespmem:s16+$0x16B80]  }
0x1bf: {  	v3 =	vld [tilespmem:s16+$0x18B90]  }
0x1c0: {  	v4 =	vld [tilespmem:s16+$0x16B90]  }
0x1c1: {  	v5 =	vld [tilespmem:s16+$0x18BA0]  }
0x1c2: {  	v6 =	vld [tilespmem:s16+$0x16BA0]  }
0x1c3: {  	v7 =	vld [tilespmem:s16+$0x18BB0]  }
0x1c4: {  	v8 =	vld [tilespmem:s16+$0x16BB0]  }
0x1c5: {  	v1 =	vmul.f32 v2, v1;
	v2 =	vmul.f32 v4, v3;
	_ =	sdelay $0x1  }
0x1c6: {  	v1 =	vadd.f32 v2, v1;
	v2 =	vmul.f32 v6, v5;
	_ =	sdelay $0x1  }
0x1c7: {  	v1 =	vadd.f32 v2, v1;
	v2 =	vmul.f32 v8, v7;
	_ =	sdelay $0x1  }
0x1c8: {  	v1 =	vadd.f32 v2, v1;
	_ =	sdelay $0x1  }
0x1c9: {  	v1 =	vmax.f32 v1, $1.000000000e+00  }
0x1ca: {  	(erf) = vrcp.f32 v1;
	_ =	sdelay $0x7  }
0x1cb: {  	s14 =	sadd.s32 s31, s13;
	s13 =	sadd.s32 $0x1, s13  }
0x1cc: {  	s14 =	sshll.u32 s14, $0x7;
	p0 =	sne.s32 s13, $0x50;
	v1 =	vpop (erf)  }
.Ltmp2:
0x1cd: {  	s14 =	sadd.s32 s7, s14;
	[tilespmem:s17+$0x30] =	vst v1;
	(pc) =	sbr.rel @p0 .LBB2_4-.Ltmp2, $4  }
0x1ce: {  	[hbm4b:s14+s3] =	stream.linear.scatter [tilespmem:s9], [sflag:$0x3], $0x400, $0x38;
	[tilespmem:$0x1AD80] =	vst v63  }
0x1cf: {  	_ =	swait.ge [sflag:s0], $0x400  }
0x1d0: {  	[sflag:s0] =	ssyncset.done $0x0  }
0x1d1: {  	[sflag:s0] =	ssyncadd.s32 $0xFFFFFC00  }
0x1d2: {  	s11 =	sadd.s32 $0x1, s11;
	s12 =	rddreg [dreg:$0x14]  }
0x1d3: {  	p0 =	sne.s32 s11, s12  }
.Ltmp3:
0x1d4: {  	_ = 	snop;
	(pc) =	sbr.rel @p0 .LBB2_1-.Ltmp3, $2  }
0x1d5: {  	_ =	sdelay $0x2  }
0x1d6: {  	s29 =	rddreg [dreg:$0x4]  }
0x1d7: {  	_ =	sfence.sel $0x180000  }
0x1d8: {  	[bflag:$0x0] =	sbarrier.arrive $0xFFFF  }
0x1d9: {  	_ =	strace $0x90000047  }
0x1da: {  	s0 =	stileid.u32;
	[bflag:$0x2] =	sbarrier.arrive $0xFFFF  }
0x1db: {  	p0 =	sne.s32 s0, $0x0;
	s0 =	rddreg [dreg:$0x3]  }
0x1dc: {  	s0 =	sadd.s32 @!p0 $0x100000, s0  }
0x1dd: {  	[sflag:s0] =	ssyncadd.tile.s32 @!p0 $0x1;
	_ =	shalt  }
.Lfunc_end2:
_tile_overlayer_lowered:
.L_overlay_start_2:
0x1de: {  	(tag) =	ssettag $0x2  }
0x1df: {  	s0 =	rddreg [dreg:$0x0];
	s2 =	stileid.u32  }
0x1e0: {  	s1 =	rddreg [dreg:$0x1];
	p0 =	sne.s32 s2, $0x0  }
0x1e1: {  	s3 =	rddreg [dreg:$0x2];
	[bflag:$0x3] =	sbarrier.arrive $0xFFFF;
	s2 =	simm.s32 @!p0 $0x1C03  }
0x1e2: {  	[timem:s3], [sflag:s2] =	dma.local @!p0 [hbm:s0], s1  }
0x1e3: {  	s0 =	simm.s32 @!p0 $0x3  }
0x1e4: {  	_ =	swait.ge @!p0 [sflag:s0], s1  }
0x1e5: {  	s1 =	ssub.s32 @!p0 $0x0, s1;
	[sflag:s0] =	ssyncset.done @!p0 $0x0  }
0x1e6: {  	[sflag:s0] =	ssyncadd.s32 @!p0 s1  }
0x1e7: {  	[bflag:$0x3] =	sbarrier.arrive $0xFFFF  }
0x1e8: {  	_ =	shalt  }

</sc_bundles>
